<compile_context>
chip_gen: v7x
topology: tpu7x:2x2x1
jax: 0.10.2.dev20260603
libtpu: 0.0.44.dev20260713+nightly
codegen_flags: <defaults>
</compile_context>

<pallas_src>
import functools

import jax
import jax.numpy as jnp
from jax import lax
from jax.experimental import pallas as pl
from jax.experimental.pallas import tpu as pltpu
from jax.experimental.pallas import tpu_sc as plsc

N = 10000
E = 320000
D = 128
G = 64

CE = 128
CH0 = 152
CH1 = 8
NBUF = 2
PHASE = 40
PHASES0 = (40, 40, 40, 32)
PHASES1 = (8,)
TOT_CHUNKS = 16 * (CH0 + CH1)
EP = TOT_CHUNKS * CE
NP = 10112
ZROWS = NP // 16

_mesh = plsc.VectorSubcoreMesh(core_axis_name="c", subcore_axis_name="s")


@functools.partial(
    pl.kernel,
    out_type=jax.ShapeDtypeStruct((2, NP, D), jnp.float32),
    mesh=_mesh,
    scratch_types=[
        pltpu.VMEM((PHASE, CE), jnp.int32),
        pltpu.VMEM((PHASE, CE), jnp.int32),
        [pltpu.VMEM((CE, D), jnp.float32)] * NBUF,
        pltpu.VMEM_SHARED((NP, D), jnp.float32),
        [pltpu.SemaphoreType.DMA] * NBUF,
    ],
)
def _segsum(h_hbm, srcf_hbm, dst3_hbm, zeros_hbm, out_hbm,
            src_v, dst_v, bufs, acc, sems):
    c = lax.axis_index("c")
    s = lax.axis_index("s")

    def run_phase(base, n):
        pltpu.sync_copy(srcf_hbm.at[pl.ds(base, n)], src_v.at[pl.ds(0, n)])
        pltpu.sync_copy(dst3_hbm.at[pl.ds(base, n)], dst_v.at[pl.ds(0, n)])
        for k in range(NBUF):
            pltpu.async_copy(h_hbm.at[src_v.at[k]], bufs[k], sems[k])

        def body(i, carry):
            for k in range(NBUF):
                cidx = NBUF * i + k
                pltpu.make_async_copy(h_hbm.at[pl.ds(0, CE)],
                                      bufs[k], sems[k]).wait()
                pltpu.sync_copy(bufs[k], acc.at[dst_v.at[cidx]], add=True)
                pltpu.async_copy(h_hbm.at[src_v.at[cidx + NBUF]],
                                 bufs[k], sems[k])
            return carry

        lax.fori_loop(0, n // NBUF - 1, body, 0)
        for k in range(NBUF):
            pltpu.make_async_copy(h_hbm.at[pl.ds(0, CE)],
                                  bufs[k], sems[k]).wait()
            pltpu.sync_copy(bufs[k],
                            acc.at[dst_v.at[n - NBUF + k]], add=True)

    pltpu.sync_copy(zeros_hbm, acc.at[pl.ds(s * ZROWS, ZROWS)])
    plsc.subcore_barrier()

    @pl.when(c == 0)
    def _():
        off = 0
        for n in PHASES0:
            run_phase(s * CH0 + off, n)
            off += n

    @pl.when(c == 1)
    def _():
        off = 0
        for n in PHASES1:
            run_phase(16 * CH0 + s * CH1 + off, n)
            off += n

    plsc.subcore_barrier()
    pltpu.sync_copy(acc.at[pl.ds(s * ZROWS, ZROWS)],
                    out_hbm.at[c, pl.ds(s * ZROWS, ZROWS)])


_DOT = functools.partial(jnp.dot, precision=lax.Precision.HIGHEST,
                         preferred_element_type=jnp.float32)


def _conv1_body(h_ref, agg_ref, wa_ref, ba_ref, wb_ref, bb_ref, out_ref):
    h = h_ref[...] + agg_ref[0] + agg_ref[1]
    t = jnp.maximum(_DOT(h, wa_ref[...]) + ba_ref[...], 0.0)
    o = _DOT(t, wb_ref[...]) + bb_ref[...]
    out_ref[...] = jnp.maximum(o, 0.0)


def _conv2_body(h_ref, agg_ref, batch_ref, wa_ref, ba_ref, wb_ref, bb_ref,
                wm1_ref, bm1_ref, wm2_ref, bm2_ref, out_ref,
                sum_ref, cnt_ref, *, blk, nblk):
    i = pl.program_id(0)

    @pl.when(i == 0)
    def _():
        sum_ref[...] = jnp.zeros((G, D), jnp.float32)
        cnt_ref[...] = jnp.zeros((G, D), jnp.float32)

    h = h_ref[...] + agg_ref[0] + agg_ref[1]
    t = jnp.maximum(_DOT(h, wa_ref[...]) + ba_ref[...], 0.0)
    h2 = jnp.maximum(_DOT(t, wb_ref[...]) + bb_ref[...], 0.0)

    b = batch_ref[0, 0, :]
    onehot = (lax.broadcasted_iota(jnp.int32, (G, blk), 0)
              == b[None, :]).astype(jnp.float32)
    sum_ref[...] += _DOT(onehot, h2)
    cnt_ref[...] += _DOT(onehot, jnp.ones((blk, D), jnp.float32))

    @pl.when(i == nblk - 1)
    def _():
        pooled = sum_ref[...] / jnp.maximum(cnt_ref[...], 1.0)
        r = jnp.maximum(_DOT(pooled, wm1_ref[...]) + bm1_ref[...], 0.0)
        out_ref[...] = _DOT(r, wm2_ref[...]) + bm2_ref[...]


_BLK = 1000
_NBLK = N // _BLK

_w_spec = pl.BlockSpec((D, D), lambda i: (0, 0))
_b_spec = pl.BlockSpec((1, D), lambda i: (0, 0))

_conv1 = pl.pallas_call(
    _conv1_body,
    grid=(_NBLK,),
    in_specs=[
        pl.BlockSpec((_BLK, D), lambda i: (i, 0)),
        pl.BlockSpec((2, _BLK, D), lambda i: (0, i, 0)),
        _w_spec, _b_spec, _w_spec, _b_spec,
    ],
    out_specs=pl.BlockSpec((_BLK, D), lambda i: (i, 0)),
    out_shape=jax.ShapeDtypeStruct((N, D), jnp.float32),
)

_conv2 = pl.pallas_call(
    functools.partial(_conv2_body, blk=_BLK, nblk=_NBLK),
    grid=(_NBLK,),
    in_specs=[
        pl.BlockSpec((_BLK, D), lambda i: (i, 0)),
        pl.BlockSpec((2, _BLK, D), lambda i: (0, i, 0)),
        pl.BlockSpec((1, 1, _BLK), lambda i: (i, 0, 0)),
        _w_spec, _b_spec, _w_spec, _b_spec,
        _w_spec, _b_spec, _w_spec, _b_spec,
    ],
    out_specs=pl.BlockSpec((G, D), lambda i: (0, 0)),
    out_shape=jax.ShapeDtypeStruct((G, D), jnp.float32),
    scratch_shapes=[
        pltpu.VMEM((G, D), jnp.float32),
        pltpu.VMEM((G, D), jnp.float32),
    ],
)


def kernel(x, edge_index, batch, W1a, b1a, W1b, b1b, W2a, b2a, W2b, b2b,
           Wm1, bm1, Wm2, bm2):
    src = edge_index[0]
    dst = edge_index[1]
    pad = EP - E
    srcp = jnp.concatenate([src, jnp.zeros((pad,), jnp.int32)])
    dstp = jnp.concatenate([dst, jnp.full((pad,), N, jnp.int32)])
    srcf = srcp.reshape(TOT_CHUNKS, CE)
    dst3 = dstp.reshape(TOT_CHUNKS, CE)
    zeros = jnp.zeros((ZROWS, D), jnp.float32)
    batch3 = batch.reshape(_NBLK, 1, _BLK)

    b1a_, b1b_ = b1a.reshape(1, D), b1b.reshape(1, D)
    b2a_, b2b_ = b2a.reshape(1, D), b2b.reshape(1, D)
    bm1_, bm2_ = bm1.reshape(1, D), bm2.reshape(1, D)

    agg1 = _segsum(x, srcf, dst3, zeros)
    h1 = _conv1(x, agg1, W1a, b1a_, W1b, b1b_)
    agg2 = _segsum(h1, srcf, dst3, zeros)
    out = _conv2(h1, agg2, batch3, W2a, b2a_, W2b, b2b_,
                 Wm1, bm1_, Wm2, bm2_)
    return out

# --- scband reference (transcript-rebuilt; emitter-appended) ---
"""Pipeline reference for scband-ginfeatures-40286793236713 (READ-ONLY COPY).

The authoritative reference and input builder live on the scoring server;
editing this copy changes nothing except your own understanding.
"""

import jax, jax.numpy as jnp
import numpy as np

N = 10000
E = 320000
D = 128
G = 64

def _init_linear(key, fan_in, fan_out):
    k1, k2 = jax.random.split(key)
    bound = 1.0 / np.sqrt(fan_in)
    W = jax.random.uniform(k1, (fan_in, fan_out), minval=-bound, maxval=bound, dtype=jnp.float32)
    b = jax.random.uniform(k2, (fan_out,), minval=-bound, maxval=bound, dtype=jnp.float32)
    return W, b

def setup_inputs(seed: int = 0):
    key = jax.random.key(seed)
    ks = jax.random.split(key, 9)
    x = jax.random.normal(ks[0], (N, D), dtype=jnp.float32)
    edge_index = jax.random.randint(ks[1], (2, E), 0, N, dtype=jnp.int32)
    batch = jnp.sort(jax.random.randint(ks[2], (N,), 0, G, dtype=jnp.int32))
    W1a, b1a = _init_linear(ks[3], D, D)
    W1b, b1b = _init_linear(ks[4], D, D)
    W2a, b2a = _init_linear(ks[5], D, D)
    W2b, b2b = _init_linear(ks[6], D, D)
    Wm1, bm1 = _init_linear(ks[7], D, D)
    Wm2, bm2 = _init_linear(ks[8], D, D)
    return {"x": x, "edge_index": edge_index, "batch": batch,
            "W1a": W1a, "b1a": b1a, "W1b": W1b, "b1b": b1b,
            "W2a": W2a, "b2a": b2a, "W2b": W2b, "b2b": b2b,
            "Wm1": Wm1, "bm1": bm1, "Wm2": Wm2, "bm2": bm2}

def _gin_conv(x, edge_index, Wa, ba, Wb, bb):
    src = edge_index[0]
    dst = edge_index[1]
    # GINConv, train_eps=False, eps=0: h_i = MLP((1+0)*x_i + sum_{j in N(i)} x_j)
    agg = jax.ops.segment_sum(jnp.take(x, src, axis=0), dst, num_segments=N)
    h = x + agg
    h = jax.nn.relu(h @ Wa + ba)
    h = h @ Wb + bb
    return h

def reference(x, edge_index, batch, W1a, b1a, W1b, b1b, W2a, b2a, W2b, b2b, Wm1, bm1, Wm2, bm2):
    h = jax.nn.relu(_gin_conv(x, edge_index, W1a, b1a, W1b, b1b))
    h = jax.nn.relu(_gin_conv(h, edge_index, W2a, b2a, W2b, b2b))
    # global_mean_pool over batch segment ids
    sums = jax.ops.segment_sum(h, batch, num_segments=G)
    counts = jax.ops.segment_sum(jnp.ones((N, 1), dtype=h.dtype), batch, num_segments=G)
    pooled = sums / jnp.maximum(counts, 1.0)
    # final MLP([D, D, D]) with relu between layers, dropout=0.0
    out = jax.nn.relu(pooled @ Wm1 + bm1)
    out = out @ Wm2 + bm2
    return out

if __name__ == "__main__":
    import jax
    _d = setup_inputs()
    print(jax.jit(kernel)(*tuple(_d.values())))

</pallas_src>

<mosaic_0001>
#map = affine_map<(d0, d1) -> (0, 0)>
#map1 = affine_map<(d0, d1) -> (0, 0, 0)>
module attributes {stable_mosaic.version = 14 : i64} {
  func.func @_segsum(%arg0: i32, %arg1: i32, %arg2: memref<10000x128xf32, #tpu.memory_space<hbm>>, %arg3: memref<2560x128xi32, #tpu.memory_space<hbm>>, %arg4: memref<2560x128xi32, #tpu.memory_space<hbm>>, %arg5: memref<632x128xf32, #tpu.memory_space<hbm>>, %arg6: memref<2x10112x128xf32, #tpu.memory_space<hbm>>, %arg7: memref<40x128xi32, #tpu.memory_space<vmem>>, %arg8: memref<40x128xi32, #tpu.memory_space<vmem>>, %arg9: memref<128x128xf32, #tpu.memory_space<vmem>>, %arg10: memref<128x128xf32, #tpu.memory_space<vmem>>, %arg11: memref<10112x128xf32, #tpu.memory_space<vmem_shared>>, %arg12: memref<!tpu.dma_semaphore, #tpu.memory_space<semaphore_mem>>, %arg13: memref<!tpu.dma_semaphore, #tpu.memory_space<semaphore_mem>>) attributes {dimension_semantics = [#tpu.dimension_semantics<core_parallel>, #tpu.dimension_semantics<subcore_parallel>], iteration_bounds = array<i64: 2, 16>, scalar_prefetch = 0 : i64, scratch_operands = 7 : i64, tpu.core_type = #tpu.core_type<sc_vector_subcore>, window_params = [{transform_indices = #map}, {transform_indices = #map}, {transform_indices = #map}, {transform_indices = #map}, {transform_indices = #map1}]} {
    %mul3A = arith.constant 632 : i32
    %mul3A_0 = arith.muli %arg1, %mul3A : i32
    "tpu.region"() ({
      %run_scoped3A = tpu.sem_alloc : memref<!tpu.dma_semaphore, #tpu.memory_space<semaphore_mem>>
      %dma_start3A = arith.constant 0 : i32
      %dma_start3A_13 = tpu.memref_slice %arg11[%mul3A_0, %dma_start3A] : memref<10112x128xf32, #tpu.memory_space<vmem_shared>> -> memref<632x128xf32, #tpu.memory_space<vmem_shared>>
      tpu.enqueue_dma source(%arg5 : memref<632x128xf32, #tpu.memory_space<hbm>>) target(%dma_start3A_13 : memref<632x128xf32, #tpu.memory_space<vmem_shared>>) target_semaphore(%run_scoped3A : memref<!tpu.dma_semaphore, #tpu.memory_space<semaphore_mem>>)
      %dma_wait3A = arith.constant 0 : i32
      %dma_wait3A_14 = tpu.memref_slice %arg11[%mul3A_0, %dma_wait3A] : memref<10112x128xf32, #tpu.memory_space<vmem_shared>> -> memref<632x128xf32, #tpu.memory_space<vmem_shared>>
      tpu.wait_dma2 semaphore(%run_scoped3A : memref<!tpu.dma_semaphore, #tpu.memory_space<semaphore_mem>>) src(%arg5 : memref<632x128xf32, #tpu.memory_space<hbm>>) dst(%dma_wait3A_14 : memref<632x128xf32, #tpu.memory_space<vmem_shared>>)
      tpu.yield
    }) : () -> ()
    %barrier3A = arith.constant 0 : index
    tpu.barrier barrier_id(%barrier3A)
    %eq3A = arith.constant 0 : i32
    %eq3A_1 = arith.cmpi eq, %arg0, %eq3A : i32
    %convert_element_type3A = arith.extui %eq3A_1 : i1 to i32
    %cond3A = arith.constant 0 : i32
    %cond3A_2 = arith.cmpi ne, %convert_element_type3A, %cond3A : i32
    scf.if %cond3A_2 {
      %mul3A_13 = arith.constant 152 : i32
      %mul3A_14 = arith.muli %arg1, %mul3A_13 : i32
      %add3A = arith.constant 0 : i32
      %add3A_15 = arith.addi %mul3A_14, %add3A : i32
      "tpu.region"() ({
        %run_scoped3A_160 = tpu.sem_alloc : memref<!tpu.dma_semaphore, #tpu.memory_space<semaphore_mem>>
        %dma_start3A_161 = arith.constant 0 : i32
        %dma_start3A_162 = arith.constant 0 : i32
        %dma_start3A_163 = tpu.memref_slice %arg7[%dma_start3A_161, %dma_start3A_162] : memref<40x128xi32, #tpu.memory_space<vmem>> -> memref<40x128xi32, #tpu.memory_space<vmem>>
        %dma_start3A_164 = arith.constant 0 : i32
        %dma_start3A_165 = tpu.memref_slice %arg3[%add3A_15, %dma_start3A_164] : memref<2560x128xi32, #tpu.memory_space<hbm>> -> memref<40x128xi32, #tpu.memory_space<hbm>>
        %dma_start3A_166 = arith.constant 0 : i32
        %dma_start3A_167 = arith.constant 0 : i32
        %dma_start3A_168 = tpu.memref_slice %arg7[%dma_start3A_166, %dma_start3A_167] : memref<40x128xi32, #tpu.memory_space<vmem>> -> memref<40x128xi32, #tpu.memory_space<vmem>>
        %dma_start3A_169 = arith.constant 0 : i32
        %dma_start3A_170 = tpu.memref_slice %arg3[%add3A_15, %dma_start3A_169] : memref<2560x128xi32, #tpu.memory_space<hbm>> -> memref<40x128xi32, #tpu.memory_space<hbm>>
        tpu.enqueue_dma source(%dma_start3A_170 : memref<40x128xi32, #tpu.memory_space<hbm>>) target(%dma_start3A_168 : memref<40x128xi32, #tpu.memory_space<vmem>>) target_semaphore(%run_scoped3A_160 : memref<!tpu.dma_semaphore, #tpu.memory_space<semaphore_mem>>)
        %dma_wait3A_171 = arith.constant 0 : i32
        %dma_wait3A_172 = arith.constant 0 : i32
        %dma_wait3A_173 = tpu.memref_slice %arg7[%dma_wait3A_171, %dma_wait3A_172] : memref<40x128xi32, #tpu.memory_space<vmem>> -> memref<40x128xi32, #tpu.memory_space<vmem>>
        %dma_wait3A_174 = arith.constant 0 : i32
        %dma_wait3A_175 = tpu.memref_slice %arg3[%add3A_15, %dma_wait3A_174] : memref<2560x128xi32, #tpu.memory_space<hbm>> -> memref<40x128xi32, #tpu.memory_space<hbm>>
        %dma_wait3A_176 = arith.constant 0 : i32
        %dma_wait3A_177 = arith.constant 0 : i32
        %dma_wait3A_178 = tpu.memref_slice %arg7[%dma_wait3A_176, %dma_wait3A_177] : memref<40x128xi32, #tpu.memory_space<vmem>> -> memref<40x128xi32, #tpu.memory_space<vmem>>
        %dma_wait3A_179 = arith.constant 0 : i32
        %dma_wait3A_180 = tpu.memref_slice %arg3[%add3A_15, %dma_wait3A_179] : memref<2560x128xi32, #tpu.memory_space<hbm>> -> memref<40x128xi32, #tpu.memory_space<hbm>>
        tpu.wait_dma2 semaphore(%run_scoped3A_160 : memref<!tpu.dma_semaphore, #tpu.memory_space<semaphore_mem>>) src(%dma_wait3A_180 : memref<40x128xi32, #tpu.memory_space<hbm>>) dst(%dma_wait3A_178 : memref<40x128xi32, #tpu.memory_space<vmem>>)
        tpu.yield
      }) : () -> ()
      "tpu.region"() ({
        %run_scoped3A_160 = tpu.sem_alloc : memref<!tpu.dma_semaphore, #tpu.memory_space<semaphore_mem>>
        %dma_start3A_161 = arith.constant 0 : i32
        %dma_start3A_162 = arith.constant 0 : i32
        %dma_start3A_163 = tpu.memref_slice %arg8[%dma_start3A_161, %dma_start3A_162] : memref<40x128xi32, #tpu.memory_space<vmem>> -> memref<40x128xi32, #tpu.memory_space<vmem>>
        %dma_start3A_164 = arith.constant 0 : i32
        %dma_start3A_165 = tpu.memref_slice %arg4[%add3A_15, %dma_start3A_164] : memref<2560x128xi32, #tpu.memory_space<hbm>> -> memref<40x128xi32, #tpu.memory_space<hbm>>
        %dma_start3A_166 = arith.constant 0 : i32
        %dma_start3A_167 = arith.constant 0 : i32
        %dma_start3A_168 = tpu.memref_slice %arg8[%dma_start3A_166, %dma_start3A_167] : memref<40x128xi32, #tpu.memory_space<vmem>> -> memref<40x128xi32, #tpu.memory_space<vmem>>
        %dma_start3A_169 = arith.constant 0 : i32
        %dma_start3A_170 = tpu.memref_slice %arg4[%add3A_15, %dma_start3A_169] : memref<2560x128xi32, #tpu.memory_space<hbm>> -> memref<40x128xi32, #tpu.memory_space<hbm>>
        tpu.enqueue_dma source(%dma_start3A_170 : memref<40x128xi32, #tpu.memory_space<hbm>>) target(%dma_start3A_168 : memref<40x128xi32, #tpu.memory_space<vmem>>) target_semaphore(%run_scoped3A_160 : memref<!tpu.dma_semaphore, #tpu.memory_space<semaphore_mem>>)
        %dma_wait3A_171 = arith.constant 0 : i32
        %dma_wait3A_172 = arith.constant 0 : i32
        %dma_wait3A_173 = tpu.memref_slice %arg8[%dma_wait3A_171, %dma_wait3A_172] : memref<40x128xi32, #tpu.memory_space<vmem>> -> memref<40x128xi32, #tpu.memory_space<vmem>>
        %dma_wait3A_174 = arith.constant 0 : i32
        %dma_wait3A_175 = tpu.memref_slice %arg4[%add3A_15, %dma_wait3A_174] : memref<2560x128xi32, #tpu.memory_space<hbm>> -> memref<40x128xi32, #tpu.memory_space<hbm>>
        %dma_wait3A_176 = arith.constant 0 : i32
        %dma_wait3A_177 = arith.constant 0 : i32
        %dma_wait3A_178 = tpu.memref_slice %arg8[%dma_wait3A_176, %dma_wait3A_177] : memref<40x128xi32, #tpu.memory_space<vmem>> -> memref<40x128xi32, #tpu.memory_space<vmem>>
        %dma_wait3A_179 = arith.constant 0 : i32
        %dma_wait3A_180 = tpu.memref_slice %arg4[%add3A_15, %dma_wait3A_179] : memref<2560x128xi32, #tpu.memory_space<hbm>> -> memref<40x128xi32, #tpu.memory_space<hbm>>
        tpu.wait_dma2 semaphore(%run_scoped3A_160 : memref<!tpu.dma_semaphore, #tpu.memory_space<semaphore_mem>>) src(%dma_wait3A_180 : memref<40x128xi32, #tpu.memory_space<hbm>>) dst(%dma_wait3A_178 : memref<40x128xi32, #tpu.memory_space<vmem>>)
        tpu.yield
      }) : () -> ()
      %dma_start3A = arith.constant 0 : i32
      %dma_start3A_16 = arith.constant 0 : i32
      %dma_start3A_17 = tpu.memref_slice %arg7[%dma_start3A, %dma_start3A_16] : memref<40x128xi32, #tpu.memory_space<vmem>> -> memref<1x128xi32, #tpu.memory_space<vmem>>
      %dma_start3A_18 = tpu.memref_squeeze %dma_start3A_17 : memref<1x128xi32, #tpu.memory_space<vmem>> -> memref<128xi32, #tpu.memory_space<vmem>>
      %dma_start3A_19 = arith.constant 0 : i32
      %dma_start3A_20 = arith.constant 0 : i32
      %dma_start3A_21 = tpu.memref_slice %arg2[%dma_start3A_19, %dma_start3A_20] : memref<10000x128xf32, #tpu.memory_space<hbm>> -> memref<10000x128xf32, #tpu.memory_space<hbm>>
      tpu.enqueue_indirect_dma source(%dma_start3A_21 : memref<10000x128xf32, #tpu.memory_space<hbm>>) target(%arg9 : memref<128x128xf32, #tpu.memory_space<vmem>>) offsets(%dma_start3A_18 : memref<128xi32, #tpu.memory_space<vmem>>) semaphore(%arg12 : memref<!tpu.dma_semaphore, #tpu.memory_space<semaphore_mem>>)
      %dma_start3A_22 = arith.constant 1 : i32
      %dma_start3A_23 = arith.constant 0 : i32
      %dma_start3A_24 = tpu.memref_slice %arg7[%dma_start3A_22, %dma_start3A_23] : memref<40x128xi32, #tpu.memory_space<vmem>> -> memref<1x128xi32, #tpu.memory_space<vmem>>
      %dma_start3A_25 = tpu.memref_squeeze %dma_start3A_24 : memref<1x128xi32, #tpu.memory_space<vmem>> -> memref<128xi32, #tpu.memory_space<vmem>>
      %dma_start3A_26 = arith.constant 0 : i32
      %dma_start3A_27 = arith.constant 0 : i32
      %dma_start3A_28 = tpu.memref_slice %arg2[%dma_start3A_26, %dma_start3A_27] : memref<10000x128xf32, #tpu.memory_space<hbm>> -> memref<10000x128xf32, #tpu.memory_space<hbm>>
      tpu.enqueue_indirect_dma source(%dma_start3A_28 : memref<10000x128xf32, #tpu.memory_space<hbm>>) target(%arg10 : memref<128x128xf32, #tpu.memory_space<vmem>>) offsets(%dma_start3A_25 : memref<128xi32, #tpu.memory_space<vmem>>) semaphore(%arg13 : memref<!tpu.dma_semaphore, #tpu.memory_space<semaphore_mem>>)
      %scan3A = arith.constant 0 : i32
      %scan3A_29 = arith.constant 0 : i32
      %scan3A_30 = arith.constant 19 : i32
      %scan3A_31 = arith.addi %scan3A_29, %scan3A_30 : i32
      %scan3A_32 = arith.constant 1 : i32
      scf.for %scan3A_160 = %scan3A_29 to %scan3A_31 step %scan3A_32  : i32 {
        %mul3A_161 = arith.constant 2 : i32
        %mul3A_162 = arith.muli %mul3A_161, %scan3A_160 : i32
        %add3A_163 = arith.constant 0 : i32
        %add3A_164 = arith.addi %mul3A_162, %add3A_163 : i32
        %dma_wait3A_165 = arith.constant 0 : i32
        %dma_wait3A_166 = arith.constant 0 : i32
        %dma_wait3A_167 = tpu.memref_slice %arg2[%dma_wait3A_165, %dma_wait3A_166] : memref<10000x128xf32, #tpu.memory_space<hbm>> -> memref<128x128xf32, #tpu.memory_space<hbm>>
        %dma_wait3A_168 = arith.constant 0 : i32
        %dma_wait3A_169 = arith.constant 0 : i32
        %dma_wait3A_170 = tpu.memref_slice %arg2[%dma_wait3A_168, %dma_wait3A_169] : memref<10000x128xf32, #tpu.memory_space<hbm>> -> memref<128x128xf32, #tpu.memory_space<hbm>>
        tpu.wait_dma2 semaphore(%arg12 : memref<!tpu.dma_semaphore, #tpu.memory_space<semaphore_mem>>) src(%dma_wait3A_170 : memref<128x128xf32, #tpu.memory_space<hbm>>) dst(%arg9 : memref<128x128xf32, #tpu.memory_space<vmem>>)
        "tpu.region"() ({
          %run_scoped3A_197 = tpu.sem_alloc : memref<!tpu.dma_semaphore, #tpu.memory_space<semaphore_mem>>
          %dma_start3A_198 = arith.constant 0 : i32
          %dma_start3A_199 = tpu.memref_slice %arg8[%add3A_164, %dma_start3A_198] : memref<40x128xi32, #tpu.memory_space<vmem>> -> memref<1x128xi32, #tpu.memory_space<vmem>>
          %dma_start3A_200 = tpu.memref_squeeze %dma_start3A_199 : memref<1x128xi32, #tpu.memory_space<vmem>> -> memref<128xi32, #tpu.memory_space<vmem>>
          %dma_start3A_201 = arith.constant 0 : i32
          %dma_start3A_202 = arith.constant 0 : i32
          %dma_start3A_203 = tpu.memref_slice %arg11[%dma_start3A_201, %dma_start3A_202] : memref<10112x128xf32, #tpu.memory_space<vmem_shared>> -> memref<10112x128xf32, #tpu.memory_space<vmem_shared>>
          tpu.enqueue_indirect_dma source(%arg9 : memref<128x128xf32, #tpu.memory_space<vmem>>) target(%dma_start3A_203 : memref<10112x128xf32, #tpu.memory_space<vmem_shared>>) offsets(%dma_start3A_200 : memref<128xi32, #tpu.memory_space<vmem>>) semaphore(%run_scoped3A_197 : memref<!tpu.dma_semaphore, #tpu.memory_space<semaphore_mem>>) {add = true}
          %dma_wait3A_204 = arith.constant 0 : i32
          %dma_wait3A_205 = tpu.memref_slice %arg8[%add3A_164, %dma_wait3A_204] : memref<40x128xi32, #tpu.memory_space<vmem>> -> memref<1x128xi32, #tpu.memory_space<vmem>>
          %dma_wait3A_206 = tpu.memref_squeeze %dma_wait3A_205 : memref<1x128xi32, #tpu.memory_space<vmem>> -> memref<128xi32, #tpu.memory_space<vmem>>
          %dma_wait3A_207 = arith.constant 0 : i32
          %dma_wait3A_208 = arith.constant 0 : i32
          %dma_wait3A_209 = tpu.memref_slice %arg11[%dma_wait3A_207, %dma_wait3A_208] : memref<10112x128xf32, #tpu.memory_space<vmem_shared>> -> memref<10112x128xf32, #tpu.memory_space<vmem_shared>>
          tpu.wait_indirect_dma semaphore(%run_scoped3A_197 : memref<!tpu.dma_semaphore, #tpu.memory_space<semaphore_mem>>) src(%arg9 : memref<128x128xf32, #tpu.memory_space<vmem>>) dst(%dma_wait3A_209 : memref<10112x128xf32, #tpu.memory_space<vmem_shared>>)
          tpu.yield
        }) : () -> ()
        %add3A_171 = arith.constant 2 : i32
        %add3A_172 = arith.addi %add3A_164, %add3A_171 : i32
        %dma_start3A_173 = arith.constant 0 : i32
        %dma_start3A_174 = tpu.memref_slice %arg7[%add3A_172, %dma_start3A_173] : memref<40x128xi32, #tpu.memory_space<vmem>> -> memref<1x128xi32, #tpu.memory_space<vmem>>
        %dma_start3A_175 = tpu.memref_squeeze %dma_start3A_174 : memref<1x128xi32, #tpu.memory_space<vmem>> -> memref<128xi32, #tpu.memory_space<vmem>>
        %dma_start3A_176 = arith.constant 0 : i32
        %dma_start3A_177 = arith.constant 0 : i32
        %dma_start3A_178 = tpu.memref_slice %arg2[%dma_start3A_176, %dma_start3A_177] : memref<10000x128xf32, #tpu.memory_space<hbm>> -> memref<10000x128xf32, #tpu.memory_space<hbm>>
        tpu.enqueue_indirect_dma source(%dma_start3A_178 : memref<10000x128xf32, #tpu.memory_space<hbm>>) target(%arg9 : memref<128x128xf32, #tpu.memory_space<vmem>>) offsets(%dma_start3A_175 : memref<128xi32, #tpu.memory_space<vmem>>) semaphore(%arg12 : memref<!tpu.dma_semaphore, #tpu.memory_space<semaphore_mem>>)
        %mul3A_179 = arith.constant 2 : i32
        %mul3A_180 = arith.muli %mul3A_179, %scan3A_160 : i32
        %add3A_181 = arith.constant 1 : i32
        %add3A_182 = arith.addi %mul3A_180, %add3A_181 : i32
        %dma_wait3A_183 = arith.constant 0 : i32
        %dma_wait3A_184 = arith.constant 0 : i32
        %dma_wait3A_185 = tpu.memref_slice %arg2[%dma_wait3A_183, %dma_wait3A_184] : memref<10000x128xf32, #tpu.memory_space<hbm>> -> memref<128x128xf32, #tpu.memory_space<hbm>>
        %dma_wait3A_186 = arith.constant 0 : i32
        %dma_wait3A_187 = arith.constant 0 : i32
        %dma_wait3A_188 = tpu.memref_slice %arg2[%dma_wait3A_186, %dma_wait3A_187] : memref<10000x128xf32, #tpu.memory_space<hbm>> -> memref<128x128xf32, #tpu.memory_space<hbm>>
        tpu.wait_dma2 semaphore(%arg13 : memref<!tpu.dma_semaphore, #tpu.memory_space<semaphore_mem>>) src(%dma_wait3A_188 : memref<128x128xf32, #tpu.memory_space<hbm>>) dst(%arg10 : memref<128x128xf32, #tpu.memory_space<vmem>>)
        "tpu.region"() ({
          %run_scoped3A_197 = tpu.sem_alloc : memref<!tpu.dma_semaphore, #tpu.memory_space<semaphore_mem>>
          %dma_start3A_198 = arith.constant 0 : i32
          %dma_start3A_199 = tpu.memref_slice %arg8[%add3A_182, %dma_start3A_198] : memref<40x128xi32, #tpu.memory_space<vmem>> -> memref<1x128xi32, #tpu.memory_space<vmem>>
          %dma_start3A_200 = tpu.memref_squeeze %dma_start3A_199 : memref<1x128xi32, #tpu.memory_space<vmem>> -> memref<128xi32, #tpu.memory_space<vmem>>
          %dma_start3A_201 = arith.constant 0 : i32
          %dma_start3A_202 = arith.constant 0 : i32
          %dma_start3A_203 = tpu.memref_slice %arg11[%dma_start3A_201, %dma_start3A_202] : memref<10112x128xf32, #tpu.memory_space<vmem_shared>> -> memref<10112x128xf32, #tpu.memory_space<vmem_shared>>
          tpu.enqueue_indirect_dma source(%arg10 : memref<128x128xf32, #tpu.memory_space<vmem>>) target(%dma_start3A_203 : memref<10112x128xf32, #tpu.memory_space<vmem_shared>>) offsets(%dma_start3A_200 : memref<128xi32, #tpu.memory_space<vmem>>) semaphore(%run_scoped3A_197 : memref<!tpu.dma_semaphore, #tpu.memory_space<semaphore_mem>>) {add = true}
          %dma_wait3A_204 = arith.constant 0 : i32
          %dma_wait3A_205 = tpu.memref_slice %arg8[%add3A_182, %dma_wait3A_204] : memref<40x128xi32, #tpu.memory_space<vmem>> -> memref<1x128xi32, #tpu.memory_space<vmem>>
          %dma_wait3A_206 = tpu.memref_squeeze %dma_wait3A_205 : memref<1x128xi32, #tpu.memory_space<vmem>> -> memref<128xi32, #tpu.memory_space<vmem>>
          %dma_wait3A_207 = arith.constant 0 : i32
          %dma_wait3A_208 = arith.constant 0 : i32
          %dma_wait3A_209 = tpu.memref_slice %arg11[%dma_wait3A_207, %dma_wait3A_208] : memref<10112x128xf32, #tpu.memory_space<vmem_shared>> -> memref<10112x128xf32, #tpu.memory_space<vmem_shared>>
          tpu.wait_indirect_dma semaphore(%run_scoped3A_197 : memref<!tpu.dma_semaphore, #tpu.memory_space<semaphore_mem>>) src(%arg10 : memref<128x128xf32, #tpu.memory_space<vmem>>) dst(%dma_wait3A_209 : memref<10112x128xf32, #tpu.memory_space<vmem_shared>>)
          tpu.yield
        }) : () -> ()
        %add3A_189 = arith.constant 2 : i32
        %add3A_190 = arith.addi %add3A_182, %add3A_189 : i32
        %dma_start3A_191 = arith.constant 0 : i32
        %dma_start3A_192 = tpu.memref_slice %arg7[%add3A_190, %dma_start3A_191] : memref<40x128xi32, #tpu.memory_space<vmem>> -> memref<1x128xi32, #tpu.memory_space<vmem>>
        %dma_start3A_193 = tpu.memref_squeeze %dma_start3A_192 : memref<1x128xi32, #tpu.memory_space<vmem>> -> memref<128xi32, #tpu.memory_space<vmem>>
        %dma_start3A_194 = arith.constant 0 : i32
        %dma_start3A_195 = arith.constant 0 : i32
        %dma_start3A_196 = tpu.memref_slice %arg2[%dma_start3A_194, %dma_start3A_195] : memref<10000x128xf32, #tpu.memory_space<hbm>> -> memref<10000x128xf32, #tpu.memory_space<hbm>>
        tpu.enqueue_indirect_dma source(%dma_start3A_196 : memref<10000x128xf32, #tpu.memory_space<hbm>>) target(%arg10 : memref<128x128xf32, #tpu.memory_space<vmem>>) offsets(%dma_start3A_193 : memref<128xi32, #tpu.memory_space<vmem>>) semaphore(%arg13 : memref<!tpu.dma_semaphore, #tpu.memory_space<semaphore_mem>>)
      }
      %scan3A_33 = arith.constant 19 : i32
      %dma_wait3A = arith.constant 0 : i32
      %dma_wait3A_34 = arith.constant 0 : i32
      %dma_wait3A_35 = tpu.memref_slice %arg2[%dma_wait3A, %dma_wait3A_34] : memref<10000x128xf32, #tpu.memory_space<hbm>> -> memref<128x128xf32, #tpu.memory_space<hbm>>
      %dma_wait3A_36 = arith.constant 0 : i32
      %dma_wait3A_37 = arith.constant 0 : i32
      %dma_wait3A_38 = tpu.memref_slice %arg2[%dma_wait3A_36, %dma_wait3A_37] : memref<10000x128xf32, #tpu.memory_space<hbm>> -> memref<128x128xf32, #tpu.memory_space<hbm>>
      tpu.wait_dma2 semaphore(%arg12 : memref<!tpu.dma_semaphore, #tpu.memory_space<semaphore_mem>>) src(%dma_wait3A_38 : memref<128x128xf32, #tpu.memory_space<hbm>>) dst(%arg9 : memref<128x128xf32, #tpu.memory_space<vmem>>)
      %run_scoped3A = arith.constant 38 : i32
      "tpu.region"() ({
        %run_scoped3A_160 = tpu.sem_alloc : memref<!tpu.dma_semaphore, #tpu.memory_space<semaphore_mem>>
        %dma_start3A_161 = arith.constant 0 : i32
        %dma_start3A_162 = tpu.memref_slice %arg8[%run_scoped3A, %dma_start3A_161] : memref<40x128xi32, #tpu.memory_space<vmem>> -> memref<1x128xi32, #tpu.memory_space<vmem>>
        %dma_start3A_163 = tpu.memref_squeeze %dma_start3A_162 : memref<1x128xi32, #tpu.memory_space<vmem>> -> memref<128xi32, #tpu.memory_space<vmem>>
        %dma_start3A_164 = arith.constant 0 : i32
        %dma_start3A_165 = arith.constant 0 : i32
        %dma_start3A_166 = tpu.memref_slice %arg11[%dma_start3A_164, %dma_start3A_165] : memref<10112x128xf32, #tpu.memory_space<vmem_shared>> -> memref<10112x128xf32, #tpu.memory_space<vmem_shared>>
        tpu.enqueue_indirect_dma source(%arg9 : memref<128x128xf32, #tpu.memory_space<vmem>>) target(%dma_start3A_166 : memref<10112x128xf32, #tpu.memory_space<vmem_shared>>) offsets(%dma_start3A_163 : memref<128xi32, #tpu.memory_space<vmem>>) semaphore(%run_scoped3A_160 : memref<!tpu.dma_semaphore, #tpu.memory_space<semaphore_mem>>) {add = true}
        %dma_wait3A_167 = arith.constant 0 : i32
        %dma_wait3A_168 = tpu.memref_slice %arg8[%run_scoped3A, %dma_wait3A_167] : memref<40x128xi32, #tpu.memory_space<vmem>> -> memref<1x128xi32, #tpu.memory_space<vmem>>
        %dma_wait3A_169 = tpu.memref_squeeze %dma_wait3A_168 : memref<1x128xi32, #tpu.memory_space<vmem>> -> memref<128xi32, #tpu.memory_space<vmem>>
        %dma_wait3A_170 = arith.constant 0 : i32
        %dma_wait3A_171 = arith.constant 0 : i32
        %dma_wait3A_172 = tpu.memref_slice %arg11[%dma_wait3A_170, %dma_wait3A_171] : memref<10112x128xf32, #tpu.memory_space<vmem_shared>> -> memref<10112x128xf32, #tpu.memory_space<vmem_shared>>
        tpu.wait_indirect_dma semaphore(%run_scoped3A_160 : memref<!tpu.dma_semaphore, #tpu.memory_space<semaphore_mem>>) src(%arg9 : memref<128x128xf32, #tpu.memory_space<vmem>>) dst(%dma_wait3A_172 : memref<10112x128xf32, #tpu.memory_space<vmem_shared>>)
        tpu.yield
      }) : () -> ()
      %dma_wait3A_39 = arith.constant 0 : i32
      %dma_wait3A_40 = arith.constant 0 : i32
      %dma_wait3A_41 = tpu.memref_slice %arg2[%dma_wait3A_39, %dma_wait3A_40] : memref<10000x128xf32, #tpu.memory_space<hbm>> -> memref<128x128xf32, #tpu.memory_space<hbm>>
      %dma_wait3A_42 = arith.constant 0 : i32
      %dma_wait3A_43 = arith.constant 0 : i32
      %dma_wait3A_44 = tpu.memref_slice %arg2[%dma_wait3A_42, %dma_wait3A_43] : memref<10000x128xf32, #tpu.memory_space<hbm>> -> memref<128x128xf32, #tpu.memory_space<hbm>>
      tpu.wait_dma2 semaphore(%arg13 : memref<!tpu.dma_semaphore, #tpu.memory_space<semaphore_mem>>) src(%dma_wait3A_44 : memref<128x128xf32, #tpu.memory_space<hbm>>) dst(%arg10 : memref<128x128xf32, #tpu.memory_space<vmem>>)
      %run_scoped3A_45 = arith.constant 39 : i32
      "tpu.region"() ({
        %run_scoped3A_160 = tpu.sem_alloc : memref<!tpu.dma_semaphore, #tpu.memory_space<semaphore_mem>>
        %dma_start3A_161 = arith.constant 0 : i32
        %dma_start3A_162 = tpu.memref_slice %arg8[%run_scoped3A_45, %dma_start3A_161] : memref<40x128xi32, #tpu.memory_space<vmem>> -> memref<1x128xi32, #tpu.memory_space<vmem>>
        %dma_start3A_163 = tpu.memref_squeeze %dma_start3A_162 : memref<1x128xi32, #tpu.memory_space<vmem>> -> memref<128xi32, #tpu.memory_space<vmem>>
        %dma_start3A_164 = arith.constant 0 : i32
        %dma_start3A_165 = arith.constant 0 : i32
        %dma_start3A_166 = tpu.memref_slice %arg11[%dma_start3A_164, %dma_start3A_165] : memref<10112x128xf32, #tpu.memory_space<vmem_shared>> -> memref<10112x128xf32, #tpu.memory_space<vmem_shared>>
        tpu.enqueue_indirect_dma source(%arg10 : memref<128x128xf32, #tpu.memory_space<vmem>>) target(%dma_start3A_166 : memref<10112x128xf32, #tpu.memory_space<vmem_shared>>) offsets(%dma_start3A_163 : memref<128xi32, #tpu.memory_space<vmem>>) semaphore(%run_scoped3A_160 : memref<!tpu.dma_semaphore, #tpu.memory_space<semaphore_mem>>) {add = true}
        %dma_wait3A_167 = arith.constant 0 : i32
        %dma_wait3A_168 = tpu.memref_slice %arg8[%run_scoped3A_45, %dma_wait3A_167] : memref<40x128xi32, #tpu.memory_space<vmem>> -> memref<1x128xi32, #tpu.memory_space<vmem>>
        %dma_wait3A_169 = tpu.memref_squeeze %dma_wait3A_168 : memref<1x128xi32, #tpu.memory_space<vmem>> -> memref<128xi32, #tpu.memory_space<vmem>>
        %dma_wait3A_170 = arith.constant 0 : i32
        %dma_wait3A_171 = arith.constant 0 : i32
        %dma_wait3A_172 = tpu.memref_slice %arg11[%dma_wait3A_170, %dma_wait3A_171] : memref<10112x128xf32, #tpu.memory_space<vmem_shared>> -> memref<10112x128xf32, #tpu.memory_space<vmem_shared>>
        tpu.wait_indirect_dma semaphore(%run_scoped3A_160 : memref<!tpu.dma_semaphore, #tpu.memory_space<semaphore_mem>>) src(%arg10 : memref<128x128xf32, #tpu.memory_space<vmem>>) dst(%dma_wait3A_172 : memref<10112x128xf32, #tpu.memory_space<vmem_shared>>)
        tpu.yield
      }) : () -> ()
      %mul3A_46 = arith.constant 152 : i32
      %mul3A_47 = arith.muli %arg1, %mul3A_46 : i32
      %add3A_48 = arith.constant 40 : i32
      %add3A_49 = arith.addi %mul3A_47, %add3A_48 : i32
      "tpu.region"() ({
        %run_scoped3A_160 = tpu.sem_alloc : memref<!tpu.dma_semaphore, #tpu.memory_space<semaphore_mem>>
        %dma_start3A_161 = arith.constant 0 : i32
        %dma_start3A_162 = arith.constant 0 : i32
        %dma_start3A_163 = tpu.memref_slice %arg7[%dma_start3A_161, %dma_start3A_162] : memref<40x128xi32, #tpu.memory_space<vmem>> -> memref<40x128xi32, #tpu.memory_space<vmem>>
        %dma_start3A_164 = arith.constant 0 : i32
        %dma_start3A_165 = tpu.memref_slice %arg3[%add3A_49, %dma_start3A_164] : memref<2560x128xi32, #tpu.memory_space<hbm>> -> memref<40x128xi32, #tpu.memory_space<hbm>>
        %dma_start3A_166 = arith.constant 0 : i32
        %dma_start3A_167 = arith.constant 0 : i32
        %dma_start3A_168 = tpu.memref_slice %arg7[%dma_start3A_166, %dma_start3A_167] : memref<40x128xi32, #tpu.memory_space<vmem>> -> memref<40x128xi32, #tpu.memory_space<vmem>>
        %dma_start3A_169 = arith.constant 0 : i32
        %dma_start3A_170 = tpu.memref_slice %arg3[%add3A_49, %dma_start3A_169] : memref<2560x128xi32, #tpu.memory_space<hbm>> -> memref<40x128xi32, #tpu.memory_space<hbm>>
        tpu.enqueue_dma source(%dma_start3A_170 : memref<40x128xi32, #tpu.memory_space<hbm>>) target(%dma_start3A_168 : memref<40x128xi32, #tpu.memory_space<vmem>>) target_semaphore(%run_scoped3A_160 : memref<!tpu.dma_semaphore, #tpu.memory_space<semaphore_mem>>)
        %dma_wait3A_171 = arith.constant 0 : i32
        %dma_wait3A_172 = arith.constant 0 : i32
        %dma_wait3A_173 = tpu.memref_slice %arg7[%dma_wait3A_171, %dma_wait3A_172] : memref<40x128xi32, #tpu.memory_space<vmem>> -> memref<40x128xi32, #tpu.memory_space<vmem>>
        %dma_wait3A_174 = arith.constant 0 : i32
        %dma_wait3A_175 = tpu.memref_slice %arg3[%add3A_49, %dma_wait3A_174] : memref<2560x128xi32, #tpu.memory_space<hbm>> -> memref<40x128xi32, #tpu.memory_space<hbm>>
        %dma_wait3A_176 = arith.constant 0 : i32
        %dma_wait3A_177 = arith.constant 0 : i32
        %dma_wait3A_178 = tpu.memref_slice %arg7[%dma_wait3A_176, %dma_wait3A_177] : memref<40x128xi32, #tpu.memory_space<vmem>> -> memref<40x128xi32, #tpu.memory_space<vmem>>
        %dma_wait3A_179 = arith.constant 0 : i32
        %dma_wait3A_180 = tpu.memref_slice %arg3[%add3A_49, %dma_wait3A_179] : memref<2560x128xi32, #tpu.memory_space<hbm>> -> memref<40x128xi32, #tpu.memory_space<hbm>>
        tpu.wait_dma2 semaphore(%run_scoped3A_160 : memref<!tpu.dma_semaphore, #tpu.memory_space<semaphore_mem>>) src(%dma_wait3A_180 : memref<40x128xi32, #tpu.memory_space<hbm>>) dst(%dma_wait3A_178 : memref<40x128xi32, #tpu.memory_space<vmem>>)
        tpu.yield
      }) : () -> ()
      "tpu.region"() ({
        %run_scoped3A_160 = tpu.sem_alloc : memref<!tpu.dma_semaphore, #tpu.memory_space<semaphore_mem>>
        %dma_start3A_161 = arith.constant 0 : i32
        %dma_start3A_162 = arith.constant 0 : i32
        %dma_start3A_163 = tpu.memref_slice %arg8[%dma_start3A_161, %dma_start3A_162] : memref<40x128xi32, #tpu.memory_space<vmem>> -> memref<40x128xi32, #tpu.memory_space<vmem>>
        %dma_start3A_164 = arith.constant 0 : i32
        %dma_start3A_165 = tpu.memref_slice %arg4[%add3A_49, %dma_start3A_164] : memref<2560x128xi32, #tpu.memory_space<hbm>> -> memref<40x128xi32, #tpu.memory_space<hbm>>
        %dma_start3A_166 = arith.constant 0 : i32
        %dma_start3A_167 = arith.constant 0 : i32
        %dma_start3A_168 = tpu.memref_slice %arg8[%dma_start3A_166, %dma_start3A_167] : memref<40x128xi32, #tpu.memory_space<vmem>> -> memref<40x128xi32, #tpu.memory_space<vmem>>
        %dma_start3A_169 = arith.constant 0 : i32
        %dma_start3A_170 = tpu.memref_slice %arg4[%add3A_49, %dma_start3A_169] : memref<2560x128xi32, #tpu.memory_space<hbm>> -> memref<40x128xi32, #tpu.memory_space<hbm>>
        tpu.enqueue_dma source(%dma_start3A_170 : memref<40x128xi32, #tpu.memory_space<hbm>>) target(%dma_start3A_168 : memref<40x128xi32, #tpu.memory_space<vmem>>) target_semaphore(%run_scoped3A_160 : memref<!tpu.dma_semaphore, #tpu.memory_space<semaphore_mem>>)
        %dma_wait3A_171 = arith.constant 0 : i32
        %dma_wait3A_172 = arith.constant 0 : i32
        %dma_wait3A_173 = tpu.memref_slice %arg8[%dma_wait3A_171, %dma_wait3A_172] : memref<40x128xi32, #tpu.memory_space<vmem>> -> memref<40x128xi32, #tpu.memory_space<vmem>>
        %dma_wait3A_174 = arith.constant 0 : i32
        %dma_wait3A_175 = tpu.memref_slice %arg4[%add3A_49, %dma_wait3A_174] : memref<2560x128xi32, #tpu.memory_space<hbm>> -> memref<40x128xi32, #tpu.memory_space<hbm>>
        %dma_wait3A_176 = arith.constant 0 : i32
        %dma_wait3A_177 = arith.constant 0 : i32
        %dma_wait3A_178 = tpu.memref_slice %arg8[%dma_wait3A_176, %dma_wait3A_177] : memref<40x128xi32, #tpu.memory_space<vmem>> -> memref<40x128xi32, #tpu.memory_space<vmem>>
        %dma_wait3A_179 = arith.constant 0 : i32
        %dma_wait3A_180 = tpu.memref_slice %arg4[%add3A_49, %dma_wait3A_179] : memref<2560x128xi32, #tpu.memory_space<hbm>> -> memref<40x128xi32, #tpu.memory_space<hbm>>
        tpu.wait_dma2 semaphore(%run_scoped3A_160 : memref<!tpu.dma_semaphore, #tpu.memory_space<semaphore_mem>>) src(%dma_wait3A_180 : memref<40x128xi32, #tpu.memory_space<hbm>>) dst(%dma_wait3A_178 : memref<40x128xi32, #tpu.memory_space<vmem>>)
        tpu.yield
      }) : () -> ()
      %dma_start3A_50 = arith.constant 0 : i32
      %dma_start3A_51 = arith.constant 0 : i32
      %dma_start3A_52 = tpu.memref_slice %arg7[%dma_start3A_50, %dma_start3A_51] : memref<40x128xi32, #tpu.memory_space<vmem>> -> memref<1x128xi32, #tpu.memory_space<vmem>>
      %dma_start3A_53 = tpu.memref_squeeze %dma_start3A_52 : memref<1x128xi32, #tpu.memory_space<vmem>> -> memref<128xi32, #tpu.memory_space<vmem>>
      %dma_start3A_54 = arith.constant 0 : i32
      %dma_start3A_55 = arith.constant 0 : i32
      %dma_start3A_56 = tpu.memref_slice %arg2[%dma_start3A_54, %dma_start3A_55] : memref<10000x128xf32, #tpu.memory_space<hbm>> -> memref<10000x128xf32, #tpu.memory_space<hbm>>
      tpu.enqueue_indirect_dma source(%dma_start3A_56 : memref<10000x128xf32, #tpu.memory_space<hbm>>) target(%arg9 : memref<128x128xf32, #tpu.memory_space<vmem>>) offsets(%dma_start3A_53 : memref<128xi32, #tpu.memory_space<vmem>>) semaphore(%arg12 : memref<!tpu.dma_semaphore, #tpu.memory_space<semaphore_mem>>)
      %dma_start3A_57 = arith.constant 1 : i32
      %dma_start3A_58 = arith.constant 0 : i32
      %dma_start3A_59 = tpu.memref_slice %arg7[%dma_start3A_57, %dma_start3A_58] : memref<40x128xi32, #tpu.memory_space<vmem>> -> memref<1x128xi32, #tpu.memory_space<vmem>>
      %dma_start3A_60 = tpu.memref_squeeze %dma_start3A_59 : memref<1x128xi32, #tpu.memory_space<vmem>> -> memref<128xi32, #tpu.memory_space<vmem>>
      %dma_start3A_61 = arith.constant 0 : i32
      %dma_start3A_62 = arith.constant 0 : i32
      %dma_start3A_63 = tpu.memref_slice %arg2[%dma_start3A_61, %dma_start3A_62] : memref<10000x128xf32, #tpu.memory_space<hbm>> -> memref<10000x128xf32, #tpu.memory_space<hbm>>
      tpu.enqueue_indirect_dma source(%dma_start3A_63 : memref<10000x128xf32, #tpu.memory_space<hbm>>) target(%arg10 : memref<128x128xf32, #tpu.memory_space<vmem>>) offsets(%dma_start3A_60 : memref<128xi32, #tpu.memory_space<vmem>>) semaphore(%arg13 : memref<!tpu.dma_semaphore, #tpu.memory_space<semaphore_mem>>)
      %scan3A_64 = arith.constant 0 : i32
      %scan3A_65 = arith.constant 0 : i32
      %scan3A_66 = arith.constant 19 : i32
      %scan3A_67 = arith.addi %scan3A_65, %scan3A_66 : i32
      %scan3A_68 = arith.constant 1 : i32
      scf.for %scan3A_160 = %scan3A_65 to %scan3A_67 step %scan3A_68  : i32 {
        %mul3A_161 = arith.constant 2 : i32
        %mul3A_162 = arith.muli %mul3A_161, %scan3A_160 : i32
        %add3A_163 = arith.constant 0 : i32
        %add3A_164 = arith.addi %mul3A_162, %add3A_163 : i32
        %dma_wait3A_165 = arith.constant 0 : i32
        %dma_wait3A_166 = arith.constant 0 : i32
        %dma_wait3A_167 = tpu.memref_slice %arg2[%dma_wait3A_165, %dma_wait3A_166] : memref<10000x128xf32, #tpu.memory_space<hbm>> -> memref<128x128xf32, #tpu.memory_space<hbm>>
        %dma_wait3A_168 = arith.constant 0 : i32
        %dma_wait3A_169 = arith.constant 0 : i32
        %dma_wait3A_170 = tpu.memref_slice %arg2[%dma_wait3A_168, %dma_wait3A_169] : memref<10000x128xf32, #tpu.memory_space<hbm>> -> memref<128x128xf32, #tpu.memory_space<hbm>>
        tpu.wait_dma2 semaphore(%arg12 : memref<!tpu.dma_semaphore, #tpu.memory_space<semaphore_mem>>) src(%dma_wait3A_170 : memref<128x128xf32, #tpu.memory_space<hbm>>) dst(%arg9 : memref<128x128xf32, #tpu.memory_space<vmem>>)
        "tpu.region"() ({
          %run_scoped3A_197 = tpu.sem_alloc : memref<!tpu.dma_semaphore, #tpu.memory_space<semaphore_mem>>
          %dma_start3A_198 = arith.constant 0 : i32
          %dma_start3A_199 = tpu.memref_slice %arg8[%add3A_164, %dma_start3A_198] : memref<40x128xi32, #tpu.memory_space<vmem>> -> memref<1x128xi32, #tpu.memory_space<vmem>>
          %dma_start3A_200 = tpu.memref_squeeze %dma_start3A_199 : memref<1x128xi32, #tpu.memory_space<vmem>> -> memref<128xi32, #tpu.memory_space<vmem>>
          %dma_start3A_201 = arith.constant 0 : i32
          %dma_start3A_202 = arith.constant 0 : i32
          %dma_start3A_203 = tpu.memref_slice %arg11[%dma_start3A_201, %dma_start3A_202] : memref<10112x128xf32, #tpu.memory_space<vmem_shared>> -> memref<10112x128xf32, #tpu.memory_space<vmem_shared>>
          tpu.enqueue_indirect_dma source(%arg9 : memref<128x128xf32, #tpu.memory_space<vmem>>) target(%dma_start3A_203 : memref<10112x128xf32, #tpu.memory_space<vmem_shared>>) offsets(%dma_start3A_200 : memref<128xi32, #tpu.memory_space<vmem>>) semaphore(%run_scoped3A_197 : memref<!tpu.dma_semaphore, #tpu.memory_space<semaphore_mem>>) {add = true}
          %dma_wait3A_204 = arith.constant 0 : i32
          %dma_wait3A_205 = tpu.memref_slice %arg8[%add3A_164, %dma_wait3A_204] : memref<40x128xi32, #tpu.memory_space<vmem>> -> memref<1x128xi32, #tpu.memory_space<vmem>>
          %dma_wait3A_206 = tpu.memref_squeeze %dma_wait3A_205 : memref<1x128xi32, #tpu.memory_space<vmem>> -> memref<128xi32, #tpu.memory_space<vmem>>
          %dma_wait3A_207 = arith.constant 0 : i32
          %dma_wait3A_208 = arith.constant 0 : i32
          %dma_wait3A_209 = tpu.memref_slice %arg11[%dma_wait3A_207, %dma_wait3A_208] : memref<10112x128xf32, #tpu.memory_space<vmem_shared>> -> memref<10112x128xf32, #tpu.memory_space<vmem_shared>>
          tpu.wait_indirect_dma semaphore(%run_scoped3A_197 : memref<!tpu.dma_semaphore, #tpu.memory_space<semaphore_mem>>) src(%arg9 : memref<128x128xf32, #tpu.memory_space<vmem>>) dst(%dma_wait3A_209 : memref<10112x128xf32, #tpu.memory_space<vmem_shared>>)
          tpu.yield
        }) : () -> ()
        %add3A_171 = arith.constant 2 : i32
        %add3A_172 = arith.addi %add3A_164, %add3A_171 : i32
        %dma_start3A_173 = arith.constant 0 : i32
        %dma_start3A_174 = tpu.memref_slice %arg7[%add3A_172, %dma_start3A_173] : memref<40x128xi32, #tpu.memory_space<vmem>> -> memref<1x128xi32, #tpu.memory_space<vmem>>
        %dma_start3A_175 = tpu.memref_squeeze %dma_start3A_174 : memref<1x128xi32, #tpu.memory_space<vmem>> -> memref<128xi32, #tpu.memory_space<vmem>>
        %dma_start3A_176 = arith.constant 0 : i32
        %dma_start3A_177 = arith.constant 0 : i32
        %dma_start3A_178 = tpu.memref_slice %arg2[%dma_start3A_176, %dma_start3A_177] : memref<10000x128xf32, #tpu.memory_space<hbm>> -> memref<10000x128xf32, #tpu.memory_space<hbm>>
        tpu.enqueue_indirect_dma source(%dma_start3A_178 : memref<10000x128xf32, #tpu.memory_space<hbm>>) target(%arg9 : memref<128x128xf32, #tpu.memory_space<vmem>>) offsets(%dma_start3A_175 : memref<128xi32, #tpu.memory_space<vmem>>) semaphore(%arg12 : memref<!tpu.dma_semaphore, #tpu.memory_space<semaphore_mem>>)
        %mul3A_179 = arith.constant 2 : i32
        %mul3A_180 = arith.muli %mul3A_179, %scan3A_160 : i32
        %add3A_181 = arith.constant 1 : i32
        %add3A_182 = arith.addi %mul3A_180, %add3A_181 : i32
        %dma_wait3A_183 = arith.constant 0 : i32
        %dma_wait3A_184 = arith.constant 0 : i32
        %dma_wait3A_185 = tpu.memref_slice %arg2[%dma_wait3A_183, %dma_wait3A_184] : memref<10000x128xf32, #tpu.memory_space<hbm>> -> memref<128x128xf32, #tpu.memory_space<hbm>>
        %dma_wait3A_186 = arith.constant 0 : i32
        %dma_wait3A_187 = arith.constant 0 : i32
        %dma_wait3A_188 = tpu.memref_slice %arg2[%dma_wait3A_186, %dma_wait3A_187] : memref<10000x128xf32, #tpu.memory_space<hbm>> -> memref<128x128xf32, #tpu.memory_space<hbm>>
        tpu.wait_dma2 semaphore(%arg13 : memref<!tpu.dma_semaphore, #tpu.memory_space<semaphore_mem>>) src(%dma_wait3A_188 : memref<128x128xf32, #tpu.memory_space<hbm>>) dst(%arg10 : memref<128x128xf32, #tpu.memory_space<vmem>>)
        "tpu.region"() ({
          %run_scoped3A_197 = tpu.sem_alloc : memref<!tpu.dma_semaphore, #tpu.memory_space<semaphore_mem>>
          %dma_start3A_198 = arith.constant 0 : i32
          %dma_start3A_199 = tpu.memref_slice %arg8[%add3A_182, %dma_start3A_198] : memref<40x128xi32, #tpu.memory_space<vmem>> -> memref<1x128xi32, #tpu.memory_space<vmem>>
          %dma_start3A_200 = tpu.memref_squeeze %dma_start3A_199 : memref<1x128xi32, #tpu.memory_space<vmem>> -> memref<128xi32, #tpu.memory_space<vmem>>
          %dma_start3A_201 = arith.constant 0 : i32
          %dma_start3A_202 = arith.constant 0 : i32
          %dma_start3A_203 = tpu.memref_slice %arg11[%dma_start3A_201, %dma_start3A_202] : memref<10112x128xf32, #tpu.memory_space<vmem_shared>> -> memref<10112x128xf32, #tpu.memory_space<vmem_shared>>
          tpu.enqueue_indirect_dma source(%arg10 : memref<128x128xf32, #tpu.memory_space<vmem>>) target(%dma_start3A_203 : memref<10112x128xf32, #tpu.memory_space<vmem_shared>>) offsets(%dma_start3A_200 : memref<128xi32, #tpu.memory_space<vmem>>) semaphore(%run_scoped3A_197 : memref<!tpu.dma_semaphore, #tpu.memory_space<semaphore_mem>>) {add = true}
          %dma_wait3A_204 = arith.constant 0 : i32
          %dma_wait3A_205 = tpu.memref_slice %arg8[%add3A_182, %dma_wait3A_204] : memref<40x128xi32, #tpu.memory_space<vmem>> -> memref<1x128xi32, #tpu.memory_space<vmem>>
          %dma_wait3A_206 = tpu.memref_squeeze %dma_wait3A_205 : memref<1x128xi32, #tpu.memory_space<vmem>> -> memref<128xi32, #tpu.memory_space<vmem>>
          %dma_wait3A_207 = arith.constant 0 : i32
          %dma_wait3A_208 = arith.constant 0 : i32
          %dma_wait3A_209 = tpu.memref_slice %arg11[%dma_wait3A_207, %dma_wait3A_208] : memref<10112x128xf32, #tpu.memory_space<vmem_shared>> -> memref<10112x128xf32, #tpu.memory_space<vmem_shared>>
          tpu.wait_indirect_dma semaphore(%run_scoped3A_197 : memref<!tpu.dma_semaphore, #tpu.memory_space<semaphore_mem>>) src(%arg10 : memref<128x128xf32, #tpu.memory_space<vmem>>) dst(%dma_wait3A_209 : memref<10112x128xf32, #tpu.memory_space<vmem_shared>>)
          tpu.yield
        }) : () -> ()
        %add3A_189 = arith.constant 2 : i32
        %add3A_190 = arith.addi %add3A_182, %add3A_189 : i32
        %dma_start3A_191 = arith.constant 0 : i32
        %dma_start3A_192 = tpu.memref_slice %arg7[%add3A_190, %dma_start3A_191] : memref<40x128xi32, #tpu.memory_space<vmem>> -> memref<1x128xi32, #tpu.memory_space<vmem>>
        %dma_start3A_193 = tpu.memref_squeeze %dma_start3A_192 : memref<1x128xi32, #tpu.memory_space<vmem>> -> memref<128xi32, #tpu.memory_space<vmem>>
        %dma_start3A_194 = arith.constant 0 : i32
        %dma_start3A_195 = arith.constant 0 : i32
        %dma_start3A_196 = tpu.memref_slice %arg2[%dma_start3A_194, %dma_start3A_195] : memref<10000x128xf32, #tpu.memory_space<hbm>> -> memref<10000x128xf32, #tpu.memory_space<hbm>>
        tpu.enqueue_indirect_dma source(%dma_start3A_196 : memref<10000x128xf32, #tpu.memory_space<hbm>>) target(%arg10 : memref<128x128xf32, #tpu.memory_space<vmem>>) offsets(%dma_start3A_193 : memref<128xi32, #tpu.memory_space<vmem>>) semaphore(%arg13 : memref<!tpu.dma_semaphore, #tpu.memory_space<semaphore_mem>>)
      }
      %scan3A_69 = arith.constant 19 : i32
      %dma_wait3A_70 = arith.constant 0 : i32
      %dma_wait3A_71 = arith.constant 0 : i32
      %dma_wait3A_72 = tpu.memref_slice %arg2[%dma_wait3A_70, %dma_wait3A_71] : memref<10000x128xf32, #tpu.memory_space<hbm>> -> memref<128x128xf32, #tpu.memory_space<hbm>>
      %dma_wait3A_73 = arith.constant 0 : i32
      %dma_wait3A_74 = arith.constant 0 : i32
      %dma_wait3A_75 = tpu.memref_slice %arg2[%dma_wait3A_73, %dma_wait3A_74] : memref<10000x128xf32, #tpu.memory_space<hbm>> -> memref<128x128xf32, #tpu.memory_space<hbm>>
      tpu.wait_dma2 semaphore(%arg12 : memref<!tpu.dma_semaphore, #tpu.memory_space<semaphore_mem>>) src(%dma_wait3A_75 : memref<128x128xf32, #tpu.memory_space<hbm>>) dst(%arg9 : memref<128x128xf32, #tpu.memory_space<vmem>>)
      %run_scoped3A_76 = arith.constant 38 : i32
      "tpu.region"() ({
        %run_scoped3A_160 = tpu.sem_alloc : memref<!tpu.dma_semaphore, #tpu.memory_space<semaphore_mem>>
        %dma_start3A_161 = arith.constant 0 : i32
        %dma_start3A_162 = tpu.memref_slice %arg8[%run_scoped3A_76, %dma_start3A_161] : memref<40x128xi32, #tpu.memory_space<vmem>> -> memref<1x128xi32, #tpu.memory_space<vmem>>
        %dma_start3A_163 = tpu.memref_squeeze %dma_start3A_162 : memref<1x128xi32, #tpu.memory_space<vmem>> -> memref<128xi32, #tpu.memory_space<vmem>>
        %dma_start3A_164 = arith.constant 0 : i32
        %dma_start3A_165 = arith.constant 0 : i32
        %dma_start3A_166 = tpu.memref_slice %arg11[%dma_start3A_164, %dma_start3A_165] : memref<10112x128xf32, #tpu.memory_space<vmem_shared>> -> memref<10112x128xf32, #tpu.memory_space<vmem_shared>>
        tpu.enqueue_indirect_dma source(%arg9 : memref<128x128xf32, #tpu.memory_space<vmem>>) target(%dma_start3A_166 : memref<10112x128xf32, #tpu.memory_space<vmem_shared>>) offsets(%dma_start3A_163 : memref<128xi32, #tpu.memory_space<vmem>>) semaphore(%run_scoped3A_160 : memref<!tpu.dma_semaphore, #tpu.memory_space<semaphore_mem>>) {add = true}
        %dma_wait3A_167 = arith.constant 0 : i32
        %dma_wait3A_168 = tpu.memref_slice %arg8[%run_scoped3A_76, %dma_wait3A_167] : memref<40x128xi32, #tpu.memory_space<vmem>> -> memref<1x128xi32, #tpu.memory_space<vmem>>
        %dma_wait3A_169 = tpu.memref_squeeze %dma_wait3A_168 : memref<1x128xi32, #tpu.memory_space<vmem>> -> memref<128xi32, #tpu.memory_space<vmem>>
        %dma_wait3A_170 = arith.constant 0 : i32
        %dma_wait3A_171 = arith.constant 0 : i32
        %dma_wait3A_172 = tpu.memref_slice %arg11[%dma_wait3A_170, %dma_wait3A_171] : memref<10112x128xf32, #tpu.memory_space<vmem_shared>> -> memref<10112x128xf32, #tpu.memory_space<vmem_shared>>
        tpu.wait_indirect_dma semaphore(%run_scoped3A_160 : memref<!tpu.dma_semaphore, #tpu.memory_space<semaphore_mem>>) src(%arg9 : memref<128x128xf32, #tpu.memory_space<vmem>>) dst(%dma_wait3A_172 : memref<10112x128xf32, #tpu.memory_space<vmem_shared>>)
        tpu.yield
      }) : () -> ()
      %dma_wait3A_77 = arith.constant 0 : i32
      %dma_wait3A_78 = arith.constant 0 : i32
      %dma_wait3A_79 = tpu.memref_slice %arg2[%dma_wait3A_77, %dma_wait3A_78] : memref<10000x128xf32, #tpu.memory_space<hbm>> -> memref<128x128xf32, #tpu.memory_space<hbm>>
      %dma_wait3A_80 = arith.constant 0 : i32
      %dma_wait3A_81 = arith.constant 0 : i32
      %dma_wait3A_82 = tpu.memref_slice %arg2[%dma_wait3A_80, %dma_wait3A_81] : memref<10000x128xf32, #tpu.memory_space<hbm>> -> memref<128x128xf32, #tpu.memory_space<hbm>>
      tpu.wait_dma2 semaphore(%arg13 : memref<!tpu.dma_semaphore, #tpu.memory_space<semaphore_mem>>) src(%dma_wait3A_82 : memref<128x128xf32, #tpu.memory_space<hbm>>) dst(%arg10 : memref<128x128xf32, #tpu.memory_space<vmem>>)
      %run_scoped3A_83 = arith.constant 39 : i32
      "tpu.region"() ({
        %run_scoped3A_160 = tpu.sem_alloc : memref<!tpu.dma_semaphore, #tpu.memory_space<semaphore_mem>>
        %dma_start3A_161 = arith.constant 0 : i32
        %dma_start3A_162 = tpu.memref_slice %arg8[%run_scoped3A_83, %dma_start3A_161] : memref<40x128xi32, #tpu.memory_space<vmem>> -> memref<1x128xi32, #tpu.memory_space<vmem>>
        %dma_start3A_163 = tpu.memref_squeeze %dma_start3A_162 : memref<1x128xi32, #tpu.memory_space<vmem>> -> memref<128xi32, #tpu.memory_space<vmem>>
        %dma_start3A_164 = arith.constant 0 : i32
        %dma_start3A_165 = arith.constant 0 : i32
        %dma_start3A_166 = tpu.memref_slice %arg11[%dma_start3A_164, %dma_start3A_165] : memref<10112x128xf32, #tpu.memory_space<vmem_shared>> -> memref<10112x128xf32, #tpu.memory_space<vmem_shared>>
        tpu.enqueue_indirect_dma source(%arg10 : memref<128x128xf32, #tpu.memory_space<vmem>>) target(%dma_start3A_166 : memref<10112x128xf32, #tpu.memory_space<vmem_shared>>) offsets(%dma_start3A_163 : memref<128xi32, #tpu.memory_space<vmem>>) semaphore(%run_scoped3A_160 : memref<!tpu.dma_semaphore, #tpu.memory_space<semaphore_mem>>) {add = true}
        %dma_wait3A_167 = arith.constant 0 : i32
        %dma_wait3A_168 = tpu.memref_slice %arg8[%run_scoped3A_83, %dma_wait3A_167] : memref<40x128xi32, #tpu.memory_space<vmem>> -> memref<1x128xi32, #tpu.memory_space<vmem>>
        %dma_wait3A_169 = tpu.memref_squeeze %dma_wait3A_168 : memref<1x128xi32, #tpu.memory_space<vmem>> -> memref<128xi32, #tpu.memory_space<vmem>>
        %dma_wait3A_170 = arith.constant 0 : i32
        %dma_wait3A_171 = arith.constant 0 : i32
        %dma_wait3A_172 = tpu.memref_slice %arg11[%dma_wait3A_170, %dma_wait3A_171] : memref<10112x128xf32, #tpu.memory_space<vmem_shared>> -> memref<10112x128xf32, #tpu.memory_space<vmem_shared>>
        tpu.wait_indirect_dma semaphore(%run_scoped3A_160 : memref<!tpu.dma_semaphore, #tpu.memory_space<semaphore_mem>>) src(%arg10 : memref<128x128xf32, #tpu.memory_space<vmem>>) dst(%dma_wait3A_172 : memref<10112x128xf32, #tpu.memory_space<vmem_shared>>)
        tpu.yield
      }) : () -> ()
      %mul3A_84 = arith.constant 152 : i32
      %mul3A_85 = arith.muli %arg1, %mul3A_84 : i32
      %add3A_86 = arith.constant 80 : i32
      %add3A_87 = arith.addi %mul3A_85, %add3A_86 : i32
      "tpu.region"() ({
        %run_scoped3A_160 = tpu.sem_alloc : memref<!tpu.dma_semaphore, #tpu.memory_space<semaphore_mem>>
        %dma_start3A_161 = arith.constant 0 : i32
        %dma_start3A_162 = arith.constant 0 : i32
        %dma_start3A_163 = tpu.memref_slice %arg7[%dma_start3A_161, %dma_start3A_162] : memref<40x128xi32, #tpu.memory_space<vmem>> -> memref<40x128xi32, #tpu.memory_space<vmem>>
        %dma_start3A_164 = arith.constant 0 : i32
        %dma_start3A_165 = tpu.memref_slice %arg3[%add3A_87, %dma_start3A_164] : memref<2560x128xi32, #tpu.memory_space<hbm>> -> memref<40x128xi32, #tpu.memory_space<hbm>>
        %dma_start3A_166 = arith.constant 0 : i32
        %dma_start3A_167 = arith.constant 0 : i32
        %dma_start3A_168 = tpu.memref_slice %arg7[%dma_start3A_166, %dma_start3A_167] : memref<40x128xi32, #tpu.memory_space<vmem>> -> memref<40x128xi32, #tpu.memory_space<vmem>>
        %dma_start3A_169 = arith.constant 0 : i32
        %dma_start3A_170 = tpu.memref_slice %arg3[%add3A_87, %dma_start3A_169] : memref<2560x128xi32, #tpu.memory_space<hbm>> -> memref<40x128xi32, #tpu.memory_space<hbm>>
        tpu.enqueue_dma source(%dma_start3A_170 : memref<40x128xi32, #tpu.memory_space<hbm>>) target(%dma_start3A_168 : memref<40x128xi32, #tpu.memory_space<vmem>>) target_semaphore(%run_scoped3A_160 : memref<!tpu.dma_semaphore, #tpu.memory_space<semaphore_mem>>)
        %dma_wait3A_171 = arith.constant 0 : i32
        %dma_wait3A_172 = arith.constant 0 : i32
        %dma_wait3A_173 = tpu.memref_slice %arg7[%dma_wait3A_171, %dma_wait3A_172] : memref<40x128xi32, #tpu.memory_space<vmem>> -> memref<40x128xi32, #tpu.memory_space<vmem>>
        %dma_wait3A_174 = arith.constant 0 : i32
        %dma_wait3A_175 = tpu.memref_slice %arg3[%add3A_87, %dma_wait3A_174] : memref<2560x128xi32, #tpu.memory_space<hbm>> -> memref<40x128xi32, #tpu.memory_space<hbm>>
        %dma_wait3A_176 = arith.constant 0 : i32
        %dma_wait3A_177 = arith.constant 0 : i32
        %dma_wait3A_178 = tpu.memref_slice %arg7[%dma_wait3A_176, %dma_wait3A_177] : memref<40x128xi32, #tpu.memory_space<vmem>> -> memref<40x128xi32, #tpu.memory_space<vmem>>
        %dma_wait3A_179 = arith.constant 0 : i32
        %dma_wait3A_180 = tpu.memref_slice %arg3[%add3A_87, %dma_wait3A_179] : memref<2560x128xi32, #tpu.memory_space<hbm>> -> memref<40x128xi32, #tpu.memory_space<hbm>>
        tpu.wait_dma2 semaphore(%run_scoped3A_160 : memref<!tpu.dma_semaphore, #tpu.memory_space<semaphore_mem>>) src(%dma_wait3A_180 : memref<40x128xi32, #tpu.memory_space<hbm>>) dst(%dma_wait3A_178 : memref<40x128xi32, #tpu.memory_space<vmem>>)
        tpu.yield
      }) : () -> ()
      "tpu.region"() ({
        %run_scoped3A_160 = tpu.sem_alloc : memref<!tpu.dma_semaphore, #tpu.memory_space<semaphore_mem>>
        %dma_start3A_161 = arith.constant 0 : i32
        %dma_start3A_162 = arith.constant 0 : i32
        %dma_start3A_163 = tpu.memref_slice %arg8[%dma_start3A_161, %dma_start3A_162] : memref<40x128xi32, #tpu.memory_space<vmem>> -> memref<40x128xi32, #tpu.memory_space<vmem>>
        %dma_start3A_164 = arith.constant 0 : i32
        %dma_start3A_165 = tpu.memref_slice %arg4[%add3A_87, %dma_start3A_164] : memref<2560x128xi32, #tpu.memory_space<hbm>> -> memref<40x128xi32, #tpu.memory_space<hbm>>
        %dma_start3A_166 = arith.constant 0 : i32
        %dma_start3A_167 = arith.constant 0 : i32
        %dma_start3A_168 = tpu.memref_slice %arg8[%dma_start3A_166, %dma_start3A_167] : memref<40x128xi32, #tpu.memory_space<vmem>> -> memref<40x128xi32, #tpu.memory_space<vmem>>
        %dma_start3A_169 = arith.constant 0 : i32
        %dma_start3A_170 = tpu.memref_slice %arg4[%add3A_87, %dma_start3A_169] : memref<2560x128xi32, #tpu.memory_space<hbm>> -> memref<40x128xi32, #tpu.memory_space<hbm>>
        tpu.enqueue_dma source(%dma_start3A_170 : memref<40x128xi32, #tpu.memory_space<hbm>>) target(%dma_start3A_168 : memref<40x128xi32, #tpu.memory_space<vmem>>) target_semaphore(%run_scoped3A_160 : memref<!tpu.dma_semaphore, #tpu.memory_space<semaphore_mem>>)
        %dma_wait3A_171 = arith.constant 0 : i32
        %dma_wait3A_172 = arith.constant 0 : i32
        %dma_wait3A_173 = tpu.memref_slice %arg8[%dma_wait3A_171, %dma_wait3A_172] : memref<40x128xi32, #tpu.memory_space<vmem>> -> memref<40x128xi32, #tpu.memory_space<vmem>>
        %dma_wait3A_174 = arith.constant 0 : i32
        %dma_wait3A_175 = tpu.memref_slice %arg4[%add3A_87, %dma_wait3A_174] : memref<2560x128xi32, #tpu.memory_space<hbm>> -> memref<40x128xi32, #tpu.memory_space<hbm>>
        %dma_wait3A_176 = arith.constant 0 : i32
        %dma_wait3A_177 = arith.constant 0 : i32
        %dma_wait3A_178 = tpu.memref_slice %arg8[%dma_wait3A_176, %dma_wait3A_177] : memref<40x128xi32, #tpu.memory_space<vmem>> -> memref<40x128xi32, #tpu.memory_space<vmem>>
        %dma_wait3A_179 = arith.constant 0 : i32
        %dma_wait3A_180 = tpu.memref_slice %arg4[%add3A_87, %dma_wait3A_179] : memref<2560x128xi32, #tpu.memory_space<hbm>> -> memref<40x128xi32, #tpu.memory_space<hbm>>
        tpu.wait_dma2 semaphore(%run_scoped3A_160 : memref<!tpu.dma_semaphore, #tpu.memory_space<semaphore_mem>>) src(%dma_wait3A_180 : memref<40x128xi32, #tpu.memory_space<hbm>>) dst(%dma_wait3A_178 : memref<40x128xi32, #tpu.memory_space<vmem>>)
        tpu.yield
      }) : () -> ()
      %dma_start3A_88 = arith.constant 0 : i32
      %dma_start3A_89 = arith.constant 0 : i32
      %dma_start3A_90 = tpu.memref_slice %arg7[%dma_start3A_88, %dma_start3A_89] : memref<40x128xi32, #tpu.memory_space<vmem>> -> memref<1x128xi32, #tpu.memory_space<vmem>>
      %dma_start3A_91 = tpu.memref_squeeze %dma_start3A_90 : memref<1x128xi32, #tpu.memory_space<vmem>> -> memref<128xi32, #tpu.memory_space<vmem>>
      %dma_start3A_92 = arith.constant 0 : i32
      %dma_start3A_93 = arith.constant 0 : i32
      %dma_start3A_94 = tpu.memref_slice %arg2[%dma_start3A_92, %dma_start3A_93] : memref<10000x128xf32, #tpu.memory_space<hbm>> -> memref<10000x128xf32, #tpu.memory_space<hbm>>
      tpu.enqueue_indirect_dma source(%dma_start3A_94 : memref<10000x128xf32, #tpu.memory_space<hbm>>) target(%arg9 : memref<128x128xf32, #tpu.memory_space<vmem>>) offsets(%dma_start3A_91 : memref<128xi32, #tpu.memory_space<vmem>>) semaphore(%arg12 : memref<!tpu.dma_semaphore, #tpu.memory_space<semaphore_mem>>)
      %dma_start3A_95 = arith.constant 1 : i32
      %dma_start3A_96 = arith.constant 0 : i32
      %dma_start3A_97 = tpu.memref_slice %arg7[%dma_start3A_95, %dma_start3A_96] : memref<40x128xi32, #tpu.memory_space<vmem>> -> memref<1x128xi32, #tpu.memory_space<vmem>>
      %dma_start3A_98 = tpu.memref_squeeze %dma_start3A_97 : memref<1x128xi32, #tpu.memory_space<vmem>> -> memref<128xi32, #tpu.memory_space<vmem>>
      %dma_start3A_99 = arith.constant 0 : i32
      %dma_start3A_100 = arith.constant 0 : i32
      %dma_start3A_101 = tpu.memref_slice %arg2[%dma_start3A_99, %dma_start3A_100] : memref<10000x128xf32, #tpu.memory_space<hbm>> -> memref<10000x128xf32, #tpu.memory_space<hbm>>
      tpu.enqueue_indirect_dma source(%dma_start3A_101 : memref<10000x128xf32, #tpu.memory_space<hbm>>) target(%arg10 : memref<128x128xf32, #tpu.memory_space<vmem>>) offsets(%dma_start3A_98 : memref<128xi32, #tpu.memory_space<vmem>>) semaphore(%arg13 : memref<!tpu.dma_semaphore, #tpu.memory_space<semaphore_mem>>)
      %scan3A_102 = arith.constant 0 : i32
      %scan3A_103 = arith.constant 0 : i32
      %scan3A_104 = arith.constant 19 : i32
      %scan3A_105 = arith.addi %scan3A_103, %scan3A_104 : i32
      %scan3A_106 = arith.constant 1 : i32
      scf.for %scan3A_160 = %scan3A_103 to %scan3A_105 step %scan3A_106  : i32 {
        %mul3A_161 = arith.constant 2 : i32
        %mul3A_162 = arith.muli %mul3A_161, %scan3A_160 : i32
        %add3A_163 = arith.constant 0 : i32
        %add3A_164 = arith.addi %mul3A_162, %add3A_163 : i32
        %dma_wait3A_165 = arith.constant 0 : i32
        %dma_wait3A_166 = arith.constant 0 : i32
        %dma_wait3A_167 = tpu.memref_slice %arg2[%dma_wait3A_165, %dma_wait3A_166] : memref<10000x128xf32, #tpu.memory_space<hbm>> -> memref<128x128xf32, #tpu.memory_space<hbm>>
        %dma_wait3A_168 = arith.constant 0 : i32
        %dma_wait3A_169 = arith.constant 0 : i32
        %dma_wait3A_170 = tpu.memref_slice %arg2[%dma_wait3A_168, %dma_wait3A_169] : memref<10000x128xf32, #tpu.memory_space<hbm>> -> memref<128x128xf32, #tpu.memory_space<hbm>>
        tpu.wait_dma2 semaphore(%arg12 : memref<!tpu.dma_semaphore, #tpu.memory_space<semaphore_mem>>) src(%dma_wait3A_170 : memref<128x128xf32, #tpu.memory_space<hbm>>) dst(%arg9 : memref<128x128xf32, #tpu.memory_space<vmem>>)
        "tpu.region"() ({
          %run_scoped3A_197 = tpu.sem_alloc : memref<!tpu.dma_semaphore, #tpu.memory_space<semaphore_mem>>
          %dma_start3A_198 = arith.constant 0 : i32
          %dma_start3A_199 = tpu.memref_slice %arg8[%add3A_164, %dma_start3A_198] : memref<40x128xi32, #tpu.memory_space<vmem>> -> memref<1x128xi32, #tpu.memory_space<vmem>>
          %dma_start3A_200 = tpu.memref_squeeze %dma_start3A_199 : memref<1x128xi32, #tpu.memory_space<vmem>> -> memref<128xi32, #tpu.memory_space<vmem>>
          %dma_start3A_201 = arith.constant 0 : i32
          %dma_start3A_202 = arith.constant 0 : i32
          %dma_start3A_203 = tpu.memref_slice %arg11[%dma_start3A_201, %dma_start3A_202] : memref<10112x128xf32, #tpu.memory_space<vmem_shared>> -> memref<10112x128xf32, #tpu.memory_space<vmem_shared>>
          tpu.enqueue_indirect_dma source(%arg9 : memref<128x128xf32, #tpu.memory_space<vmem>>) target(%dma_start3A_203 : memref<10112x128xf32, #tpu.memory_space<vmem_shared>>) offsets(%dma_start3A_200 : memref<128xi32, #tpu.memory_space<vmem>>) semaphore(%run_scoped3A_197 : memref<!tpu.dma_semaphore, #tpu.memory_space<semaphore_mem>>) {add = true}
          %dma_wait3A_204 = arith.constant 0 : i32
          %dma_wait3A_205 = tpu.memref_slice %arg8[%add3A_164, %dma_wait3A_204] : memref<40x128xi32, #tpu.memory_space<vmem>> -> memref<1x128xi32, #tpu.memory_space<vmem>>
          %dma_wait3A_206 = tpu.memref_squeeze %dma_wait3A_205 : memref<1x128xi32, #tpu.memory_space<vmem>> -> memref<128xi32, #tpu.memory_space<vmem>>
          %dma_wait3A_207 = arith.constant 0 : i32
          %dma_wait3A_208 = arith.constant 0 : i32
          %dma_wait3A_209 = tpu.memref_slice %arg11[%dma_wait3A_207, %dma_wait3A_208] : memref<10112x128xf32, #tpu.memory_space<vmem_shared>> -> memref<10112x128xf32, #tpu.memory_space<vmem_shared>>
          tpu.wait_indirect_dma semaphore(%run_scoped3A_197 : memref<!tpu.dma_semaphore, #tpu.memory_space<semaphore_mem>>) src(%arg9 : memref<128x128xf32, #tpu.memory_space<vmem>>) dst(%dma_wait3A_209 : memref<10112x128xf32, #tpu.memory_space<vmem_shared>>)
          tpu.yield
        }) : () -> ()
        %add3A_171 = arith.constant 2 : i32
        %add3A_172 = arith.addi %add3A_164, %add3A_171 : i32
        %dma_start3A_173 = arith.constant 0 : i32
        %dma_start3A_174 = tpu.memref_slice %arg7[%add3A_172, %dma_start3A_173] : memref<40x128xi32, #tpu.memory_space<vmem>> -> memref<1x128xi32, #tpu.memory_space<vmem>>
        %dma_start3A_175 = tpu.memref_squeeze %dma_start3A_174 : memref<1x128xi32, #tpu.memory_space<vmem>> -> memref<128xi32, #tpu.memory_space<vmem>>
        %dma_start3A_176 = arith.constant 0 : i32
        %dma_start3A_177 = arith.constant 0 : i32
        %dma_start3A_178 = tpu.memref_slice %arg2[%dma_start3A_176, %dma_start3A_177] : memref<10000x128xf32, #tpu.memory_space<hbm>> -> memref<10000x128xf32, #tpu.memory_space<hbm>>
        tpu.enqueue_indirect_dma source(%dma_start3A_178 : memref<10000x128xf32, #tpu.memory_space<hbm>>) target(%arg9 : memref<128x128xf32, #tpu.memory_space<vmem>>) offsets(%dma_start3A_175 : memref<128xi32, #tpu.memory_space<vmem>>) semaphore(%arg12 : memref<!tpu.dma_semaphore, #tpu.memory_space<semaphore_mem>>)
        %mul3A_179 = arith.constant 2 : i32
        %mul3A_180 = arith.muli %mul3A_179, %scan3A_160 : i32
        %add3A_181 = arith.constant 1 : i32
        %add3A_182 = arith.addi %mul3A_180, %add3A_181 : i32
        %dma_wait3A_183 = arith.constant 0 : i32
        %dma_wait3A_184 = arith.constant 0 : i32
        %dma_wait3A_185 = tpu.memref_slice %arg2[%dma_wait3A_183, %dma_wait3A_184] : memref<10000x128xf32, #tpu.memory_space<hbm>> -> memref<128x128xf32, #tpu.memory_space<hbm>>
        %dma_wait3A_186 = arith.constant 0 : i32
        %dma_wait3A_187 = arith.constant 0 : i32
        %dma_wait3A_188 = tpu.memref_slice %arg2[%dma_wait3A_186, %dma_wait3A_187] : memref<10000x128xf32, #tpu.memory_space<hbm>> -> memref<128x128xf32, #tpu.memory_space<hbm>>
        tpu.wait_dma2 semaphore(%arg13 : memref<!tpu.dma_semaphore, #tpu.memory_space<semaphore_mem>>) src(%dma_wait3A_188 : memref<128x128xf32, #tpu.memory_space<hbm>>) dst(%arg10 : memref<128x128xf32, #tpu.memory_space<vmem>>)
        "tpu.region"() ({
          %run_scoped3A_197 = tpu.sem_alloc : memref<!tpu.dma_semaphore, #tpu.memory_space<semaphore_mem>>
          %dma_start3A_198 = arith.constant 0 : i32
          %dma_start3A_199 = tpu.memref_slice %arg8[%add3A_182, %dma_start3A_198] : memref<40x128xi32, #tpu.memory_space<vmem>> -> memref<1x128xi32, #tpu.memory_space<vmem>>
          %dma_start3A_200 = tpu.memref_squeeze %dma_start3A_199 : memref<1x128xi32, #tpu.memory_space<vmem>> -> memref<128xi32, #tpu.memory_space<vmem>>
          %dma_start3A_201 = arith.constant 0 : i32
          %dma_start3A_202 = arith.constant 0 : i32
          %dma_start3A_203 = tpu.memref_slice %arg11[%dma_start3A_201, %dma_start3A_202] : memref<10112x128xf32, #tpu.memory_space<vmem_shared>> -> memref<10112x128xf32, #tpu.memory_space<vmem_shared>>
          tpu.enqueue_indirect_dma source(%arg10 : memref<128x128xf32, #tpu.memory_space<vmem>>) target(%dma_start3A_203 : memref<10112x128xf32, #tpu.memory_space<vmem_shared>>) offsets(%dma_start3A_200 : memref<128xi32, #tpu.memory_space<vmem>>) semaphore(%run_scoped3A_197 : memref<!tpu.dma_semaphore, #tpu.memory_space<semaphore_mem>>) {add = true}
          %dma_wait3A_204 = arith.constant 0 : i32
          %dma_wait3A_205 = tpu.memref_slice %arg8[%add3A_182, %dma_wait3A_204] : memref<40x128xi32, #tpu.memory_space<vmem>> -> memref<1x128xi32, #tpu.memory_space<vmem>>
          %dma_wait3A_206 = tpu.memref_squeeze %dma_wait3A_205 : memref<1x128xi32, #tpu.memory_space<vmem>> -> memref<128xi32, #tpu.memory_space<vmem>>
          %dma_wait3A_207 = arith.constant 0 : i32
          %dma_wait3A_208 = arith.constant 0 : i32
          %dma_wait3A_209 = tpu.memref_slice %arg11[%dma_wait3A_207, %dma_wait3A_208] : memref<10112x128xf32, #tpu.memory_space<vmem_shared>> -> memref<10112x128xf32, #tpu.memory_space<vmem_shared>>
          tpu.wait_indirect_dma semaphore(%run_scoped3A_197 : memref<!tpu.dma_semaphore, #tpu.memory_space<semaphore_mem>>) src(%arg10 : memref<128x128xf32, #tpu.memory_space<vmem>>) dst(%dma_wait3A_209 : memref<10112x128xf32, #tpu.memory_space<vmem_shared>>)
          tpu.yield
        }) : () -> ()
        %add3A_189 = arith.constant 2 : i32
        %add3A_190 = arith.addi %add3A_182, %add3A_189 : i32
        %dma_start3A_191 = arith.constant 0 : i32
        %dma_start3A_192 = tpu.memref_slice %arg7[%add3A_190, %dma_start3A_191] : memref<40x128xi32, #tpu.memory_space<vmem>> -> memref<1x128xi32, #tpu.memory_space<vmem>>
        %dma_start3A_193 = tpu.memref_squeeze %dma_start3A_192 : memref<1x128xi32, #tpu.memory_space<vmem>> -> memref<128xi32, #tpu.memory_space<vmem>>
        %dma_start3A_194 = arith.constant 0 : i32
        %dma_start3A_195 = arith.constant 0 : i32
        %dma_start3A_196 = tpu.memref_slice %arg2[%dma_start3A_194, %dma_start3A_195] : memref<10000x128xf32, #tpu.memory_space<hbm>> -> memref<10000x128xf32, #tpu.memory_space<hbm>>
        tpu.enqueue_indirect_dma source(%dma_start3A_196 : memref<10000x128xf32, #tpu.memory_space<hbm>>) target(%arg10 : memref<128x128xf32, #tpu.memory_space<vmem>>) offsets(%dma_start3A_193 : memref<128xi32, #tpu.memory_space<vmem>>) semaphore(%arg13 : memref<!tpu.dma_semaphore, #tpu.memory_space<semaphore_mem>>)
      }
      %scan3A_107 = arith.constant 19 : i32
      %dma_wait3A_108 = arith.constant 0 : i32
      %dma_wait3A_109 = arith.constant 0 : i32
      %dma_wait3A_110 = tpu.memref_slice %arg2[%dma_wait3A_108, %dma_wait3A_109] : memref<10000x128xf32, #tpu.memory_space<hbm>> -> memref<128x128xf32, #tpu.memory_space<hbm>>
      %dma_wait3A_111 = arith.constant 0 : i32
      %dma_wait3A_112 = arith.constant 0 : i32
      %dma_wait3A_113 = tpu.memref_slice %arg2[%dma_wait3A_111, %dma_wait3A_112] : memref<10000x128xf32, #tpu.memory_space<hbm>> -> memref<128x128xf32, #tpu.memory_space<hbm>>
      tpu.wait_dma2 semaphore(%arg12 : memref<!tpu.dma_semaphore, #tpu.memory_space<semaphore_mem>>) src(%dma_wait3A_113 : memref<128x128xf32, #tpu.memory_space<hbm>>) dst(%arg9 : memref<128x128xf32, #tpu.memory_space<vmem>>)
      %run_scoped3A_114 = arith.constant 38 : i32
      "tpu.region"() ({
        %run_scoped3A_160 = tpu.sem_alloc : memref<!tpu.dma_semaphore, #tpu.memory_space<semaphore_mem>>
        %dma_start3A_161 = arith.constant 0 : i32
        %dma_start3A_162 = tpu.memref_slice %arg8[%run_scoped3A_114, %dma_start3A_161] : memref<40x128xi32, #tpu.memory_space<vmem>> -> memref<1x128xi32, #tpu.memory_space<vmem>>
        %dma_start3A_163 = tpu.memref_squeeze %dma_start3A_162 : memref<1x128xi32, #tpu.memory_space<vmem>> -> memref<128xi32, #tpu.memory_space<vmem>>
        %dma_start3A_164 = arith.constant 0 : i32
        %dma_start3A_165 = arith.constant 0 : i32
        %dma_start3A_166 = tpu.memref_slice %arg11[%dma_start3A_164, %dma_start3A_165] : memref<10112x128xf32, #tpu.memory_space<vmem_shared>> -> memref<10112x128xf32, #tpu.memory_space<vmem_shared>>
        tpu.enqueue_indirect_dma source(%arg9 : memref<128x128xf32, #tpu.memory_space<vmem>>) target(%dma_start3A_166 : memref<10112x128xf32, #tpu.memory_space<vmem_shared>>) offsets(%dma_start3A_163 : memref<128xi32, #tpu.memory_space<vmem>>) semaphore(%run_scoped3A_160 : memref<!tpu.dma_semaphore, #tpu.memory_space<semaphore_mem>>) {add = true}
        %dma_wait3A_167 = arith.constant 0 : i32
        %dma_wait3A_168 = tpu.memref_slice %arg8[%run_scoped3A_114, %dma_wait3A_167] : memref<40x128xi32, #tpu.memory_space<vmem>> -> memref<1x128xi32, #tpu.memory_space<vmem>>
        %dma_wait3A_169 = tpu.memref_squeeze %dma_wait3A_168 : memref<1x128xi32, #tpu.memory_space<vmem>> -> memref<128xi32, #tpu.memory_space<vmem>>
        %dma_wait3A_170 = arith.constant 0 : i32
        %dma_wait3A_171 = arith.constant 0 : i32
        %dma_wait3A_172 = tpu.memref_slice %arg11[%dma_wait3A_170, %dma_wait3A_171] : memref<10112x128xf32, #tpu.memory_space<vmem_shared>> -> memref<10112x128xf32, #tpu.memory_space<vmem_shared>>
        tpu.wait_indirect_dma semaphore(%run_scoped3A_160 : memref<!tpu.dma_semaphore, #tpu.memory_space<semaphore_mem>>) src(%arg9 : memref<128x128xf32, #tpu.memory_space<vmem>>) dst(%dma_wait3A_172 : memref<10112x128xf32, #tpu.memory_space<vmem_shared>>)
        tpu.yield
      }) : () -> ()
      %dma_wait3A_115 = arith.constant 0 : i32
      %dma_wait3A_116 = arith.constant 0 : i32
      %dma_wait3A_117 = tpu.memref_slice %arg2[%dma_wait3A_115, %dma_wait3A_116] : memref<10000x128xf32, #tpu.memory_space<hbm>> -> memref<128x128xf32, #tpu.memory_space<hbm>>
      %dma_wait3A_118 = arith.constant 0 : i32
      %dma_wait3A_119 = arith.constant 0 : i32
      %dma_wait3A_120 = tpu.memref_slice %arg2[%dma_wait3A_118, %dma_wait3A_119] : memref<10000x128xf32, #tpu.memory_space<hbm>> -> memref<128x128xf32, #tpu.memory_space<hbm>>
      tpu.wait_dma2 semaphore(%arg13 : memref<!tpu.dma_semaphore, #tpu.memory_space<semaphore_mem>>) src(%dma_wait3A_120 : memref<128x128xf32, #tpu.memory_space<hbm>>) dst(%arg10 : memref<128x128xf32, #tpu.memory_space<vmem>>)
      %run_scoped3A_121 = arith.constant 39 : i32
      "tpu.region"() ({
        %run_scoped3A_160 = tpu.sem_alloc : memref<!tpu.dma_semaphore, #tpu.memory_space<semaphore_mem>>
        %dma_start3A_161 = arith.constant 0 : i32
        %dma_start3A_162 = tpu.memref_slice %arg8[%run_scoped3A_121, %dma_start3A_161] : memref<40x128xi32, #tpu.memory_space<vmem>> -> memref<1x128xi32, #tpu.memory_space<vmem>>
        %dma_start3A_163 = tpu.memref_squeeze %dma_start3A_162 : memref<1x128xi32, #tpu.memory_space<vmem>> -> memref<128xi32, #tpu.memory_space<vmem>>
        %dma_start3A_164 = arith.constant 0 : i32
        %dma_start3A_165 = arith.constant 0 : i32
        %dma_start3A_166 = tpu.memref_slice %arg11[%dma_start3A_164, %dma_start3A_165] : memref<10112x128xf32, #tpu.memory_space<vmem_shared>> -> memref<10112x128xf32, #tpu.memory_space<vmem_shared>>
        tpu.enqueue_indirect_dma source(%arg10 : memref<128x128xf32, #tpu.memory_space<vmem>>) target(%dma_start3A_166 : memref<10112x128xf32, #tpu.memory_space<vmem_shared>>) offsets(%dma_start3A_163 : memref<128xi32, #tpu.memory_space<vmem>>) semaphore(%run_scoped3A_160 : memref<!tpu.dma_semaphore, #tpu.memory_space<semaphore_mem>>) {add = true}
        %dma_wait3A_167 = arith.constant 0 : i32
        %dma_wait3A_168 = tpu.memref_slice %arg8[%run_scoped3A_121, %dma_wait3A_167] : memref<40x128xi32, #tpu.memory_space<vmem>> -> memref<1x128xi32, #tpu.memory_space<vmem>>
        %dma_wait3A_169 = tpu.memref_squeeze %dma_wait3A_168 : memref<1x128xi32, #tpu.memory_space<vmem>> -> memref<128xi32, #tpu.memory_space<vmem>>
        %dma_wait3A_170 = arith.constant 0 : i32
        %dma_wait3A_171 = arith.constant 0 : i32
        %dma_wait3A_172 = tpu.memref_slice %arg11[%dma_wait3A_170, %dma_wait3A_171] : memref<10112x128xf32, #tpu.memory_space<vmem_shared>> -> memref<10112x128xf32, #tpu.memory_space<vmem_shared>>
        tpu.wait_indirect_dma semaphore(%run_scoped3A_160 : memref<!tpu.dma_semaphore, #tpu.memory_space<semaphore_mem>>) src(%arg10 : memref<128x128xf32, #tpu.memory_space<vmem>>) dst(%dma_wait3A_172 : memref<10112x128xf32, #tpu.memory_space<vmem_shared>>)
        tpu.yield
      }) : () -> ()
      %mul3A_122 = arith.constant 152 : i32
      %mul3A_123 = arith.muli %arg1, %mul3A_122 : i32
      %add3A_124 = arith.constant 120 : i32
      %add3A_125 = arith.addi %mul3A_123, %add3A_124 : i32
      "tpu.region"() ({
        %run_scoped3A_160 = tpu.sem_alloc : memref<!tpu.dma_semaphore, #tpu.memory_space<semaphore_mem>>
        %dma_start3A_161 = arith.constant 0 : i32
        %dma_start3A_162 = arith.constant 0 : i32
        %dma_start3A_163 = tpu.memref_slice %arg7[%dma_start3A_161, %dma_start3A_162] : memref<40x128xi32, #tpu.memory_space<vmem>> -> memref<32x128xi32, #tpu.memory_space<vmem>>
        %dma_start3A_164 = arith.constant 0 : i32
        %dma_start3A_165 = tpu.memref_slice %arg3[%add3A_125, %dma_start3A_164] : memref<2560x128xi32, #tpu.memory_space<hbm>> -> memref<32x128xi32, #tpu.memory_space<hbm>>
        %dma_start3A_166 = arith.constant 0 : i32
        %dma_start3A_167 = arith.constant 0 : i32
        %dma_start3A_168 = tpu.memref_slice %arg7[%dma_start3A_166, %dma_start3A_167] : memref<40x128xi32, #tpu.memory_space<vmem>> -> memref<32x128xi32, #tpu.memory_space<vmem>>
        %dma_start3A_169 = arith.constant 0 : i32
        %dma_start3A_170 = tpu.memref_slice %arg3[%add3A_125, %dma_start3A_169] : memref<2560x128xi32, #tpu.memory_space<hbm>> -> memref<32x128xi32, #tpu.memory_space<hbm>>
        tpu.enqueue_dma source(%dma_start3A_170 : memref<32x128xi32, #tpu.memory_space<hbm>>) target(%dma_start3A_168 : memref<32x128xi32, #tpu.memory_space<vmem>>) target_semaphore(%run_scoped3A_160 : memref<!tpu.dma_semaphore, #tpu.memory_space<semaphore_mem>>)
        %dma_wait3A_171 = arith.constant 0 : i32
        %dma_wait3A_172 = arith.constant 0 : i32
        %dma_wait3A_173 = tpu.memref_slice %arg7[%dma_wait3A_171, %dma_wait3A_172] : memref<40x128xi32, #tpu.memory_space<vmem>> -> memref<32x128xi32, #tpu.memory_space<vmem>>
        %dma_wait3A_174 = arith.constant 0 : i32
        %dma_wait3A_175 = tpu.memref_slice %arg3[%add3A_125, %dma_wait3A_174] : memref<2560x128xi32, #tpu.memory_space<hbm>> -> memref<32x128xi32, #tpu.memory_space<hbm>>
        %dma_wait3A_176 = arith.constant 0 : i32
        %dma_wait3A_177 = arith.constant 0 : i32
        %dma_wait3A_178 = tpu.memref_slice %arg7[%dma_wait3A_176, %dma_wait3A_177] : memref<40x128xi32, #tpu.memory_space<vmem>> -> memref<32x128xi32, #tpu.memory_space<vmem>>
        %dma_wait3A_179 = arith.constant 0 : i32
        %dma_wait3A_180 = tpu.memref_slice %arg3[%add3A_125, %dma_wait3A_179] : memref<2560x128xi32, #tpu.memory_space<hbm>> -> memref<32x128xi32, #tpu.memory_space<hbm>>
        tpu.wait_dma2 semaphore(%run_scoped3A_160 : memref<!tpu.dma_semaphore, #tpu.memory_space<semaphore_mem>>) src(%dma_wait3A_180 : memref<32x128xi32, #tpu.memory_space<hbm>>) dst(%dma_wait3A_178 : memref<32x128xi32, #tpu.memory_space<vmem>>)
        tpu.yield
      }) : () -> ()
      "tpu.region"() ({
        %run_scoped3A_160 = tpu.sem_alloc : memref<!tpu.dma_semaphore, #tpu.memory_space<semaphore_mem>>
        %dma_start3A_161 = arith.constant 0 : i32
        %dma_start3A_162 = arith.constant 0 : i32
        %dma_start3A_163 = tpu.memref_slice %arg8[%dma_start3A_161, %dma_start3A_162] : memref<40x128xi32, #tpu.memory_space<vmem>> -> memref<32x128xi32, #tpu.memory_space<vmem>>
        %dma_start3A_164 = arith.constant 0 : i32
        %dma_start3A_165 = tpu.memref_slice %arg4[%add3A_125, %dma_start3A_164] : memref<2560x128xi32, #tpu.memory_space<hbm>> -> memref<32x128xi32, #tpu.memory_space<hbm>>
        %dma_start3A_166 = arith.constant 0 : i32
        %dma_start3A_167 = arith.constant 0 : i32
        %dma_start3A_168 = tpu.memref_slice %arg8[%dma_start3A_166, %dma_start3A_167] : memref<40x128xi32, #tpu.memory_space<vmem>> -> memref<32x128xi32, #tpu.memory_space<vmem>>
        %dma_start3A_169 = arith.constant 0 : i32
        %dma_start3A_170 = tpu.memref_slice %arg4[%add3A_125, %dma_start3A_169] : memref<2560x128xi32, #tpu.memory_space<hbm>> -> memref<32x128xi32, #tpu.memory_space<hbm>>
        tpu.enqueue_dma source(%dma_start3A_170 : memref<32x128xi32, #tpu.memory_space<hbm>>) target(%dma_start3A_168 : memref<32x128xi32, #tpu.memory_space<vmem>>) target_semaphore(%run_scoped3A_160 : memref<!tpu.dma_semaphore, #tpu.memory_space<semaphore_mem>>)
        %dma_wait3A_171 = arith.constant 0 : i32
        %dma_wait3A_172 = arith.constant 0 : i32
        %dma_wait3A_173 = tpu.memref_slice %arg8[%dma_wait3A_171, %dma_wait3A_172] : memref<40x128xi32, #tpu.memory_space<vmem>> -> memref<32x128xi32, #tpu.memory_space<vmem>>
        %dma_wait3A_174 = arith.constant 0 : i32
        %dma_wait3A_175 = tpu.memref_slice %arg4[%add3A_125, %dma_wait3A_174] : memref<2560x128xi32, #tpu.memory_space<hbm>> -> memref<32x128xi32, #tpu.memory_space<hbm>>
        %dma_wait3A_176 = arith.constant 0 : i32
        %dma_wait3A_177 = arith.constant 0 : i32
        %dma_wait3A_178 = tpu.memref_slice %arg8[%dma_wait3A_176, %dma_wait3A_177] : memref<40x128xi32, #tpu.memory_space<vmem>> -> memref<32x128xi32, #tpu.memory_space<vmem>>
        %dma_wait3A_179 = arith.constant 0 : i32
        %dma_wait3A_180 = tpu.memref_slice %arg4[%add3A_125, %dma_wait3A_179] : memref<2560x128xi32, #tpu.memory_space<hbm>> -> memref<32x128xi32, #tpu.memory_space<hbm>>
        tpu.wait_dma2 semaphore(%run_scoped3A_160 : memref<!tpu.dma_semaphore, #tpu.memory_space<semaphore_mem>>) src(%dma_wait3A_180 : memref<32x128xi32, #tpu.memory_space<hbm>>) dst(%dma_wait3A_178 : memref<32x128xi32, #tpu.memory_space<vmem>>)
        tpu.yield
      }) : () -> ()
      %dma_start3A_126 = arith.constant 0 : i32
      %dma_start3A_127 = arith.constant 0 : i32
      %dma_start3A_128 = tpu.memref_slice %arg7[%dma_start3A_126, %dma_start3A_127] : memref<40x128xi32, #tpu.memory_space<vmem>> -> memref<1x128xi32, #tpu.memory_space<vmem>>
      %dma_start3A_129 = tpu.memref_squeeze %dma_start3A_128 : memref<1x128xi32, #tpu.memory_space<vmem>> -> memref<128xi32, #tpu.memory_space<vmem>>
      %dma_start3A_130 = arith.constant 0 : i32
      %dma_start3A_131 = arith.constant 0 : i32
      %dma_start3A_132 = tpu.memref_slice %arg2[%dma_start3A_130, %dma_start3A_131] : memref<10000x128xf32, #tpu.memory_space<hbm>> -> memref<10000x128xf32, #tpu.memory_space<hbm>>
      tpu.enqueue_indirect_dma source(%dma_start3A_132 : memref<10000x128xf32, #tpu.memory_space<hbm>>) target(%arg9 : memref<128x128xf32, #tpu.memory_space<vmem>>) offsets(%dma_start3A_129 : memref<128xi32, #tpu.memory_space<vmem>>) semaphore(%arg12 : memref<!tpu.dma_semaphore, #tpu.memory_space<semaphore_mem>>)
      %dma_start3A_133 = arith.constant 1 : i32
      %dma_start3A_134 = arith.constant 0 : i32
      %dma_start3A_135 = tpu.memref_slice %arg7[%dma_start3A_133, %dma_start3A_134] : memref<40x128xi32, #tpu.memory_space<vmem>> -> memref<1x128xi32, #tpu.memory_space<vmem>>
      %dma_start3A_136 = tpu.memref_squeeze %dma_start3A_135 : memref<1x128xi32, #tpu.memory_space<vmem>> -> memref<128xi32, #tpu.memory_space<vmem>>
      %dma_start3A_137 = arith.constant 0 : i32
      %dma_start3A_138 = arith.constant 0 : i32
      %dma_start3A_139 = tpu.memref_slice %arg2[%dma_start3A_137, %dma_start3A_138] : memref<10000x128xf32, #tpu.memory_space<hbm>> -> memref<10000x128xf32, #tpu.memory_space<hbm>>
      tpu.enqueue_indirect_dma source(%dma_start3A_139 : memref<10000x128xf32, #tpu.memory_space<hbm>>) target(%arg10 : memref<128x128xf32, #tpu.memory_space<vmem>>) offsets(%dma_start3A_136 : memref<128xi32, #tpu.memory_space<vmem>>) semaphore(%arg13 : memref<!tpu.dma_semaphore, #tpu.memory_space<semaphore_mem>>)
      %scan3A_140 = arith.constant 0 : i32
      %scan3A_141 = arith.constant 0 : i32
      %scan3A_142 = arith.constant 15 : i32
      %scan3A_143 = arith.addi %scan3A_141, %scan3A_142 : i32
      %scan3A_144 = arith.constant 1 : i32
      scf.for %scan3A_160 = %scan3A_141 to %scan3A_143 step %scan3A_144  : i32 {
        %mul3A_161 = arith.constant 2 : i32
        %mul3A_162 = arith.muli %mul3A_161, %scan3A_160 : i32
        %add3A_163 = arith.constant 0 : i32
        %add3A_164 = arith.addi %mul3A_162, %add3A_163 : i32
        %dma_wait3A_165 = arith.constant 0 : i32
        %dma_wait3A_166 = arith.constant 0 : i32
        %dma_wait3A_167 = tpu.memref_slice %arg2[%dma_wait3A_165, %dma_wait3A_166] : memref<10000x128xf32, #tpu.memory_space<hbm>> -> memref<128x128xf32, #tpu.memory_space<hbm>>
        %dma_wait3A_168 = arith.constant 0 : i32
        %dma_wait3A_169 = arith.constant 0 : i32
        %dma_wait3A_170 = tpu.memref_slice %arg2[%dma_wait3A_168, %dma_wait3A_169] : memref<10000x128xf32, #tpu.memory_space<hbm>> -> memref<128x128xf32, #tpu.memory_space<hbm>>
        tpu.wait_dma2 semaphore(%arg12 : memref<!tpu.dma_semaphore, #tpu.memory_space<semaphore_mem>>) src(%dma_wait3A_170 : memref<128x128xf32, #tpu.memory_space<hbm>>) dst(%arg9 : memref<128x128xf32, #tpu.memory_space<vmem>>)
        "tpu.region"() ({
          %run_scoped3A_197 = tpu.sem_alloc : memref<!tpu.dma_semaphore, #tpu.memory_space<semaphore_mem>>
          %dma_start3A_198 = arith.constant 0 : i32
          %dma_start3A_199 = tpu.memref_slice %arg8[%add3A_164, %dma_start3A_198] : memref<40x128xi32, #tpu.memory_space<vmem>> -> memref<1x128xi32, #tpu.memory_space<vmem>>
          %dma_start3A_200 = tpu.memref_squeeze %dma_start3A_199 : memref<1x128xi32, #tpu.memory_space<vmem>> -> memref<128xi32, #tpu.memory_space<vmem>>
          %dma_start3A_201 = arith.constant 0 : i32
          %dma_start3A_202 = arith.constant 0 : i32
          %dma_start3A_203 = tpu.memref_slice %arg11[%dma_start3A_201, %dma_start3A_202] : memref<10112x128xf32, #tpu.memory_space<vmem_shared>> -> memref<10112x128xf32, #tpu.memory_space<vmem_shared>>
          tpu.enqueue_indirect_dma source(%arg9 : memref<128x128xf32, #tpu.memory_space<vmem>>) target(%dma_start3A_203 : memref<10112x128xf32, #tpu.memory_space<vmem_shared>>) offsets(%dma_start3A_200 : memref<128xi32, #tpu.memory_space<vmem>>) semaphore(%run_scoped3A_197 : memref<!tpu.dma_semaphore, #tpu.memory_space<semaphore_mem>>) {add = true}
          %dma_wait3A_204 = arith.constant 0 : i32
          %dma_wait3A_205 = tpu.memref_slice %arg8[%add3A_164, %dma_wait3A_204] : memref<40x128xi32, #tpu.memory_space<vmem>> -> memref<1x128xi32, #tpu.memory_space<vmem>>
          %dma_wait3A_206 = tpu.memref_squeeze %dma_wait3A_205 : memref<1x128xi32, #tpu.memory_space<vmem>> -> memref<128xi32, #tpu.memory_space<vmem>>
          %dma_wait3A_207 = arith.constant 0 : i32
          %dma_wait3A_208 = arith.constant 0 : i32
          %dma_wait3A_209 = tpu.memref_slice %arg11[%dma_wait3A_207, %dma_wait3A_208] : memref<10112x128xf32, #tpu.memory_space<vmem_shared>> -> memref<10112x128xf32, #tpu.memory_space<vmem_shared>>
          tpu.wait_indirect_dma semaphore(%run_scoped3A_197 : memref<!tpu.dma_semaphore, #tpu.memory_space<semaphore_mem>>) src(%arg9 : memref<128x128xf32, #tpu.memory_space<vmem>>) dst(%dma_wait3A_209 : memref<10112x128xf32, #tpu.memory_space<vmem_shared>>)
          tpu.yield
        }) : () -> ()
        %add3A_171 = arith.constant 2 : i32
        %add3A_172 = arith.addi %add3A_164, %add3A_171 : i32
        %dma_start3A_173 = arith.constant 0 : i32
        %dma_start3A_174 = tpu.memref_slice %arg7[%add3A_172, %dma_start3A_173] : memref<40x128xi32, #tpu.memory_space<vmem>> -> memref<1x128xi32, #tpu.memory_space<vmem>>
        %dma_start3A_175 = tpu.memref_squeeze %dma_start3A_174 : memref<1x128xi32, #tpu.memory_space<vmem>> -> memref<128xi32, #tpu.memory_space<vmem>>
        %dma_start3A_176 = arith.constant 0 : i32
        %dma_start3A_177 = arith.constant 0 : i32
        %dma_start3A_178 = tpu.memref_slice %arg2[%dma_start3A_176, %dma_start3A_177] : memref<10000x128xf32, #tpu.memory_space<hbm>> -> memref<10000x128xf32, #tpu.memory_space<hbm>>
        tpu.enqueue_indirect_dma source(%dma_start3A_178 : memref<10000x128xf32, #tpu.memory_space<hbm>>) target(%arg9 : memref<128x128xf32, #tpu.memory_space<vmem>>) offsets(%dma_start3A_175 : memref<128xi32, #tpu.memory_space<vmem>>) semaphore(%arg12 : memref<!tpu.dma_semaphore, #tpu.memory_space<semaphore_mem>>)
        %mul3A_179 = arith.constant 2 : i32
        %mul3A_180 = arith.muli %mul3A_179, %scan3A_160 : i32
        %add3A_181 = arith.constant 1 : i32
        %add3A_182 = arith.addi %mul3A_180, %add3A_181 : i32
        %dma_wait3A_183 = arith.constant 0 : i32
        %dma_wait3A_184 = arith.constant 0 : i32
        %dma_wait3A_185 = tpu.memref_slice %arg2[%dma_wait3A_183, %dma_wait3A_184] : memref<10000x128xf32, #tpu.memory_space<hbm>> -> memref<128x128xf32, #tpu.memory_space<hbm>>
        %dma_wait3A_186 = arith.constant 0 : i32
        %dma_wait3A_187 = arith.constant 0 : i32
        %dma_wait3A_188 = tpu.memref_slice %arg2[%dma_wait3A_186, %dma_wait3A_187] : memref<10000x128xf32, #tpu.memory_space<hbm>> -> memref<128x128xf32, #tpu.memory_space<hbm>>
        tpu.wait_dma2 semaphore(%arg13 : memref<!tpu.dma_semaphore, #tpu.memory_space<semaphore_mem>>) src(%dma_wait3A_188 : memref<128x128xf32, #tpu.memory_space<hbm>>) dst(%arg10 : memref<128x128xf32, #tpu.memory_space<vmem>>)
        "tpu.region"() ({
          %run_scoped3A_197 = tpu.sem_alloc : memref<!tpu.dma_semaphore, #tpu.memory_space<semaphore_mem>>
          %dma_start3A_198 = arith.constant 0 : i32
          %dma_start3A_199 = tpu.memref_slice %arg8[%add3A_182, %dma_start3A_198] : memref<40x128xi32, #tpu.memory_space<vmem>> -> memref<1x128xi32, #tpu.memory_space<vmem>>
          %dma_start3A_200 = tpu.memref_squeeze %dma_start3A_199 : memref<1x128xi32, #tpu.memory_space<vmem>> -> memref<128xi32, #tpu.memory_space<vmem>>
          %dma_start3A_201 = arith.constant 0 : i32
          %dma_start3A_202 = arith.constant 0 : i32
          %dma_start3A_203 = tpu.memref_slice %arg11[%dma_start3A_201, %dma_start3A_202] : memref<10112x128xf32, #tpu.memory_space<vmem_shared>> -> memref<10112x128xf32, #tpu.memory_space<vmem_shared>>
          tpu.enqueue_indirect_dma source(%arg10 : memref<128x128xf32, #tpu.memory_space<vmem>>) target(%dma_start3A_203 : memref<10112x128xf32, #tpu.memory_space<vmem_shared>>) offsets(%dma_start3A_200 : memref<128xi32, #tpu.memory_space<vmem>>) semaphore(%run_scoped3A_197 : memref<!tpu.dma_semaphore, #tpu.memory_space<semaphore_mem>>) {add = true}
          %dma_wait3A_204 = arith.constant 0 : i32
          %dma_wait3A_205 = tpu.memref_slice %arg8[%add3A_182, %dma_wait3A_204] : memref<40x128xi32, #tpu.memory_space<vmem>> -> memref<1x128xi32, #tpu.memory_space<vmem>>
          %dma_wait3A_206 = tpu.memref_squeeze %dma_wait3A_205 : memref<1x128xi32, #tpu.memory_space<vmem>> -> memref<128xi32, #tpu.memory_space<vmem>>
          %dma_wait3A_207 = arith.constant 0 : i32
          %dma_wait3A_208 = arith.constant 0 : i32
          %dma_wait3A_209 = tpu.memref_slice %arg11[%dma_wait3A_207, %dma_wait3A_208] : memref<10112x128xf32, #tpu.memory_space<vmem_shared>> -> memref<10112x128xf32, #tpu.memory_space<vmem_shared>>
          tpu.wait_indirect_dma semaphore(%run_scoped3A_197 : memref<!tpu.dma_semaphore, #tpu.memory_space<semaphore_mem>>) src(%arg10 : memref<128x128xf32, #tpu.memory_space<vmem>>) dst(%dma_wait3A_209 : memref<10112x128xf32, #tpu.memory_space<vmem_shared>>)
          tpu.yield
        }) : () -> ()
        %add3A_189 = arith.constant 2 : i32
        %add3A_190 = arith.addi %add3A_182, %add3A_189 : i32
        %dma_start3A_191 = arith.constant 0 : i32
        %dma_start3A_192 = tpu.memref_slice %arg7[%add3A_190, %dma_start3A_191] : memref<40x128xi32, #tpu.memory_space<vmem>> -> memref<1x128xi32, #tpu.memory_space<vmem>>
        %dma_start3A_193 = tpu.memref_squeeze %dma_start3A_192 : memref<1x128xi32, #tpu.memory_space<vmem>> -> memref<128xi32, #tpu.memory_space<vmem>>
        %dma_start3A_194 = arith.constant 0 : i32
        %dma_start3A_195 = arith.constant 0 : i32
        %dma_start3A_196 = tpu.memref_slice %arg2[%dma_start3A_194, %dma_start3A_195] : memref<10000x128xf32, #tpu.memory_space<hbm>> -> memref<10000x128xf32, #tpu.memory_space<hbm>>
        tpu.enqueue_indirect_dma source(%dma_start3A_196 : memref<10000x128xf32, #tpu.memory_space<hbm>>) target(%arg10 : memref<128x128xf32, #tpu.memory_space<vmem>>) offsets(%dma_start3A_193 : memref<128xi32, #tpu.memory_space<vmem>>) semaphore(%arg13 : memref<!tpu.dma_semaphore, #tpu.memory_space<semaphore_mem>>)
      }
      %scan3A_145 = arith.constant 15 : i32
      %dma_wait3A_146 = arith.constant 0 : i32
      %dma_wait3A_147 = arith.constant 0 : i32
      %dma_wait3A_148 = tpu.memref_slice %arg2[%dma_wait3A_146, %dma_wait3A_147] : memref<10000x128xf32, #tpu.memory_space<hbm>> -> memref<128x128xf32, #tpu.memory_space<hbm>>
      %dma_wait3A_149 = arith.constant 0 : i32
      %dma_wait3A_150 = arith.constant 0 : i32
      %dma_wait3A_151 = tpu.memref_slice %arg2[%dma_wait3A_149, %dma_wait3A_150] : memref<10000x128xf32, #tpu.memory_space<hbm>> -> memref<128x128xf32, #tpu.memory_space<hbm>>
      tpu.wait_dma2 semaphore(%arg12 : memref<!tpu.dma_semaphore, #tpu.memory_space<semaphore_mem>>) src(%dma_wait3A_151 : memref<128x128xf32, #tpu.memory_space<hbm>>) dst(%arg9 : memref<128x128xf32, #tpu.memory_space<vmem>>)
      %run_scoped3A_152 = arith.constant 30 : i32
      "tpu.region"() ({
        %run_scoped3A_160 = tpu.sem_alloc : memref<!tpu.dma_semaphore, #tpu.memory_space<semaphore_mem>>
        %dma_start3A_161 = arith.constant 0 : i32
        %dma_start3A_162 = tpu.memref_slice %arg8[%run_scoped3A_152, %dma_start3A_161] : memref<40x128xi32, #tpu.memory_space<vmem>> -> memref<1x128xi32, #tpu.memory_space<vmem>>
        %dma_start3A_163 = tpu.memref_squeeze %dma_start3A_162 : memref<1x128xi32, #tpu.memory_space<vmem>> -> memref<128xi32, #tpu.memory_space<vmem>>
        %dma_start3A_164 = arith.constant 0 : i32
        %dma_start3A_165 = arith.constant 0 : i32
        %dma_start3A_166 = tpu.memref_slice %arg11[%dma_start3A_164, %dma_start3A_165] : memref<10112x128xf32, #tpu.memory_space<vmem_shared>> -> memref<10112x128xf32, #tpu.memory_space<vmem_shared>>
        tpu.enqueue_indirect_dma source(%arg9 : memref<128x128xf32, #tpu.memory_space<vmem>>) target(%dma_start3A_166 : memref<10112x128xf32, #tpu.memory_space<vmem_shared>>) offsets(%dma_start3A_163 : memref<128xi32, #tpu.memory_space<vmem>>) semaphore(%run_scoped3A_160 : memref<!tpu.dma_semaphore, #tpu.memory_space<semaphore_mem>>) {add = true}
        %dma_wait3A_167 = arith.constant 0 : i32
        %dma_wait3A_168 = tpu.memref_slice %arg8[%run_scoped3A_152, %dma_wait3A_167] : memref<40x128xi32, #tpu.memory_space<vmem>> -> memref<1x128xi32, #tpu.memory_space<vmem>>
        %dma_wait3A_169 = tpu.memref_squeeze %dma_wait3A_168 : memref<1x128xi32, #tpu.memory_space<vmem>> -> memref<128xi32, #tpu.memory_space<vmem>>
        %dma_wait3A_170 = arith.constant 0 : i32
        %dma_wait3A_171 = arith.constant 0 : i32
        %dma_wait3A_172 = tpu.memref_slice %arg11[%dma_wait3A_170, %dma_wait3A_171] : memref<10112x128xf32, #tpu.memory_space<vmem_shared>> -> memref<10112x128xf32, #tpu.memory_space<vmem_shared>>
        tpu.wait_indirect_dma semaphore(%run_scoped3A_160 : memref<!tpu.dma_semaphore, #tpu.memory_space<semaphore_mem>>) src(%arg9 : memref<128x128xf32, #tpu.memory_space<vmem>>) dst(%dma_wait3A_172 : memref<10112x128xf32, #tpu.memory_space<vmem_shared>>)
        tpu.yield
      }) : () -> ()
      %dma_wait3A_153 = arith.constant 0 : i32
      %dma_wait3A_154 = arith.constant 0 : i32
      %dma_wait3A_155 = tpu.memref_slice %arg2[%dma_wait3A_153, %dma_wait3A_154] : memref<10000x128xf32, #tpu.memory_space<hbm>> -> memref<128x128xf32, #tpu.memory_space<hbm>>
      %dma_wait3A_156 = arith.constant 0 : i32
      %dma_wait3A_157 = arith.constant 0 : i32
      %dma_wait3A_158 = tpu.memref_slice %arg2[%dma_wait3A_156, %dma_wait3A_157] : memref<10000x128xf32, #tpu.memory_space<hbm>> -> memref<128x128xf32, #tpu.memory_space<hbm>>
      tpu.wait_dma2 semaphore(%arg13 : memref<!tpu.dma_semaphore, #tpu.memory_space<semaphore_mem>>) src(%dma_wait3A_158 : memref<128x128xf32, #tpu.memory_space<hbm>>) dst(%arg10 : memref<128x128xf32, #tpu.memory_space<vmem>>)
      %run_scoped3A_159 = arith.constant 31 : i32
      "tpu.region"() ({
        %run_scoped3A_160 = tpu.sem_alloc : memref<!tpu.dma_semaphore, #tpu.memory_space<semaphore_mem>>
        %dma_start3A_161 = arith.constant 0 : i32
        %dma_start3A_162 = tpu.memref_slice %arg8[%run_scoped3A_159, %dma_start3A_161] : memref<40x128xi32, #tpu.memory_space<vmem>> -> memref<1x128xi32, #tpu.memory_space<vmem>>
        %dma_start3A_163 = tpu.memref_squeeze %dma_start3A_162 : memref<1x128xi32, #tpu.memory_space<vmem>> -> memref<128xi32, #tpu.memory_space<vmem>>
        %dma_start3A_164 = arith.constant 0 : i32
        %dma_start3A_165 = arith.constant 0 : i32
        %dma_start3A_166 = tpu.memref_slice %arg11[%dma_start3A_164, %dma_start3A_165] : memref<10112x128xf32, #tpu.memory_space<vmem_shared>> -> memref<10112x128xf32, #tpu.memory_space<vmem_shared>>
        tpu.enqueue_indirect_dma source(%arg10 : memref<128x128xf32, #tpu.memory_space<vmem>>) target(%dma_start3A_166 : memref<10112x128xf32, #tpu.memory_space<vmem_shared>>) offsets(%dma_start3A_163 : memref<128xi32, #tpu.memory_space<vmem>>) semaphore(%run_scoped3A_160 : memref<!tpu.dma_semaphore, #tpu.memory_space<semaphore_mem>>) {add = true}
        %dma_wait3A_167 = arith.constant 0 : i32
        %dma_wait3A_168 = tpu.memref_slice %arg8[%run_scoped3A_159, %dma_wait3A_167] : memref<40x128xi32, #tpu.memory_space<vmem>> -> memref<1x128xi32, #tpu.memory_space<vmem>>
        %dma_wait3A_169 = tpu.memref_squeeze %dma_wait3A_168 : memref<1x128xi32, #tpu.memory_space<vmem>> -> memref<128xi32, #tpu.memory_space<vmem>>
        %dma_wait3A_170 = arith.constant 0 : i32
        %dma_wait3A_171 = arith.constant 0 : i32
        %dma_wait3A_172 = tpu.memref_slice %arg11[%dma_wait3A_170, %dma_wait3A_171] : memref<10112x128xf32, #tpu.memory_space<vmem_shared>> -> memref<10112x128xf32, #tpu.memory_space<vmem_shared>>
        tpu.wait_indirect_dma semaphore(%run_scoped3A_160 : memref<!tpu.dma_semaphore, #tpu.memory_space<semaphore_mem>>) src(%arg10 : memref<128x128xf32, #tpu.memory_space<vmem>>) dst(%dma_wait3A_172 : memref<10112x128xf32, #tpu.memory_space<vmem_shared>>)
        tpu.yield
      }) : () -> ()
    } else {
    }
    %eq3A_3 = arith.constant 1 : i32
    %eq3A_4 = arith.cmpi eq, %arg0, %eq3A_3 : i32
    %convert_element_type3A_5 = arith.extui %eq3A_4 : i1 to i32
    %cond3A_6 = arith.constant 0 : i32
    %cond3A_7 = arith.cmpi ne, %convert_element_type3A_5, %cond3A_6 : i32
    scf.if %cond3A_7 {
      %mul3A_13 = arith.constant 8 : i32
      %mul3A_14 = arith.muli %arg1, %mul3A_13 : i32
      %add3A = arith.constant 2432 : i32
      %add3A_15 = arith.addi %add3A, %mul3A_14 : i32
      %add3A_16 = arith.constant 0 : i32
      %add3A_17 = arith.addi %add3A_15, %add3A_16 : i32
      "tpu.region"() ({
        %run_scoped3A_48 = tpu.sem_alloc : memref<!tpu.dma_semaphore, #tpu.memory_space<semaphore_mem>>
        %dma_start3A_49 = arith.constant 0 : i32
        %dma_start3A_50 = arith.constant 0 : i32
        %dma_start3A_51 = tpu.memref_slice %arg7[%dma_start3A_49, %dma_start3A_50] : memref<40x128xi32, #tpu.memory_space<vmem>> -> memref<8x128xi32, #tpu.memory_space<vmem>>
        %dma_start3A_52 = arith.constant 0 : i32
        %dma_start3A_53 = tpu.memref_slice %arg3[%add3A_17, %dma_start3A_52] : memref<2560x128xi32, #tpu.memory_space<hbm>> -> memref<8x128xi32, #tpu.memory_space<hbm>>
        %dma_start3A_54 = arith.constant 0 : i32
        %dma_start3A_55 = arith.constant 0 : i32
        %dma_start3A_56 = tpu.memref_slice %arg7[%dma_start3A_54, %dma_start3A_55] : memref<40x128xi32, #tpu.memory_space<vmem>> -> memref<8x128xi32, #tpu.memory_space<vmem>>
        %dma_start3A_57 = arith.constant 0 : i32
        %dma_start3A_58 = tpu.memref_slice %arg3[%add3A_17, %dma_start3A_57] : memref<2560x128xi32, #tpu.memory_space<hbm>> -> memref<8x128xi32, #tpu.memory_space<hbm>>
        tpu.enqueue_dma source(%dma_start3A_58 : memref<8x128xi32, #tpu.memory_space<hbm>>) target(%dma_start3A_56 : memref<8x128xi32, #tpu.memory_space<vmem>>) target_semaphore(%run_scoped3A_48 : memref<!tpu.dma_semaphore, #tpu.memory_space<semaphore_mem>>)
        %dma_wait3A_59 = arith.constant 0 : i32
        %dma_wait3A_60 = arith.constant 0 : i32
        %dma_wait3A_61 = tpu.memref_slice %arg7[%dma_wait3A_59, %dma_wait3A_60] : memref<40x128xi32, #tpu.memory_space<vmem>> -> memref<8x128xi32, #tpu.memory_space<vmem>>
        %dma_wait3A_62 = arith.constant 0 : i32
        %dma_wait3A_63 = tpu.memref_slice %arg3[%add3A_17, %dma_wait3A_62] : memref<2560x128xi32, #tpu.memory_space<hbm>> -> memref<8x128xi32, #tpu.memory_space<hbm>>
        %dma_wait3A_64 = arith.constant 0 : i32
        %dma_wait3A_65 = arith.constant 0 : i32
        %dma_wait3A_66 = tpu.memref_slice %arg7[%dma_wait3A_64, %dma_wait3A_65] : memref<40x128xi32, #tpu.memory_space<vmem>> -> memref<8x128xi32, #tpu.memory_space<vmem>>
        %dma_wait3A_67 = arith.constant 0 : i32
        %dma_wait3A_68 = tpu.memref_slice %arg3[%add3A_17, %dma_wait3A_67] : memref<2560x128xi32, #tpu.memory_space<hbm>> -> memref<8x128xi32, #tpu.memory_space<hbm>>
        tpu.wait_dma2 semaphore(%run_scoped3A_48 : memref<!tpu.dma_semaphore, #tpu.memory_space<semaphore_mem>>) src(%dma_wait3A_68 : memref<8x128xi32, #tpu.memory_space<hbm>>) dst(%dma_wait3A_66 : memref<8x128xi32, #tpu.memory_space<vmem>>)
        tpu.yield
      }) : () -> ()
      "tpu.region"() ({
        %run_scoped3A_48 = tpu.sem_alloc : memref<!tpu.dma_semaphore, #tpu.memory_space<semaphore_mem>>
        %dma_start3A_49 = arith.constant 0 : i32
        %dma_start3A_50 = arith.constant 0 : i32
        %dma_start3A_51 = tpu.memref_slice %arg8[%dma_start3A_49, %dma_start3A_50] : memref<40x128xi32, #tpu.memory_space<vmem>> -> memref<8x128xi32, #tpu.memory_space<vmem>>
        %dma_start3A_52 = arith.constant 0 : i32
        %dma_start3A_53 = tpu.memref_slice %arg4[%add3A_17, %dma_start3A_52] : memref<2560x128xi32, #tpu.memory_space<hbm>> -> memref<8x128xi32, #tpu.memory_space<hbm>>
        %dma_start3A_54 = arith.constant 0 : i32
        %dma_start3A_55 = arith.constant 0 : i32
        %dma_start3A_56 = tpu.memref_slice %arg8[%dma_start3A_54, %dma_start3A_55] : memref<40x128xi32, #tpu.memory_space<vmem>> -> memref<8x128xi32, #tpu.memory_space<vmem>>
        %dma_start3A_57 = arith.constant 0 : i32
        %dma_start3A_58 = tpu.memref_slice %arg4[%add3A_17, %dma_start3A_57] : memref<2560x128xi32, #tpu.memory_space<hbm>> -> memref<8x128xi32, #tpu.memory_space<hbm>>
        tpu.enqueue_dma source(%dma_start3A_58 : memref<8x128xi32, #tpu.memory_space<hbm>>) target(%dma_start3A_56 : memref<8x128xi32, #tpu.memory_space<vmem>>) target_semaphore(%run_scoped3A_48 : memref<!tpu.dma_semaphore, #tpu.memory_space<semaphore_mem>>)
        %dma_wait3A_59 = arith.constant 0 : i32
        %dma_wait3A_60 = arith.constant 0 : i32
        %dma_wait3A_61 = tpu.memref_slice %arg8[%dma_wait3A_59, %dma_wait3A_60] : memref<40x128xi32, #tpu.memory_space<vmem>> -> memref<8x128xi32, #tpu.memory_space<vmem>>
        %dma_wait3A_62 = arith.constant 0 : i32
        %dma_wait3A_63 = tpu.memref_slice %arg4[%add3A_17, %dma_wait3A_62] : memref<2560x128xi32, #tpu.memory_space<hbm>> -> memref<8x128xi32, #tpu.memory_space<hbm>>
        %dma_wait3A_64 = arith.constant 0 : i32
        %dma_wait3A_65 = arith.constant 0 : i32
        %dma_wait3A_66 = tpu.memref_slice %arg8[%dma_wait3A_64, %dma_wait3A_65] : memref<40x128xi32, #tpu.memory_space<vmem>> -> memref<8x128xi32, #tpu.memory_space<vmem>>
        %dma_wait3A_67 = arith.constant 0 : i32
        %dma_wait3A_68 = tpu.memref_slice %arg4[%add3A_17, %dma_wait3A_67] : memref<2560x128xi32, #tpu.memory_space<hbm>> -> memref<8x128xi32, #tpu.memory_space<hbm>>
        tpu.wait_dma2 semaphore(%run_scoped3A_48 : memref<!tpu.dma_semaphore, #tpu.memory_space<semaphore_mem>>) src(%dma_wait3A_68 : memref<8x128xi32, #tpu.memory_space<hbm>>) dst(%dma_wait3A_66 : memref<8x128xi32, #tpu.memory_space<vmem>>)
        tpu.yield
      }) : () -> ()
      %dma_start3A = arith.constant 0 : i32
      %dma_start3A_18 = arith.constant 0 : i32
      %dma_start3A_19 = tpu.memref_slice %arg7[%dma_start3A, %dma_start3A_18] : memref<40x128xi32, #tpu.memory_space<vmem>> -> memref<1x128xi32, #tpu.memory_space<vmem>>
      %dma_start3A_20 = tpu.memref_squeeze %dma_start3A_19 : memref<1x128xi32, #tpu.memory_space<vmem>> -> memref<128xi32, #tpu.memory_space<vmem>>
      %dma_start3A_21 = arith.constant 0 : i32
      %dma_start3A_22 = arith.constant 0 : i32
      %dma_start3A_23 = tpu.memref_slice %arg2[%dma_start3A_21, %dma_start3A_22] : memref<10000x128xf32, #tpu.memory_space<hbm>> -> memref<10000x128xf32, #tpu.memory_space<hbm>>
      tpu.enqueue_indirect_dma source(%dma_start3A_23 : memref<10000x128xf32, #tpu.memory_space<hbm>>) target(%arg9 : memref<128x128xf32, #tpu.memory_space<vmem>>) offsets(%dma_start3A_20 : memref<128xi32, #tpu.memory_space<vmem>>) semaphore(%arg12 : memref<!tpu.dma_semaphore, #tpu.memory_space<semaphore_mem>>)
      %dma_start3A_24 = arith.constant 1 : i32
      %dma_start3A_25 = arith.constant 0 : i32
      %dma_start3A_26 = tpu.memref_slice %arg7[%dma_start3A_24, %dma_start3A_25] : memref<40x128xi32, #tpu.memory_space<vmem>> -> memref<1x128xi32, #tpu.memory_space<vmem>>
      %dma_start3A_27 = tpu.memref_squeeze %dma_start3A_26 : memref<1x128xi32, #tpu.memory_space<vmem>> -> memref<128xi32, #tpu.memory_space<vmem>>
      %dma_start3A_28 = arith.constant 0 : i32
      %dma_start3A_29 = arith.constant 0 : i32
      %dma_start3A_30 = tpu.memref_slice %arg2[%dma_start3A_28, %dma_start3A_29] : memref<10000x128xf32, #tpu.memory_space<hbm>> -> memref<10000x128xf32, #tpu.memory_space<hbm>>
      tpu.enqueue_indirect_dma source(%dma_start3A_30 : memref<10000x128xf32, #tpu.memory_space<hbm>>) target(%arg10 : memref<128x128xf32, #tpu.memory_space<vmem>>) offsets(%dma_start3A_27 : memref<128xi32, #tpu.memory_space<vmem>>) semaphore(%arg13 : memref<!tpu.dma_semaphore, #tpu.memory_space<semaphore_mem>>)
      %scan3A = arith.constant 0 : i32
      %scan3A_31 = arith.constant 0 : i32
      %scan3A_32 = arith.constant 3 : i32
      %scan3A_33 = arith.addi %scan3A_31, %scan3A_32 : i32
      %scan3A_34 = arith.constant 1 : i32
      scf.for %scan3A_48 = %scan3A_31 to %scan3A_33 step %scan3A_34  : i32 {
        %mul3A_49 = arith.constant 2 : i32
        %mul3A_50 = arith.muli %mul3A_49, %scan3A_48 : i32
        %add3A_51 = arith.constant 0 : i32
        %add3A_52 = arith.addi %mul3A_50, %add3A_51 : i32
        %dma_wait3A_53 = arith.constant 0 : i32
        %dma_wait3A_54 = arith.constant 0 : i32
        %dma_wait3A_55 = tpu.memref_slice %arg2[%dma_wait3A_53, %dma_wait3A_54] : memref<10000x128xf32, #tpu.memory_space<hbm>> -> memref<128x128xf32, #tpu.memory_space<hbm>>
        %dma_wait3A_56 = arith.constant 0 : i32
        %dma_wait3A_57 = arith.constant 0 : i32
        %dma_wait3A_58 = tpu.memref_slice %arg2[%dma_wait3A_56, %dma_wait3A_57] : memref<10000x128xf32, #tpu.memory_space<hbm>> -> memref<128x128xf32, #tpu.memory_space<hbm>>
        tpu.wait_dma2 semaphore(%arg12 : memref<!tpu.dma_semaphore, #tpu.memory_space<semaphore_mem>>) src(%dma_wait3A_58 : memref<128x128xf32, #tpu.memory_space<hbm>>) dst(%arg9 : memref<128x128xf32, #tpu.memory_space<vmem>>)
        "tpu.region"() ({
          %run_scoped3A_85 = tpu.sem_alloc : memref<!tpu.dma_semaphore, #tpu.memory_space<semaphore_mem>>
          %dma_start3A_86 = arith.constant 0 : i32
          %dma_start3A_87 = tpu.memref_slice %arg8[%add3A_52, %dma_start3A_86] : memref<40x128xi32, #tpu.memory_space<vmem>> -> memref<1x128xi32, #tpu.memory_space<vmem>>
          %dma_start3A_88 = tpu.memref_squeeze %dma_start3A_87 : memref<1x128xi32, #tpu.memory_space<vmem>> -> memref<128xi32, #tpu.memory_space<vmem>>
          %dma_start3A_89 = arith.constant 0 : i32
          %dma_start3A_90 = arith.constant 0 : i32
          %dma_start3A_91 = tpu.memref_slice %arg11[%dma_start3A_89, %dma_start3A_90] : memref<10112x128xf32, #tpu.memory_space<vmem_shared>> -> memref<10112x128xf32, #tpu.memory_space<vmem_shared>>
          tpu.enqueue_indirect_dma source(%arg9 : memref<128x128xf32, #tpu.memory_space<vmem>>) target(%dma_start3A_91 : memref<10112x128xf32, #tpu.memory_space<vmem_shared>>) offsets(%dma_start3A_88 : memref<128xi32, #tpu.memory_space<vmem>>) semaphore(%run_scoped3A_85 : memref<!tpu.dma_semaphore, #tpu.memory_space<semaphore_mem>>) {add = true}
          %dma_wait3A_92 = arith.constant 0 : i32
          %dma_wait3A_93 = tpu.memref_slice %arg8[%add3A_52, %dma_wait3A_92] : memref<40x128xi32, #tpu.memory_space<vmem>> -> memref<1x128xi32, #tpu.memory_space<vmem>>
          %dma_wait3A_94 = tpu.memref_squeeze %dma_wait3A_93 : memref<1x128xi32, #tpu.memory_space<vmem>> -> memref<128xi32, #tpu.memory_space<vmem>>
          %dma_wait3A_95 = arith.constant 0 : i32
          %dma_wait3A_96 = arith.constant 0 : i32
          %dma_wait3A_97 = tpu.memref_slice %arg11[%dma_wait3A_95, %dma_wait3A_96] : memref<10112x128xf32, #tpu.memory_space<vmem_shared>> -> memref<10112x128xf32, #tpu.memory_space<vmem_shared>>
          tpu.wait_indirect_dma semaphore(%run_scoped3A_85 : memref<!tpu.dma_semaphore, #tpu.memory_space<semaphore_mem>>) src(%arg9 : memref<128x128xf32, #tpu.memory_space<vmem>>) dst(%dma_wait3A_97 : memref<10112x128xf32, #tpu.memory_space<vmem_shared>>)
          tpu.yield
        }) : () -> ()
        %add3A_59 = arith.constant 2 : i32
        %add3A_60 = arith.addi %add3A_52, %add3A_59 : i32
        %dma_start3A_61 = arith.constant 0 : i32
        %dma_start3A_62 = tpu.memref_slice %arg7[%add3A_60, %dma_start3A_61] : memref<40x128xi32, #tpu.memory_space<vmem>> -> memref<1x128xi32, #tpu.memory_space<vmem>>
        %dma_start3A_63 = tpu.memref_squeeze %dma_start3A_62 : memref<1x128xi32, #tpu.memory_space<vmem>> -> memref<128xi32, #tpu.memory_space<vmem>>
        %dma_start3A_64 = arith.constant 0 : i32
        %dma_start3A_65 = arith.constant 0 : i32
        %dma_start3A_66 = tpu.memref_slice %arg2[%dma_start3A_64, %dma_start3A_65] : memref<10000x128xf32, #tpu.memory_space<hbm>> -> memref<10000x128xf32, #tpu.memory_space<hbm>>
        tpu.enqueue_indirect_dma source(%dma_start3A_66 : memref<10000x128xf32, #tpu.memory_space<hbm>>) target(%arg9 : memref<128x128xf32, #tpu.memory_space<vmem>>) offsets(%dma_start3A_63 : memref<128xi32, #tpu.memory_space<vmem>>) semaphore(%arg12 : memref<!tpu.dma_semaphore, #tpu.memory_space<semaphore_mem>>)
        %mul3A_67 = arith.constant 2 : i32
        %mul3A_68 = arith.muli %mul3A_67, %scan3A_48 : i32
        %add3A_69 = arith.constant 1 : i32
        %add3A_70 = arith.addi %mul3A_68, %add3A_69 : i32
        %dma_wait3A_71 = arith.constant 0 : i32
        %dma_wait3A_72 = arith.constant 0 : i32
        %dma_wait3A_73 = tpu.memref_slice %arg2[%dma_wait3A_71, %dma_wait3A_72] : memref<10000x128xf32, #tpu.memory_space<hbm>> -> memref<128x128xf32, #tpu.memory_space<hbm>>
        %dma_wait3A_74 = arith.constant 0 : i32
        %dma_wait3A_75 = arith.constant 0 : i32
        %dma_wait3A_76 = tpu.memref_slice %arg2[%dma_wait3A_74, %dma_wait3A_75] : memref<10000x128xf32, #tpu.memory_space<hbm>> -> memref<128x128xf32, #tpu.memory_space<hbm>>
        tpu.wait_dma2 semaphore(%arg13 : memref<!tpu.dma_semaphore, #tpu.memory_space<semaphore_mem>>) src(%dma_wait3A_76 : memref<128x128xf32, #tpu.memory_space<hbm>>) dst(%arg10 : memref<128x128xf32, #tpu.memory_space<vmem>>)
        "tpu.region"() ({
          %run_scoped3A_85 = tpu.sem_alloc : memref<!tpu.dma_semaphore, #tpu.memory_space<semaphore_mem>>
          %dma_start3A_86 = arith.constant 0 : i32
          %dma_start3A_87 = tpu.memref_slice %arg8[%add3A_70, %dma_start3A_86] : memref<40x128xi32, #tpu.memory_space<vmem>> -> memref<1x128xi32, #tpu.memory_space<vmem>>
          %dma_start3A_88 = tpu.memref_squeeze %dma_start3A_87 : memref<1x128xi32, #tpu.memory_space<vmem>> -> memref<128xi32, #tpu.memory_space<vmem>>
          %dma_start3A_89 = arith.constant 0 : i32
          %dma_start3A_90 = arith.constant 0 : i32
          %dma_start3A_91 = tpu.memref_slice %arg11[%dma_start3A_89, %dma_start3A_90] : memref<10112x128xf32, #tpu.memory_space<vmem_shared>> -> memref<10112x128xf32, #tpu.memory_space<vmem_shared>>
          tpu.enqueue_indirect_dma source(%arg10 : memref<128x128xf32, #tpu.memory_space<vmem>>) target(%dma_start3A_91 : memref<10112x128xf32, #tpu.memory_space<vmem_shared>>) offsets(%dma_start3A_88 : memref<128xi32, #tpu.memory_space<vmem>>) semaphore(%run_scoped3A_85 : memref<!tpu.dma_semaphore, #tpu.memory_space<semaphore_mem>>) {add = true}
          %dma_wait3A_92 = arith.constant 0 : i32
          %dma_wait3A_93 = tpu.memref_slice %arg8[%add3A_70, %dma_wait3A_92] : memref<40x128xi32, #tpu.memory_space<vmem>> -> memref<1x128xi32, #tpu.memory_space<vmem>>
          %dma_wait3A_94 = tpu.memref_squeeze %dma_wait3A_93 : memref<1x128xi32, #tpu.memory_space<vmem>> -> memref<128xi32, #tpu.memory_space<vmem>>
          %dma_wait3A_95 = arith.constant 0 : i32
          %dma_wait3A_96 = arith.constant 0 : i32
          %dma_wait3A_97 = tpu.memref_slice %arg11[%dma_wait3A_95, %dma_wait3A_96] : memref<10112x128xf32, #tpu.memory_space<vmem_shared>> -> memref<10112x128xf32, #tpu.memory_space<vmem_shared>>
          tpu.wait_indirect_dma semaphore(%run_scoped3A_85 : memref<!tpu.dma_semaphore, #tpu.memory_space<semaphore_mem>>) src(%arg10 : memref<128x128xf32, #tpu.memory_space<vmem>>) dst(%dma_wait3A_97 : memref<10112x128xf32, #tpu.memory_space<vmem_shared>>)
          tpu.yield
        }) : () -> ()
        %add3A_77 = arith.constant 2 : i32
        %add3A_78 = arith.addi %add3A_70, %add3A_77 : i32
        %dma_start3A_79 = arith.constant 0 : i32
        %dma_start3A_80 = tpu.memref_slice %arg7[%add3A_78, %dma_start3A_79] : memref<40x128xi32, #tpu.memory_space<vmem>> -> memref<1x128xi32, #tpu.memory_space<vmem>>
        %dma_start3A_81 = tpu.memref_squeeze %dma_start3A_80 : memref<1x128xi32, #tpu.memory_space<vmem>> -> memref<128xi32, #tpu.memory_space<vmem>>
        %dma_start3A_82 = arith.constant 0 : i32
        %dma_start3A_83 = arith.constant 0 : i32
        %dma_start3A_84 = tpu.memref_slice %arg2[%dma_start3A_82, %dma_start3A_83] : memref<10000x128xf32, #tpu.memory_space<hbm>> -> memref<10000x128xf32, #tpu.memory_space<hbm>>
        tpu.enqueue_indirect_dma source(%dma_start3A_84 : memref<10000x128xf32, #tpu.memory_space<hbm>>) target(%arg10 : memref<128x128xf32, #tpu.memory_space<vmem>>) offsets(%dma_start3A_81 : memref<128xi32, #tpu.memory_space<vmem>>) semaphore(%arg13 : memref<!tpu.dma_semaphore, #tpu.memory_space<semaphore_mem>>)
      }
      %scan3A_35 = arith.constant 3 : i32
      %dma_wait3A = arith.constant 0 : i32
      %dma_wait3A_36 = arith.constant 0 : i32
      %dma_wait3A_37 = tpu.memref_slice %arg2[%dma_wait3A, %dma_wait3A_36] : memref<10000x128xf32, #tpu.memory_space<hbm>> -> memref<128x128xf32, #tpu.memory_space<hbm>>
      %dma_wait3A_38 = arith.constant 0 : i32
      %dma_wait3A_39 = arith.constant 0 : i32
      %dma_wait3A_40 = tpu.memref_slice %arg2[%dma_wait3A_38, %dma_wait3A_39] : memref<10000x128xf32, #tpu.memory_space<hbm>> -> memref<128x128xf32, #tpu.memory_space<hbm>>
      tpu.wait_dma2 semaphore(%arg12 : memref<!tpu.dma_semaphore, #tpu.memory_space<semaphore_mem>>) src(%dma_wait3A_40 : memref<128x128xf32, #tpu.memory_space<hbm>>) dst(%arg9 : memref<128x128xf32, #tpu.memory_space<vmem>>)
      %run_scoped3A = arith.constant 6 : i32
      "tpu.region"() ({
        %run_scoped3A_48 = tpu.sem_alloc : memref<!tpu.dma_semaphore, #tpu.memory_space<semaphore_mem>>
        %dma_start3A_49 = arith.constant 0 : i32
        %dma_start3A_50 = tpu.memref_slice %arg8[%run_scoped3A, %dma_start3A_49] : memref<40x128xi32, #tpu.memory_space<vmem>> -> memref<1x128xi32, #tpu.memory_space<vmem>>
        %dma_start3A_51 = tpu.memref_squeeze %dma_start3A_50 : memref<1x128xi32, #tpu.memory_space<vmem>> -> memref<128xi32, #tpu.memory_space<vmem>>
        %dma_start3A_52 = arith.constant 0 : i32
        %dma_start3A_53 = arith.constant 0 : i32
        %dma_start3A_54 = tpu.memref_slice %arg11[%dma_start3A_52, %dma_start3A_53] : memref<10112x128xf32, #tpu.memory_space<vmem_shared>> -> memref<10112x128xf32, #tpu.memory_space<vmem_shared>>
        tpu.enqueue_indirect_dma source(%arg9 : memref<128x128xf32, #tpu.memory_space<vmem>>) target(%dma_start3A_54 : memref<10112x128xf32, #tpu.memory_space<vmem_shared>>) offsets(%dma_start3A_51 : memref<128xi32, #tpu.memory_space<vmem>>) semaphore(%run_scoped3A_48 : memref<!tpu.dma_semaphore, #tpu.memory_space<semaphore_mem>>) {add = true}
        %dma_wait3A_55 = arith.constant 0 : i32
        %dma_wait3A_56 = tpu.memref_slice %arg8[%run_scoped3A, %dma_wait3A_55] : memref<40x128xi32, #tpu.memory_space<vmem>> -> memref<1x128xi32, #tpu.memory_space<vmem>>
        %dma_wait3A_57 = tpu.memref_squeeze %dma_wait3A_56 : memref<1x128xi32, #tpu.memory_space<vmem>> -> memref<128xi32, #tpu.memory_space<vmem>>
        %dma_wait3A_58 = arith.constant 0 : i32
        %dma_wait3A_59 = arith.constant 0 : i32
        %dma_wait3A_60 = tpu.memref_slice %arg11[%dma_wait3A_58, %dma_wait3A_59] : memref<10112x128xf32, #tpu.memory_space<vmem_shared>> -> memref<10112x128xf32, #tpu.memory_space<vmem_shared>>
        tpu.wait_indirect_dma semaphore(%run_scoped3A_48 : memref<!tpu.dma_semaphore, #tpu.memory_space<semaphore_mem>>) src(%arg9 : memref<128x128xf32, #tpu.memory_space<vmem>>) dst(%dma_wait3A_60 : memref<10112x128xf32, #tpu.memory_space<vmem_shared>>)
        tpu.yield
      }) : () -> ()
      %dma_wait3A_41 = arith.constant 0 : i32
      %dma_wait3A_42 = arith.constant 0 : i32
      %dma_wait3A_43 = tpu.memref_slice %arg2[%dma_wait3A_41, %dma_wait3A_42] : memref<10000x128xf32, #tpu.memory_space<hbm>> -> memref<128x128xf32, #tpu.memory_space<hbm>>
      %dma_wait3A_44 = arith.constant 0 : i32
      %dma_wait3A_45 = arith.constant 0 : i32
      %dma_wait3A_46 = tpu.memref_slice %arg2[%dma_wait3A_44, %dma_wait3A_45] : memref<10000x128xf32, #tpu.memory_space<hbm>> -> memref<128x128xf32, #tpu.memory_space<hbm>>
      tpu.wait_dma2 semaphore(%arg13 : memref<!tpu.dma_semaphore, #tpu.memory_space<semaphore_mem>>) src(%dma_wait3A_46 : memref<128x128xf32, #tpu.memory_space<hbm>>) dst(%arg10 : memref<128x128xf32, #tpu.memory_space<vmem>>)
      %run_scoped3A_47 = arith.constant 7 : i32
      "tpu.region"() ({
        %run_scoped3A_48 = tpu.sem_alloc : memref<!tpu.dma_semaphore, #tpu.memory_space<semaphore_mem>>
        %dma_start3A_49 = arith.constant 0 : i32
        %dma_start3A_50 = tpu.memref_slice %arg8[%run_scoped3A_47, %dma_start3A_49] : memref<40x128xi32, #tpu.memory_space<vmem>> -> memref<1x128xi32, #tpu.memory_space<vmem>>
        %dma_start3A_51 = tpu.memref_squeeze %dma_start3A_50 : memref<1x128xi32, #tpu.memory_space<vmem>> -> memref<128xi32, #tpu.memory_space<vmem>>
        %dma_start3A_52 = arith.constant 0 : i32
        %dma_start3A_53 = arith.constant 0 : i32
        %dma_start3A_54 = tpu.memref_slice %arg11[%dma_start3A_52, %dma_start3A_53] : memref<10112x128xf32, #tpu.memory_space<vmem_shared>> -> memref<10112x128xf32, #tpu.memory_space<vmem_shared>>
        tpu.enqueue_indirect_dma source(%arg10 : memref<128x128xf32, #tpu.memory_space<vmem>>) target(%dma_start3A_54 : memref<10112x128xf32, #tpu.memory_space<vmem_shared>>) offsets(%dma_start3A_51 : memref<128xi32, #tpu.memory_space<vmem>>) semaphore(%run_scoped3A_48 : memref<!tpu.dma_semaphore, #tpu.memory_space<semaphore_mem>>) {add = true}
        %dma_wait3A_55 = arith.constant 0 : i32
        %dma_wait3A_56 = tpu.memref_slice %arg8[%run_scoped3A_47, %dma_wait3A_55] : memref<40x128xi32, #tpu.memory_space<vmem>> -> memref<1x128xi32, #tpu.memory_space<vmem>>
        %dma_wait3A_57 = tpu.memref_squeeze %dma_wait3A_56 : memref<1x128xi32, #tpu.memory_space<vmem>> -> memref<128xi32, #tpu.memory_space<vmem>>
        %dma_wait3A_58 = arith.constant 0 : i32
        %dma_wait3A_59 = arith.constant 0 : i32
        %dma_wait3A_60 = tpu.memref_slice %arg11[%dma_wait3A_58, %dma_wait3A_59] : memref<10112x128xf32, #tpu.memory_space<vmem_shared>> -> memref<10112x128xf32, #tpu.memory_space<vmem_shared>>
        tpu.wait_indirect_dma semaphore(%run_scoped3A_48 : memref<!tpu.dma_semaphore, #tpu.memory_space<semaphore_mem>>) src(%arg10 : memref<128x128xf32, #tpu.memory_space<vmem>>) dst(%dma_wait3A_60 : memref<10112x128xf32, #tpu.memory_space<vmem_shared>>)
        tpu.yield
      }) : () -> ()
    } else {
    }
    %barrier3A_8 = arith.constant 0 : index
    tpu.barrier barrier_id(%barrier3A_8)
    %mul3A_9 = arith.constant 632 : i32
    %mul3A_10 = arith.muli %arg1, %mul3A_9 : i32
    %mul3A_11 = arith.constant 632 : i32
    %mul3A_12 = arith.muli %arg1, %mul3A_11 : i32
    "tpu.region"() ({
      %run_scoped3A = tpu.sem_alloc : memref<!tpu.dma_semaphore, #tpu.memory_space<semaphore_mem>>
      %dma_start3A = arith.constant 0 : i32
      %dma_start3A_13 = tpu.memref_slice %arg6[%arg0, %mul3A_12, %dma_start3A] : memref<2x10112x128xf32, #tpu.memory_space<hbm>> -> memref<1x632x128xf32, #tpu.memory_space<hbm>>
      %dma_start3A_14 = tpu.memref_squeeze %dma_start3A_13 : memref<1x632x128xf32, #tpu.memory_space<hbm>> -> memref<632x128xf32, #tpu.memory_space<hbm>>
      %dma_start3A_15 = arith.constant 0 : i32
      %dma_start3A_16 = tpu.memref_slice %arg11[%mul3A_10, %dma_start3A_15] : memref<10112x128xf32, #tpu.memory_space<vmem_shared>> -> memref<632x128xf32, #tpu.memory_space<vmem_shared>>
      tpu.enqueue_dma source(%dma_start3A_16 : memref<632x128xf32, #tpu.memory_space<vmem_shared>>) target(%dma_start3A_14 : memref<632x128xf32, #tpu.memory_space<hbm>>) target_semaphore(%run_scoped3A : memref<!tpu.dma_semaphore, #tpu.memory_space<semaphore_mem>>)
      %dma_wait3A = arith.constant 0 : i32
      %dma_wait3A_17 = tpu.memref_slice %arg6[%arg0, %mul3A_12, %dma_wait3A] : memref<2x10112x128xf32, #tpu.memory_space<hbm>> -> memref<1x632x128xf32, #tpu.memory_space<hbm>>
      %dma_wait3A_18 = tpu.memref_squeeze %dma_wait3A_17 : memref<1x632x128xf32, #tpu.memory_space<hbm>> -> memref<632x128xf32, #tpu.memory_space<hbm>>
      %dma_wait3A_19 = arith.constant 0 : i32
      %dma_wait3A_20 = tpu.memref_slice %arg11[%mul3A_10, %dma_wait3A_19] : memref<10112x128xf32, #tpu.memory_space<vmem_shared>> -> memref<632x128xf32, #tpu.memory_space<vmem_shared>>
      tpu.wait_dma2 semaphore(%run_scoped3A : memref<!tpu.dma_semaphore, #tpu.memory_space<semaphore_mem>>) src(%dma_wait3A_20 : memref<632x128xf32, #tpu.memory_space<vmem_shared>>) dst(%dma_wait3A_18 : memref<632x128xf32, #tpu.memory_space<hbm>>)
      tpu.yield
    }) : () -> ()
    return
  }
}

#map = affine_map<(d0, d1) -> (0, 0)>
#map1 = affine_map<(d0, d1) -> (0, 0, 0)>
module attributes {stable_mosaic.version = 14 : i64} {
  func.func @_segsum(%arg0: i32, %arg1: i32, %arg2: memref<10000x128xf32, #tpu.memory_space<hbm>>, %arg3: memref<2560x128xi32, #tpu.memory_space<hbm>>, %arg4: memref<2560x128xi32, #tpu.memory_space<hbm>>, %arg5: memref<632x128xf32, #tpu.memory_space<hbm>>, %arg6: memref<2x10112x128xf32, #tpu.memory_space<hbm>>, %arg7: memref<40x128xi32, #tpu.memory_space<vmem>>, %arg8: memref<40x128xi32, #tpu.memory_space<vmem>>, %arg9: memref<128x128xf32, #tpu.memory_space<vmem>>, %arg10: memref<128x128xf32, #tpu.memory_space<vmem>>, %arg11: memref<10112x128xf32, #tpu.memory_space<vmem_shared>>, %arg12: memref<!tpu.dma_semaphore, #tpu.memory_space<semaphore_mem>>, %arg13: memref<!tpu.dma_semaphore, #tpu.memory_space<semaphore_mem>>) attributes {dimension_semantics = [#tpu.dimension_semantics<core_parallel>, #tpu.dimension_semantics<subcore_parallel>], iteration_bounds = array<i64: 2, 16>, scalar_prefetch = 0 : i64, scratch_operands = 7 : i64, tpu.core_type = #tpu.core_type<sc_vector_subcore>, window_params = [{transform_indices = #map}, {transform_indices = #map}, {transform_indices = #map}, {transform_indices = #map}, {transform_indices = #map1}]} {
    %mul3A = arith.constant 632 : i32
    %mul3A_0 = arith.muli %arg1, %mul3A : i32
    "tpu.region"() ({
      %run_scoped3A = tpu.sem_alloc : memref<!tpu.dma_semaphore, #tpu.memory_space<semaphore_mem>>
      %dma_start3A = arith.constant 0 : i32
      %dma_start3A_13 = tpu.memref_slice %arg11[%mul3A_0, %dma_start3A] : memref<10112x128xf32, #tpu.memory_space<vmem_shared>> -> memref<632x128xf32, #tpu.memory_space<vmem_shared>>
      tpu.enqueue_dma source(%arg5 : memref<632x128xf32, #tpu.memory_space<hbm>>) target(%dma_start3A_13 : memref<632x128xf32, #tpu.memory_space<vmem_shared>>) target_semaphore(%run_scoped3A : memref<!tpu.dma_semaphore, #tpu.memory_space<semaphore_mem>>)
      %dma_wait3A = arith.constant 0 : i32
      %dma_wait3A_14 = tpu.memref_slice %arg11[%mul3A_0, %dma_wait3A] : memref<10112x128xf32, #tpu.memory_space<vmem_shared>> -> memref<632x128xf32, #tpu.memory_space<vmem_shared>>
      tpu.wait_dma2 semaphore(%run_scoped3A : memref<!tpu.dma_semaphore, #tpu.memory_space<semaphore_mem>>) src(%arg5 : memref<632x128xf32, #tpu.memory_space<hbm>>) dst(%dma_wait3A_14 : memref<632x128xf32, #tpu.memory_space<vmem_shared>>)
      tpu.yield
    }) : () -> ()
    %barrier3A = arith.constant 0 : index
    tpu.barrier barrier_id(%barrier3A)
    %eq3A = arith.constant 0 : i32
    %eq3A_1 = arith.cmpi eq, %arg0, %eq3A : i32
    %convert_element_type3A = arith.extui %eq3A_1 : i1 to i32
    %cond3A = arith.constant 0 : i32
    %cond3A_2 = arith.cmpi ne, %convert_element_type3A, %cond3A : i32
    scf.if %cond3A_2 {
      %mul3A_13 = arith.constant 152 : i32
      %mul3A_14 = arith.muli %arg1, %mul3A_13 : i32
      %add3A = arith.constant 0 : i32
      %add3A_15 = arith.addi %mul3A_14, %add3A : i32
      "tpu.region"() ({
        %run_scoped3A_160 = tpu.sem_alloc : memref<!tpu.dma_semaphore, #tpu.memory_space<semaphore_mem>>
        %dma_start3A_161 = arith.constant 0 : i32
        %dma_start3A_162 = arith.constant 0 : i32
        %dma_start3A_163 = tpu.memref_slice %arg7[%dma_start3A_161, %dma_start3A_162] : memref<40x128xi32, #tpu.memory_space<vmem>> -> memref<40x128xi32, #tpu.memory_space<vmem>>
        %dma_start3A_164 = arith.constant 0 : i32
        %dma_start3A_165 = tpu.memref_slice %arg3[%add3A_15, %dma_start3A_164] : memref<2560x128xi32, #tpu.memory_space<hbm>> -> memref<40x128xi32, #tpu.memory_space<hbm>>
        %dma_start3A_166 = arith.constant 0 : i32
        %dma_start3A_167 = arith.constant 0 : i32
        %dma_start3A_168 = tpu.memref_slice %arg7[%dma_start3A_166, %dma_start3A_167] : memref<40x128xi32, #tpu.memory_space<vmem>> -> memref<40x128xi32, #tpu.memory_space<vmem>>
        %dma_start3A_169 = arith.constant 0 : i32
        %dma_start3A_170 = tpu.memref_slice %arg3[%add3A_15, %dma_start3A_169] : memref<2560x128xi32, #tpu.memory_space<hbm>> -> memref<40x128xi32, #tpu.memory_space<hbm>>
        tpu.enqueue_dma source(%dma_start3A_170 : memref<40x128xi32, #tpu.memory_space<hbm>>) target(%dma_start3A_168 : memref<40x128xi32, #tpu.memory_space<vmem>>) target_semaphore(%run_scoped3A_160 : memref<!tpu.dma_semaphore, #tpu.memory_space<semaphore_mem>>)
        %dma_wait3A_171 = arith.constant 0 : i32
        %dma_wait3A_172 = arith.constant 0 : i32
        %dma_wait3A_173 = tpu.memref_slice %arg7[%dma_wait3A_171, %dma_wait3A_172] : memref<40x128xi32, #tpu.memory_space<vmem>> -> memref<40x128xi32, #tpu.memory_space<vmem>>
        %dma_wait3A_174 = arith.constant 0 : i32
        %dma_wait3A_175 = tpu.memref_slice %arg3[%add3A_15, %dma_wait3A_174] : memref<2560x128xi32, #tpu.memory_space<hbm>> -> memref<40x128xi32, #tpu.memory_space<hbm>>
        %dma_wait3A_176 = arith.constant 0 : i32
        %dma_wait3A_177 = arith.constant 0 : i32
        %dma_wait3A_178 = tpu.memref_slice %arg7[%dma_wait3A_176, %dma_wait3A_177] : memref<40x128xi32, #tpu.memory_space<vmem>> -> memref<40x128xi32, #tpu.memory_space<vmem>>
        %dma_wait3A_179 = arith.constant 0 : i32
        %dma_wait3A_180 = tpu.memref_slice %arg3[%add3A_15, %dma_wait3A_179] : memref<2560x128xi32, #tpu.memory_space<hbm>> -> memref<40x128xi32, #tpu.memory_space<hbm>>
        tpu.wait_dma2 semaphore(%run_scoped3A_160 : memref<!tpu.dma_semaphore, #tpu.memory_space<semaphore_mem>>) src(%dma_wait3A_180 : memref<40x128xi32, #tpu.memory_space<hbm>>) dst(%dma_wait3A_178 : memref<40x128xi32, #tpu.memory_space<vmem>>)
        tpu.yield
      }) : () -> ()
      "tpu.region"() ({
        %run_scoped3A_160 = tpu.sem_alloc : memref<!tpu.dma_semaphore, #tpu.memory_space<semaphore_mem>>
        %dma_start3A_161 = arith.constant 0 : i32
        %dma_start3A_162 = arith.constant 0 : i32
        %dma_start3A_163 = tpu.memref_slice %arg8[%dma_start3A_161, %dma_start3A_162] : memref<40x128xi32, #tpu.memory_space<vmem>> -> memref<40x128xi32, #tpu.memory_space<vmem>>
        %dma_start3A_164 = arith.constant 0 : i32
        %dma_start3A_165 = tpu.memref_slice %arg4[%add3A_15, %dma_start3A_164] : memref<2560x128xi32, #tpu.memory_space<hbm>> -> memref<40x128xi32, #tpu.memory_space<hbm>>
        %dma_start3A_166 = arith.constant 0 : i32
        %dma_start3A_167 = arith.constant 0 : i32
        %dma_start3A_168 = tpu.memref_slice %arg8[%dma_start3A_166, %dma_start3A_167] : memref<40x128xi32, #tpu.memory_space<vmem>> -> memref<40x128xi32, #tpu.memory_space<vmem>>
        %dma_start3A_169 = arith.constant 0 : i32
        %dma_start3A_170 = tpu.memref_slice %arg4[%add3A_15, %dma_start3A_169] : memref<2560x128xi32, #tpu.memory_space<hbm>> -> memref<40x128xi32, #tpu.memory_space<hbm>>
        tpu.enqueue_dma source(%dma_start3A_170 : memref<40x128xi32, #tpu.memory_space<hbm>>) target(%dma_start3A_168 : memref<40x128xi32, #tpu.memory_space<vmem>>) target_semaphore(%run_scoped3A_160 : memref<!tpu.dma_semaphore, #tpu.memory_space<semaphore_mem>>)
        %dma_wait3A_171 = arith.constant 0 : i32
        %dma_wait3A_172 = arith.constant 0 : i32
        %dma_wait3A_173 = tpu.memref_slice %arg8[%dma_wait3A_171, %dma_wait3A_172] : memref<40x128xi32, #tpu.memory_space<vmem>> -> memref<40x128xi32, #tpu.memory_space<vmem>>
        %dma_wait3A_174 = arith.constant 0 : i32
        %dma_wait3A_175 = tpu.memref_slice %arg4[%add3A_15, %dma_wait3A_174] : memref<2560x128xi32, #tpu.memory_space<hbm>> -> memref<40x128xi32, #tpu.memory_space<hbm>>
        %dma_wait3A_176 = arith.constant 0 : i32
        %dma_wait3A_177 = arith.constant 0 : i32
        %dma_wait3A_178 = tpu.memref_slice %arg8[%dma_wait3A_176, %dma_wait3A_177] : memref<40x128xi32, #tpu.memory_space<vmem>> -> memref<40x128xi32, #tpu.memory_space<vmem>>
        %dma_wait3A_179 = arith.constant 0 : i32
        %dma_wait3A_180 = tpu.memref_slice %arg4[%add3A_15, %dma_wait3A_179] : memref<2560x128xi32, #tpu.memory_space<hbm>> -> memref<40x128xi32, #tpu.memory_space<hbm>>
        tpu.wait_dma2 semaphore(%run_scoped3A_160 : memref<!tpu.dma_semaphore, #tpu.memory_space<semaphore_mem>>) src(%dma_wait3A_180 : memref<40x128xi32, #tpu.memory_space<hbm>>) dst(%dma_wait3A_178 : memref<40x128xi32, #tpu.memory_space<vmem>>)
        tpu.yield
      }) : () -> ()
      %dma_start3A = arith.constant 0 : i32
      %dma_start3A_16 = arith.constant 0 : i32
      %dma_start3A_17 = tpu.memref_slice %arg7[%dma_start3A, %dma_start3A_16] : memref<40x128xi32, #tpu.memory_space<vmem>> -> memref<1x128xi32, #tpu.memory_space<vmem>>
      %dma_start3A_18 = tpu.memref_squeeze %dma_start3A_17 : memref<1x128xi32, #tpu.memory_space<vmem>> -> memref<128xi32, #tpu.memory_space<vmem>>
      %dma_start3A_19 = arith.constant 0 : i32
      %dma_start3A_20 = arith.constant 0 : i32
      %dma_start3A_21 = tpu.memref_slice %arg2[%dma_start3A_19, %dma_start3A_20] : memref<10000x128xf32, #tpu.memory_space<hbm>> -> memref<10000x128xf32, #tpu.memory_space<hbm>>
      tpu.enqueue_indirect_dma source(%dma_start3A_21 : memref<10000x128xf32, #tpu.memory_space<hbm>>) target(%arg9 : memref<128x128xf32, #tpu.memory_space<vmem>>) offsets(%dma_start3A_18 : memref<128xi32, #tpu.memory_space<vmem>>) semaphore(%arg12 : memref<!tpu.dma_semaphore, #tpu.memory_space<semaphore_mem>>)
      %dma_start3A_22 = arith.constant 1 : i32
      %dma_start3A_23 = arith.constant 0 : i32
      %dma_start3A_24 = tpu.memref_slice %arg7[%dma_start3A_22, %dma_start3A_23] : memref<40x128xi32, #tpu.memory_space<vmem>> -> memref<1x128xi32, #tpu.memory_space<vmem>>
      %dma_start3A_25 = tpu.memref_squeeze %dma_start3A_24 : memref<1x128xi32, #tpu.memory_space<vmem>> -> memref<128xi32, #tpu.memory_space<vmem>>
      %dma_start3A_26 = arith.constant 0 : i32
      %dma_start3A_27 = arith.constant 0 : i32
      %dma_start3A_28 = tpu.memref_slice %arg2[%dma_start3A_26, %dma_start3A_27] : memref<10000x128xf32, #tpu.memory_space<hbm>> -> memref<10000x128xf32, #tpu.memory_space<hbm>>
      tpu.enqueue_indirect_dma source(%dma_start3A_28 : memref<10000x128xf32, #tpu.memory_space<hbm>>) target(%arg10 : memref<128x128xf32, #tpu.memory_space<vmem>>) offsets(%dma_start3A_25 : memref<128xi32, #tpu.memory_space<vmem>>) semaphore(%arg13 : memref<!tpu.dma_semaphore, #tpu.memory_space<semaphore_mem>>)
      %scan3A = arith.constant 0 : i32
      %scan3A_29 = arith.constant 0 : i32
      %scan3A_30 = arith.constant 19 : i32
      %scan3A_31 = arith.addi %scan3A_29, %scan3A_30 : i32
      %scan3A_32 = arith.constant 1 : i32
      scf.for %scan3A_160 = %scan3A_29 to %scan3A_31 step %scan3A_32  : i32 {
        %mul3A_161 = arith.constant 2 : i32
        %mul3A_162 = arith.muli %mul3A_161, %scan3A_160 : i32
        %add3A_163 = arith.constant 0 : i32
        %add3A_164 = arith.addi %mul3A_162, %add3A_163 : i32
        %dma_wait3A_165 = arith.constant 0 : i32
        %dma_wait3A_166 = arith.constant 0 : i32
        %dma_wait3A_167 = tpu.memref_slice %arg2[%dma_wait3A_165, %dma_wait3A_166] : memref<10000x128xf32, #tpu.memory_space<hbm>> -> memref<128x128xf32, #tpu.memory_space<hbm>>
        %dma_wait3A_168 = arith.constant 0 : i32
        %dma_wait3A_169 = arith.constant 0 : i32
        %dma_wait3A_170 = tpu.memref_slice %arg2[%dma_wait3A_168, %dma_wait3A_169] : memref<10000x128xf32, #tpu.memory_space<hbm>> -> memref<128x128xf32, #tpu.memory_space<hbm>>
        tpu.wait_dma2 semaphore(%arg12 : memref<!tpu.dma_semaphore, #tpu.memory_space<semaphore_mem>>) src(%dma_wait3A_170 : memref<128x128xf32, #tpu.memory_space<hbm>>) dst(%arg9 : memref<128x128xf32, #tpu.memory_space<vmem>>)
        "tpu.region"() ({
          %run_scoped3A_197 = tpu.sem_alloc : memref<!tpu.dma_semaphore, #tpu.memory_space<semaphore_mem>>
          %dma_start3A_198 = arith.constant 0 : i32
          %dma_start3A_199 = tpu.memref_slice %arg8[%add3A_164, %dma_start3A_198] : memref<40x128xi32, #tpu.memory_space<vmem>> -> memref<1x128xi32, #tpu.memory_space<vmem>>
          %dma_start3A_200 = tpu.memref_squeeze %dma_start3A_199 : memref<1x128xi32, #tpu.memory_space<vmem>> -> memref<128xi32, #tpu.memory_space<vmem>>
          %dma_start3A_201 = arith.constant 0 : i32
          %dma_start3A_202 = arith.constant 0 : i32
          %dma_start3A_203 = tpu.memref_slice %arg11[%dma_start3A_201, %dma_start3A_202] : memref<10112x128xf32, #tpu.memory_space<vmem_shared>> -> memref<10112x128xf32, #tpu.memory_space<vmem_shared>>
          tpu.enqueue_indirect_dma source(%arg9 : memref<128x128xf32, #tpu.memory_space<vmem>>) target(%dma_start3A_203 : memref<10112x128xf32, #tpu.memory_space<vmem_shared>>) offsets(%dma_start3A_200 : memref<128xi32, #tpu.memory_space<vmem>>) semaphore(%run_scoped3A_197 : memref<!tpu.dma_semaphore, #tpu.memory_space<semaphore_mem>>) {add = true}
          %dma_wait3A_204 = arith.constant 0 : i32
          %dma_wait3A_205 = tpu.memref_slice %arg8[%add3A_164, %dma_wait3A_204] : memref<40x128xi32, #tpu.memory_space<vmem>> -> memref<1x128xi32, #tpu.memory_space<vmem>>
          %dma_wait3A_206 = tpu.memref_squeeze %dma_wait3A_205 : memref<1x128xi32, #tpu.memory_space<vmem>> -> memref<128xi32, #tpu.memory_space<vmem>>
          %dma_wait3A_207 = arith.constant 0 : i32
          %dma_wait3A_208 = arith.constant 0 : i32
          %dma_wait3A_209 = tpu.memref_slice %arg11[%dma_wait3A_207, %dma_wait3A_208] : memref<10112x128xf32, #tpu.memory_space<vmem_shared>> -> memref<10112x128xf32, #tpu.memory_space<vmem_shared>>
          tpu.wait_indirect_dma semaphore(%run_scoped3A_197 : memref<!tpu.dma_semaphore, #tpu.memory_space<semaphore_mem>>) src(%arg9 : memref<128x128xf32, #tpu.memory_space<vmem>>) dst(%dma_wait3A_209 : memref<10112x128xf32, #tpu.memory_space<vmem_shared>>)
          tpu.yield
        }) : () -> ()
        %add3A_171 = arith.constant 2 : i32
        %add3A_172 = arith.addi %add3A_164, %add3A_171 : i32
        %dma_start3A_173 = arith.constant 0 : i32
        %dma_start3A_174 = tpu.memref_slice %arg7[%add3A_172, %dma_start3A_173] : memref<40x128xi32, #tpu.memory_space<vmem>> -> memref<1x128xi32, #tpu.memory_space<vmem>>
        %dma_start3A_175 = tpu.memref_squeeze %dma_start3A_174 : memref<1x128xi32, #tpu.memory_space<vmem>> -> memref<128xi32, #tpu.memory_space<vmem>>
        %dma_start3A_176 = arith.constant 0 : i32
        %dma_start3A_177 = arith.constant 0 : i32
        %dma_start3A_178 = tpu.memref_slice %arg2[%dma_start3A_176, %dma_start3A_177] : memref<10000x128xf32, #tpu.memory_space<hbm>> -> memref<10000x128xf32, #tpu.memory_space<hbm>>
        tpu.enqueue_indirect_dma source(%dma_start3A_178 : memref<10000x128xf32, #tpu.memory_space<hbm>>) target(%arg9 : memref<128x128xf32, #tpu.memory_space<vmem>>) offsets(%dma_start3A_175 : memref<128xi32, #tpu.memory_space<vmem>>) semaphore(%arg12 : memref<!tpu.dma_semaphore, #tpu.memory_space<semaphore_mem>>)
        %mul3A_179 = arith.constant 2 : i32
        %mul3A_180 = arith.muli %mul3A_179, %scan3A_160 : i32
        %add3A_181 = arith.constant 1 : i32
        %add3A_182 = arith.addi %mul3A_180, %add3A_181 : i32
        %dma_wait3A_183 = arith.constant 0 : i32
        %dma_wait3A_184 = arith.constant 0 : i32
        %dma_wait3A_185 = tpu.memref_slice %arg2[%dma_wait3A_183, %dma_wait3A_184] : memref<10000x128xf32, #tpu.memory_space<hbm>> -> memref<128x128xf32, #tpu.memory_space<hbm>>
        %dma_wait3A_186 = arith.constant 0 : i32
        %dma_wait3A_187 = arith.constant 0 : i32
        %dma_wait3A_188 = tpu.memref_slice %arg2[%dma_wait3A_186, %dma_wait3A_187] : memref<10000x128xf32, #tpu.memory_space<hbm>> -> memref<128x128xf32, #tpu.memory_space<hbm>>
        tpu.wait_dma2 semaphore(%arg13 : memref<!tpu.dma_semaphore, #tpu.memory_space<semaphore_mem>>) src(%dma_wait3A_188 : memref<128x128xf32, #tpu.memory_space<hbm>>) dst(%arg10 : memref<128x128xf32, #tpu.memory_space<vmem>>)
        "tpu.region"() ({
          %run_scoped3A_197 = tpu.sem_alloc : memref<!tpu.dma_semaphore, #tpu.memory_space<semaphore_mem>>
          %dma_start3A_198 = arith.constant 0 : i32
          %dma_start3A_199 = tpu.memref_slice %arg8[%add3A_182, %dma_start3A_198] : memref<40x128xi32, #tpu.memory_space<vmem>> -> memref<1x128xi32, #tpu.memory_space<vmem>>
          %dma_start3A_200 = tpu.memref_squeeze %dma_start3A_199 : memref<1x128xi32, #tpu.memory_space<vmem>> -> memref<128xi32, #tpu.memory_space<vmem>>
          %dma_start3A_201 = arith.constant 0 : i32
          %dma_start3A_202 = arith.constant 0 : i32
          %dma_start3A_203 = tpu.memref_slice %arg11[%dma_start3A_201, %dma_start3A_202] : memref<10112x128xf32, #tpu.memory_space<vmem_shared>> -> memref<10112x128xf32, #tpu.memory_space<vmem_shared>>
          tpu.enqueue_indirect_dma source(%arg10 : memref<128x128xf32, #tpu.memory_space<vmem>>) target(%dma_start3A_203 : memref<10112x128xf32, #tpu.memory_space<vmem_shared>>) offsets(%dma_start3A_200 : memref<128xi32, #tpu.memory_space<vmem>>) semaphore(%run_scoped3A_197 : memref<!tpu.dma_semaphore, #tpu.memory_space<semaphore_mem>>) {add = true}
          %dma_wait3A_204 = arith.constant 0 : i32
          %dma_wait3A_205 = tpu.memref_slice %arg8[%add3A_182, %dma_wait3A_204] : memref<40x128xi32, #tpu.memory_space<vmem>> -> memref<1x128xi32, #tpu.memory_space<vmem>>
          %dma_wait3A_206 = tpu.memref_squeeze %dma_wait3A_205 : memref<1x128xi32, #tpu.memory_space<vmem>> -> memref<128xi32, #tpu.memory_space<vmem>>
          %dma_wait3A_207 = arith.constant 0 : i32
          %dma_wait3A_208 = arith.constant 0 : i32
          %dma_wait3A_209 = tpu.memref_slice %arg11[%dma_wait3A_207, %dma_wait3A_208] : memref<10112x128xf32, #tpu.memory_space<vmem_shared>> -> memref<10112x128xf32, #tpu.memory_space<vmem_shared>>
          tpu.wait_indirect_dma semaphore(%run_scoped3A_197 : memref<!tpu.dma_semaphore, #tpu.memory_space<semaphore_mem>>) src(%arg10 : memref<128x128xf32, #tpu.memory_space<vmem>>) dst(%dma_wait3A_209 : memref<10112x128xf32, #tpu.memory_space<vmem_shared>>)
          tpu.yield
        }) : () -> ()
        %add3A_189 = arith.constant 2 : i32
        %add3A_190 = arith.addi %add3A_182, %add3A_189 : i32
        %dma_start3A_191 = arith.constant 0 : i32
        %dma_start3A_192 = tpu.memref_slice %arg7[%add3A_190, %dma_start3A_191] : memref<40x128xi32, #tpu.memory_space<vmem>> -> memref<1x128xi32, #tpu.memory_space<vmem>>
        %dma_start3A_193 = tpu.memref_squeeze %dma_start3A_192 : memref<1x128xi32, #tpu.memory_space<vmem>> -> memref<128xi32, #tpu.memory_space<vmem>>
        %dma_start3A_194 = arith.constant 0 : i32
        %dma_start3A_195 = arith.constant 0 : i32
        %dma_start3A_196 = tpu.memref_slice %arg2[%dma_start3A_194, %dma_start3A_195] : memref<10000x128xf32, #tpu.memory_space<hbm>> -> memref<10000x128xf32, #tpu.memory_space<hbm>>
        tpu.enqueue_indirect_dma source(%dma_start3A_196 : memref<10000x128xf32, #tpu.memory_space<hbm>>) target(%arg10 : memref<128x128xf32, #tpu.memory_space<vmem>>) offsets(%dma_start3A_193 : memref<128xi32, #tpu.memory_space<vmem>>) semaphore(%arg13 : memref<!tpu.dma_semaphore, #tpu.memory_space<semaphore_mem>>)
      }
      %scan3A_33 = arith.constant 19 : i32
      %dma_wait3A = arith.constant 0 : i32
      %dma_wait3A_34 = arith.constant 0 : i32
      %dma_wait3A_35 = tpu.memref_slice %arg2[%dma_wait3A, %dma_wait3A_34] : memref<10000x128xf32, #tpu.memory_space<hbm>> -> memref<128x128xf32, #tpu.memory_space<hbm>>
      %dma_wait3A_36 = arith.constant 0 : i32
      %dma_wait3A_37 = arith.constant 0 : i32
      %dma_wait3A_38 = tpu.memref_slice %arg2[%dma_wait3A_36, %dma_wait3A_37] : memref<10000x128xf32, #tpu.memory_space<hbm>> -> memref<128x128xf32, #tpu.memory_space<hbm>>
      tpu.wait_dma2 semaphore(%arg12 : memref<!tpu.dma_semaphore, #tpu.memory_space<semaphore_mem>>) src(%dma_wait3A_38 : memref<128x128xf32, #tpu.memory_space<hbm>>) dst(%arg9 : memref<128x128xf32, #tpu.memory_space<vmem>>)
      %run_scoped3A = arith.constant 38 : i32
      "tpu.region"() ({
        %run_scoped3A_160 = tpu.sem_alloc : memref<!tpu.dma_semaphore, #tpu.memory_space<semaphore_mem>>
        %dma_start3A_161 = arith.constant 0 : i32
        %dma_start3A_162 = tpu.memref_slice %arg8[%run_scoped3A, %dma_start3A_161] : memref<40x128xi32, #tpu.memory_space<vmem>> -> memref<1x128xi32, #tpu.memory_space<vmem>>
        %dma_start3A_163 = tpu.memref_squeeze %dma_start3A_162 : memref<1x128xi32, #tpu.memory_space<vmem>> -> memref<128xi32, #tpu.memory_space<vmem>>
        %dma_start3A_164 = arith.constant 0 : i32
        %dma_start3A_165 = arith.constant 0 : i32
        %dma_start3A_166 = tpu.memref_slice %arg11[%dma_start3A_164, %dma_start3A_165] : memref<10112x128xf32, #tpu.memory_space<vmem_shared>> -> memref<10112x128xf32, #tpu.memory_space<vmem_shared>>
        tpu.enqueue_indirect_dma source(%arg9 : memref<128x128xf32, #tpu.memory_space<vmem>>) target(%dma_start3A_166 : memref<10112x128xf32, #tpu.memory_space<vmem_shared>>) offsets(%dma_start3A_163 : memref<128xi32, #tpu.memory_space<vmem>>) semaphore(%run_scoped3A_160 : memref<!tpu.dma_semaphore, #tpu.memory_space<semaphore_mem>>) {add = true}
        %dma_wait3A_167 = arith.constant 0 : i32
        %dma_wait3A_168 = tpu.memref_slice %arg8[%run_scoped3A, %dma_wait3A_167] : memref<40x128xi32, #tpu.memory_space<vmem>> -> memref<1x128xi32, #tpu.memory_space<vmem>>
        %dma_wait3A_169 = tpu.memref_squeeze %dma_wait3A_168 : memref<1x128xi32, #tpu.memory_space<vmem>> -> memref<128xi32, #tpu.memory_space<vmem>>
        %dma_wait3A_170 = arith.constant 0 : i32
        %dma_wait3A_171 = arith.constant 0 : i32
        %dma_wait3A_172 = tpu.memref_slice %arg11[%dma_wait3A_170, %dma_wait3A_171] : memref<10112x128xf32, #tpu.memory_space<vmem_shared>> -> memref<10112x128xf32, #tpu.memory_space<vmem_shared>>
        tpu.wait_indirect_dma semaphore(%run_scoped3A_160 : memref<!tpu.dma_semaphore, #tpu.memory_space<semaphore_mem>>) src(%arg9 : memref<128x128xf32, #tpu.memory_space<vmem>>) dst(%dma_wait3A_172 : memref<10112x128xf32, #tpu.memory_space<vmem_shared>>)
        tpu.yield
      }) : () -> ()
      %dma_wait3A_39 = arith.constant 0 : i32
      %dma_wait3A_40 = arith.constant 0 : i32
      %dma_wait3A_41 = tpu.memref_slice %arg2[%dma_wait3A_39, %dma_wait3A_40] : memref<10000x128xf32, #tpu.memory_space<hbm>> -> memref<128x128xf32, #tpu.memory_space<hbm>>
      %dma_wait3A_42 = arith.constant 0 : i32
      %dma_wait3A_43 = arith.constant 0 : i32
      %dma_wait3A_44 = tpu.memref_slice %arg2[%dma_wait3A_42, %dma_wait3A_43] : memref<10000x128xf32, #tpu.memory_space<hbm>> -> memref<128x128xf32, #tpu.memory_space<hbm>>
      tpu.wait_dma2 semaphore(%arg13 : memref<!tpu.dma_semaphore, #tpu.memory_space<semaphore_mem>>) src(%dma_wait3A_44 : memref<128x128xf32, #tpu.memory_space<hbm>>) dst(%arg10 : memref<128x128xf32, #tpu.memory_space<vmem>>)
      %run_scoped3A_45 = arith.constant 39 : i32
      "tpu.region"() ({
        %run_scoped3A_160 = tpu.sem_alloc : memref<!tpu.dma_semaphore, #tpu.memory_space<semaphore_mem>>
        %dma_start3A_161 = arith.constant 0 : i32
        %dma_start3A_162 = tpu.memref_slice %arg8[%run_scoped3A_45, %dma_start3A_161] : memref<40x128xi32, #tpu.memory_space<vmem>> -> memref<1x128xi32, #tpu.memory_space<vmem>>
        %dma_start3A_163 = tpu.memref_squeeze %dma_start3A_162 : memref<1x128xi32, #tpu.memory_space<vmem>> -> memref<128xi32, #tpu.memory_space<vmem>>
        %dma_start3A_164 = arith.constant 0 : i32
        %dma_start3A_165 = arith.constant 0 : i32
        %dma_start3A_166 = tpu.memref_slice %arg11[%dma_start3A_164, %dma_start3A_165] : memref<10112x128xf32, #tpu.memory_space<vmem_shared>> -> memref<10112x128xf32, #tpu.memory_space<vmem_shared>>
        tpu.enqueue_indirect_dma source(%arg10 : memref<128x128xf32, #tpu.memory_space<vmem>>) target(%dma_start3A_166 : memref<10112x128xf32, #tpu.memory_space<vmem_shared>>) offsets(%dma_start3A_163 : memref<128xi32, #tpu.memory_space<vmem>>) semaphore(%run_scoped3A_160 : memref<!tpu.dma_semaphore, #tpu.memory_space<semaphore_mem>>) {add = true}
        %dma_wait3A_167 = arith.constant 0 : i32
        %dma_wait3A_168 = tpu.memref_slice %arg8[%run_scoped3A_45, %dma_wait3A_167] : memref<40x128xi32, #tpu.memory_space<vmem>> -> memref<1x128xi32, #tpu.memory_space<vmem>>
        %dma_wait3A_169 = tpu.memref_squeeze %dma_wait3A_168 : memref<1x128xi32, #tpu.memory_space<vmem>> -> memref<128xi32, #tpu.memory_space<vmem>>
        %dma_wait3A_170 = arith.constant 0 : i32
        %dma_wait3A_171 = arith.constant 0 : i32
        %dma_wait3A_172 = tpu.memref_slice %arg11[%dma_wait3A_170, %dma_wait3A_171] : memref<10112x128xf32, #tpu.memory_space<vmem_shared>> -> memref<10112x128xf32, #tpu.memory_space<vmem_shared>>
        tpu.wait_indirect_dma semaphore(%run_scoped3A_160 : memref<!tpu.dma_semaphore, #tpu.memory_space<semaphore_mem>>) src(%arg10 : memref<128x128xf32, #tpu.memory_space<vmem>>) dst(%dma_wait3A_172 : memref<10112x128xf32, #tpu.memory_space<vmem_shared>>)
        tpu.yield
      }) : () -> ()
      %mul3A_46 = arith.constant 152 : i32
      %mul3A_47 = arith.muli %arg1, %mul3A_46 : i32
      %add3A_48 = arith.constant 40 : i32
      %add3A_49 = arith.addi %mul3A_47, %add3A_48 : i32
      "tpu.region"() ({
        %run_scoped3A_160 = tpu.sem_alloc : memref<!tpu.dma_semaphore, #tpu.memory_space<semaphore_mem>>
        %dma_start3A_161 = arith.constant 0 : i32
        %dma_start3A_162 = arith.constant 0 : i32
        %dma_start3A_163 = tpu.memref_slice %arg7[%dma_start3A_161, %dma_start3A_162] : memref<40x128xi32, #tpu.memory_space<vmem>> -> memref<40x128xi32, #tpu.memory_space<vmem>>
        %dma_start3A_164 = arith.constant 0 : i32
        %dma_start3A_165 = tpu.memref_slice %arg3[%add3A_49, %dma_start3A_164] : memref<2560x128xi32, #tpu.memory_space<hbm>> -> memref<40x128xi32, #tpu.memory_space<hbm>>
        %dma_start3A_166 = arith.constant 0 : i32
        %dma_start3A_167 = arith.constant 0 : i32
        %dma_start3A_168 = tpu.memref_slice %arg7[%dma_start3A_166, %dma_start3A_167] : memref<40x128xi32, #tpu.memory_space<vmem>> -> memref<40x128xi32, #tpu.memory_space<vmem>>
        %dma_start3A_169 = arith.constant 0 : i32
        %dma_start3A_170 = tpu.memref_slice %arg3[%add3A_49, %dma_start3A_169] : memref<2560x128xi32, #tpu.memory_space<hbm>> -> memref<40x128xi32, #tpu.memory_space<hbm>>
        tpu.enqueue_dma source(%dma_start3A_170 : memref<40x128xi32, #tpu.memory_space<hbm>>) target(%dma_start3A_168 : memref<40x128xi32, #tpu.memory_space<vmem>>) target_semaphore(%run_scoped3A_160 : memref<!tpu.dma_semaphore, #tpu.memory_space<semaphore_mem>>)
        %dma_wait3A_171 = arith.constant 0 : i32
        %dma_wait3A_172 = arith.constant 0 : i32
        %dma_wait3A_173 = tpu.memref_slice %arg7[%dma_wait3A_171, %dma_wait3A_172] : memref<40x128xi32, #tpu.memory_space<vmem>> -> memref<40x128xi32, #tpu.memory_space<vmem>>
        %dma_wait3A_174 = arith.constant 0 : i32
        %dma_wait3A_175 = tpu.memref_slice %arg3[%add3A_49, %dma_wait3A_174] : memref<2560x128xi32, #tpu.memory_space<hbm>> -> memref<40x128xi32, #tpu.memory_space<hbm>>
        %dma_wait3A_176 = arith.constant 0 : i32
        %dma_wait3A_177 = arith.constant 0 : i32
        %dma_wait3A_178 = tpu.memref_slice %arg7[%dma_wait3A_176, %dma_wait3A_177] : memref<40x128xi32, #tpu.memory_space<vmem>> -> memref<40x128xi32, #tpu.memory_space<vmem>>
        %dma_wait3A_179 = arith.constant 0 : i32
        %dma_wait3A_180 = tpu.memref_slice %arg3[%add3A_49, %dma_wait3A_179] : memref<2560x128xi32, #tpu.memory_space<hbm>> -> memref<40x128xi32, #tpu.memory_space<hbm>>
        tpu.wait_dma2 semaphore(%run_scoped3A_160 : memref<!tpu.dma_semaphore, #tpu.memory_space<semaphore_mem>>) src(%dma_wait3A_180 : memref<40x128xi32, #tpu.memory_space<hbm>>) dst(%dma_wait3A_178 : memref<40x128xi32, #tpu.memory_space<vmem>>)
        tpu.yield
      }) : () -> ()
      "tpu.region"() ({
        %run_scoped3A_160 = tpu.sem_alloc : memref<!tpu.dma_semaphore, #tpu.memory_space<semaphore_mem>>
        %dma_start3A_161 = arith.constant 0 : i32
        %dma_start3A_162 = arith.constant 0 : i32
        %dma_start3A_163 = tpu.memref_slice %arg8[%dma_start3A_161, %dma_start3A_162] : memref<40x128xi32, #tpu.memory_space<vmem>> -> memref<40x128xi32, #tpu.memory_space<vmem>>
        %dma_start3A_164 = arith.constant 0 : i32
        %dma_start3A_165 = tpu.memref_slice %arg4[%add3A_49, %dma_start3A_164] : memref<2560x128xi32, #tpu.memory_space<hbm>> -> memref<40x128xi32, #tpu.memory_space<hbm>>
        %dma_start3A_166 = arith.constant 0 : i32
        %dma_start3A_167 = arith.constant 0 : i32
        %dma_start3A_168 = tpu.memref_slice %arg8[%dma_start3A_166, %dma_start3A_167] : memref<40x128xi32, #tpu.memory_space<vmem>> -> memref<40x128xi32, #tpu.memory_space<vmem>>
        %dma_start3A_169 = arith.constant 0 : i32
        %dma_start3A_170 = tpu.memref_slice %arg4[%add3A_49, %dma_start3A_169] : memref<2560x128xi32, #tpu.memory_space<hbm>> -> memref<40x128xi32, #tpu.memory_space<hbm>>
        tpu.enqueue_dma source(%dma_start3A_170 : memref<40x128xi32, #tpu.memory_space<hbm>>) target(%dma_start3A_168 : memref<40x128xi32, #tpu.memory_space<vmem>>) target_semaphore(%run_scoped3A_160 : memref<!tpu.dma_semaphore, #tpu.memory_space<semaphore_mem>>)
        %dma_wait3A_171 = arith.constant 0 : i32
        %dma_wait3A_172 = arith.constant 0 : i32
        %dma_wait3A_173 = tpu.memref_slice %arg8[%dma_wait3A_171, %dma_wait3A_172] : memref<40x128xi32, #tpu.memory_space<vmem>> -> memref<40x128xi32, #tpu.memory_space<vmem>>
        %dma_wait3A_174 = arith.constant 0 : i32
        %dma_wait3A_175 = tpu.memref_slice %arg4[%add3A_49, %dma_wait3A_174] : memref<2560x128xi32, #tpu.memory_space<hbm>> -> memref<40x128xi32, #tpu.memory_space<hbm>>
        %dma_wait3A_176 = arith.constant 0 : i32
        %dma_wait3A_177 = arith.constant 0 : i32
        %dma_wait3A_178 = tpu.memref_slice %arg8[%dma_wait3A_176, %dma_wait3A_177] : memref<40x128xi32, #tpu.memory_space<vmem>> -> memref<40x128xi32, #tpu.memory_space<vmem>>
        %dma_wait3A_179 = arith.constant 0 : i32
        %dma_wait3A_180 = tpu.memref_slice %arg4[%add3A_49, %dma_wait3A_179] : memref<2560x128xi32, #tpu.memory_space<hbm>> -> memref<40x128xi32, #tpu.memory_space<hbm>>
        tpu.wait_dma2 semaphore(%run_scoped3A_160 : memref<!tpu.dma_semaphore, #tpu.memory_space<semaphore_mem>>) src(%dma_wait3A_180 : memref<40x128xi32, #tpu.memory_space<hbm>>) dst(%dma_wait3A_178 : memref<40x128xi32, #tpu.memory_space<vmem>>)
        tpu.yield
      }) : () -> ()
      %dma_start3A_50 = arith.constant 0 : i32
      %dma_start3A_51 = arith.constant 0 : i32
      %dma_start3A_52 = tpu.memref_slice %arg7[%dma_start3A_50, %dma_start3A_51] : memref<40x128xi32, #tpu.memory_space<vmem>> -> memref<1x128xi32, #tpu.memory_space<vmem>>
      %dma_start3A_53 = tpu.memref_squeeze %dma_start3A_52 : memref<1x128xi32, #tpu.memory_space<vmem>> -> memref<128xi32, #tpu.memory_space<vmem>>
      %dma_start3A_54 = arith.constant 0 : i32
      %dma_start3A_55 = arith.constant 0 : i32
      %dma_start3A_56 = tpu.memref_slice %arg2[%dma_start3A_54, %dma_start3A_55] : memref<10000x128xf32, #tpu.memory_space<hbm>> -> memref<10000x128xf32, #tpu.memory_space<hbm>>
      tpu.enqueue_indirect_dma source(%dma_start3A_56 : memref<10000x128xf32, #tpu.memory_space<hbm>>) target(%arg9 : memref<128x128xf32, #tpu.memory_space<vmem>>) offsets(%dma_start3A_53 : memref<128xi32, #tpu.memory_space<vmem>>) semaphore(%arg12 : memref<!tpu.dma_semaphore, #tpu.memory_space<semaphore_mem>>)
      %dma_start3A_57 = arith.constant 1 : i32
      %dma_start3A_58 = arith.constant 0 : i32
      %dma_start3A_59 = tpu.memref_slice %arg7[%dma_start3A_57, %dma_start3A_58] : memref<40x128xi32, #tpu.memory_space<vmem>> -> memref<1x128xi32, #tpu.memory_space<vmem>>
      %dma_start3A_60 = tpu.memref_squeeze %dma_start3A_59 : memref<1x128xi32, #tpu.memory_space<vmem>> -> memref<128xi32, #tpu.memory_space<vmem>>
      %dma_start3A_61 = arith.constant 0 : i32
      %dma_start3A_62 = arith.constant 0 : i32
      %dma_start3A_63 = tpu.memref_slice %arg2[%dma_start3A_61, %dma_start3A_62] : memref<10000x128xf32, #tpu.memory_space<hbm>> -> memref<10000x128xf32, #tpu.memory_space<hbm>>
      tpu.enqueue_indirect_dma source(%dma_start3A_63 : memref<10000x128xf32, #tpu.memory_space<hbm>>) target(%arg10 : memref<128x128xf32, #tpu.memory_space<vmem>>) offsets(%dma_start3A_60 : memref<128xi32, #tpu.memory_space<vmem>>) semaphore(%arg13 : memref<!tpu.dma_semaphore, #tpu.memory_space<semaphore_mem>>)
      %scan3A_64 = arith.constant 0 : i32
      %scan3A_65 = arith.constant 0 : i32
      %scan3A_66 = arith.constant 19 : i32
      %scan3A_67 = arith.addi %scan3A_65, %scan3A_66 : i32
      %scan3A_68 = arith.constant 1 : i32
      scf.for %scan3A_160 = %scan3A_65 to %scan3A_67 step %scan3A_68  : i32 {
        %mul3A_161 = arith.constant 2 : i32
        %mul3A_162 = arith.muli %mul3A_161, %scan3A_160 : i32
        %add3A_163 = arith.constant 0 : i32
        %add3A_164 = arith.addi %mul3A_162, %add3A_163 : i32
        %dma_wait3A_165 = arith.constant 0 : i32
        %dma_wait3A_166 = arith.constant 0 : i32
        %dma_wait3A_167 = tpu.memref_slice %arg2[%dma_wait3A_165, %dma_wait3A_166] : memref<10000x128xf32, #tpu.memory_space<hbm>> -> memref<128x128xf32, #tpu.memory_space<hbm>>
        %dma_wait3A_168 = arith.constant 0 : i32
        %dma_wait3A_169 = arith.constant 0 : i32
        %dma_wait3A_170 = tpu.memref_slice %arg2[%dma_wait3A_168, %dma_wait3A_169] : memref<10000x128xf32, #tpu.memory_space<hbm>> -> memref<128x128xf32, #tpu.memory_space<hbm>>
        tpu.wait_dma2 semaphore(%arg12 : memref<!tpu.dma_semaphore, #tpu.memory_space<semaphore_mem>>) src(%dma_wait3A_170 : memref<128x128xf32, #tpu.memory_space<hbm>>) dst(%arg9 : memref<128x128xf32, #tpu.memory_space<vmem>>)
        "tpu.region"() ({
          %run_scoped3A_197 = tpu.sem_alloc : memref<!tpu.dma_semaphore, #tpu.memory_space<semaphore_mem>>
          %dma_start3A_198 = arith.constant 0 : i32
          %dma_start3A_199 = tpu.memref_slice %arg8[%add3A_164, %dma_start3A_198] : memref<40x128xi32, #tpu.memory_space<vmem>> -> memref<1x128xi32, #tpu.memory_space<vmem>>
          %dma_start3A_200 = tpu.memref_squeeze %dma_start3A_199 : memref<1x128xi32, #tpu.memory_space<vmem>> -> memref<128xi32, #tpu.memory_space<vmem>>
          %dma_start3A_201 = arith.constant 0 : i32
          %dma_start3A_202 = arith.constant 0 : i32
          %dma_start3A_203 = tpu.memref_slice %arg11[%dma_start3A_201, %dma_start3A_202] : memref<10112x128xf32, #tpu.memory_space<vmem_shared>> -> memref<10112x128xf32, #tpu.memory_space<vmem_shared>>
          tpu.enqueue_indirect_dma source(%arg9 : memref<128x128xf32, #tpu.memory_space<vmem>>) target(%dma_start3A_203 : memref<10112x128xf32, #tpu.memory_space<vmem_shared>>) offsets(%dma_start3A_200 : memref<128xi32, #tpu.memory_space<vmem>>) semaphore(%run_scoped3A_197 : memref<!tpu.dma_semaphore, #tpu.memory_space<semaphore_mem>>) {add = true}
          %dma_wait3A_204 = arith.constant 0 : i32
          %dma_wait3A_205 = tpu.memref_slice %arg8[%add3A_164, %dma_wait3A_204] : memref<40x128xi32, #tpu.memory_space<vmem>> -> memref<1x128xi32, #tpu.memory_space<vmem>>
          %dma_wait3A_206 = tpu.memref_squeeze %dma_wait3A_205 : memref<1x128xi32, #tpu.memory_space<vmem>> -> memref<128xi32, #tpu.memory_space<vmem>>
          %dma_wait3A_207 = arith.constant 0 : i32
          %dma_wait3A_208 = arith.constant 0 : i32
          %dma_wait3A_209 = tpu.memref_slice %arg11[%dma_wait3A_207, %dma_wait3A_208] : memref<10112x128xf32, #tpu.memory_space<vmem_shared>> -> memref<10112x128xf32, #tpu.memory_space<vmem_shared>>
          tpu.wait_indirect_dma semaphore(%run_scoped3A_197 : memref<!tpu.dma_semaphore, #tpu.memory_space<semaphore_mem>>) src(%arg9 : memref<128x128xf32, #tpu.memory_space<vmem>>) dst(%dma_wait3A_209 : memref<10112x128xf32, #tpu.memory_space<vmem_shared>>)
          tpu.yield
        }) : () -> ()
        %add3A_171 = arith.constant 2 : i32
        %add3A_172 = arith.addi %add3A_164, %add3A_171 : i32
        %dma_start3A_173 = arith.constant 0 : i32
        %dma_start3A_174 = tpu.memref_slice %arg7[%add3A_172, %dma_start3A_173] : memref<40x128xi32, #tpu.memory_space<vmem>> -> memref<1x128xi32, #tpu.memory_space<vmem>>
        %dma_start3A_175 = tpu.memref_squeeze %dma_start3A_174 : memref<1x128xi32, #tpu.memory_space<vmem>> -> memref<128xi32, #tpu.memory_space<vmem>>
        %dma_start3A_176 = arith.constant 0 : i32
        %dma_start3A_177 = arith.constant 0 : i32
        %dma_start3A_178 = tpu.memref_slice %arg2[%dma_start3A_176, %dma_start3A_177] : memref<10000x128xf32, #tpu.memory_space<hbm>> -> memref<10000x128xf32, #tpu.memory_space<hbm>>
        tpu.enqueue_indirect_dma source(%dma_start3A_178 : memref<10000x128xf32, #tpu.memory_space<hbm>>) target(%arg9 : memref<128x128xf32, #tpu.memory_space<vmem>>) offsets(%dma_start3A_175 : memref<128xi32, #tpu.memory_space<vmem>>) semaphore(%arg12 : memref<!tpu.dma_semaphore, #tpu.memory_space<semaphore_mem>>)
        %mul3A_179 = arith.constant 2 : i32
        %mul3A_180 = arith.muli %mul3A_179, %scan3A_160 : i32
        %add3A_181 = arith.constant 1 : i32
        %add3A_182 = arith.addi %mul3A_180, %add3A_181 : i32
        %dma_wait3A_183 = arith.constant 0 : i32
        %dma_wait3A_184 = arith.constant 0 : i32
        %dma_wait3A_185 = tpu.memref_slice %arg2[%dma_wait3A_183, %dma_wait3A_184] : memref<10000x128xf32, #tpu.memory_space<hbm>> -> memref<128x128xf32, #tpu.memory_space<hbm>>
        %dma_wait3A_186 = arith.constant 0 : i32
        %dma_wait3A_187 = arith.constant 0 : i32
        %dma_wait3A_188 = tpu.memref_slice %arg2[%dma_wait3A_186, %dma_wait3A_187] : memref<10000x128xf32, #tpu.memory_space<hbm>> -> memref<128x128xf32, #tpu.memory_space<hbm>>
        tpu.wait_dma2 semaphore(%arg13 : memref<!tpu.dma_semaphore, #tpu.memory_space<semaphore_mem>>) src(%dma_wait3A_188 : memref<128x128xf32, #tpu.memory_space<hbm>>) dst(%arg10 : memref<128x128xf32, #tpu.memory_space<vmem>>)
        "tpu.region"() ({
          %run_scoped3A_197 = tpu.sem_alloc : memref<!tpu.dma_semaphore, #tpu.memory_space<semaphore_mem>>
          %dma_start3A_198 = arith.constant 0 : i32
          %dma_start3A_199 = tpu.memref_slice %arg8[%add3A_182, %dma_start3A_198] : memref<40x128xi32, #tpu.memory_space<vmem>> -> memref<1x128xi32, #tpu.memory_space<vmem>>
          %dma_start3A_200 = tpu.memref_squeeze %dma_start3A_199 : memref<1x128xi32, #tpu.memory_space<vmem>> -> memref<128xi32, #tpu.memory_space<vmem>>
          %dma_start3A_201 = arith.constant 0 : i32
          %dma_start3A_202 = arith.constant 0 : i32
          %dma_start3A_203 = tpu.memref_slice %arg11[%dma_start3A_201, %dma_start3A_202] : memref<10112x128xf32, #tpu.memory_space<vmem_shared>> -> memref<10112x128xf32, #tpu.memory_space<vmem_shared>>
          tpu.enqueue_indirect_dma source(%arg10 : memref<128x128xf32, #tpu.memory_space<vmem>>) target(%dma_start3A_203 : memref<10112x128xf32, #tpu.memory_space<vmem_shared>>) offsets(%dma_start3A_200 : memref<128xi32, #tpu.memory_space<vmem>>) semaphore(%run_scoped3A_197 : memref<!tpu.dma_semaphore, #tpu.memory_space<semaphore_mem>>) {add = true}
          %dma_wait3A_204 = arith.constant 0 : i32
          %dma_wait3A_205 = tpu.memref_slice %arg8[%add3A_182, %dma_wait3A_204] : memref<40x128xi32, #tpu.memory_space<vmem>> -> memref<1x128xi32, #tpu.memory_space<vmem>>
          %dma_wait3A_206 = tpu.memref_squeeze %dma_wait3A_205 : memref<1x128xi32, #tpu.memory_space<vmem>> -> memref<128xi32, #tpu.memory_space<vmem>>
          %dma_wait3A_207 = arith.constant 0 : i32
          %dma_wait3A_208 = arith.constant 0 : i32
          %dma_wait3A_209 = tpu.memref_slice %arg11[%dma_wait3A_207, %dma_wait3A_208] : memref<10112x128xf32, #tpu.memory_space<vmem_shared>> -> memref<10112x128xf32, #tpu.memory_space<vmem_shared>>
          tpu.wait_indirect_dma semaphore(%run_scoped3A_197 : memref<!tpu.dma_semaphore, #tpu.memory_space<semaphore_mem>>) src(%arg10 : memref<128x128xf32, #tpu.memory_space<vmem>>) dst(%dma_wait3A_209 : memref<10112x128xf32, #tpu.memory_space<vmem_shared>>)
          tpu.yield
        }) : () -> ()
        %add3A_189 = arith.constant 2 : i32
        %add3A_190 = arith.addi %add3A_182, %add3A_189 : i32
        %dma_start3A_191 = arith.constant 0 : i32
        %dma_start3A_192 = tpu.memref_slice %arg7[%add3A_190, %dma_start3A_191] : memref<40x128xi32, #tpu.memory_space<vmem>> -> memref<1x128xi32, #tpu.memory_space<vmem>>
        %dma_start3A_193 = tpu.memref_squeeze %dma_start3A_192 : memref<1x128xi32, #tpu.memory_space<vmem>> -> memref<128xi32, #tpu.memory_space<vmem>>
        %dma_start3A_194 = arith.constant 0 : i32
        %dma_start3A_195 = arith.constant 0 : i32
        %dma_start3A_196 = tpu.memref_slice %arg2[%dma_start3A_194, %dma_start3A_195] : memref<10000x128xf32, #tpu.memory_space<hbm>> -> memref<10000x128xf32, #tpu.memory_space<hbm>>
        tpu.enqueue_indirect_dma source(%dma_start3A_196 : memref<10000x128xf32, #tpu.memory_space<hbm>>) target(%arg10 : memref<128x128xf32, #tpu.memory_space<vmem>>) offsets(%dma_start3A_193 : memref<128xi32, #tpu.memory_space<vmem>>) semaphore(%arg13 : memref<!tpu.dma_semaphore, #tpu.memory_space<semaphore_mem>>)
      }
      %scan3A_69 = arith.constant 19 : i32
      %dma_wait3A_70 = arith.constant 0 : i32
      %dma_wait3A_71 = arith.constant 0 : i32
      %dma_wait3A_72 = tpu.memref_slice %arg2[%dma_wait3A_70, %dma_wait3A_71] : memref<10000x128xf32, #tpu.memory_space<hbm>> -> memref<128x128xf32, #tpu.memory_space<hbm>>
      %dma_wait3A_73 = arith.constant 0 : i32
      %dma_wait3A_74 = arith.constant 0 : i32
      %dma_wait3A_75 = tpu.memref_slice %arg2[%dma_wait3A_73, %dma_wait3A_74] : memref<10000x128xf32, #tpu.memory_space<hbm>> -> memref<128x128xf32, #tpu.memory_space<hbm>>
      tpu.wait_dma2 semaphore(%arg12 : memref<!tpu.dma_semaphore, #tpu.memory_space<semaphore_mem>>) src(%dma_wait3A_75 : memref<128x128xf32, #tpu.memory_space<hbm>>) dst(%arg9 : memref<128x128xf32, #tpu.memory_space<vmem>>)
      %run_scoped3A_76 = arith.constant 38 : i32
      "tpu.region"() ({
        %run_scoped3A_160 = tpu.sem_alloc : memref<!tpu.dma_semaphore, #tpu.memory_space<semaphore_mem>>
        %dma_start3A_161 = arith.constant 0 : i32
        %dma_start3A_162 = tpu.memref_slice %arg8[%run_scoped3A_76, %dma_start3A_161] : memref<40x128xi32, #tpu.memory_space<vmem>> -> memref<1x128xi32, #tpu.memory_space<vmem>>
        %dma_start3A_163 = tpu.memref_squeeze %dma_start3A_162 : memref<1x128xi32, #tpu.memory_space<vmem>> -> memref<128xi32, #tpu.memory_space<vmem>>
        %dma_start3A_164 = arith.constant 0 : i32
        %dma_start3A_165 = arith.constant 0 : i32
        %dma_start3A_166 = tpu.memref_slice %arg11[%dma_start3A_164, %dma_start3A_165] : memref<10112x128xf32, #tpu.memory_space<vmem_shared>> -> memref<10112x128xf32, #tpu.memory_space<vmem_shared>>
        tpu.enqueue_indirect_dma source(%arg9 : memref<128x128xf32, #tpu.memory_space<vmem>>) target(%dma_start3A_166 : memref<10112x128xf32, #tpu.memory_space<vmem_shared>>) offsets(%dma_start3A_163 : memref<128xi32, #tpu.memory_space<vmem>>) semaphore(%run_scoped3A_160 : memref<!tpu.dma_semaphore, #tpu.memory_space<semaphore_mem>>) {add = true}
        %dma_wait3A_167 = arith.constant 0 : i32
        %dma_wait3A_168 = tpu.memref_slice %arg8[%run_scoped3A_76, %dma_wait3A_167] : memref<40x128xi32, #tpu.memory_space<vmem>> -> memref<1x128xi32, #tpu.memory_space<vmem>>
        %dma_wait3A_169 = tpu.memref_squeeze %dma_wait3A_168 : memref<1x128xi32, #tpu.memory_space<vmem>> -> memref<128xi32, #tpu.memory_space<vmem>>
        %dma_wait3A_170 = arith.constant 0 : i32
        %dma_wait3A_171 = arith.constant 0 : i32
        %dma_wait3A_172 = tpu.memref_slice %arg11[%dma_wait3A_170, %dma_wait3A_171] : memref<10112x128xf32, #tpu.memory_space<vmem_shared>> -> memref<10112x128xf32, #tpu.memory_space<vmem_shared>>
        tpu.wait_indirect_dma semaphore(%run_scoped3A_160 : memref<!tpu.dma_semaphore, #tpu.memory_space<semaphore_mem>>) src(%arg9 : memref<128x128xf32, #tpu.memory_space<vmem>>) dst(%dma_wait3A_172 : memref<10112x128xf32, #tpu.memory_space<vmem_shared>>)
        tpu.yield
      }) : () -> ()
      %dma_wait3A_77 = arith.constant 0 : i32
      %dma_wait3A_78 = arith.constant 0 : i32
      %dma_wait3A_79 = tpu.memref_slice %arg2[%dma_wait3A_77, %dma_wait3A_78] : memref<10000x128xf32, #tpu.memory_space<hbm>> -> memref<128x128xf32, #tpu.memory_space<hbm>>
      %dma_wait3A_80 = arith.constant 0 : i32
      %dma_wait3A_81 = arith.constant 0 : i32
      %dma_wait3A_82 = tpu.memref_slice %arg2[%dma_wait3A_80, %dma_wait3A_81] : memref<10000x128xf32, #tpu.memory_space<hbm>> -> memref<128x128xf32, #tpu.memory_space<hbm>>
      tpu.wait_dma2 semaphore(%arg13 : memref<!tpu.dma_semaphore, #tpu.memory_space<semaphore_mem>>) src(%dma_wait3A_82 : memref<128x128xf32, #tpu.memory_space<hbm>>) dst(%arg10 : memref<128x128xf32, #tpu.memory_space<vmem>>)
      %run_scoped3A_83 = arith.constant 39 : i32
      "tpu.region"() ({
        %run_scoped3A_160 = tpu.sem_alloc : memref<!tpu.dma_semaphore, #tpu.memory_space<semaphore_mem>>
        %dma_start3A_161 = arith.constant 0 : i32
        %dma_start3A_162 = tpu.memref_slice %arg8[%run_scoped3A_83, %dma_start3A_161] : memref<40x128xi32, #tpu.memory_space<vmem>> -> memref<1x128xi32, #tpu.memory_space<vmem>>
        %dma_start3A_163 = tpu.memref_squeeze %dma_start3A_162 : memref<1x128xi32, #tpu.memory_space<vmem>> -> memref<128xi32, #tpu.memory_space<vmem>>
        %dma_start3A_164 = arith.constant 0 : i32
        %dma_start3A_165 = arith.constant 0 : i32
        %dma_start3A_166 = tpu.memref_slice %arg11[%dma_start3A_164, %dma_start3A_165] : memref<10112x128xf32, #tpu.memory_space<vmem_shared>> -> memref<10112x128xf32, #tpu.memory_space<vmem_shared>>
        tpu.enqueue_indirect_dma source(%arg10 : memref<128x128xf32, #tpu.memory_space<vmem>>) target(%dma_start3A_166 : memref<10112x128xf32, #tpu.memory_space<vmem_shared>>) offsets(%dma_start3A_163 : memref<128xi32, #tpu.memory_space<vmem>>) semaphore(%run_scoped3A_160 : memref<!tpu.dma_semaphore, #tpu.memory_space<semaphore_mem>>) {add = true}
        %dma_wait3A_167 = arith.constant 0 : i32
        %dma_wait3A_168 = tpu.memref_slice %arg8[%run_scoped3A_83, %dma_wait3A_167] : memref<40x128xi32, #tpu.memory_space<vmem>> -> memref<1x128xi32, #tpu.memory_space<vmem>>
        %dma_wait3A_169 = tpu.memref_squeeze %dma_wait3A_168 : memref<1x128xi32, #tpu.memory_space<vmem>> -> memref<128xi32, #tpu.memory_space<vmem>>
        %dma_wait3A_170 = arith.constant 0 : i32
        %dma_wait3A_171 = arith.constant 0 : i32
        %dma_wait3A_172 = tpu.memref_slice %arg11[%dma_wait3A_170, %dma_wait3A_171] : memref<10112x128xf32, #tpu.memory_space<vmem_shared>> -> memref<10112x128xf32, #tpu.memory_space<vmem_shared>>
        tpu.wait_indirect_dma semaphore(%run_scoped3A_160 : memref<!tpu.dma_semaphore, #tpu.memory_space<semaphore_mem>>) src(%arg10 : memref<128x128xf32, #tpu.memory_space<vmem>>) dst(%dma_wait3A_172 : memref<10112x128xf32, #tpu.memory_space<vmem_shared>>)
        tpu.yield
      }) : () -> ()
      %mul3A_84 = arith.constant 152 : i32
      %mul3A_85 = arith.muli %arg1, %mul3A_84 : i32
      %add3A_86 = arith.constant 80 : i32
      %add3A_87 = arith.addi %mul3A_85, %add3A_86 : i32
      "tpu.region"() ({
        %run_scoped3A_160 = tpu.sem_alloc : memref<!tpu.dma_semaphore, #tpu.memory_space<semaphore_mem>>
        %dma_start3A_161 = arith.constant 0 : i32
        %dma_start3A_162 = arith.constant 0 : i32
        %dma_start3A_163 = tpu.memref_slice %arg7[%dma_start3A_161, %dma_start3A_162] : memref<40x128xi32, #tpu.memory_space<vmem>> -> memref<40x128xi32, #tpu.memory_space<vmem>>
        %dma_start3A_164 = arith.constant 0 : i32
        %dma_start3A_165 = tpu.memref_slice %arg3[%add3A_87, %dma_start3A_164] : memref<2560x128xi32, #tpu.memory_space<hbm>> -> memref<40x128xi32, #tpu.memory_space<hbm>>
        %dma_start3A_166 = arith.constant 0 : i32
        %dma_start3A_167 = arith.constant 0 : i32
        %dma_start3A_168 = tpu.memref_slice %arg7[%dma_start3A_166, %dma_start3A_167] : memref<40x128xi32, #tpu.memory_space<vmem>> -> memref<40x128xi32, #tpu.memory_space<vmem>>
        %dma_start3A_169 = arith.constant 0 : i32
        %dma_start3A_170 = tpu.memref_slice %arg3[%add3A_87, %dma_start3A_169] : memref<2560x128xi32, #tpu.memory_space<hbm>> -> memref<40x128xi32, #tpu.memory_space<hbm>>
        tpu.enqueue_dma source(%dma_start3A_170 : memref<40x128xi32, #tpu.memory_space<hbm>>) target(%dma_start3A_168 : memref<40x128xi32, #tpu.memory_space<vmem>>) target_semaphore(%run_scoped3A_160 : memref<!tpu.dma_semaphore, #tpu.memory_space<semaphore_mem>>)
        %dma_wait3A_171 = arith.constant 0 : i32
        %dma_wait3A_172 = arith.constant 0 : i32
        %dma_wait3A_173 = tpu.memref_slice %arg7[%dma_wait3A_171, %dma_wait3A_172] : memref<40x128xi32, #tpu.memory_space<vmem>> -> memref<40x128xi32, #tpu.memory_space<vmem>>
        %dma_wait3A_174 = arith.constant 0 : i32
        %dma_wait3A_175 = tpu.memref_slice %arg3[%add3A_87, %dma_wait3A_174] : memref<2560x128xi32, #tpu.memory_space<hbm>> -> memref<40x128xi32, #tpu.memory_space<hbm>>
        %dma_wait3A_176 = arith.constant 0 : i32
        %dma_wait3A_177 = arith.constant 0 : i32
        %dma_wait3A_178 = tpu.memref_slice %arg7[%dma_wait3A_176, %dma_wait3A_177] : memref<40x128xi32, #tpu.memory_space<vmem>> -> memref<40x128xi32, #tpu.memory_space<vmem>>
        %dma_wait3A_179 = arith.constant 0 : i32
        %dma_wait3A_180 = tpu.memref_slice %arg3[%add3A_87, %dma_wait3A_179] : memref<2560x128xi32, #tpu.memory_space<hbm>> -> memref<40x128xi32, #tpu.memory_space<hbm>>
        tpu.wait_dma2 semaphore(%run_scoped3A_160 : memref<!tpu.dma_semaphore, #tpu.memory_space<semaphore_mem>>) src(%dma_wait3A_180 : memref<40x128xi32, #tpu.memory_space<hbm>>) dst(%dma_wait3A_178 : memref<40x128xi32, #tpu.memory_space<vmem>>)
        tpu.yield
      }) : () -> ()
      "tpu.region"() ({
        %run_scoped3A_160 = tpu.sem_alloc : memref<!tpu.dma_semaphore, #tpu.memory_space<semaphore_mem>>
        %dma_start3A_161 = arith.constant 0 : i32
        %dma_start3A_162 = arith.constant 0 : i32
        %dma_start3A_163 = tpu.memref_slice %arg8[%dma_start3A_161, %dma_start3A_162] : memref<40x128xi32, #tpu.memory_space<vmem>> -> memref<40x128xi32, #tpu.memory_space<vmem>>
        %dma_start3A_164 = arith.constant 0 : i32
        %dma_start3A_165 = tpu.memref_slice %arg4[%add3A_87, %dma_start3A_164] : memref<2560x128xi32, #tpu.memory_space<hbm>> -> memref<40x128xi32, #tpu.memory_space<hbm>>
        %dma_start3A_166 = arith.constant 0 : i32
        %dma_start3A_167 = arith.constant 0 : i32
        %dma_start3A_168 = tpu.memref_slice %arg8[%dma_start3A_166, %dma_start3A_167] : memref<40x128xi32, #tpu.memory_space<vmem>> -> memref<40x128xi32, #tpu.memory_space<vmem>>
        %dma_start3A_169 = arith.constant 0 : i32
        %dma_start3A_170 = tpu.memref_slice %arg4[%add3A_87, %dma_start3A_169] : memref<2560x128xi32, #tpu.memory_space<hbm>> -> memref<40x128xi32, #tpu.memory_space<hbm>>
        tpu.enqueue_dma source(%dma_start3A_170 : memref<40x128xi32, #tpu.memory_space<hbm>>) target(%dma_start3A_168 : memref<40x128xi32, #tpu.memory_space<vmem>>) target_semaphore(%run_scoped3A_160 : memref<!tpu.dma_semaphore, #tpu.memory_space<semaphore_mem>>)
        %dma_wait3A_171 = arith.constant 0 : i32
        %dma_wait3A_172 = arith.constant 0 : i32
        %dma_wait3A_173 = tpu.memref_slice %arg8[%dma_wait3A_171, %dma_wait3A_172] : memref<40x128xi32, #tpu.memory_space<vmem>> -> memref<40x128xi32, #tpu.memory_space<vmem>>
        %dma_wait3A_174 = arith.constant 0 : i32
        %dma_wait3A_175 = tpu.memref_slice %arg4[%add3A_87, %dma_wait3A_174] : memref<2560x128xi32, #tpu.memory_space<hbm>> -> memref<40x128xi32, #tpu.memory_space<hbm>>
        %dma_wait3A_176 = arith.constant 0 : i32
        %dma_wait3A_177 = arith.constant 0 : i32
        %dma_wait3A_178 = tpu.memref_slice %arg8[%dma_wait3A_176, %dma_wait3A_177] : memref<40x128xi32, #tpu.memory_space<vmem>> -> memref<40x128xi32, #tpu.memory_space<vmem>>
        %dma_wait3A_179 = arith.constant 0 : i32
        %dma_wait3A_180 = tpu.memref_slice %arg4[%add3A_87, %dma_wait3A_179] : memref<2560x128xi32, #tpu.memory_space<hbm>> -> memref<40x128xi32, #tpu.memory_space<hbm>>
        tpu.wait_dma2 semaphore(%run_scoped3A_160 : memref<!tpu.dma_semaphore, #tpu.memory_space<semaphore_mem>>) src(%dma_wait3A_180 : memref<40x128xi32, #tpu.memory_space<hbm>>) dst(%dma_wait3A_178 : memref<40x128xi32, #tpu.memory_space<vmem>>)
        tpu.yield
      }) : () -> ()
      %dma_start3A_88 = arith.constant 0 : i32
      %dma_start3A_89 = arith.constant 0 : i32
      %dma_start3A_90 = tpu.memref_slice %arg7[%dma_start3A_88, %dma_start3A_89] : memref<40x128xi32, #tpu.memory_space<vmem>> -> memref<1x128xi32, #tpu.memory_space<vmem>>
      %dma_start3A_91 = tpu.memref_squeeze %dma_start3A_90 : memref<1x128xi32, #tpu.memory_space<vmem>> -> memref<128xi32, #tpu.memory_space<vmem>>
      %dma_start3A_92 = arith.constant 0 : i32
      %dma_start3A_93 = arith.constant 0 : i32
      %dma_start3A_94 = tpu.memref_slice %arg2[%dma_start3A_92, %dma_start3A_93] : memref<10000x128xf32, #tpu.memory_space<hbm>> -> memref<10000x128xf32, #tpu.memory_space<hbm>>
      tpu.enqueue_indirect_dma source(%dma_start3A_94 : memref<10000x128xf32, #tpu.memory_space<hbm>>) target(%arg9 : memref<128x128xf32, #tpu.memory_space<vmem>>) offsets(%dma_start3A_91 : memref<128xi32, #tpu.memory_space<vmem>>) semaphore(%arg12 : memref<!tpu.dma_semaphore, #tpu.memory_space<semaphore_mem>>)
      %dma_start3A_95 = arith.constant 1 : i32
      %dma_start3A_96 = arith.constant 0 : i32
      %dma_start3A_97 = tpu.memref_slice %arg7[%dma_start3A_95, %dma_start3A_96] : memref<40x128xi32, #tpu.memory_space<vmem>> -> memref<1x128xi32, #tpu.memory_space<vmem>>
      %dma_start3A_98 = tpu.memref_squeeze %dma_start3A_97 : memref<1x128xi32, #tpu.memory_space<vmem>> -> memref<128xi32, #tpu.memory_space<vmem>>
      %dma_start3A_99 = arith.constant 0 : i32
      %dma_start3A_100 = arith.constant 0 : i32
      %dma_start3A_101 = tpu.memref_slice %arg2[%dma_start3A_99, %dma_start3A_100] : memref<10000x128xf32, #tpu.memory_space<hbm>> -> memref<10000x128xf32, #tpu.memory_space<hbm>>
      tpu.enqueue_indirect_dma source(%dma_start3A_101 : memref<10000x128xf32, #tpu.memory_space<hbm>>) target(%arg10 : memref<128x128xf32, #tpu.memory_space<vmem>>) offsets(%dma_start3A_98 : memref<128xi32, #tpu.memory_space<vmem>>) semaphore(%arg13 : memref<!tpu.dma_semaphore, #tpu.memory_space<semaphore_mem>>)
      %scan3A_102 = arith.constant 0 : i32
      %scan3A_103 = arith.constant 0 : i32
      %scan3A_104 = arith.constant 19 : i32
      %scan3A_105 = arith.addi %scan3A_103, %scan3A_104 : i32
      %scan3A_106 = arith.constant 1 : i32
      scf.for %scan3A_160 = %scan3A_103 to %scan3A_105 step %scan3A_106  : i32 {
        %mul3A_161 = arith.constant 2 : i32
        %mul3A_162 = arith.muli %mul3A_161, %scan3A_160 : i32
        %add3A_163 = arith.constant 0 : i32
        %add3A_164 = arith.addi %mul3A_162, %add3A_163 : i32
        %dma_wait3A_165 = arith.constant 0 : i32
        %dma_wait3A_166 = arith.constant 0 : i32
        %dma_wait3A_167 = tpu.memref_slice %arg2[%dma_wait3A_165, %dma_wait3A_166] : memref<10000x128xf32, #tpu.memory_space<hbm>> -> memref<128x128xf32, #tpu.memory_space<hbm>>
        %dma_wait3A_168 = arith.constant 0 : i32
        %dma_wait3A_169 = arith.constant 0 : i32
        %dma_wait3A_170 = tpu.memref_slice %arg2[%dma_wait3A_168, %dma_wait3A_169] : memref<10000x128xf32, #tpu.memory_space<hbm>> -> memref<128x128xf32, #tpu.memory_space<hbm>>
        tpu.wait_dma2 semaphore(%arg12 : memref<!tpu.dma_semaphore, #tpu.memory_space<semaphore_mem>>) src(%dma_wait3A_170 : memref<128x128xf32, #tpu.memory_space<hbm>>) dst(%arg9 : memref<128x128xf32, #tpu.memory_space<vmem>>)
        "tpu.region"() ({
          %run_scoped3A_197 = tpu.sem_alloc : memref<!tpu.dma_semaphore, #tpu.memory_space<semaphore_mem>>
          %dma_start3A_198 = arith.constant 0 : i32
          %dma_start3A_199 = tpu.memref_slice %arg8[%add3A_164, %dma_start3A_198] : memref<40x128xi32, #tpu.memory_space<vmem>> -> memref<1x128xi32, #tpu.memory_space<vmem>>
          %dma_start3A_200 = tpu.memref_squeeze %dma_start3A_199 : memref<1x128xi32, #tpu.memory_space<vmem>> -> memref<128xi32, #tpu.memory_space<vmem>>
          %dma_start3A_201 = arith.constant 0 : i32
          %dma_start3A_202 = arith.constant 0 : i32
          %dma_start3A_203 = tpu.memref_slice %arg11[%dma_start3A_201, %dma_start3A_202] : memref<10112x128xf32, #tpu.memory_space<vmem_shared>> -> memref<10112x128xf32, #tpu.memory_space<vmem_shared>>
          tpu.enqueue_indirect_dma source(%arg9 : memref<128x128xf32, #tpu.memory_space<vmem>>) target(%dma_start3A_203 : memref<10112x128xf32, #tpu.memory_space<vmem_shared>>) offsets(%dma_start3A_200 : memref<128xi32, #tpu.memory_space<vmem>>) semaphore(%run_scoped3A_197 : memref<!tpu.dma_semaphore, #tpu.memory_space<semaphore_mem>>) {add = true}
          %dma_wait3A_204 = arith.constant 0 : i32
          %dma_wait3A_205 = tpu.memref_slice %arg8[%add3A_164, %dma_wait3A_204] : memref<40x128xi32, #tpu.memory_space<vmem>> -> memref<1x128xi32, #tpu.memory_space<vmem>>
          %dma_wait3A_206 = tpu.memref_squeeze %dma_wait3A_205 : memref<1x128xi32, #tpu.memory_space<vmem>> -> memref<128xi32, #tpu.memory_space<vmem>>
          %dma_wait3A_207 = arith.constant 0 : i32
          %dma_wait3A_208 = arith.constant 0 : i32
          %dma_wait3A_209 = tpu.memref_slice %arg11[%dma_wait3A_207, %dma_wait3A_208] : memref<10112x128xf32, #tpu.memory_space<vmem_shared>> -> memref<10112x128xf32, #tpu.memory_space<vmem_shared>>
          tpu.wait_indirect_dma semaphore(%run_scoped3A_197 : memref<!tpu.dma_semaphore, #tpu.memory_space<semaphore_mem>>) src(%arg9 : memref<128x128xf32, #tpu.memory_space<vmem>>) dst(%dma_wait3A_209 : memref<10112x128xf32, #tpu.memory_space<vmem_shared>>)
          tpu.yield
        }) : () -> ()
        %add3A_171 = arith.constant 2 : i32
        %add3A_172 = arith.addi %add3A_164, %add3A_171 : i32
        %dma_start3A_173 = arith.constant 0 : i32
        %dma_start3A_174 = tpu.memref_slice %arg7[%add3A_172, %dma_start3A_173] : memref<40x128xi32, #tpu.memory_space<vmem>> -> memref<1x128xi32, #tpu.memory_space<vmem>>
        %dma_start3A_175 = tpu.memref_squeeze %dma_start3A_174 : memref<1x128xi32, #tpu.memory_space<vmem>> -> memref<128xi32, #tpu.memory_space<vmem>>
        %dma_start3A_176 = arith.constant 0 : i32
        %dma_start3A_177 = arith.constant 0 : i32
        %dma_start3A_178 = tpu.memref_slice %arg2[%dma_start3A_176, %dma_start3A_177] : memref<10000x128xf32, #tpu.memory_space<hbm>> -> memref<10000x128xf32, #tpu.memory_space<hbm>>
        tpu.enqueue_indirect_dma source(%dma_start3A_178 : memref<10000x128xf32, #tpu.memory_space<hbm>>) target(%arg9 : memref<128x128xf32, #tpu.memory_space<vmem>>) offsets(%dma_start3A_175 : memref<128xi32, #tpu.memory_space<vmem>>) semaphore(%arg12 : memref<!tpu.dma_semaphore, #tpu.memory_space<semaphore_mem>>)
        %mul3A_179 = arith.constant 2 : i32
        %mul3A_180 = arith.muli %mul3A_179, %scan3A_160 : i32
        %add3A_181 = arith.constant 1 : i32
        %add3A_182 = arith.addi %mul3A_180, %add3A_181 : i32
        %dma_wait3A_183 = arith.constant 0 : i32
        %dma_wait3A_184 = arith.constant 0 : i32
        %dma_wait3A_185 = tpu.memref_slice %arg2[%dma_wait3A_183, %dma_wait3A_184] : memref<10000x128xf32, #tpu.memory_space<hbm>> -> memref<128x128xf32, #tpu.memory_space<hbm>>
        %dma_wait3A_186 = arith.constant 0 : i32
        %dma_wait3A_187 = arith.constant 0 : i32
        %dma_wait3A_188 = tpu.memref_slice %arg2[%dma_wait3A_186, %dma_wait3A_187] : memref<10000x128xf32, #tpu.memory_space<hbm>> -> memref<128x128xf32, #tpu.memory_space<hbm>>
        tpu.wait_dma2 semaphore(%arg13 : memref<!tpu.dma_semaphore, #tpu.memory_space<semaphore_mem>>) src(%dma_wait3A_188 : memref<128x128xf32, #tpu.memory_space<hbm>>) dst(%arg10 : memref<128x128xf32, #tpu.memory_space<vmem>>)
        "tpu.region"() ({
          %run_scoped3A_197 = tpu.sem_alloc : memref<!tpu.dma_semaphore, #tpu.memory_space<semaphore_mem>>
          %dma_start3A_198 = arith.constant 0 : i32
          %dma_start3A_199 = tpu.memref_slice %arg8[%add3A_182, %dma_start3A_198] : memref<40x128xi32, #tpu.memory_space<vmem>> -> memref<1x128xi32, #tpu.memory_space<vmem>>
          %dma_start3A_200 = tpu.memref_squeeze %dma_start3A_199 : memref<1x128xi32, #tpu.memory_space<vmem>> -> memref<128xi32, #tpu.memory_space<vmem>>
          %dma_start3A_201 = arith.constant 0 : i32
          %dma_start3A_202 = arith.constant 0 : i32
          %dma_start3A_203 = tpu.memref_slice %arg11[%dma_start3A_201, %dma_start3A_202] : memref<10112x128xf32, #tpu.memory_space<vmem_shared>> -> memref<10112x128xf32, #tpu.memory_space<vmem_shared>>
          tpu.enqueue_indirect_dma source(%arg10 : memref<128x128xf32, #tpu.memory_space<vmem>>) target(%dma_start3A_203 : memref<10112x128xf32, #tpu.memory_space<vmem_shared>>) offsets(%dma_start3A_200 : memref<128xi32, #tpu.memory_space<vmem>>) semaphore(%run_scoped3A_197 : memref<!tpu.dma_semaphore, #tpu.memory_space<semaphore_mem>>) {add = true}
          %dma_wait3A_204 = arith.constant 0 : i32
          %dma_wait3A_205 = tpu.memref_slice %arg8[%add3A_182, %dma_wait3A_204] : memref<40x128xi32, #tpu.memory_space<vmem>> -> memref<1x128xi32, #tpu.memory_space<vmem>>
          %dma_wait3A_206 = tpu.memref_squeeze %dma_wait3A_205 : memref<1x128xi32, #tpu.memory_space<vmem>> -> memref<128xi32, #tpu.memory_space<vmem>>
          %dma_wait3A_207 = arith.constant 0 : i32
          %dma_wait3A_208 = arith.constant 0 : i32
          %dma_wait3A_209 = tpu.memref_slice %arg11[%dma_wait3A_207, %dma_wait3A_208] : memref<10112x128xf32, #tpu.memory_space<vmem_shared>> -> memref<10112x128xf32, #tpu.memory_space<vmem_shared>>
          tpu.wait_indirect_dma semaphore(%run_scoped3A_197 : memref<!tpu.dma_semaphore, #tpu.memory_space<semaphore_mem>>) src(%arg10 : memref<128x128xf32, #tpu.memory_space<vmem>>) dst(%dma_wait3A_209 : memref<10112x128xf32, #tpu.memory_space<vmem_shared>>)
          tpu.yield
        }) : () -> ()
        %add3A_189 = arith.constant 2 : i32
        %add3A_190 = arith.addi %add3A_182, %add3A_189 : i32
        %dma_start3A_191 = arith.constant 0 : i32
        %dma_start3A_192 = tpu.memref_slice %arg7[%add3A_190, %dma_start3A_191] : memref<40x128xi32, #tpu.memory_space<vmem>> -> memref<1x128xi32, #tpu.memory_space<vmem>>
        %dma_start3A_193 = tpu.memref_squeeze %dma_start3A_192 : memref<1x128xi32, #tpu.memory_space<vmem>> -> memref<128xi32, #tpu.memory_space<vmem>>
        %dma_start3A_194 = arith.constant 0 : i32
        %dma_start3A_195 = arith.constant 0 : i32
        %dma_start3A_196 = tpu.memref_slice %arg2[%dma_start3A_194, %dma_start3A_195] : memref<10000x128xf32, #tpu.memory_space<hbm>> -> memref<10000x128xf32, #tpu.memory_space<hbm>>
        tpu.enqueue_indirect_dma source(%dma_start3A_196 : memref<10000x128xf32, #tpu.memory_space<hbm>>) target(%arg10 : memref<128x128xf32, #tpu.memory_space<vmem>>) offsets(%dma_start3A_193 : memref<128xi32, #tpu.memory_space<vmem>>) semaphore(%arg13 : memref<!tpu.dma_semaphore, #tpu.memory_space<semaphore_mem>>)
      }
      %scan3A_107 = arith.constant 19 : i32
      %dma_wait3A_108 = arith.constant 0 : i32
      %dma_wait3A_109 = arith.constant 0 : i32
      %dma_wait3A_110 = tpu.memref_slice %arg2[%dma_wait3A_108, %dma_wait3A_109] : memref<10000x128xf32, #tpu.memory_space<hbm>> -> memref<128x128xf32, #tpu.memory_space<hbm>>
      %dma_wait3A_111 = arith.constant 0 : i32
      %dma_wait3A_112 = arith.constant 0 : i32
      %dma_wait3A_113 = tpu.memref_slice %arg2[%dma_wait3A_111, %dma_wait3A_112] : memref<10000x128xf32, #tpu.memory_space<hbm>> -> memref<128x128xf32, #tpu.memory_space<hbm>>
      tpu.wait_dma2 semaphore(%arg12 : memref<!tpu.dma_semaphore, #tpu.memory_space<semaphore_mem>>) src(%dma_wait3A_113 : memref<128x128xf32, #tpu.memory_space<hbm>>) dst(%arg9 : memref<128x128xf32, #tpu.memory_space<vmem>>)
      %run_scoped3A_114 = arith.constant 38 : i32
      "tpu.region"() ({
        %run_scoped3A_160 = tpu.sem_alloc : memref<!tpu.dma_semaphore, #tpu.memory_space<semaphore_mem>>
        %dma_start3A_161 = arith.constant 0 : i32
        %dma_start3A_162 = tpu.memref_slice %arg8[%run_scoped3A_114, %dma_start3A_161] : memref<40x128xi32, #tpu.memory_space<vmem>> -> memref<1x128xi32, #tpu.memory_space<vmem>>
        %dma_start3A_163 = tpu.memref_squeeze %dma_start3A_162 : memref<1x128xi32, #tpu.memory_space<vmem>> -> memref<128xi32, #tpu.memory_space<vmem>>
        %dma_start3A_164 = arith.constant 0 : i32
        %dma_start3A_165 = arith.constant 0 : i32
        %dma_start3A_166 = tpu.memref_slice %arg11[%dma_start3A_164, %dma_start3A_165] : memref<10112x128xf32, #tpu.memory_space<vmem_shared>> -> memref<10112x128xf32, #tpu.memory_space<vmem_shared>>
        tpu.enqueue_indirect_dma source(%arg9 : memref<128x128xf32, #tpu.memory_space<vmem>>) target(%dma_start3A_166 : memref<10112x128xf32, #tpu.memory_space<vmem_shared>>) offsets(%dma_start3A_163 : memref<128xi32, #tpu.memory_space<vmem>>) semaphore(%run_scoped3A_160 : memref<!tpu.dma_semaphore, #tpu.memory_space<semaphore_mem>>) {add = true}
        %dma_wait3A_167 = arith.constant 0 : i32
        %dma_wait3A_168 = tpu.memref_slice %arg8[%run_scoped3A_114, %dma_wait3A_167] : memref<40x128xi32, #tpu.memory_space<vmem>> -> memref<1x128xi32, #tpu.memory_space<vmem>>
        %dma_wait3A_169 = tpu.memref_squeeze %dma_wait3A_168 : memref<1x128xi32, #tpu.memory_space<vmem>> -> memref<128xi32, #tpu.memory_space<vmem>>
        %dma_wait3A_170 = arith.constant 0 : i32
        %dma_wait3A_171 = arith.constant 0 : i32
        %dma_wait3A_172 = tpu.memref_slice %arg11[%dma_wait3A_170, %dma_wait3A_171] : memref<10112x128xf32, #tpu.memory_space<vmem_shared>> -> memref<10112x128xf32, #tpu.memory_space<vmem_shared>>
        tpu.wait_indirect_dma semaphore(%run_scoped3A_160 : memref<!tpu.dma_semaphore, #tpu.memory_space<semaphore_mem>>) src(%arg9 : memref<128x128xf32, #tpu.memory_space<vmem>>) dst(%dma_wait3A_172 : memref<10112x128xf32, #tpu.memory_space<vmem_shared>>)
        tpu.yield
      }) : () -> ()
      %dma_wait3A_115 = arith.constant 0 : i32
      %dma_wait3A_116 = arith.constant 0 : i32
      %dma_wait3A_117 = tpu.memref_slice %arg2[%dma_wait3A_115, %dma_wait3A_116] : memref<10000x128xf32, #tpu.memory_space<hbm>> -> memref<128x128xf32, #tpu.memory_space<hbm>>
      %dma_wait3A_118 = arith.constant 0 : i32
      %dma_wait3A_119 = arith.constant 0 : i32
      %dma_wait3A_120 = tpu.memref_slice %arg2[%dma_wait3A_118, %dma_wait3A_119] : memref<10000x128xf32, #tpu.memory_space<hbm>> -> memref<128x128xf32, #tpu.memory_space<hbm>>
      tpu.wait_dma2 semaphore(%arg13 : memref<!tpu.dma_semaphore, #tpu.memory_space<semaphore_mem>>) src(%dma_wait3A_120 : memref<128x128xf32, #tpu.memory_space<hbm>>) dst(%arg10 : memref<128x128xf32, #tpu.memory_space<vmem>>)
      %run_scoped3A_121 = arith.constant 39 : i32
      "tpu.region"() ({
        %run_scoped3A_160 = tpu.sem_alloc : memref<!tpu.dma_semaphore, #tpu.memory_space<semaphore_mem>>
        %dma_start3A_161 = arith.constant 0 : i32
        %dma_start3A_162 = tpu.memref_slice %arg8[%run_scoped3A_121, %dma_start3A_161] : memref<40x128xi32, #tpu.memory_space<vmem>> -> memref<1x128xi32, #tpu.memory_space<vmem>>
        %dma_start3A_163 = tpu.memref_squeeze %dma_start3A_162 : memref<1x128xi32, #tpu.memory_space<vmem>> -> memref<128xi32, #tpu.memory_space<vmem>>
        %dma_start3A_164 = arith.constant 0 : i32
        %dma_start3A_165 = arith.constant 0 : i32
        %dma_start3A_166 = tpu.memref_slice %arg11[%dma_start3A_164, %dma_start3A_165] : memref<10112x128xf32, #tpu.memory_space<vmem_shared>> -> memref<10112x128xf32, #tpu.memory_space<vmem_shared>>
        tpu.enqueue_indirect_dma source(%arg10 : memref<128x128xf32, #tpu.memory_space<vmem>>) target(%dma_start3A_166 : memref<10112x128xf32, #tpu.memory_space<vmem_shared>>) offsets(%dma_start3A_163 : memref<128xi32, #tpu.memory_space<vmem>>) semaphore(%run_scoped3A_160 : memref<!tpu.dma_semaphore, #tpu.memory_space<semaphore_mem>>) {add = true}
        %dma_wait3A_167 = arith.constant 0 : i32
        %dma_wait3A_168 = tpu.memref_slice %arg8[%run_scoped3A_121, %dma_wait3A_167] : memref<40x128xi32, #tpu.memory_space<vmem>> -> memref<1x128xi32, #tpu.memory_space<vmem>>
        %dma_wait3A_169 = tpu.memref_squeeze %dma_wait3A_168 : memref<1x128xi32, #tpu.memory_space<vmem>> -> memref<128xi32, #tpu.memory_space<vmem>>
        %dma_wait3A_170 = arith.constant 0 : i32
        %dma_wait3A_171 = arith.constant 0 : i32
        %dma_wait3A_172 = tpu.memref_slice %arg11[%dma_wait3A_170, %dma_wait3A_171] : memref<10112x128xf32, #tpu.memory_space<vmem_shared>> -> memref<10112x128xf32, #tpu.memory_space<vmem_shared>>
        tpu.wait_indirect_dma semaphore(%run_scoped3A_160 : memref<!tpu.dma_semaphore, #tpu.memory_space<semaphore_mem>>) src(%arg10 : memref<128x128xf32, #tpu.memory_space<vmem>>) dst(%dma_wait3A_172 : memref<10112x128xf32, #tpu.memory_space<vmem_shared>>)
        tpu.yield
      }) : () -> ()
      %mul3A_122 = arith.constant 152 : i32
      %mul3A_123 = arith.muli %arg1, %mul3A_122 : i32
      %add3A_124 = arith.constant 120 : i32
      %add3A_125 = arith.addi %mul3A_123, %add3A_124 : i32
      "tpu.region"() ({
        %run_scoped3A_160 = tpu.sem_alloc : memref<!tpu.dma_semaphore, #tpu.memory_space<semaphore_mem>>
        %dma_start3A_161 = arith.constant 0 : i32
        %dma_start3A_162 = arith.constant 0 : i32
        %dma_start3A_163 = tpu.memref_slice %arg7[%dma_start3A_161, %dma_start3A_162] : memref<40x128xi32, #tpu.memory_space<vmem>> -> memref<32x128xi32, #tpu.memory_space<vmem>>
        %dma_start3A_164 = arith.constant 0 : i32
        %dma_start3A_165 = tpu.memref_slice %arg3[%add3A_125, %dma_start3A_164] : memref<2560x128xi32, #tpu.memory_space<hbm>> -> memref<32x128xi32, #tpu.memory_space<hbm>>
        %dma_start3A_166 = arith.constant 0 : i32
        %dma_start3A_167 = arith.constant 0 : i32
        %dma_start3A_168 = tpu.memref_slice %arg7[%dma_start3A_166, %dma_start3A_167] : memref<40x128xi32, #tpu.memory_space<vmem>> -> memref<32x128xi32, #tpu.memory_space<vmem>>
        %dma_start3A_169 = arith.constant 0 : i32
        %dma_start3A_170 = tpu.memref_slice %arg3[%add3A_125, %dma_start3A_169] : memref<2560x128xi32, #tpu.memory_space<hbm>> -> memref<32x128xi32, #tpu.memory_space<hbm>>
        tpu.enqueue_dma source(%dma_start3A_170 : memref<32x128xi32, #tpu.memory_space<hbm>>) target(%dma_start3A_168 : memref<32x128xi32, #tpu.memory_space<vmem>>) target_semaphore(%run_scoped3A_160 : memref<!tpu.dma_semaphore, #tpu.memory_space<semaphore_mem>>)
        %dma_wait3A_171 = arith.constant 0 : i32
        %dma_wait3A_172 = arith.constant 0 : i32
        %dma_wait3A_173 = tpu.memref_slice %arg7[%dma_wait3A_171, %dma_wait3A_172] : memref<40x128xi32, #tpu.memory_space<vmem>> -> memref<32x128xi32, #tpu.memory_space<vmem>>
        %dma_wait3A_174 = arith.constant 0 : i32
        %dma_wait3A_175 = tpu.memref_slice %arg3[%add3A_125, %dma_wait3A_174] : memref<2560x128xi32, #tpu.memory_space<hbm>> -> memref<32x128xi32, #tpu.memory_space<hbm>>
        %dma_wait3A_176 = arith.constant 0 : i32
        %dma_wait3A_177 = arith.constant 0 : i32
        %dma_wait3A_178 = tpu.memref_slice %arg7[%dma_wait3A_176, %dma_wait3A_177] : memref<40x128xi32, #tpu.memory_space<vmem>> -> memref<32x128xi32, #tpu.memory_space<vmem>>
        %dma_wait3A_179 = arith.constant 0 : i32
        %dma_wait3A_180 = tpu.memref_slice %arg3[%add3A_125, %dma_wait3A_179] : memref<2560x128xi32, #tpu.memory_space<hbm>> -> memref<32x128xi32, #tpu.memory_space<hbm>>
        tpu.wait_dma2 semaphore(%run_scoped3A_160 : memref<!tpu.dma_semaphore, #tpu.memory_space<semaphore_mem>>) src(%dma_wait3A_180 : memref<32x128xi32, #tpu.memory_space<hbm>>) dst(%dma_wait3A_178 : memref<32x128xi32, #tpu.memory_space<vmem>>)
        tpu.yield
      }) : () -> ()
      "tpu.region"() ({
        %run_scoped3A_160 = tpu.sem_alloc : memref<!tpu.dma_semaphore, #tpu.memory_space<semaphore_mem>>
        %dma_start3A_161 = arith.constant 0 : i32
        %dma_start3A_162 = arith.constant 0 : i32
        %dma_start3A_163 = tpu.memref_slice %arg8[%dma_start3A_161, %dma_start3A_162] : memref<40x128xi32, #tpu.memory_space<vmem>> -> memref<32x128xi32, #tpu.memory_space<vmem>>
        %dma_start3A_164 = arith.constant 0 : i32
        %dma_start3A_165 = tpu.memref_slice %arg4[%add3A_125, %dma_start3A_164] : memref<2560x128xi32, #tpu.memory_space<hbm>> -> memref<32x128xi32, #tpu.memory_space<hbm>>
        %dma_start3A_166 = arith.constant 0 : i32
        %dma_start3A_167 = arith.constant 0 : i32
        %dma_start3A_168 = tpu.memref_slice %arg8[%dma_start3A_166, %dma_start3A_167] : memref<40x128xi32, #tpu.memory_space<vmem>> -> memref<32x128xi32, #tpu.memory_space<vmem>>
        %dma_start3A_169 = arith.constant 0 : i32
        %dma_start3A_170 = tpu.memref_slice %arg4[%add3A_125, %dma_start3A_169] : memref<2560x128xi32, #tpu.memory_space<hbm>> -> memref<32x128xi32, #tpu.memory_space<hbm>>
        tpu.enqueue_dma source(%dma_start3A_170 : memref<32x128xi32, #tpu.memory_space<hbm>>) target(%dma_start3A_168 : memref<32x128xi32, #tpu.memory_space<vmem>>) target_semaphore(%run_scoped3A_160 : memref<!tpu.dma_semaphore, #tpu.memory_space<semaphore_mem>>)
        %dma_wait3A_171 = arith.constant 0 : i32
        %dma_wait3A_172 = arith.constant 0 : i32
        %dma_wait3A_173 = tpu.memref_slice %arg8[%dma_wait3A_171, %dma_wait3A_172] : memref<40x128xi32, #tpu.memory_space<vmem>> -> memref<32x128xi32, #tpu.memory_space<vmem>>
        %dma_wait3A_174 = arith.constant 0 : i32
        %dma_wait3A_175 = tpu.memref_slice %arg4[%add3A_125, %dma_wait3A_174] : memref<2560x128xi32, #tpu.memory_space<hbm>> -> memref<32x128xi32, #tpu.memory_space<hbm>>
        %dma_wait3A_176 = arith.constant 0 : i32
        %dma_wait3A_177 = arith.constant 0 : i32
        %dma_wait3A_178 = tpu.memref_slice %arg8[%dma_wait3A_176, %dma_wait3A_177] : memref<40x128xi32, #tpu.memory_space<vmem>> -> memref<32x128xi32, #tpu.memory_space<vmem>>
        %dma_wait3A_179 = arith.constant 0 : i32
        %dma_wait3A_180 = tpu.memref_slice %arg4[%add3A_125, %dma_wait3A_179] : memref<2560x128xi32, #tpu.memory_space<hbm>> -> memref<32x128xi32, #tpu.memory_space<hbm>>
        tpu.wait_dma2 semaphore(%run_scoped3A_160 : memref<!tpu.dma_semaphore, #tpu.memory_space<semaphore_mem>>) src(%dma_wait3A_180 : memref<32x128xi32, #tpu.memory_space<hbm>>) dst(%dma_wait3A_178 : memref<32x128xi32, #tpu.memory_space<vmem>>)
        tpu.yield
      }) : () -> ()
      %dma_start3A_126 = arith.constant 0 : i32
      %dma_start3A_127 = arith.constant 0 : i32
      %dma_start3A_128 = tpu.memref_slice %arg7[%dma_start3A_126, %dma_start3A_127] : memref<40x128xi32, #tpu.memory_space<vmem>> -> memref<1x128xi32, #tpu.memory_space<vmem>>
      %dma_start3A_129 = tpu.memref_squeeze %dma_start3A_128 : memref<1x128xi32, #tpu.memory_space<vmem>> -> memref<128xi32, #tpu.memory_space<vmem>>
      %dma_start3A_130 = arith.constant 0 : i32
      %dma_start3A_131 = arith.constant 0 : i32
      %dma_start3A_132 = tpu.memref_slice %arg2[%dma_start3A_130, %dma_start3A_131] : memref<10000x128xf32, #tpu.memory_space<hbm>> -> memref<10000x128xf32, #tpu.memory_space<hbm>>
      tpu.enqueue_indirect_dma source(%dma_start3A_132 : memref<10000x128xf32, #tpu.memory_space<hbm>>) target(%arg9 : memref<128x128xf32, #tpu.memory_space<vmem>>) offsets(%dma_start3A_129 : memref<128xi32, #tpu.memory_space<vmem>>) semaphore(%arg12 : memref<!tpu.dma_semaphore, #tpu.memory_space<semaphore_mem>>)
      %dma_start3A_133 = arith.constant 1 : i32
      %dma_start3A_134 = arith.constant 0 : i32
      %dma_start3A_135 = tpu.memref_slice %arg7[%dma_start3A_133, %dma_start3A_134] : memref<40x128xi32, #tpu.memory_space<vmem>> -> memref<1x128xi32, #tpu.memory_space<vmem>>
      %dma_start3A_136 = tpu.memref_squeeze %dma_start3A_135 : memref<1x128xi32, #tpu.memory_space<vmem>> -> memref<128xi32, #tpu.memory_space<vmem>>
      %dma_start3A_137 = arith.constant 0 : i32
      %dma_start3A_138 = arith.constant 0 : i32
      %dma_start3A_139 = tpu.memref_slice %arg2[%dma_start3A_137, %dma_start3A_138] : memref<10000x128xf32, #tpu.memory_space<hbm>> -> memref<10000x128xf32, #tpu.memory_space<hbm>>
      tpu.enqueue_indirect_dma source(%dma_start3A_139 : memref<10000x128xf32, #tpu.memory_space<hbm>>) target(%arg10 : memref<128x128xf32, #tpu.memory_space<vmem>>) offsets(%dma_start3A_136 : memref<128xi32, #tpu.memory_space<vmem>>) semaphore(%arg13 : memref<!tpu.dma_semaphore, #tpu.memory_space<semaphore_mem>>)
      %scan3A_140 = arith.constant 0 : i32
      %scan3A_141 = arith.constant 0 : i32
      %scan3A_142 = arith.constant 15 : i32
      %scan3A_143 = arith.addi %scan3A_141, %scan3A_142 : i32
      %scan3A_144 = arith.constant 1 : i32
      scf.for %scan3A_160 = %scan3A_141 to %scan3A_143 step %scan3A_144  : i32 {
        %mul3A_161 = arith.constant 2 : i32
        %mul3A_162 = arith.muli %mul3A_161, %scan3A_160 : i32
        %add3A_163 = arith.constant 0 : i32
        %add3A_164 = arith.addi %mul3A_162, %add3A_163 : i32
        %dma_wait3A_165 = arith.constant 0 : i32
        %dma_wait3A_166 = arith.constant 0 : i32
        %dma_wait3A_167 = tpu.memref_slice %arg2[%dma_wait3A_165, %dma_wait3A_166] : memref<10000x128xf32, #tpu.memory_space<hbm>> -> memref<128x128xf32, #tpu.memory_space<hbm>>
        %dma_wait3A_168 = arith.constant 0 : i32
        %dma_wait3A_169 = arith.constant 0 : i32
        %dma_wait3A_170 = tpu.memref_slice %arg2[%dma_wait3A_168, %dma_wait3A_169] : memref<10000x128xf32, #tpu.memory_space<hbm>> -> memref<128x128xf32, #tpu.memory_space<hbm>>
        tpu.wait_dma2 semaphore(%arg12 : memref<!tpu.dma_semaphore, #tpu.memory_space<semaphore_mem>>) src(%dma_wait3A_170 : memref<128x128xf32, #tpu.memory_space<hbm>>) dst(%arg9 : memref<128x128xf32, #tpu.memory_space<vmem>>)
        "tpu.region"() ({
          %run_scoped3A_197 = tpu.sem_alloc : memref<!tpu.dma_semaphore, #tpu.memory_space<semaphore_mem>>
          %dma_start3A_198 = arith.constant 0 : i32
          %dma_start3A_199 = tpu.memref_slice %arg8[%add3A_164, %dma_start3A_198] : memref<40x128xi32, #tpu.memory_space<vmem>> -> memref<1x128xi32, #tpu.memory_space<vmem>>
          %dma_start3A_200 = tpu.memref_squeeze %dma_start3A_199 : memref<1x128xi32, #tpu.memory_space<vmem>> -> memref<128xi32, #tpu.memory_space<vmem>>
          %dma_start3A_201 = arith.constant 0 : i32
          %dma_start3A_202 = arith.constant 0 : i32
          %dma_start3A_203 = tpu.memref_slice %arg11[%dma_start3A_201, %dma_start3A_202] : memref<10112x128xf32, #tpu.memory_space<vmem_shared>> -> memref<10112x128xf32, #tpu.memory_space<vmem_shared>>
          tpu.enqueue_indirect_dma source(%arg9 : memref<128x128xf32, #tpu.memory_space<vmem>>) target(%dma_start3A_203 : memref<10112x128xf32, #tpu.memory_space<vmem_shared>>) offsets(%dma_start3A_200 : memref<128xi32, #tpu.memory_space<vmem>>) semaphore(%run_scoped3A_197 : memref<!tpu.dma_semaphore, #tpu.memory_space<semaphore_mem>>) {add = true}
          %dma_wait3A_204 = arith.constant 0 : i32
          %dma_wait3A_205 = tpu.memref_slice %arg8[%add3A_164, %dma_wait3A_204] : memref<40x128xi32, #tpu.memory_space<vmem>> -> memref<1x128xi32, #tpu.memory_space<vmem>>
          %dma_wait3A_206 = tpu.memref_squeeze %dma_wait3A_205 : memref<1x128xi32, #tpu.memory_space<vmem>> -> memref<128xi32, #tpu.memory_space<vmem>>
          %dma_wait3A_207 = arith.constant 0 : i32
          %dma_wait3A_208 = arith.constant 0 : i32
          %dma_wait3A_209 = tpu.memref_slice %arg11[%dma_wait3A_207, %dma_wait3A_208] : memref<10112x128xf32, #tpu.memory_space<vmem_shared>> -> memref<10112x128xf32, #tpu.memory_space<vmem_shared>>
          tpu.wait_indirect_dma semaphore(%run_scoped3A_197 : memref<!tpu.dma_semaphore, #tpu.memory_space<semaphore_mem>>) src(%arg9 : memref<128x128xf32, #tpu.memory_space<vmem>>) dst(%dma_wait3A_209 : memref<10112x128xf32, #tpu.memory_space<vmem_shared>>)
          tpu.yield
        }) : () -> ()
        %add3A_171 = arith.constant 2 : i32
        %add3A_172 = arith.addi %add3A_164, %add3A_171 : i32
        %dma_start3A_173 = arith.constant 0 : i32
        %dma_start3A_174 = tpu.memref_slice %arg7[%add3A_172, %dma_start3A_173] : memref<40x128xi32, #tpu.memory_space<vmem>> -> memref<1x128xi32, #tpu.memory_space<vmem>>
        %dma_start3A_175 = tpu.memref_squeeze %dma_start3A_174 : memref<1x128xi32, #tpu.memory_space<vmem>> -> memref<128xi32, #tpu.memory_space<vmem>>
        %dma_start3A_176 = arith.constant 0 : i32
        %dma_start3A_177 = arith.constant 0 : i32
        %dma_start3A_178 = tpu.memref_slice %arg2[%dma_start3A_176, %dma_start3A_177] : memref<10000x128xf32, #tpu.memory_space<hbm>> -> memref<10000x128xf32, #tpu.memory_space<hbm>>
        tpu.enqueue_indirect_dma source(%dma_start3A_178 : memref<10000x128xf32, #tpu.memory_space<hbm>>) target(%arg9 : memref<128x128xf32, #tpu.memory_space<vmem>>) offsets(%dma_start3A_175 : memref<128xi32, #tpu.memory_space<vmem>>) semaphore(%arg12 : memref<!tpu.dma_semaphore, #tpu.memory_space<semaphore_mem>>)
        %mul3A_179 = arith.constant 2 : i32
        %mul3A_180 = arith.muli %mul3A_179, %scan3A_160 : i32
        %add3A_181 = arith.constant 1 : i32
        %add3A_182 = arith.addi %mul3A_180, %add3A_181 : i32
        %dma_wait3A_183 = arith.constant 0 : i32
        %dma_wait3A_184 = arith.constant 0 : i32
        %dma_wait3A_185 = tpu.memref_slice %arg2[%dma_wait3A_183, %dma_wait3A_184] : memref<10000x128xf32, #tpu.memory_space<hbm>> -> memref<128x128xf32, #tpu.memory_space<hbm>>
        %dma_wait3A_186 = arith.constant 0 : i32
        %dma_wait3A_187 = arith.constant 0 : i32
        %dma_wait3A_188 = tpu.memref_slice %arg2[%dma_wait3A_186, %dma_wait3A_187] : memref<10000x128xf32, #tpu.memory_space<hbm>> -> memref<128x128xf32, #tpu.memory_space<hbm>>
        tpu.wait_dma2 semaphore(%arg13 : memref<!tpu.dma_semaphore, #tpu.memory_space<semaphore_mem>>) src(%dma_wait3A_188 : memref<128x128xf32, #tpu.memory_space<hbm>>) dst(%arg10 : memref<128x128xf32, #tpu.memory_space<vmem>>)
        "tpu.region"() ({
          %run_scoped3A_197 = tpu.sem_alloc : memref<!tpu.dma_semaphore, #tpu.memory_space<semaphore_mem>>
          %dma_start3A_198 = arith.constant 0 : i32
          %dma_start3A_199 = tpu.memref_slice %arg8[%add3A_182, %dma_start3A_198] : memref<40x128xi32, #tpu.memory_space<vmem>> -> memref<1x128xi32, #tpu.memory_space<vmem>>
          %dma_start3A_200 = tpu.memref_squeeze %dma_start3A_199 : memref<1x128xi32, #tpu.memory_space<vmem>> -> memref<128xi32, #tpu.memory_space<vmem>>
          %dma_start3A_201 = arith.constant 0 : i32
          %dma_start3A_202 = arith.constant 0 : i32
          %dma_start3A_203 = tpu.memref_slice %arg11[%dma_start3A_201, %dma_start3A_202] : memref<10112x128xf32, #tpu.memory_space<vmem_shared>> -> memref<10112x128xf32, #tpu.memory_space<vmem_shared>>
          tpu.enqueue_indirect_dma source(%arg10 : memref<128x128xf32, #tpu.memory_space<vmem>>) target(%dma_start3A_203 : memref<10112x128xf32, #tpu.memory_space<vmem_shared>>) offsets(%dma_start3A_200 : memref<128xi32, #tpu.memory_space<vmem>>) semaphore(%run_scoped3A_197 : memref<!tpu.dma_semaphore, #tpu.memory_space<semaphore_mem>>) {add = true}
          %dma_wait3A_204 = arith.constant 0 : i32
          %dma_wait3A_205 = tpu.memref_slice %arg8[%add3A_182, %dma_wait3A_204] : memref<40x128xi32, #tpu.memory_space<vmem>> -> memref<1x128xi32, #tpu.memory_space<vmem>>
          %dma_wait3A_206 = tpu.memref_squeeze %dma_wait3A_205 : memref<1x128xi32, #tpu.memory_space<vmem>> -> memref<128xi32, #tpu.memory_space<vmem>>
          %dma_wait3A_207 = arith.constant 0 : i32
          %dma_wait3A_208 = arith.constant 0 : i32
          %dma_wait3A_209 = tpu.memref_slice %arg11[%dma_wait3A_207, %dma_wait3A_208] : memref<10112x128xf32, #tpu.memory_space<vmem_shared>> -> memref<10112x128xf32, #tpu.memory_space<vmem_shared>>
          tpu.wait_indirect_dma semaphore(%run_scoped3A_197 : memref<!tpu.dma_semaphore, #tpu.memory_space<semaphore_mem>>) src(%arg10 : memref<128x128xf32, #tpu.memory_space<vmem>>) dst(%dma_wait3A_209 : memref<10112x128xf32, #tpu.memory_space<vmem_shared>>)
          tpu.yield
        }) : () -> ()
        %add3A_189 = arith.constant 2 : i32
        %add3A_190 = arith.addi %add3A_182, %add3A_189 : i32
        %dma_start3A_191 = arith.constant 0 : i32
        %dma_start3A_192 = tpu.memref_slice %arg7[%add3A_190, %dma_start3A_191] : memref<40x128xi32, #tpu.memory_space<vmem>> -> memref<1x128xi32, #tpu.memory_space<vmem>>
        %dma_start3A_193 = tpu.memref_squeeze %dma_start3A_192 : memref<1x128xi32, #tpu.memory_space<vmem>> -> memref<128xi32, #tpu.memory_space<vmem>>
        %dma_start3A_194 = arith.constant 0 : i32
        %dma_start3A_195 = arith.constant 0 : i32
        %dma_start3A_196 = tpu.memref_slice %arg2[%dma_start3A_194, %dma_start3A_195] : memref<10000x128xf32, #tpu.memory_space<hbm>> -> memref<10000x128xf32, #tpu.memory_space<hbm>>
        tpu.enqueue_indirect_dma source(%dma_start3A_196 : memref<10000x128xf32, #tpu.memory_space<hbm>>) target(%arg10 : memref<128x128xf32, #tpu.memory_space<vmem>>) offsets(%dma_start3A_193 : memref<128xi32, #tpu.memory_space<vmem>>) semaphore(%arg13 : memref<!tpu.dma_semaphore, #tpu.memory_space<semaphore_mem>>)
      }
      %scan3A_145 = arith.constant 15 : i32
      %dma_wait3A_146 = arith.constant 0 : i32
      %dma_wait3A_147 = arith.constant 0 : i32
      %dma_wait3A_148 = tpu.memref_slice %arg2[%dma_wait3A_146, %dma_wait3A_147] : memref<10000x128xf32, #tpu.memory_space<hbm>> -> memref<128x128xf32, #tpu.memory_space<hbm>>
      %dma_wait3A_149 = arith.constant 0 : i32
      %dma_wait3A_150 = arith.constant 0 : i32
      %dma_wait3A_151 = tpu.memref_slice %arg2[%dma_wait3A_149, %dma_wait3A_150] : memref<10000x128xf32, #tpu.memory_space<hbm>> -> memref<128x128xf32, #tpu.memory_space<hbm>>
      tpu.wait_dma2 semaphore(%arg12 : memref<!tpu.dma_semaphore, #tpu.memory_space<semaphore_mem>>) src(%dma_wait3A_151 : memref<128x128xf32, #tpu.memory_space<hbm>>) dst(%arg9 : memref<128x128xf32, #tpu.memory_space<vmem>>)
      %run_scoped3A_152 = arith.constant 30 : i32
      "tpu.region"() ({
        %run_scoped3A_160 = tpu.sem_alloc : memref<!tpu.dma_semaphore, #tpu.memory_space<semaphore_mem>>
        %dma_start3A_161 = arith.constant 0 : i32
        %dma_start3A_162 = tpu.memref_slice %arg8[%run_scoped3A_152, %dma_start3A_161] : memref<40x128xi32, #tpu.memory_space<vmem>> -> memref<1x128xi32, #tpu.memory_space<vmem>>
        %dma_start3A_163 = tpu.memref_squeeze %dma_start3A_162 : memref<1x128xi32, #tpu.memory_space<vmem>> -> memref<128xi32, #tpu.memory_space<vmem>>
        %dma_start3A_164 = arith.constant 0 : i32
        %dma_start3A_165 = arith.constant 0 : i32
        %dma_start3A_166 = tpu.memref_slice %arg11[%dma_start3A_164, %dma_start3A_165] : memref<10112x128xf32, #tpu.memory_space<vmem_shared>> -> memref<10112x128xf32, #tpu.memory_space<vmem_shared>>
        tpu.enqueue_indirect_dma source(%arg9 : memref<128x128xf32, #tpu.memory_space<vmem>>) target(%dma_start3A_166 : memref<10112x128xf32, #tpu.memory_space<vmem_shared>>) offsets(%dma_start3A_163 : memref<128xi32, #tpu.memory_space<vmem>>) semaphore(%run_scoped3A_160 : memref<!tpu.dma_semaphore, #tpu.memory_space<semaphore_mem>>) {add = true}
        %dma_wait3A_167 = arith.constant 0 : i32
        %dma_wait3A_168 = tpu.memref_slice %arg8[%run_scoped3A_152, %dma_wait3A_167] : memref<40x128xi32, #tpu.memory_space<vmem>> -> memref<1x128xi32, #tpu.memory_space<vmem>>
        %dma_wait3A_169 = tpu.memref_squeeze %dma_wait3A_168 : memref<1x128xi32, #tpu.memory_space<vmem>> -> memref<128xi32, #tpu.memory_space<vmem>>
        %dma_wait3A_170 = arith.constant 0 : i32
        %dma_wait3A_171 = arith.constant 0 : i32
        %dma_wait3A_172 = tpu.memref_slice %arg11[%dma_wait3A_170, %dma_wait3A_171] : memref<10112x128xf32, #tpu.memory_space<vmem_shared>> -> memref<10112x128xf32, #tpu.memory_space<vmem_shared>>
        tpu.wait_indirect_dma semaphore(%run_scoped3A_160 : memref<!tpu.dma_semaphore, #tpu.memory_space<semaphore_mem>>) src(%arg9 : memref<128x128xf32, #tpu.memory_space<vmem>>) dst(%dma_wait3A_172 : memref<10112x128xf32, #tpu.memory_space<vmem_shared>>)
        tpu.yield
      }) : () -> ()
      %dma_wait3A_153 = arith.constant 0 : i32
      %dma_wait3A_154 = arith.constant 0 : i32
      %dma_wait3A_155 = tpu.memref_slice %arg2[%dma_wait3A_153, %dma_wait3A_154] : memref<10000x128xf32, #tpu.memory_space<hbm>> -> memref<128x128xf32, #tpu.memory_space<hbm>>
      %dma_wait3A_156 = arith.constant 0 : i32
      %dma_wait3A_157 = arith.constant 0 : i32
      %dma_wait3A_158 = tpu.memref_slice %arg2[%dma_wait3A_156, %dma_wait3A_157] : memref<10000x128xf32, #tpu.memory_space<hbm>> -> memref<128x128xf32, #tpu.memory_space<hbm>>
      tpu.wait_dma2 semaphore(%arg13 : memref<!tpu.dma_semaphore, #tpu.memory_space<semaphore_mem>>) src(%dma_wait3A_158 : memref<128x128xf32, #tpu.memory_space<hbm>>) dst(%arg10 : memref<128x128xf32, #tpu.memory_space<vmem>>)
      %run_scoped3A_159 = arith.constant 31 : i32
      "tpu.region"() ({
        %run_scoped3A_160 = tpu.sem_alloc : memref<!tpu.dma_semaphore, #tpu.memory_space<semaphore_mem>>
        %dma_start3A_161 = arith.constant 0 : i32
        %dma_start3A_162 = tpu.memref_slice %arg8[%run_scoped3A_159, %dma_start3A_161] : memref<40x128xi32, #tpu.memory_space<vmem>> -> memref<1x128xi32, #tpu.memory_space<vmem>>
        %dma_start3A_163 = tpu.memref_squeeze %dma_start3A_162 : memref<1x128xi32, #tpu.memory_space<vmem>> -> memref<128xi32, #tpu.memory_space<vmem>>
        %dma_start3A_164 = arith.constant 0 : i32
        %dma_start3A_165 = arith.constant 0 : i32
        %dma_start3A_166 = tpu.memref_slice %arg11[%dma_start3A_164, %dma_start3A_165] : memref<10112x128xf32, #tpu.memory_space<vmem_shared>> -> memref<10112x128xf32, #tpu.memory_space<vmem_shared>>
        tpu.enqueue_indirect_dma source(%arg10 : memref<128x128xf32, #tpu.memory_space<vmem>>) target(%dma_start3A_166 : memref<10112x128xf32, #tpu.memory_space<vmem_shared>>) offsets(%dma_start3A_163 : memref<128xi32, #tpu.memory_space<vmem>>) semaphore(%run_scoped3A_160 : memref<!tpu.dma_semaphore, #tpu.memory_space<semaphore_mem>>) {add = true}
        %dma_wait3A_167 = arith.constant 0 : i32
        %dma_wait3A_168 = tpu.memref_slice %arg8[%run_scoped3A_159, %dma_wait3A_167] : memref<40x128xi32, #tpu.memory_space<vmem>> -> memref<1x128xi32, #tpu.memory_space<vmem>>
        %dma_wait3A_169 = tpu.memref_squeeze %dma_wait3A_168 : memref<1x128xi32, #tpu.memory_space<vmem>> -> memref<128xi32, #tpu.memory_space<vmem>>
        %dma_wait3A_170 = arith.constant 0 : i32
        %dma_wait3A_171 = arith.constant 0 : i32
        %dma_wait3A_172 = tpu.memref_slice %arg11[%dma_wait3A_170, %dma_wait3A_171] : memref<10112x128xf32, #tpu.memory_space<vmem_shared>> -> memref<10112x128xf32, #tpu.memory_space<vmem_shared>>
        tpu.wait_indirect_dma semaphore(%run_scoped3A_160 : memref<!tpu.dma_semaphore, #tpu.memory_space<semaphore_mem>>) src(%arg10 : memref<128x128xf32, #tpu.memory_space<vmem>>) dst(%dma_wait3A_172 : memref<10112x128xf32, #tpu.memory_space<vmem_shared>>)
        tpu.yield
      }) : () -> ()
    } else {
    }
    %eq3A_3 = arith.constant 1 : i32
    %eq3A_4 = arith.cmpi eq, %arg0, %eq3A_3 : i32
    %convert_element_type3A_5 = arith.extui %eq3A_4 : i1 to i32
    %cond3A_6 = arith.constant 0 : i32
    %cond3A_7 = arith.cmpi ne, %convert_element_type3A_5, %cond3A_6 : i32
    scf.if %cond3A_7 {
      %mul3A_13 = arith.constant 8 : i32
      %mul3A_14 = arith.muli %arg1, %mul3A_13 : i32
      %add3A = arith.constant 2432 : i32
      %add3A_15 = arith.addi %add3A, %mul3A_14 : i32
      %add3A_16 = arith.constant 0 : i32
      %add3A_17 = arith.addi %add3A_15, %add3A_16 : i32
      "tpu.region"() ({
        %run_scoped3A_48 = tpu.sem_alloc : memref<!tpu.dma_semaphore, #tpu.memory_space<semaphore_mem>>
        %dma_start3A_49 = arith.constant 0 : i32
        %dma_start3A_50 = arith.constant 0 : i32
        %dma_start3A_51 = tpu.memref_slice %arg7[%dma_start3A_49, %dma_start3A_50] : memref<40x128xi32, #tpu.memory_space<vmem>> -> memref<8x128xi32, #tpu.memory_space<vmem>>
        %dma_start3A_52 = arith.constant 0 : i32
        %dma_start3A_53 = tpu.memref_slice %arg3[%add3A_17, %dma_start3A_52] : memref<2560x128xi32, #tpu.memory_space<hbm>> -> memref<8x128xi32, #tpu.memory_space<hbm>>
        %dma_start3A_54 = arith.constant 0 : i32
        %dma_start3A_55 = arith.constant 0 : i32
        %dma_start3A_56 = tpu.memref_slice %arg7[%dma_start3A_54, %dma_start3A_55] : memref<40x128xi32, #tpu.memory_space<vmem>> -> memref<8x128xi32, #tpu.memory_space<vmem>>
        %dma_start3A_57 = arith.constant 0 : i32
        %dma_start3A_58 = tpu.memref_slice %arg3[%add3A_17, %dma_start3A_57] : memref<2560x128xi32, #tpu.memory_space<hbm>> -> memref<8x128xi32, #tpu.memory_space<hbm>>
        tpu.enqueue_dma source(%dma_start3A_58 : memref<8x128xi32, #tpu.memory_space<hbm>>) target(%dma_start3A_56 : memref<8x128xi32, #tpu.memory_space<vmem>>) target_semaphore(%run_scoped3A_48 : memref<!tpu.dma_semaphore, #tpu.memory_space<semaphore_mem>>)
        %dma_wait3A_59 = arith.constant 0 : i32
        %dma_wait3A_60 = arith.constant 0 : i32
        %dma_wait3A_61 = tpu.memref_slice %arg7[%dma_wait3A_59, %dma_wait3A_60] : memref<40x128xi32, #tpu.memory_space<vmem>> -> memref<8x128xi32, #tpu.memory_space<vmem>>
        %dma_wait3A_62 = arith.constant 0 : i32
        %dma_wait3A_63 = tpu.memref_slice %arg3[%add3A_17, %dma_wait3A_62] : memref<2560x128xi32, #tpu.memory_space<hbm>> -> memref<8x128xi32, #tpu.memory_space<hbm>>
        %dma_wait3A_64 = arith.constant 0 : i32
        %dma_wait3A_65 = arith.constant 0 : i32
        %dma_wait3A_66 = tpu.memref_slice %arg7[%dma_wait3A_64, %dma_wait3A_65] : memref<40x128xi32, #tpu.memory_space<vmem>> -> memref<8x128xi32, #tpu.memory_space<vmem>>
        %dma_wait3A_67 = arith.constant 0 : i32
        %dma_wait3A_68 = tpu.memref_slice %arg3[%add3A_17, %dma_wait3A_67] : memref<2560x128xi32, #tpu.memory_space<hbm>> -> memref<8x128xi32, #tpu.memory_space<hbm>>
        tpu.wait_dma2 semaphore(%run_scoped3A_48 : memref<!tpu.dma_semaphore, #tpu.memory_space<semaphore_mem>>) src(%dma_wait3A_68 : memref<8x128xi32, #tpu.memory_space<hbm>>) dst(%dma_wait3A_66 : memref<8x128xi32, #tpu.memory_space<vmem>>)
        tpu.yield
      }) : () -> ()
      "tpu.region"() ({
        %run_scoped3A_48 = tpu.sem_alloc : memref<!tpu.dma_semaphore, #tpu.memory_space<semaphore_mem>>
        %dma_start3A_49 = arith.constant 0 : i32
        %dma_start3A_50 = arith.constant 0 : i32
        %dma_start3A_51 = tpu.memref_slice %arg8[%dma_start3A_49, %dma_start3A_50] : memref<40x128xi32, #tpu.memory_space<vmem>> -> memref<8x128xi32, #tpu.memory_space<vmem>>
        %dma_start3A_52 = arith.constant 0 : i32
        %dma_start3A_53 = tpu.memref_slice %arg4[%add3A_17, %dma_start3A_52] : memref<2560x128xi32, #tpu.memory_space<hbm>> -> memref<8x128xi32, #tpu.memory_space<hbm>>
        %dma_start3A_54 = arith.constant 0 : i32
        %dma_start3A_55 = arith.constant 0 : i32
        %dma_start3A_56 = tpu.memref_slice %arg8[%dma_start3A_54, %dma_start3A_55] : memref<40x128xi32, #tpu.memory_space<vmem>> -> memref<8x128xi32, #tpu.memory_space<vmem>>
        %dma_start3A_57 = arith.constant 0 : i32
        %dma_start3A_58 = tpu.memref_slice %arg4[%add3A_17, %dma_start3A_57] : memref<2560x128xi32, #tpu.memory_space<hbm>> -> memref<8x128xi32, #tpu.memory_space<hbm>>
        tpu.enqueue_dma source(%dma_start3A_58 : memref<8x128xi32, #tpu.memory_space<hbm>>) target(%dma_start3A_56 : memref<8x128xi32, #tpu.memory_space<vmem>>) target_semaphore(%run_scoped3A_48 : memref<!tpu.dma_semaphore, #tpu.memory_space<semaphore_mem>>)
        %dma_wait3A_59 = arith.constant 0 : i32
        %dma_wait3A_60 = arith.constant 0 : i32
        %dma_wait3A_61 = tpu.memref_slice %arg8[%dma_wait3A_59, %dma_wait3A_60] : memref<40x128xi32, #tpu.memory_space<vmem>> -> memref<8x128xi32, #tpu.memory_space<vmem>>
        %dma_wait3A_62 = arith.constant 0 : i32
        %dma_wait3A_63 = tpu.memref_slice %arg4[%add3A_17, %dma_wait3A_62] : memref<2560x128xi32, #tpu.memory_space<hbm>> -> memref<8x128xi32, #tpu.memory_space<hbm>>
        %dma_wait3A_64 = arith.constant 0 : i32
        %dma_wait3A_65 = arith.constant 0 : i32
        %dma_wait3A_66 = tpu.memref_slice %arg8[%dma_wait3A_64, %dma_wait3A_65] : memref<40x128xi32, #tpu.memory_space<vmem>> -> memref<8x128xi32, #tpu.memory_space<vmem>>
        %dma_wait3A_67 = arith.constant 0 : i32
        %dma_wait3A_68 = tpu.memref_slice %arg4[%add3A_17, %dma_wait3A_67] : memref<2560x128xi32, #tpu.memory_space<hbm>> -> memref<8x128xi32, #tpu.memory_space<hbm>>
        tpu.wait_dma2 semaphore(%run_scoped3A_48 : memref<!tpu.dma_semaphore, #tpu.memory_space<semaphore_mem>>) src(%dma_wait3A_68 : memref<8x128xi32, #tpu.memory_space<hbm>>) dst(%dma_wait3A_66 : memref<8x128xi32, #tpu.memory_space<vmem>>)
        tpu.yield
      }) : () -> ()
      %dma_start3A = arith.constant 0 : i32
      %dma_start3A_18 = arith.constant 0 : i32
      %dma_start3A_19 = tpu.memref_slice %arg7[%dma_start3A, %dma_start3A_18] : memref<40x128xi32, #tpu.memory_space<vmem>> -> memref<1x128xi32, #tpu.memory_space<vmem>>
      %dma_start3A_20 = tpu.memref_squeeze %dma_start3A_19 : memref<1x128xi32, #tpu.memory_space<vmem>> -> memref<128xi32, #tpu.memory_space<vmem>>
      %dma_start3A_21 = arith.constant 0 : i32
      %dma_start3A_22 = arith.constant 0 : i32
      %dma_start3A_23 = tpu.memref_slice %arg2[%dma_start3A_21, %dma_start3A_22] : memref<10000x128xf32, #tpu.memory_space<hbm>> -> memref<10000x128xf32, #tpu.memory_space<hbm>>
      tpu.enqueue_indirect_dma source(%dma_start3A_23 : memref<10000x128xf32, #tpu.memory_space<hbm>>) target(%arg9 : memref<128x128xf32, #tpu.memory_space<vmem>>) offsets(%dma_start3A_20 : memref<128xi32, #tpu.memory_space<vmem>>) semaphore(%arg12 : memref<!tpu.dma_semaphore, #tpu.memory_space<semaphore_mem>>)
      %dma_start3A_24 = arith.constant 1 : i32
      %dma_start3A_25 = arith.constant 0 : i32
      %dma_start3A_26 = tpu.memref_slice %arg7[%dma_start3A_24, %dma_start3A_25] : memref<40x128xi32, #tpu.memory_space<vmem>> -> memref<1x128xi32, #tpu.memory_space<vmem>>
      %dma_start3A_27 = tpu.memref_squeeze %dma_start3A_26 : memref<1x128xi32, #tpu.memory_space<vmem>> -> memref<128xi32, #tpu.memory_space<vmem>>
      %dma_start3A_28 = arith.constant 0 : i32
      %dma_start3A_29 = arith.constant 0 : i32
      %dma_start3A_30 = tpu.memref_slice %arg2[%dma_start3A_28, %dma_start3A_29] : memref<10000x128xf32, #tpu.memory_space<hbm>> -> memref<10000x128xf32, #tpu.memory_space<hbm>>
      tpu.enqueue_indirect_dma source(%dma_start3A_30 : memref<10000x128xf32, #tpu.memory_space<hbm>>) target(%arg10 : memref<128x128xf32, #tpu.memory_space<vmem>>) offsets(%dma_start3A_27 : memref<128xi32, #tpu.memory_space<vmem>>) semaphore(%arg13 : memref<!tpu.dma_semaphore, #tpu.memory_space<semaphore_mem>>)
      %scan3A = arith.constant 0 : i32
      %scan3A_31 = arith.constant 0 : i32
      %scan3A_32 = arith.constant 3 : i32
      %scan3A_33 = arith.addi %scan3A_31, %scan3A_32 : i32
      %scan3A_34 = arith.constant 1 : i32
      scf.for %scan3A_48 = %scan3A_31 to %scan3A_33 step %scan3A_34  : i32 {
        %mul3A_49 = arith.constant 2 : i32
        %mul3A_50 = arith.muli %mul3A_49, %scan3A_48 : i32
        %add3A_51 = arith.constant 0 : i32
        %add3A_52 = arith.addi %mul3A_50, %add3A_51 : i32
        %dma_wait3A_53 = arith.constant 0 : i32
        %dma_wait3A_54 = arith.constant 0 : i32
        %dma_wait3A_55 = tpu.memref_slice %arg2[%dma_wait3A_53, %dma_wait3A_54] : memref<10000x128xf32, #tpu.memory_space<hbm>> -> memref<128x128xf32, #tpu.memory_space<hbm>>
        %dma_wait3A_56 = arith.constant 0 : i32
        %dma_wait3A_57 = arith.constant 0 : i32
        %dma_wait3A_58 = tpu.memref_slice %arg2[%dma_wait3A_56, %dma_wait3A_57] : memref<10000x128xf32, #tpu.memory_space<hbm>> -> memref<128x128xf32, #tpu.memory_space<hbm>>
        tpu.wait_dma2 semaphore(%arg12 : memref<!tpu.dma_semaphore, #tpu.memory_space<semaphore_mem>>) src(%dma_wait3A_58 : memref<128x128xf32, #tpu.memory_space<hbm>>) dst(%arg9 : memref<128x128xf32, #tpu.memory_space<vmem>>)
        "tpu.region"() ({
          %run_scoped3A_85 = tpu.sem_alloc : memref<!tpu.dma_semaphore, #tpu.memory_space<semaphore_mem>>
          %dma_start3A_86 = arith.constant 0 : i32
          %dma_start3A_87 = tpu.memref_slice %arg8[%add3A_52, %dma_start3A_86] : memref<40x128xi32, #tpu.memory_space<vmem>> -> memref<1x128xi32, #tpu.memory_space<vmem>>
          %dma_start3A_88 = tpu.memref_squeeze %dma_start3A_87 : memref<1x128xi32, #tpu.memory_space<vmem>> -> memref<128xi32, #tpu.memory_space<vmem>>
          %dma_start3A_89 = arith.constant 0 : i32
          %dma_start3A_90 = arith.constant 0 : i32
          %dma_start3A_91 = tpu.memref_slice %arg11[%dma_start3A_89, %dma_start3A_90] : memref<10112x128xf32, #tpu.memory_space<vmem_shared>> -> memref<10112x128xf32, #tpu.memory_space<vmem_shared>>
          tpu.enqueue_indirect_dma source(%arg9 : memref<128x128xf32, #tpu.memory_space<vmem>>) target(%dma_start3A_91 : memref<10112x128xf32, #tpu.memory_space<vmem_shared>>) offsets(%dma_start3A_88 : memref<128xi32, #tpu.memory_space<vmem>>) semaphore(%run_scoped3A_85 : memref<!tpu.dma_semaphore, #tpu.memory_space<semaphore_mem>>) {add = true}
          %dma_wait3A_92 = arith.constant 0 : i32
          %dma_wait3A_93 = tpu.memref_slice %arg8[%add3A_52, %dma_wait3A_92] : memref<40x128xi32, #tpu.memory_space<vmem>> -> memref<1x128xi32, #tpu.memory_space<vmem>>
          %dma_wait3A_94 = tpu.memref_squeeze %dma_wait3A_93 : memref<1x128xi32, #tpu.memory_space<vmem>> -> memref<128xi32, #tpu.memory_space<vmem>>
          %dma_wait3A_95 = arith.constant 0 : i32
          %dma_wait3A_96 = arith.constant 0 : i32
          %dma_wait3A_97 = tpu.memref_slice %arg11[%dma_wait3A_95, %dma_wait3A_96] : memref<10112x128xf32, #tpu.memory_space<vmem_shared>> -> memref<10112x128xf32, #tpu.memory_space<vmem_shared>>
          tpu.wait_indirect_dma semaphore(%run_scoped3A_85 : memref<!tpu.dma_semaphore, #tpu.memory_space<semaphore_mem>>) src(%arg9 : memref<128x128xf32, #tpu.memory_space<vmem>>) dst(%dma_wait3A_97 : memref<10112x128xf32, #tpu.memory_space<vmem_shared>>)
          tpu.yield
        }) : () -> ()
        %add3A_59 = arith.constant 2 : i32
        %add3A_60 = arith.addi %add3A_52, %add3A_59 : i32
        %dma_start3A_61 = arith.constant 0 : i32
        %dma_start3A_62 = tpu.memref_slice %arg7[%add3A_60, %dma_start3A_61] : memref<40x128xi32, #tpu.memory_space<vmem>> -> memref<1x128xi32, #tpu.memory_space<vmem>>
        %dma_start3A_63 = tpu.memref_squeeze %dma_start3A_62 : memref<1x128xi32, #tpu.memory_space<vmem>> -> memref<128xi32, #tpu.memory_space<vmem>>
        %dma_start3A_64 = arith.constant 0 : i32
        %dma_start3A_65 = arith.constant 0 : i32
        %dma_start3A_66 = tpu.memref_slice %arg2[%dma_start3A_64, %dma_start3A_65] : memref<10000x128xf32, #tpu.memory_space<hbm>> -> memref<10000x128xf32, #tpu.memory_space<hbm>>
        tpu.enqueue_indirect_dma source(%dma_start3A_66 : memref<10000x128xf32, #tpu.memory_space<hbm>>) target(%arg9 : memref<128x128xf32, #tpu.memory_space<vmem>>) offsets(%dma_start3A_63 : memref<128xi32, #tpu.memory_space<vmem>>) semaphore(%arg12 : memref<!tpu.dma_semaphore, #tpu.memory_space<semaphore_mem>>)
        %mul3A_67 = arith.constant 2 : i32
        %mul3A_68 = arith.muli %mul3A_67, %scan3A_48 : i32
        %add3A_69 = arith.constant 1 : i32
        %add3A_70 = arith.addi %mul3A_68, %add3A_69 : i32
        %dma_wait3A_71 = arith.constant 0 : i32
        %dma_wait3A_72 = arith.constant 0 : i32
        %dma_wait3A_73 = tpu.memref_slice %arg2[%dma_wait3A_71, %dma_wait3A_72] : memref<10000x128xf32, #tpu.memory_space<hbm>> -> memref<128x128xf32, #tpu.memory_space<hbm>>
        %dma_wait3A_74 = arith.constant 0 : i32
        %dma_wait3A_75 = arith.constant 0 : i32
        %dma_wait3A_76 = tpu.memref_slice %arg2[%dma_wait3A_74, %dma_wait3A_75] : memref<10000x128xf32, #tpu.memory_space<hbm>> -> memref<128x128xf32, #tpu.memory_space<hbm>>
        tpu.wait_dma2 semaphore(%arg13 : memref<!tpu.dma_semaphore, #tpu.memory_space<semaphore_mem>>) src(%dma_wait3A_76 : memref<128x128xf32, #tpu.memory_space<hbm>>) dst(%arg10 : memref<128x128xf32, #tpu.memory_space<vmem>>)
        "tpu.region"() ({
          %run_scoped3A_85 = tpu.sem_alloc : memref<!tpu.dma_semaphore, #tpu.memory_space<semaphore_mem>>
          %dma_start3A_86 = arith.constant 0 : i32
          %dma_start3A_87 = tpu.memref_slice %arg8[%add3A_70, %dma_start3A_86] : memref<40x128xi32, #tpu.memory_space<vmem>> -> memref<1x128xi32, #tpu.memory_space<vmem>>
          %dma_start3A_88 = tpu.memref_squeeze %dma_start3A_87 : memref<1x128xi32, #tpu.memory_space<vmem>> -> memref<128xi32, #tpu.memory_space<vmem>>
          %dma_start3A_89 = arith.constant 0 : i32
          %dma_start3A_90 = arith.constant 0 : i32
          %dma_start3A_91 = tpu.memref_slice %arg11[%dma_start3A_89, %dma_start3A_90] : memref<10112x128xf32, #tpu.memory_space<vmem_shared>> -> memref<10112x128xf32, #tpu.memory_space<vmem_shared>>
          tpu.enqueue_indirect_dma source(%arg10 : memref<128x128xf32, #tpu.memory_space<vmem>>) target(%dma_start3A_91 : memref<10112x128xf32, #tpu.memory_space<vmem_shared>>) offsets(%dma_start3A_88 : memref<128xi32, #tpu.memory_space<vmem>>) semaphore(%run_scoped3A_85 : memref<!tpu.dma_semaphore, #tpu.memory_space<semaphore_mem>>) {add = true}
          %dma_wait3A_92 = arith.constant 0 : i32
          %dma_wait3A_93 = tpu.memref_slice %arg8[%add3A_70, %dma_wait3A_92] : memref<40x128xi32, #tpu.memory_space<vmem>> -> memref<1x128xi32, #tpu.memory_space<vmem>>
          %dma_wait3A_94 = tpu.memref_squeeze %dma_wait3A_93 : memref<1x128xi32, #tpu.memory_space<vmem>> -> memref<128xi32, #tpu.memory_space<vmem>>
          %dma_wait3A_95 = arith.constant 0 : i32
          %dma_wait3A_96 = arith.constant 0 : i32
          %dma_wait3A_97 = tpu.memref_slice %arg11[%dma_wait3A_95, %dma_wait3A_96] : memref<10112x128xf32, #tpu.memory_space<vmem_shared>> -> memref<10112x128xf32, #tpu.memory_space<vmem_shared>>
          tpu.wait_indirect_dma semaphore(%run_scoped3A_85 : memref<!tpu.dma_semaphore, #tpu.memory_space<semaphore_mem>>) src(%arg10 : memref<128x128xf32, #tpu.memory_space<vmem>>) dst(%dma_wait3A_97 : memref<10112x128xf32, #tpu.memory_space<vmem_shared>>)
          tpu.yield
        }) : () -> ()
        %add3A_77 = arith.constant 2 : i32
        %add3A_78 = arith.addi %add3A_70, %add3A_77 : i32
        %dma_start3A_79 = arith.constant 0 : i32
        %dma_start3A_80 = tpu.memref_slice %arg7[%add3A_78, %dma_start3A_79] : memref<40x128xi32, #tpu.memory_space<vmem>> -> memref<1x128xi32, #tpu.memory_space<vmem>>
        %dma_start3A_81 = tpu.memref_squeeze %dma_start3A_80 : memref<1x128xi32, #tpu.memory_space<vmem>> -> memref<128xi32, #tpu.memory_space<vmem>>
        %dma_start3A_82 = arith.constant 0 : i32
        %dma_start3A_83 = arith.constant 0 : i32
        %dma_start3A_84 = tpu.memref_slice %arg2[%dma_start3A_82, %dma_start3A_83] : memref<10000x128xf32, #tpu.memory_space<hbm>> -> memref<10000x128xf32, #tpu.memory_space<hbm>>
        tpu.enqueue_indirect_dma source(%dma_start3A_84 : memref<10000x128xf32, #tpu.memory_space<hbm>>) target(%arg10 : memref<128x128xf32, #tpu.memory_space<vmem>>) offsets(%dma_start3A_81 : memref<128xi32, #tpu.memory_space<vmem>>) semaphore(%arg13 : memref<!tpu.dma_semaphore, #tpu.memory_space<semaphore_mem>>)
      }
      %scan3A_35 = arith.constant 3 : i32
      %dma_wait3A = arith.constant 0 : i32
      %dma_wait3A_36 = arith.constant 0 : i32
      %dma_wait3A_37 = tpu.memref_slice %arg2[%dma_wait3A, %dma_wait3A_36] : memref<10000x128xf32, #tpu.memory_space<hbm>> -> memref<128x128xf32, #tpu.memory_space<hbm>>
      %dma_wait3A_38 = arith.constant 0 : i32
      %dma_wait3A_39 = arith.constant 0 : i32
      %dma_wait3A_40 = tpu.memref_slice %arg2[%dma_wait3A_38, %dma_wait3A_39] : memref<10000x128xf32, #tpu.memory_space<hbm>> -> memref<128x128xf32, #tpu.memory_space<hbm>>
      tpu.wait_dma2 semaphore(%arg12 : memref<!tpu.dma_semaphore, #tpu.memory_space<semaphore_mem>>) src(%dma_wait3A_40 : memref<128x128xf32, #tpu.memory_space<hbm>>) dst(%arg9 : memref<128x128xf32, #tpu.memory_space<vmem>>)
      %run_scoped3A = arith.constant 6 : i32
      "tpu.region"() ({
        %run_scoped3A_48 = tpu.sem_alloc : memref<!tpu.dma_semaphore, #tpu.memory_space<semaphore_mem>>
        %dma_start3A_49 = arith.constant 0 : i32
        %dma_start3A_50 = tpu.memref_slice %arg8[%run_scoped3A, %dma_start3A_49] : memref<40x128xi32, #tpu.memory_space<vmem>> -> memref<1x128xi32, #tpu.memory_space<vmem>>
        %dma_start3A_51 = tpu.memref_squeeze %dma_start3A_50 : memref<1x128xi32, #tpu.memory_space<vmem>> -> memref<128xi32, #tpu.memory_space<vmem>>
        %dma_start3A_52 = arith.constant 0 : i32
        %dma_start3A_53 = arith.constant 0 : i32
        %dma_start3A_54 = tpu.memref_slice %arg11[%dma_start3A_52, %dma_start3A_53] : memref<10112x128xf32, #tpu.memory_space<vmem_shared>> -> memref<10112x128xf32, #tpu.memory_space<vmem_shared>>
        tpu.enqueue_indirect_dma source(%arg9 : memref<128x128xf32, #tpu.memory_space<vmem>>) target(%dma_start3A_54 : memref<10112x128xf32, #tpu.memory_space<vmem_shared>>) offsets(%dma_start3A_51 : memref<128xi32, #tpu.memory_space<vmem>>) semaphore(%run_scoped3A_48 : memref<!tpu.dma_semaphore, #tpu.memory_space<semaphore_mem>>) {add = true}
        %dma_wait3A_55 = arith.constant 0 : i32
        %dma_wait3A_56 = tpu.memref_slice %arg8[%run_scoped3A, %dma_wait3A_55] : memref<40x128xi32, #tpu.memory_space<vmem>> -> memref<1x128xi32, #tpu.memory_space<vmem>>
        %dma_wait3A_57 = tpu.memref_squeeze %dma_wait3A_56 : memref<1x128xi32, #tpu.memory_space<vmem>> -> memref<128xi32, #tpu.memory_space<vmem>>
        %dma_wait3A_58 = arith.constant 0 : i32
        %dma_wait3A_59 = arith.constant 0 : i32
        %dma_wait3A_60 = tpu.memref_slice %arg11[%dma_wait3A_58, %dma_wait3A_59] : memref<10112x128xf32, #tpu.memory_space<vmem_shared>> -> memref<10112x128xf32, #tpu.memory_space<vmem_shared>>
        tpu.wait_indirect_dma semaphore(%run_scoped3A_48 : memref<!tpu.dma_semaphore, #tpu.memory_space<semaphore_mem>>) src(%arg9 : memref<128x128xf32, #tpu.memory_space<vmem>>) dst(%dma_wait3A_60 : memref<10112x128xf32, #tpu.memory_space<vmem_shared>>)
        tpu.yield
      }) : () -> ()
      %dma_wait3A_41 = arith.constant 0 : i32
      %dma_wait3A_42 = arith.constant 0 : i32
      %dma_wait3A_43 = tpu.memref_slice %arg2[%dma_wait3A_41, %dma_wait3A_42] : memref<10000x128xf32, #tpu.memory_space<hbm>> -> memref<128x128xf32, #tpu.memory_space<hbm>>
      %dma_wait3A_44 = arith.constant 0 : i32
      %dma_wait3A_45 = arith.constant 0 : i32
      %dma_wait3A_46 = tpu.memref_slice %arg2[%dma_wait3A_44, %dma_wait3A_45] : memref<10000x128xf32, #tpu.memory_space<hbm>> -> memref<128x128xf32, #tpu.memory_space<hbm>>
      tpu.wait_dma2 semaphore(%arg13 : memref<!tpu.dma_semaphore, #tpu.memory_space<semaphore_mem>>) src(%dma_wait3A_46 : memref<128x128xf32, #tpu.memory_space<hbm>>) dst(%arg10 : memref<128x128xf32, #tpu.memory_space<vmem>>)
      %run_scoped3A_47 = arith.constant 7 : i32
      "tpu.region"() ({
        %run_scoped3A_48 = tpu.sem_alloc : memref<!tpu.dma_semaphore, #tpu.memory_space<semaphore_mem>>
        %dma_start3A_49 = arith.constant 0 : i32
        %dma_start3A_50 = tpu.memref_slice %arg8[%run_scoped3A_47, %dma_start3A_49] : memref<40x128xi32, #tpu.memory_space<vmem>> -> memref<1x128xi32, #tpu.memory_space<vmem>>
        %dma_start3A_51 = tpu.memref_squeeze %dma_start3A_50 : memref<1x128xi32, #tpu.memory_space<vmem>> -> memref<128xi32, #tpu.memory_space<vmem>>
        %dma_start3A_52 = arith.constant 0 : i32
        %dma_start3A_53 = arith.constant 0 : i32
        %dma_start3A_54 = tpu.memref_slice %arg11[%dma_start3A_52, %dma_start3A_53] : memref<10112x128xf32, #tpu.memory_space<vmem_shared>> -> memref<10112x128xf32, #tpu.memory_space<vmem_shared>>
        tpu.enqueue_indirect_dma source(%arg10 : memref<128x128xf32, #tpu.memory_space<vmem>>) target(%dma_start3A_54 : memref<10112x128xf32, #tpu.memory_space<vmem_shared>>) offsets(%dma_start3A_51 : memref<128xi32, #tpu.memory_space<vmem>>) semaphore(%run_scoped3A_48 : memref<!tpu.dma_semaphore, #tpu.memory_space<semaphore_mem>>) {add = true}
        %dma_wait3A_55 = arith.constant 0 : i32
        %dma_wait3A_56 = tpu.memref_slice %arg8[%run_scoped3A_47, %dma_wait3A_55] : memref<40x128xi32, #tpu.memory_space<vmem>> -> memref<1x128xi32, #tpu.memory_space<vmem>>
        %dma_wait3A_57 = tpu.memref_squeeze %dma_wait3A_56 : memref<1x128xi32, #tpu.memory_space<vmem>> -> memref<128xi32, #tpu.memory_space<vmem>>
        %dma_wait3A_58 = arith.constant 0 : i32
        %dma_wait3A_59 = arith.constant 0 : i32
        %dma_wait3A_60 = tpu.memref_slice %arg11[%dma_wait3A_58, %dma_wait3A_59] : memref<10112x128xf32, #tpu.memory_space<vmem_shared>> -> memref<10112x128xf32, #tpu.memory_space<vmem_shared>>
        tpu.wait_indirect_dma semaphore(%run_scoped3A_48 : memref<!tpu.dma_semaphore, #tpu.memory_space<semaphore_mem>>) src(%arg10 : memref<128x128xf32, #tpu.memory_space<vmem>>) dst(%dma_wait3A_60 : memref<10112x128xf32, #tpu.memory_space<vmem_shared>>)
        tpu.yield
      }) : () -> ()
    } else {
    }
    %barrier3A_8 = arith.constant 0 : index
    tpu.barrier barrier_id(%barrier3A_8)
    %mul3A_9 = arith.constant 632 : i32
    %mul3A_10 = arith.muli %arg1, %mul3A_9 : i32
    %mul3A_11 = arith.constant 632 : i32
    %mul3A_12 = arith.muli %arg1, %mul3A_11 : i32
    "tpu.region"() ({
      %run_scoped3A = tpu.sem_alloc : memref<!tpu.dma_semaphore, #tpu.memory_space<semaphore_mem>>
      %dma_start3A = arith.constant 0 : i32
      %dma_start3A_13 = tpu.memref_slice %arg6[%arg0, %mul3A_12, %dma_start3A] : memref<2x10112x128xf32, #tpu.memory_space<hbm>> -> memref<1x632x128xf32, #tpu.memory_space<hbm>>
      %dma_start3A_14 = tpu.memref_squeeze %dma_start3A_13 : memref<1x632x128xf32, #tpu.memory_space<hbm>> -> memref<632x128xf32, #tpu.memory_space<hbm>>
      %dma_start3A_15 = arith.constant 0 : i32
      %dma_start3A_16 = tpu.memref_slice %arg11[%mul3A_10, %dma_start3A_15] : memref<10112x128xf32, #tpu.memory_space<vmem_shared>> -> memref<632x128xf32, #tpu.memory_space<vmem_shared>>
      tpu.enqueue_dma source(%dma_start3A_16 : memref<632x128xf32, #tpu.memory_space<vmem_shared>>) target(%dma_start3A_14 : memref<632x128xf32, #tpu.memory_space<hbm>>) target_semaphore(%run_scoped3A : memref<!tpu.dma_semaphore, #tpu.memory_space<semaphore_mem>>)
      %dma_wait3A = arith.constant 0 : i32
      %dma_wait3A_17 = tpu.memref_slice %arg6[%arg0, %mul3A_12, %dma_wait3A] : memref<2x10112x128xf32, #tpu.memory_space<hbm>> -> memref<1x632x128xf32, #tpu.memory_space<hbm>>
      %dma_wait3A_18 = tpu.memref_squeeze %dma_wait3A_17 : memref<1x632x128xf32, #tpu.memory_space<hbm>> -> memref<632x128xf32, #tpu.memory_space<hbm>>
      %dma_wait3A_19 = arith.constant 0 : i32
      %dma_wait3A_20 = tpu.memref_slice %arg11[%mul3A_10, %dma_wait3A_19] : memref<10112x128xf32, #tpu.memory_space<vmem_shared>> -> memref<632x128xf32, #tpu.memory_space<vmem_shared>>
      tpu.wait_dma2 semaphore(%run_scoped3A : memref<!tpu.dma_semaphore, #tpu.memory_space<semaphore_mem>>) src(%dma_wait3A_20 : memref<632x128xf32, #tpu.memory_space<vmem_shared>>) dst(%dma_wait3A_18 : memref<632x128xf32, #tpu.memory_space<hbm>>)
      tpu.yield
    }) : () -> ()
    return
  }
}

module attributes {stable_mosaic.version = 14 : i64} {
  func.func @_conv1_body(%arg0: i32, %arg1: memref<1000x128xf32, #tpu.memory_space<vmem>>, %arg2: memref<2x1000x128xf32, #tpu.memory_space<vmem>>, %arg3: memref<128x128xf32, #tpu.memory_space<vmem>>, %arg4: memref<1x128xf32, #tpu.memory_space<vmem>>, %arg5: memref<128x128xf32, #tpu.memory_space<vmem>>, %arg6: memref<1x128xf32, #tpu.memory_space<vmem>>, %arg7: memref<1000x128xf32, #tpu.memory_space<vmem>>) attributes {dimension_semantics = [#tpu.dimension_semantics<arbitrary>], iteration_bounds = array<i64: 10>, scalar_prefetch = 0 : i64, scratch_operands = 0 : i64, tpu.core_type = #tpu.core_type<tc>, window_params = [{transform_indices = @transform_0, window_bounds = array<i64: 1000, 128>}, {transform_indices = @transform_1, window_bounds = array<i64: 2, 1000, 128>}, {pipeline_mode = #tpu.pipeline_mode<synchronous>, transform_indices = @transform_2, window_bounds = array<i64: 128, 128>}, {pipeline_mode = #tpu.pipeline_mode<synchronous>, transform_indices = @transform_3, window_bounds = array<i64: 1, 128>}, {pipeline_mode = #tpu.pipeline_mode<synchronous>, transform_indices = @transform_4, window_bounds = array<i64: 128, 128>}, {pipeline_mode = #tpu.pipeline_mode<synchronous>, transform_indices = @transform_5, window_bounds = array<i64: 1, 128>}, {transform_indices = @transform_6, window_bounds = array<i64: 1000, 128>}]} {
    %get3A = arith.constant 0 : index
    %get3A_0 = arith.constant 0 : index
    %get3A_1 = vector.load %arg1[%get3A, %get3A_0] : memref<1000x128xf32, #tpu.memory_space<vmem>>, vector<1000x128xf32>
    %get3A_2 = arith.constant 0 : index
    %get3A_3 = arith.constant 0 : index
    %get3A_4 = arith.constant 0 : index
    %get3A_5 = vector.load %arg2[%get3A_2, %get3A_3, %get3A_4] : memref<2x1000x128xf32, #tpu.memory_space<vmem>>, vector<1x1000x128xf32>
    %get3A_6 = vector.shape_cast %get3A_5 : vector<1x1000x128xf32> to vector<1000x128xf32>
    %add3A = arith.addf %get3A_1, %get3A_6 : vector<1000x128xf32>
    %get3A_7 = arith.constant 1 : index
    %get3A_8 = arith.constant 0 : index
    %get3A_9 = arith.constant 0 : index
    %get3A_10 = vector.load %arg2[%get3A_7, %get3A_8, %get3A_9] : memref<2x1000x128xf32, #tpu.memory_space<vmem>>, vector<1x1000x128xf32>
    %get3A_11 = vector.shape_cast %get3A_10 : vector<1x1000x128xf32> to vector<1000x128xf32>
    %add3A_12 = arith.addf %add3A, %get3A_11 : vector<1000x128xf32>
    %get3A_13 = arith.constant 0 : index
    %get3A_14 = arith.constant 0 : index
    %get3A_15 = vector.load %arg3[%get3A_13, %get3A_14] : memref<128x128xf32, #tpu.memory_space<vmem>>, vector<128x128xf32>
    %dot_general3A = arith.constant dense<0.000000e+00> : vector<1000x128xf32>
    %dot_general3A_16 = tpu.matmul %add3A_12, %get3A_15, %dot_general3A {dimension_numbers = #tpu.dot_dimension_numbers<[1], [0], [0], [1], [0, 0, 1, 1], [], []>, precision = #tpu.contract_precision<fp32>, transpose_lhs_hint = false} : vector<1000x128xf32>, vector<128x128xf32>, vector<1000x128xf32> -> vector<1000x128xf32>
    %get3A_17 = arith.constant 0 : index
    %get3A_18 = arith.constant 0 : index
    %get3A_19 = vector.load %arg4[%get3A_17, %get3A_18] : memref<1x128xf32, #tpu.memory_space<vmem>>, vector<1x128xf32>
    %add3A_20 = vector.broadcast %get3A_19 : vector<1x128xf32> to vector<1000x128xf32>
    %add3A_21 = arith.addf %dot_general3A_16, %add3A_20 : vector<1000x128xf32>
    %max3A = arith.constant 0.000000e+00 : f32
    %max3A_22 = vector.broadcast %max3A : f32 to vector<1000x128xf32>
    %max3A_23 = arith.maximumf %add3A_21, %max3A_22 : vector<1000x128xf32>
    %get3A_24 = arith.constant 0 : index
    %get3A_25 = arith.constant 0 : index
    %get3A_26 = vector.load %arg5[%get3A_24, %get3A_25] : memref<128x128xf32, #tpu.memory_space<vmem>>, vector<128x128xf32>
    %dot_general3A_27 = arith.constant dense<0.000000e+00> : vector<1000x128xf32>
    %dot_general3A_28 = tpu.matmul %max3A_23, %get3A_26, %dot_general3A_27 {dimension_numbers = #tpu.dot_dimension_numbers<[1], [0], [0], [1], [0, 0, 1, 1], [], []>, precision = #tpu.contract_precision<fp32>, transpose_lhs_hint = false} : vector<1000x128xf32>, vector<128x128xf32>, vector<1000x128xf32> -> vector<1000x128xf32>
    %get3A_29 = arith.constant 0 : index
    %get3A_30 = arith.constant 0 : index
    %get3A_31 = vector.load %arg6[%get3A_29, %get3A_30] : memref<1x128xf32, #tpu.memory_space<vmem>>, vector<1x128xf32>
    %add3A_32 = vector.broadcast %get3A_31 : vector<1x128xf32> to vector<1000x128xf32>
    %add3A_33 = arith.addf %dot_general3A_28, %add3A_32 : vector<1000x128xf32>
    %max3A_34 = arith.constant 0.000000e+00 : f32
    %max3A_35 = vector.broadcast %max3A_34 : f32 to vector<1000x128xf32>
    %max3A_36 = arith.maximumf %add3A_33, %max3A_35 : vector<1000x128xf32>
    %swap3A = arith.constant 0 : index
    %swap3A_37 = arith.constant 0 : index
    %swap3A_38 = vector.load %arg7[%swap3A, %swap3A_37] : memref<1000x128xf32, #tpu.memory_space<vmem>>, vector<1000x128xf32>
    tpu.vector_store %arg7[%swap3A, %swap3A_37], %max3A_36 {strides = array<i32>} : memref<1000x128xf32, #tpu.memory_space<vmem>>, vector<1000x128xf32>,
    return
  }
  func.func @transform_0(%arg0: i32) -> (i32, i32) {
    %c0_i32 = arith.constant 0 : i32
    %c0_i32_0 = arith.constant 0 : i32
    return %arg0, %c0_i32 : i32, i32
  }
  func.func @transform_1(%arg0: i32) -> (i32, i32, i32) {
    %c0_i32 = arith.constant 0 : i32
    %c0_i32_0 = arith.constant 0 : i32
    %c0_i32_1 = arith.constant 0 : i32
    return %c0_i32, %arg0, %c0_i32_0 : i32, i32, i32
  }
  func.func @transform_2(%arg0: i32) -> (i32, i32) {
    %c0_i32 = arith.constant 0 : i32
    %c0_i32_0 = arith.constant 0 : i32
    %c0_i32_1 = arith.constant 0 : i32
    return %c0_i32, %c0_i32_0 : i32, i32
  }
  func.func @transform_3(%arg0: i32) -> (i32, i32) {
    %c0_i32 = arith.constant 0 : i32
    %c0_i32_0 = arith.constant 0 : i32
    %c0_i32_1 = arith.constant 0 : i32
    return %c0_i32, %c0_i32_0 : i32, i32
  }
  func.func @transform_4(%arg0: i32) -> (i32, i32) {
    %c0_i32 = arith.constant 0 : i32
    %c0_i32_0 = arith.constant 0 : i32
    %c0_i32_1 = arith.constant 0 : i32
    return %c0_i32, %c0_i32_0 : i32, i32
  }
  func.func @transform_5(%arg0: i32) -> (i32, i32) {
    %c0_i32 = arith.constant 0 : i32
    %c0_i32_0 = arith.constant 0 : i32
    %c0_i32_1 = arith.constant 0 : i32
    return %c0_i32, %c0_i32_0 : i32, i32
  }
  func.func @transform_6(%arg0: i32) -> (i32, i32) {
    %c0_i32 = arith.constant 0 : i32
    %c0_i32_0 = arith.constant 0 : i32
    return %arg0, %c0_i32 : i32, i32
  }
}

module attributes {stable_mosaic.version = 14 : i64} {
  func.func @_conv2_body(%arg0: i32, %arg1: memref<1000x128xf32, #tpu.memory_space<vmem>>, %arg2: memref<2x1000x128xf32, #tpu.memory_space<vmem>>, %arg3: memref<1x1x1000xi32, #tpu.memory_space<vmem>>, %arg4: memref<128x128xf32, #tpu.memory_space<vmem>>, %arg5: memref<1x128xf32, #tpu.memory_space<vmem>>, %arg6: memref<128x128xf32, #tpu.memory_space<vmem>>, %arg7: memref<1x128xf32, #tpu.memory_space<vmem>>, %arg8: memref<128x128xf32, #tpu.memory_space<vmem>>, %arg9: memref<1x128xf32, #tpu.memory_space<vmem>>, %arg10: memref<128x128xf32, #tpu.memory_space<vmem>>, %arg11: memref<1x128xf32, #tpu.memory_space<vmem>>, %arg12: memref<64x128xf32, #tpu.memory_space<vmem>>, %arg13: memref<64x128xf32, #tpu.memory_space<vmem>>, %arg14: memref<64x128xf32, #tpu.memory_space<vmem>>) attributes {dimension_semantics = [#tpu.dimension_semantics<arbitrary>], iteration_bounds = array<i64: 10>, scalar_prefetch = 0 : i64, scratch_operands = 2 : i64, tpu.core_type = #tpu.core_type<tc>, window_params = [{transform_indices = @transform_0, window_bounds = array<i64: 1000, 128>}, {transform_indices = @transform_1, window_bounds = array<i64: 2, 1000, 128>}, {transform_indices = @transform_2, window_bounds = array<i64: 1, 1, 1000>}, {pipeline_mode = #tpu.pipeline_mode<synchronous>, transform_indices = @transform_3, window_bounds = array<i64: 128, 128>}, {pipeline_mode = #tpu.pipeline_mode<synchronous>, transform_indices = @transform_4, window_bounds = array<i64: 1, 128>}, {pipeline_mode = #tpu.pipeline_mode<synchronous>, transform_indices = @transform_5, window_bounds = array<i64: 128, 128>}, {pipeline_mode = #tpu.pipeline_mode<synchronous>, transform_indices = @transform_6, window_bounds = array<i64: 1, 128>}, {pipeline_mode = #tpu.pipeline_mode<synchronous>, transform_indices = @transform_7, window_bounds = array<i64: 128, 128>}, {pipeline_mode = #tpu.pipeline_mode<synchronous>, transform_indices = @transform_8, window_bounds = array<i64: 1, 128>}, {pipeline_mode = #tpu.pipeline_mode<synchronous>, transform_indices = @transform_9, window_bounds = array<i64: 128, 128>}, {pipeline_mode = #tpu.pipeline_mode<synchronous>, transform_indices = @transform_10, window_bounds = array<i64: 1, 128>}, {pipeline_mode = #tpu.pipeline_mode<synchronous>, transform_indices = @transform_11, window_bounds = array<i64: 64, 128>}]} {
    %eq3A = arith.constant 0 : i32
    %eq3A_0 = arith.cmpi eq, %arg0, %eq3A : i32
    %convert_element_type3A = arith.extui %eq3A_0 : i1 to i32
    %cond3A = arith.constant 0 : i32
    %cond3A_1 = arith.cmpi ne, %convert_element_type3A, %cond3A : i32
    scf.if %cond3A_1 {
      %broadcast_in_dim3A_72 = arith.constant 0.000000e+00 : f32
      %broadcast_in_dim3A_73 = vector.broadcast %broadcast_in_dim3A_72 : f32 to vector<64x128xf32>
      %swap3A_74 = arith.constant 0 : index
      %swap3A_75 = arith.constant 0 : index
      %swap3A_76 = vector.load %arg13[%swap3A_74, %swap3A_75] : memref<64x128xf32, #tpu.memory_space<vmem>>, vector<64x128xf32>
      tpu.vector_store %arg13[%swap3A_74, %swap3A_75], %broadcast_in_dim3A_73 {strides = array<i32>} : memref<64x128xf32, #tpu.memory_space<vmem>>, vector<64x128xf32>,
      %broadcast_in_dim3A_77 = arith.constant 0.000000e+00 : f32
      %broadcast_in_dim3A_78 = vector.broadcast %broadcast_in_dim3A_77 : f32 to vector<64x128xf32>
      %swap3A_79 = arith.constant 0 : index
      %swap3A_80 = arith.constant 0 : index
      %swap3A_81 = vector.load %arg14[%swap3A_79, %swap3A_80] : memref<64x128xf32, #tpu.memory_space<vmem>>, vector<64x128xf32>
      tpu.vector_store %arg14[%swap3A_79, %swap3A_80], %broadcast_in_dim3A_78 {strides = array<i32>} : memref<64x128xf32, #tpu.memory_space<vmem>>, vector<64x128xf32>,
    } else {
    }
    %get3A = arith.constant 0 : index
    %get3A_2 = arith.constant 0 : index
    %get3A_3 = vector.load %arg1[%get3A, %get3A_2] : memref<1000x128xf32, #tpu.memory_space<vmem>>, vector<1000x128xf32>
    %get3A_4 = arith.constant 0 : index
    %get3A_5 = arith.constant 0 : index
    %get3A_6 = arith.constant 0 : index
    %get3A_7 = vector.load %arg2[%get3A_4, %get3A_5, %get3A_6] : memref<2x1000x128xf32, #tpu.memory_space<vmem>>, vector<1x1000x128xf32>
    %get3A_8 = vector.shape_cast %get3A_7 : vector<1x1000x128xf32> to vector<1000x128xf32>
    %add3A = arith.addf %get3A_3, %get3A_8 : vector<1000x128xf32>
    %get3A_9 = arith.constant 1 : index
    %get3A_10 = arith.constant 0 : index
    %get3A_11 = arith.constant 0 : index
    %get3A_12 = vector.load %arg2[%get3A_9, %get3A_10, %get3A_11] : memref<2x1000x128xf32, #tpu.memory_space<vmem>>, vector<1x1000x128xf32>
    %get3A_13 = vector.shape_cast %get3A_12 : vector<1x1000x128xf32> to vector<1000x128xf32>
    %add3A_14 = arith.addf %add3A, %get3A_13 : vector<1000x128xf32>
    %get3A_15 = arith.constant 0 : index
    %get3A_16 = arith.constant 0 : index
    %get3A_17 = vector.load %arg4[%get3A_15, %get3A_16] : memref<128x128xf32, #tpu.memory_space<vmem>>, vector<128x128xf32>
    %dot_general3A = arith.constant dense<0.000000e+00> : vector<1000x128xf32>
    %dot_general3A_18 = tpu.matmul %add3A_14, %get3A_17, %dot_general3A {dimension_numbers = #tpu.dot_dimension_numbers<[1], [0], [0], [1], [0, 0, 1, 1], [], []>, precision = #tpu.contract_precision<fp32>, transpose_lhs_hint = false} : vector<1000x128xf32>, vector<128x128xf32>, vector<1000x128xf32> -> vector<1000x128xf32>
    %get3A_19 = arith.constant 0 : index
    %get3A_20 = arith.constant 0 : index
    %get3A_21 = vector.load %arg5[%get3A_19, %get3A_20] : memref<1x128xf32, #tpu.memory_space<vmem>>, vector<1x128xf32>
    %add3A_22 = vector.broadcast %get3A_21 : vector<1x128xf32> to vector<1000x128xf32>
    %add3A_23 = arith.addf %dot_general3A_18, %add3A_22 : vector<1000x128xf32>
    %max3A = arith.constant 0.000000e+00 : f32
    %max3A_24 = vector.broadcast %max3A : f32 to vector<1000x128xf32>
    %max3A_25 = arith.maximumf %add3A_23, %max3A_24 : vector<1000x128xf32>
    %get3A_26 = arith.constant 0 : index
    %get3A_27 = arith.constant 0 : index
    %get3A_28 = vector.load %arg6[%get3A_26, %get3A_27] : memref<128x128xf32, #tpu.memory_space<vmem>>, vector<128x128xf32>
    %dot_general3A_29 = arith.constant dense<0.000000e+00> : vector<1000x128xf32>
    %dot_general3A_30 = tpu.matmul %max3A_25, %get3A_28, %dot_general3A_29 {dimension_numbers = #tpu.dot_dimension_numbers<[1], [0], [0], [1], [0, 0, 1, 1], [], []>, precision = #tpu.contract_precision<fp32>, transpose_lhs_hint = false} : vector<1000x128xf32>, vector<128x128xf32>, vector<1000x128xf32> -> vector<1000x128xf32>
    %get3A_31 = arith.constant 0 : index
    %get3A_32 = arith.constant 0 : index
    %get3A_33 = vector.load %arg7[%get3A_31, %get3A_32] : memref<1x128xf32, #tpu.memory_space<vmem>>, vector<1x128xf32>
    %add3A_34 = vector.broadcast %get3A_33 : vector<1x128xf32> to vector<1000x128xf32>
    %add3A_35 = arith.addf %dot_general3A_30, %add3A_34 : vector<1000x128xf32>
    %max3A_36 = arith.constant 0.000000e+00 : f32
    %max3A_37 = vector.broadcast %max3A_36 : f32 to vector<1000x128xf32>
    %max3A_38 = arith.maximumf %add3A_35, %max3A_37 : vector<1000x128xf32>
    %get3A_39 = arith.constant 0 : index
    %get3A_40 = arith.constant 0 : index
    %get3A_41 = arith.constant 0 : index
    %get3A_42 = vector.load %arg3[%get3A_39, %get3A_40, %get3A_41] : memref<1x1x1000xi32, #tpu.memory_space<vmem>>, vector<1x1x1000xi32>
    %get3A_43 = vector.shape_cast %get3A_42 : vector<1x1x1000xi32> to vector<1000xi32>
    %iota3A = tpu.iota {dimensions = array<i32: 0>} : vector<64x1000xi32>
    %broadcast_in_dim3A = vector.shape_cast %get3A_43 : vector<1000xi32> to vector<1x1000xi32>
    %eq3A_44 = vector.broadcast %broadcast_in_dim3A : vector<1x1000xi32> to vector<64x1000xi32>
    %eq3A_45 = arith.cmpi eq, %iota3A, %eq3A_44 : vector<64x1000xi32>
    %convert_element_type3A_46 = arith.extui %eq3A_45 : vector<64x1000xi1> to vector<64x1000xi32>
    %convert_element_type3A_47 = arith.sitofp %convert_element_type3A_46 : vector<64x1000xi32> to vector<64x1000xf32>
    %get3A_48 = arith.constant 0 : index
    %get3A_49 = arith.constant 0 : index
    %get3A_50 = vector.load %arg13[%get3A_48, %get3A_49] : memref<64x128xf32, #tpu.memory_space<vmem>>, vector<64x128xf32>
    %dot_general3A_51 = arith.constant dense<0.000000e+00> : vector<64x128xf32>
    %dot_general3A_52 = tpu.matmul %convert_element_type3A_47, %max3A_38, %dot_general3A_51 {dimension_numbers = #tpu.dot_dimension_numbers<[1], [0], [0], [1], [0, 0, 1, 1], [], []>, precision = #tpu.contract_precision<fp32>, transpose_lhs_hint = false} : vector<64x1000xf32>, vector<1000x128xf32>, vector<64x128xf32> -> vector<64x128xf32>
    %add3A_53 = arith.addf %get3A_50, %dot_general3A_52 : vector<64x128xf32>
    %swap3A = arith.constant 0 : index
    %swap3A_54 = arith.constant 0 : index
    %swap3A_55 = vector.load %arg13[%swap3A, %swap3A_54] : memref<64x128xf32, #tpu.memory_space<vmem>>, vector<64x128xf32>
    tpu.vector_store %arg13[%swap3A, %swap3A_54], %add3A_53 {strides = array<i32>} : memref<64x128xf32, #tpu.memory_space<vmem>>, vector<64x128xf32>,
    %get3A_56 = arith.constant 0 : index
    %get3A_57 = arith.constant 0 : index
    %get3A_58 = vector.load %arg14[%get3A_56, %get3A_57] : memref<64x128xf32, #tpu.memory_space<vmem>>, vector<64x128xf32>
    %broadcast_in_dim3A_59 = arith.constant 1.000000e+00 : f32
    %broadcast_in_dim3A_60 = vector.broadcast %broadcast_in_dim3A_59 : f32 to vector<1000x128xf32>
    %dot_general3A_61 = arith.constant dense<0.000000e+00> : vector<64x128xf32>
    %dot_general3A_62 = tpu.matmul %convert_element_type3A_47, %broadcast_in_dim3A_60, %dot_general3A_61 {dimension_numbers = #tpu.dot_dimension_numbers<[1], [0], [0], [1], [0, 0, 1, 1], [], []>, precision = #tpu.contract_precision<fp32>, transpose_lhs_hint = false} : vector<64x1000xf32>, vector<1000x128xf32>, vector<64x128xf32> -> vector<64x128xf32>
    %add3A_63 = arith.addf %get3A_58, %dot_general3A_62 : vector<64x128xf32>
    %swap3A_64 = arith.constant 0 : index
    %swap3A_65 = arith.constant 0 : index
    %swap3A_66 = vector.load %arg14[%swap3A_64, %swap3A_65] : memref<64x128xf32, #tpu.memory_space<vmem>>, vector<64x128xf32>
    tpu.vector_store %arg14[%swap3A_64, %swap3A_65], %add3A_63 {strides = array<i32>} : memref<64x128xf32, #tpu.memory_space<vmem>>, vector<64x128xf32>,
    %eq3A_67 = arith.constant 9 : i32
    %eq3A_68 = arith.cmpi eq, %arg0, %eq3A_67 : i32
    %convert_element_type3A_69 = arith.extui %eq3A_68 : i1 to i32
    %cond3A_70 = arith.constant 0 : i32
    %cond3A_71 = arith.cmpi ne, %convert_element_type3A_69, %cond3A_70 : i32
    scf.if %cond3A_71 {
      %get3A_72 = arith.constant 0 : index
      %get3A_73 = arith.constant 0 : index
      %get3A_74 = vector.load %arg13[%get3A_72, %get3A_73] : memref<64x128xf32, #tpu.memory_space<vmem>>, vector<64x128xf32>
      %get3A_75 = arith.constant 0 : index
      %get3A_76 = arith.constant 0 : index
      %get3A_77 = vector.load %arg14[%get3A_75, %get3A_76] : memref<64x128xf32, #tpu.memory_space<vmem>>, vector<64x128xf32>
      %max3A_78 = arith.constant 1.000000e+00 : f32
      %max3A_79 = vector.broadcast %max3A_78 : f32 to vector<64x128xf32>
      %max3A_80 = arith.maximumf %get3A_77, %max3A_79 : vector<64x128xf32>
      %div3A = arith.divf %get3A_74, %max3A_80 : vector<64x128xf32>
      %get3A_81 = arith.constant 0 : index
      %get3A_82 = arith.constant 0 : index
      %get3A_83 = vector.load %arg8[%get3A_81, %get3A_82] : memref<128x128xf32, #tpu.memory_space<vmem>>, vector<128x128xf32>
      %dot_general3A_84 = arith.constant dense<0.000000e+00> : vector<64x128xf32>
      %dot_general3A_85 = tpu.matmul %div3A, %get3A_83, %dot_general3A_84 {dimension_numbers = #tpu.dot_dimension_numbers<[1], [0], [0], [1], [0, 0, 1, 1], [], []>, precision = #tpu.contract_precision<fp32>, transpose_lhs_hint = false} : vector<64x128xf32>, vector<128x128xf32>, vector<64x128xf32> -> vector<64x128xf32>
      %get3A_86 = arith.constant 0 : index
      %get3A_87 = arith.constant 0 : index
      %get3A_88 = vector.load %arg9[%get3A_86, %get3A_87] : memref<1x128xf32, #tpu.memory_space<vmem>>, vector<1x128xf32>
      %add3A_89 = vector.broadcast %get3A_88 : vector<1x128xf32> to vector<64x128xf32>
      %add3A_90 = arith.addf %dot_general3A_85, %add3A_89 : vector<64x128xf32>
      %max3A_91 = arith.constant 0.000000e+00 : f32
      %max3A_92 = vector.broadcast %max3A_91 : f32 to vector<64x128xf32>
      %max3A_93 = arith.maximumf %add3A_90, %max3A_92 : vector<64x128xf32>
      %get3A_94 = arith.constant 0 : index
      %get3A_95 = arith.constant 0 : index
      %get3A_96 = vector.load %arg10[%get3A_94, %get3A_95] : memref<128x128xf32, #tpu.memory_space<vmem>>, vector<128x128xf32>
      %dot_general3A_97 = arith.constant dense<0.000000e+00> : vector<64x128xf32>
      %dot_general3A_98 = tpu.matmul %max3A_93, %get3A_96, %dot_general3A_97 {dimension_numbers = #tpu.dot_dimension_numbers<[1], [0], [0], [1], [0, 0, 1, 1], [], []>, precision = #tpu.contract_precision<fp32>, transpose_lhs_hint = false} : vector<64x128xf32>, vector<128x128xf32>, vector<64x128xf32> -> vector<64x128xf32>
      %get3A_99 = arith.constant 0 : index
      %get3A_100 = arith.constant 0 : index
      %get3A_101 = vector.load %arg11[%get3A_99, %get3A_100] : memref<1x128xf32, #tpu.memory_space<vmem>>, vector<1x128xf32>
      %add3A_102 = vector.broadcast %get3A_101 : vector<1x128xf32> to vector<64x128xf32>
      %add3A_103 = arith.addf %dot_general3A_98, %add3A_102 : vector<64x128xf32>
      %swap3A_104 = arith.constant 0 : index
      %swap3A_105 = arith.constant 0 : index
      %swap3A_106 = vector.load %arg12[%swap3A_104, %swap3A_105] : memref<64x128xf32, #tpu.memory_space<vmem>>, vector<64x128xf32>
      tpu.vector_store %arg12[%swap3A_104, %swap3A_105], %add3A_103 {strides = array<i32>} : memref<64x128xf32, #tpu.memory_space<vmem>>, vector<64x128xf32>,
    } else {
    }
    return
  }
  func.func @transform_0(%arg0: i32) -> (i32, i32) {
    %c0_i32 = arith.constant 0 : i32
    %c0_i32_0 = arith.constant 0 : i32
    return %arg0, %c0_i32 : i32, i32
  }
  func.func @transform_1(%arg0: i32) -> (i32, i32, i32) {
    %c0_i32 = arith.constant 0 : i32
    %c0_i32_0 = arith.constant 0 : i32
    %c0_i32_1 = arith.constant 0 : i32
    return %c0_i32, %arg0, %c0_i32_0 : i32, i32, i32
  }
  func.func @transform_2(%arg0: i32) -> (i32, i32, i32) {
    %c0_i32 = arith.constant 0 : i32
    %c0_i32_0 = arith.constant 0 : i32
    %c0_i32_1 = arith.constant 0 : i32
    return %arg0, %c0_i32, %c0_i32_0 : i32, i32, i32
  }
  func.func @transform_3(%arg0: i32) -> (i32, i32) {
    %c0_i32 = arith.constant 0 : i32
    %c0_i32_0 = arith.constant 0 : i32
    %c0_i32_1 = arith.constant 0 : i32
    return %c0_i32, %c0_i32_0 : i32, i32
  }
  func.func @transform_4(%arg0: i32) -> (i32, i32) {
    %c0_i32 = arith.constant 0 : i32
    %c0_i32_0 = arith.constant 0 : i32
    %c0_i32_1 = arith.constant 0 : i32
    return %c0_i32, %c0_i32_0 : i32, i32
  }
  func.func @transform_5(%arg0: i32) -> (i32, i32) {
    %c0_i32 = arith.constant 0 : i32
    %c0_i32_0 = arith.constant 0 : i32
    %c0_i32_1 = arith.constant 0 : i32
    return %c0_i32, %c0_i32_0 : i32, i32
  }
  func.func @transform_6(%arg0: i32) -> (i32, i32) {
    %c0_i32 = arith.constant 0 : i32
    %c0_i32_0 = arith.constant 0 : i32
    %c0_i32_1 = arith.constant 0 : i32
    return %c0_i32, %c0_i32_0 : i32, i32
  }
  func.func @transform_7(%arg0: i32) -> (i32, i32) {
    %c0_i32 = arith.constant 0 : i32
    %c0_i32_0 = arith.constant 0 : i32
    %c0_i32_1 = arith.constant 0 : i32
    return %c0_i32, %c0_i32_0 : i32, i32
  }
  func.func @transform_8(%arg0: i32) -> (i32, i32) {
    %c0_i32 = arith.constant 0 : i32
    %c0_i32_0 = arith.constant 0 : i32
    %c0_i32_1 = arith.constant 0 : i32
    return %c0_i32, %c0_i32_0 : i32, i32
  }
  func.func @transform_9(%arg0: i32) -> (i32, i32) {
    %c0_i32 = arith.constant 0 : i32
    %c0_i32_0 = arith.constant 0 : i32
    %c0_i32_1 = arith.constant 0 : i32
    return %c0_i32, %c0_i32_0 : i32, i32
  }
  func.func @transform_10(%arg0: i32) -> (i32, i32) {
    %c0_i32 = arith.constant 0 : i32
    %c0_i32_0 = arith.constant 0 : i32
    %c0_i32_1 = arith.constant 0 : i32
    return %c0_i32, %c0_i32_0 : i32, i32
  }
  func.func @transform_11(%arg0: i32) -> (i32, i32) {
    %c0_i32 = arith.constant 0 : i32
    %c0_i32_0 = arith.constant 0 : i32
    %c0_i32_1 = arith.constant 0 : i32
    return %c0_i32, %c0_i32_0 : i32, i32
  }
}

</mosaic_0001>

<sc_bundles>
// kernel: kernel.6.cloned.1.call-start
scs
__scs_entry_jumppad:
0x0: {  	(pc) =	sbr.rel $0x88, $3  }
0x1: {  	(tag) =	ssettag $0x0;
	lr =	simm.s32 $0x1  }
0x2: {  	[smem:$0x3F92] =	sst lr;
	_ =	strace $0xD0000000  }
0x3: {  	_ = 	snop  }
0x4: {  	_ = 	snop  }
0x5: {  	_ = 	snop  }
0x6: {  	_ = 	snop  }
0x7: {  	_ = 	snop  }
__scs_overlays_trampoline_lowered:
0x8: {  	[smem:$0x3FA1] =	sst s0  }
0x9: {  	[smem:$0x3FA2] =	sst s1  }
0xa: {  	[smem:$0x3FA3] =	sst s2  }
0xb: {  	[smem:$0x3FA4] =	sst s3  }
0xc: {  	[smem:$0x3FA5] =	sst s4  }
0xd: {  	[smem:$0x3FA6] =	sst s5  }
0xe: {  	[smem:$0x3FA7] =	sst s6  }
0xf: {  	[smem:$0x3FA8] =	sst s7  }
0x10: {  	[smem:$0x3FA9] =	sst s8  }
0x11: {  	[smem:$0x3FAA] =	sst s9;
	s0 =	simm.s32 @!p0 $0x0  }
0x12: {  	s1 =	sld [smem:$0x3F90];
	s0 =	simm.s32 @p0 $0x1  }
0x13: {  	[smem:$0x3FAB] =	sst s0;
	s0 =	simm.s32 @!p1 $0x0  }
0x14: {  	s2 =	sld [smem:$0x3F8F];
	s0 =	simm.s32 @p1 $0x1  }
0x15: {  	[smem:$0x3FAC] =	sst s0;
	s0 =	simm.s32 @!p2 $0x0  }
0x16: {  	s3 =	sld [smem:$0x3FDB];
	s0 =	simm.s32 @p2 $0x1  }
0x17: {  	s4 =	simm.s32 $0x1BF5;
	[smem:$0x3FAE] =	sst s0  }
0x18: {  	s0 =	sld [smem:$0x3F91];
	_ =	swait.ge [sflag:s4], $0x0  }
0x19: {  	s7 =	sld [smem:$0x3F92]  }
0x1a: {  	s8 =	sadd.s32 $0xFFFFE003, lr  }
0x1b: {  	s9 =	sadd.s32 $0xFFFFFEF7, lr;
	s5 =	simm.s32 $0xFFFFFFFF;
	p2 =	slt.u32 s8, $0xFFFFF086  }
0x1c: {  	p1 =	slt.u32 s9, $0xF7A;
	s5 =	simm.s32 @!p2 $0x0  }
0x1d: {  	s5 =	simm.s32 @p1 $0x1;
	p0 =	seq.s32 s7, s2  }
0x1e: {  	s7 =	smul.u32 @!p0 $0xF7A, s2;
	p2 =	seq.s32 @!p0 s5, $0x0  }
0x1f: {  	s9 =	smul.u32 $0xF7A, s1;
	s8 =	simm.s32 @!p0 $0x1BF5;
	p2 =	por !p2, p0  }
0x20: {  	[sflag:s8] =	ssyncset.s32 @!p0 $0xFFFFF086;
	s6 =	sadd.s32 @!p0 s3, s7;
	s7 =	simm.s32 @!p0 $0x108  }
0x21: {  	s3 =	sadd.s32 s3, s9;
	s6 =	sadd.s32 @!p0 $0x88, s6;
	s7 =	simm.s32 @p2 $0x1082  }
0x22: {  	[simem:s7], [sflag:s8] =	dma.local @!p0 [hbm:s6], $0xF7A  }
0x23: {  	s9 =	sor.u32 $0xD0000000, s2;
	s6 =	simm.s32 $0x108;
	_ =	swait.ge @!p0 [sflag:s8], $0x0  }
0x24: {  	s3 =	sadd.s32 $0x88, s3;
	s6 =	simm.s32 @!p1 $0x1082;
	[sflag:s4] =	ssyncset.s32 $0xFFFFF086  }
0x25: {  	[simem:s6], [sflag:s4] =	dma.local [hbm:s3], $0xF7A  }
0x26: {  	[smem:$0x3F92] =	sst s1;
	(tag) =	ssettag s2;
	_ =	strace s9  }
0x27: {  	s1 =	sld [smem:$0x3FA2]  }
0x28: {  	s2 =	sld [smem:$0x3FA3]  }
0x29: {  	s4 =	sld [smem:$0x3FA5]  }
0x2a: {  	p0 =	seq.s32 s5, $0x0;
	s5 =	sld [smem:$0x3FA6]  }
0x2b: {  	s6 =	sld [smem:$0x3FA7]  }
0x2c: {  	s7 =	sld [smem:$0x3FA8]  }
0x2d: {  	s3 =	simm.s32 $0x108;
	s8 =	sld [smem:$0x3FA9]  }
0x2e: {  	s3 =	simm.s32 @!p0 $0x1082;
	s9 =	sld [smem:$0x3FAA]  }
0x2f: {  	lr =	sadd.s32 s0, s3;
	s0 =	sld [smem:$0x3FA1]  }
0x30: {  	s3 =	sld [smem:$0x3FA4]  }
0x31: {  	[smem:$0x3FAD] =	sst s10  }
0x32: {  	s10 =	sld [smem:$0x3FAB];
	_ =	sdelay $0x3  }
0x33: {  	p0 =	seq.s32 s10, $0x1;
	s10 =	sld [smem:$0x3FAD];
	_ =	sdelay $0x3  }
0x34: {  	[smem:$0x3FAD] =	sst s10  }
0x35: {  	s10 =	sld [smem:$0x3FAC];
	_ =	sdelay $0x3  }
0x36: {  	p1 =	seq.s32 s10, $0x1;
	s10 =	sld [smem:$0x3FAD];
	_ =	sdelay $0x3  }
0x37: {  	[smem:$0x3FAD] =	sst s10  }
0x38: {  	s10 =	sld [smem:$0x3FAE]  }
0x39: {  	_ = 	snop;
	(pc) =	sbr.ind lr, $3  }
0x3a: {  	_ = 	snop  }
0x3b: {  	_ = 	snop  }
0x3c: {  	p2 =	seq.s32 s10, $0x1;
	s10 =	sld [smem:$0x3FAD]  }
0x3d: {  	_ =	shalt  }
0x3e: {  	_ =	shalt  }
0x3f: {  	_ =	shalt  }
0x40: {  	_ =	shalt  }
0x41: {  	_ =	shalt  }
0x42: {  	_ =	shalt  }
0x43: {  	_ =	shalt  }
0x44: {  	_ =	shalt  }
0x45: {  	_ =	shalt  }
0x46: {  	_ =	shalt  }
0x47: {  	_ =	shalt  }
0x48: {  	_ =	shalt  }
0x49: {  	_ =	shalt  }
0x4a: {  	_ =	shalt  }
0x4b: {  	_ =	shalt  }
0x4c: {  	_ =	shalt  }
0x4d: {  	_ =	shalt  }
0x4e: {  	_ =	shalt  }
0x4f: {  	_ =	shalt  }
0x50: {  	_ =	shalt  }
0x51: {  	_ =	shalt  }
0x52: {  	_ =	shalt  }
0x53: {  	_ =	shalt  }
0x54: {  	_ =	shalt  }
0x55: {  	_ =	shalt  }
0x56: {  	_ =	shalt  }
0x57: {  	_ =	shalt  }
0x58: {  	_ =	shalt  }
0x59: {  	_ =	shalt  }
0x5a: {  	_ =	shalt  }
0x5b: {  	_ =	shalt  }
0x5c: {  	_ =	shalt  }
0x5d: {  	_ =	shalt  }
0x5e: {  	_ =	shalt  }
0x5f: {  	_ =	shalt  }
0x60: {  	_ =	shalt  }
0x61: {  	_ =	shalt  }
0x62: {  	_ =	shalt  }
0x63: {  	_ =	shalt  }
0x64: {  	_ =	shalt  }
0x65: {  	_ =	shalt  }
0x66: {  	_ =	shalt  }
0x67: {  	_ =	shalt  }
0x68: {  	_ =	shalt  }
0x69: {  	_ =	shalt  }
0x6a: {  	_ =	shalt  }
0x6b: {  	_ =	shalt  }
0x6c: {  	_ =	shalt  }
0x6d: {  	_ =	shalt  }
0x6e: {  	_ =	shalt  }
0x6f: {  	_ =	shalt  }
0x70: {  	_ =	shalt  }
0x71: {  	_ =	shalt  }
0x72: {  	_ =	shalt  }
0x73: {  	_ =	shalt  }
0x74: {  	_ =	shalt  }
0x75: {  	_ =	shalt  }
0x76: {  	_ =	shalt  }
0x77: {  	_ =	shalt  }
0x78: {  	_ =	shalt  }
0x79: {  	_ =	shalt  }
0x7a: {  	_ =	shalt  }
0x7b: {  	_ =	shalt  }
0x7c: {  	_ =	shalt  }
0x7d: {  	_ =	shalt  }
0x7e: {  	_ =	shalt  }
0x7f: {  	_ =	shalt  }
0x80: {  	_ =	shalt  }
0x81: {  	_ =	shalt  }
0x82: {  	_ =	shalt  }
0x83: {  	_ =	shalt  }
0x84: {  	_ =	shalt  }
0x85: {  	_ =	shalt  }
0x86: {  	_ =	shalt  }
0x87: {  	_ =	shalt  }
.Lfunc_end0:
.L_simem_size_0:
called_computation_lowered:
.L_overlay_start_0:
0x88: {  	s2 =	sld [smem:$0x3FD9]  }
0x89: {  	s3 =	sld [smem:$0x3FFE];
	_ =	sdelay $0x1  }
0x8a: {  	s1 =	srdreg.scid  }
0x8b: {  	s0 =	sand.u32 $0x1, s1  }
0x8c: {  	s17 =	sshll.u32 s0, $0xA;
	s2 =	sadd.s32 s3, s2  }
0x8d: {  	s2 =	sadd.s32 s2, s17  }
0x8e: {  	[smem:$0x3FB9] =	sst s2  }
0x8f: {  	_ = 	snop  }
0x90: {  	s2 =	sld [smem:$0x3FC9];
	(tm) =	ssettm $0x1  }
0x91: {  	s18 =	sld [smem:$0x3FFB];
	_ =	sdelay $0x3  }
0x92: {  	_ =	strace s18  }
0x93: {  	s3 =	sld [smem:$0x3FFC];
	_ =	sdelay $0x3  }
0x94: {  	_ =	strace s3  }
0x95: {  	s3 =	sld [smem:$0x3FFD];
	_ =	sdelay $0x3  }
0x96: {  	_ =	strace s3  }
0x97: {  	_ =	strace $0x8FFFFFFF  }
0x98: {  	s19 =	sld [smem:$0x3FDB];
	_ =	sdelay $0x1  }
0x99: {  	s4 =	simm.s32 $_scs_section_size  }
0x9a: {  	s5 =	simm.s32 $_size__tile_overlayer_lowered;
	s6 =	simm.s32 $_tile_overlayer_lowered  }
0x9b: {  	s22 =	simm.s32 $0x1BFF;
	s21 =	sshll.u32 s6, $0x1;
	s3 =	sadd.s32 s4, s19  }
0x9c: {  	s7 =	simm.s32 $0x0;
	s20 =	sshll.u32 s5, $0x1;
	s5 =	sadd.s32 s21, s3  }
0x9d: {  	[timem:s7], [sflag:s22] =	dma.local [hbm:s5], s20  }
0x9e: {  	_ =	swait.ge [sflag:s22], s20  }
0x9f: {  	s4 =	ssub.s32 $0x0, s20;
	[sflag:s22] =	ssyncset.done $0x0  }
0xa0: {  	[sflag:s22] =	ssyncadd.s32 s4;
	_ =	sdelay $0x1  }
0xa1: {  	s23 =	simm.s32 $0x1B8B  }
0xa2: {  	_ =	swait.ge [sflag:s23], $0x1  }
0xa3: {  	[sflag:s23] =	ssyncset.done $0x0  }
0xa4: {  	s25 =	simm.s32 $0x1B8E;
	s24 =	sld [smem:$0x3FFE];
	[sflag:s23] =	ssyncadd.s32 $0xFFFFFFFF  }
0xa5: {  	s26 =	simm.s32 $execute0_lowered;
	[smem:$0x3FD2] =	sst s25  }
0xa6: {  	s5 =	sshll.u32 s26, $0x1;
	_ =	strace $0x80000046;
	[dreg:$0x1] =	wrdreg $0xFFFFFFFF  }
0xa7: {  	s28 =	simm.s32 $_size_execute0_lowered;
	s3 =	sadd.s32 s3, s5;
	[dreg:$0x0] =	wrdreg $0x0  }
0xa8: {  	s5 =	sshll.u32 s28, $0x1;
	[dreg:$0x2] =	wrdreg s3  }
0xa9: {  	[dreg:$0x3] =	wrdreg s5  }
0xaa: {  	[dreg:$0x4] =	wrdreg $0xC0  }
0xab: {  	_ =	task [dreg:s7], $0x5FFFF  }
0xac: {  	[dreg:$0x1] =	wrdreg $0xFFFFFFFF  }
0xad: {  	[dreg:$0x0] =	wrdreg $0x60  }
0xae: {  	[dreg:$0x2] =	wrdreg s2  }
0xaf: {  	[dreg:$0x3] =	wrdreg s24  }
0xb0: {  	[dreg:$0x4] =	wrdreg $0xA8000  }
0xb1: {  	[dreg:$0x5] =	wrdreg $0x9  }
0xb2: {  	_ =	task.clear_ibuf [dreg:s7], $0x6FFFF;
	_ =	strace $0x90000046  }
0xb3: {  	s29 =	simm.s32 $0x9;
	_ =	strace $0x80000048  }
0xb4: {  	_ =	swait.ge [sflag:s29], $0x1  }
0xb5: {  	[sflag:s29] =	ssyncadd.s32 $0xFFFFFFFF  }
0xb6: {  	_ =	strace $0x90000048  }
0xb7: {  	_ =	sfence  }
0xb8: {  	s30 =	sld [smem:$0x0];
	_ =	sdelay $0x2  }
0xb9: {  	s31 =	sshll.u32 s1, $0xD;
	s1 =	sshrl.u32 s1, $0x2  }
0xba: {  	s3 =	sand.u32 $0x4000, s31;
	s1 =	sadd.s32 s1, s30  }
0xbb: {  	s0 =	sor.u32 s3, s0;
	s1 =	sshll.u32 s1, $0x11  }
0xbc: {  	s0 =	sor.u32 s1, s0  }
0xbd: {  	s0 =	sadd.s32 $0x8F2B, s0  }
0xbe: {  	[sflag:s0] =	ssyncadd.remote.s32 $0x1  }
0xbf: {  	_ =	sfence.sel $0xFFFF  }
0xc0: {  	[dreg:$0x0] =	wrdreg $0xFFFFFFFF;
	(pc) =	sbr.abs _section_cstart, $3  }
0xc1: {  	[dreg:$0x1] =	wrdreg $0xFFFFFFFF  }
0xc2: {  	_ =	task.clear_ibuf [dreg:s7], $0x2FFFF;
	_ =	strace $0x9FFFFFFF  }
0xc3: {  	(tm) =	ssettm $0x7FFFFFFF  }
tec
execute0_lowered:
.L_overlay_start_1:
0x0: {  	(tag) =	ssettag $0x1  }
0x1: {  	s1 =	rddreg [dreg:$0x0]  }
0x2: {  	s0 =	rddreg [dreg:$0x1]  }
0x3: {  	s2 =	rddreg [dreg:$0x2];
	s3 =	srdreg.scid  }
0x4: {  	s4 =	simm.s32 $0x0;
	s15 =	stileid.u32;
	s28 =	simm.s32 $0x2  }
0x5: {  	s29 =	simm.s32 $0x0;
	s3 =	sand.u32 $0x1, s3;
	s7 =	smul.u32 $0x13C00, s15  }
0x6: {  	[smem:$0x7FF] =	sst s4;
	s16 =	sadd.s32 $0xCC00, s0;
	s9 =	smul.u32 $0x4F000, s15  }
0x7: {  	s17 =	sadd.s32 $0x2C00, s0;
	s5 =	sadd.s32 $0x16C00, s0;
	s21 =	smul.u32 $0x4C00, s15  }
0x8: {  	s23 =	sshll.u32 s15, $0x6;
	s24 =	smul.u32 $0x980, s15;
	s30 =	sshll.u32 s15, $0x7  }
0x9: {  	s6 =	smul.u32 $0x13C000, s3;
	_ =	strace $0x80000047;
	s20 =	ssub.s32 $0x2, s3  }
0xa: {  	p0 =	seq.s32 s3, $0x1;
	s3 =	sor.u32 $0x9800, s30;
	s8 =	sshrl.u32 s20, $0x1  }
0xb: {  	s22 =	sshrl.u32 s9, $0x2;
	s14 =	sshrl.u32 s21, $0x3;
	s25 =	sadd.s32 s16, s24  }
0xc: {  	s9 =	sadd.s32 s17, s24;
	s21 =	simm.s32 $0x1400;
	s24 =	simm.s32 $0x6800  }
0xd: {  	s6 =	sadd.s32 s7, s6;
	s19 =	ssub.s32 s20, s8;
	s7 =	sor.u32 $0x1C03, s23  }
0xe: {  	[dreg:$0x4] =	wrdreg s25;
	s26 =	sadd.s32 $0x280, s14;
	s13 =	sadd.s32 $0x500, s14  }
0xf: {  	s31 =	sadd.s32 $0x780, s14;
	s20 =	simm.s32 $0x3;
	s23 =	simm.s32 $0x2800  }
0x10: {  	s25 =	simm.s32 $0x1;
	s6 =	sshrl.u32 s6, $0x3;
	s10 =	sadd.s32 s16, s26  }
.Ltmp0:
0x11: {  	s11 =	sadd.s32 s17, s26;
	s12 =	sadd.s32 s16, s13;
	(pc) =	sbr.rel .LBB2_1-.Ltmp0, $4  }
0x12: {  	s13 =	sadd.s32 s17, s13;
	s14 =	sadd.s32 s16, s31;
	s15 =	sadd.s32 s17, s31  }
0x13: {  	s16 =	sadd.s32 s16, s3;
	s17 =	sadd.s32 s17, s3;
	s19 =	smax.u32 s19, $0x1  }
0x14: {  	s3 =	simm.s32 $0x2700;
	s26 =	simm.s32 $0x2780;
	s0 =	sadd.s32 s6, s0  }
0x15: {  	s6 =	sadd.s32 s22, s2;
	s22 =	simm.s32 $0x80;
	s18 =	sadd.s32 $0x19400, s0  }
.LBB2_11:
0x16: {  	[tilespmem:s4], [sflag:$0x3] =	stream.linear.gather [hbm4b:s16+s4], $0x400, $0x38;
	[tilespmem:$0x1E400] =	vst v63  }
0x17: {  	_ =	swait.ge [sflag:s20], $0x400  }
0x18: {  	[sflag:s20] =	ssyncset.done $0x0  }
0x19: {  	[sflag:s20] =	ssyncadd.s32 $0xFFFFFC00  }
0x1a: {  	[tilespmem:s21], [sflag:$0x3] =	stream.linear.gather [hbm4b:s17+s4], $0x400, $0x38;
	[tilespmem:$0x1E400] =	vst v63  }
0x1b: {  	_ =	swait.ge [sflag:s20], $0x400  }
0x1c: {  	[sflag:s20] =	ssyncset.done $0x0  }
0x1d: {  	[sflag:s20] =	ssyncadd.s32 $0xFFFFFC00  }
0x1e: {  	[tilespmem:s23], [sflag:$0x1] =	stream.indirect.gather [hbm4b:s1+s22], $0x80, s4, s22, $0xb8;
	[tilespmem:$0x1E400] =	vst v63  }
0x1f: {  	_ = 	snop  }
0x20: {  	[tilespmem:s24], [sflag:$0x2] =	stream.indirect.gather [hbm4b:s1+s22], $0x80, s22, s22, $0xb8;
	[tilespmem:$0x1E400] =	vst v63  }
0x21: {  	_ =	swait.ge [sflag:s25], $0x4000  }
0x22: {  	[sflag:s25] =	ssyncset.done $0x0  }
0x23: {  	[sflag:s25] =	ssyncadd.s32 $0xFFFFC000  }
0x24: {  	[spmem:s2] =	stream.indirect.scatter.add.f32 [tilespmem:s23], [sflag:$0x3], $0x80, s21, s22, $0xb8;
	[tilespmem:$0x1E400] =	vst v63  }
0x25: {  	_ =	swait.ge [sflag:s20], $0x4000  }
0x26: {  	[sflag:s20] =	ssyncset.done $0x0  }
0x27: {  	s0 =	simm.s32 $0x100;
	[sflag:s20] =	ssyncadd.s32 $0xFFFFC000  }
0x28: {  	[tilespmem:s23], [sflag:$0x1] =	stream.indirect.gather [hbm4b:s1+s22], $0x80, s0, s22, $0xb8;
	[tilespmem:$0x1E400] =	vst v63  }
0x29: {  	_ =	swait.ge [sflag:s28], $0x4000  }
0x2a: {  	[sflag:s28] =	ssyncset.done $0x0  }
0x2b: {  	s8 =	simm.s32 $0x1480;
	[sflag:s28] =	ssyncadd.s32 $0xFFFFC000  }
0x2c: {  	[spmem:s2] =	stream.indirect.scatter.add.f32 [tilespmem:s24], [sflag:$0x3], $0x80, s8, s22, $0xb8;
	[tilespmem:$0x1E400] =	vst v63  }
0x2d: {  	_ =	swait.ge [sflag:s20], $0x4000  }
0x2e: {  	[sflag:s20] =	ssyncset.done $0x0  }
0x2f: {  	s8 =	simm.s32 $0x180;
	[sflag:s20] =	ssyncadd.s32 $0xFFFFC000  }
0x30: {  	[tilespmem:s24], [sflag:$0x2] =	stream.indirect.gather [hbm4b:s1+s22], $0x80, s8, s22, $0xb8;
	[tilespmem:$0x1E400] =	vst v63  }
0x31: {  	_ =	swait.ge [sflag:s25], $0x4000  }
0x32: {  	[sflag:s25] =	ssyncset.done $0x0  }
0x33: {  	s8 =	simm.s32 $0x1500;
	[sflag:s25] =	ssyncadd.s32 $0xFFFFC000  }
0x34: {  	[spmem:s2] =	stream.indirect.scatter.add.f32 [tilespmem:s23], [sflag:$0x3], $0x80, s8, s22, $0xb8;
	[tilespmem:$0x1E400] =	vst v63  }
0x35: {  	_ =	swait.ge [sflag:s20], $0x4000  }
0x36: {  	[sflag:s20] =	ssyncset.done $0x0  }
0x37: {  	s8 =	simm.s32 $0x200;
	[sflag:s20] =	ssyncadd.s32 $0xFFFFC000  }
0x38: {  	[tilespmem:s23], [sflag:$0x1] =	stream.indirect.gather [hbm4b:s1+s22], $0x80, s8, s22, $0xb8;
	[tilespmem:$0x1E400] =	vst v63  }
0x39: {  	_ =	swait.ge [sflag:s28], $0x4000  }
0x3a: {  	[sflag:s28] =	ssyncset.done $0x0  }
0x3b: {  	s8 =	simm.s32 $0x1580;
	[sflag:s28] =	ssyncadd.s32 $0xFFFFC000  }
0x3c: {  	[spmem:s2] =	stream.indirect.scatter.add.f32 [tilespmem:s24], [sflag:$0x3], $0x80, s8, s22, $0xb8;
	[tilespmem:$0x1E400] =	vst v63  }
0x3d: {  	_ =	swait.ge [sflag:s20], $0x4000  }
0x3e: {  	[sflag:s20] =	ssyncset.done $0x0  }
0x3f: {  	s8 =	simm.s32 $0x280;
	[sflag:s20] =	ssyncadd.s32 $0xFFFFC000  }
0x40: {  	[tilespmem:s24], [sflag:$0x2] =	stream.indirect.gather [hbm4b:s1+s22], $0x80, s8, s22, $0xb8;
	[tilespmem:$0x1E400] =	vst v63  }
0x41: {  	_ =	swait.ge [sflag:s25], $0x4000  }
0x42: {  	[sflag:s25] =	ssyncset.done $0x0  }
0x43: {  	s8 =	simm.s32 $0x1600;
	[sflag:s25] =	ssyncadd.s32 $0xFFFFC000  }
0x44: {  	[spmem:s2] =	stream.indirect.scatter.add.f32 [tilespmem:s23], [sflag:$0x3], $0x80, s8, s22, $0xb8;
	[tilespmem:$0x1E400] =	vst v63  }
0x45: {  	_ =	swait.ge [sflag:s20], $0x4000  }
0x46: {  	[sflag:s20] =	ssyncset.done $0x0  }
0x47: {  	s8 =	simm.s32 $0x300;
	[sflag:s20] =	ssyncadd.s32 $0xFFFFC000  }
0x48: {  	[tilespmem:s23], [sflag:$0x1] =	stream.indirect.gather [hbm4b:s1+s22], $0x80, s8, s22, $0xb8;
	[tilespmem:$0x1E400] =	vst v63  }
0x49: {  	_ =	swait.ge [sflag:s28], $0x4000  }
0x4a: {  	[sflag:s28] =	ssyncset.done $0x0  }
0x4b: {  	s8 =	simm.s32 $0x1680;
	[sflag:s28] =	ssyncadd.s32 $0xFFFFC000  }
0x4c: {  	[spmem:s2] =	stream.indirect.scatter.add.f32 [tilespmem:s24], [sflag:$0x3], $0x80, s8, s22, $0xb8;
	[tilespmem:$0x1E400] =	vst v63  }
0x4d: {  	_ =	swait.ge [sflag:s20], $0x4000  }
0x4e: {  	s31 =	simm.s32 $0x1780;
	[sflag:s20] =	ssyncset.done $0x0  }
0x4f: {  	s0 =	simm.s32 $0x1700;
	s8 =	simm.s32 $0x380;
	[sflag:s20] =	ssyncadd.s32 $0xFFFFC000  }
0x50: {  	[tilespmem:s24], [sflag:$0x2] =	stream.indirect.gather [hbm4b:s1+s22], $0x80, s8, s22, $0xb8;
	[tilespmem:$0x1E400] =	vst v63  }
.LBB2_12:
0x51: {  	_ =	swait.ge [sflag:s25], $0x4000  }
0x52: {  	[sflag:s25] =	ssyncset.done $0x0  }
0x53: {  	[sflag:s25] =	ssyncadd.s32 $0xFFFFC000  }
0x54: {  	[spmem:s2] =	stream.indirect.scatter.add.f32 [tilespmem:s23], [sflag:$0x3], $0x80, s0, s22, $0xb8;
	[tilespmem:$0x1E400] =	vst v63  }
0x55: {  	_ =	swait.ge [sflag:s20], $0x4000  }
0x56: {  	[sflag:s20] =	ssyncset.done $0x0  }
0x57: {  	[sflag:s20] =	ssyncadd.s32 $0xFFFFC000  }
0x58: {  	_ =	swait.ge [sflag:s28], $0x4000  }
0x59: {  	[sflag:s28] =	ssyncset.done $0x0  }
0x5a: {  	[sflag:s28] =	ssyncadd.s32 $0xFFFFC000  }
0x5b: {  	[spmem:s2] =	stream.indirect.scatter.add.f32 [tilespmem:s24], [sflag:$0x3], $0x80, s31, s22, $0xb8;
	[tilespmem:$0x1E400] =	vst v63  }
0x5c: {  	_ =	swait.ge [sflag:s20], $0x4000  }
0x5d: {  	s29 =	sadd.s32 $0x1, s29;
	[sflag:s20] =	ssyncset.done $0x0  }
0x5e: {  	p1 =	sne.s32 s29, s19;
	[sflag:s20] =	ssyncadd.s32 $0xFFFFC000  }
.Ltmp1:
0x5f: {  	[bflag:$0x0] =	sbarrier.arrive $0xFFFF;
	(pc) =	sbr.rel @!p1 .LBB2_13-.Ltmp1, $4  }
0x60: {  	[hbm:s18], [sflag:s7] =	dma.local [spmem:s30], $0x2780  }
0x61: {  	_ =	swait.ge [sflag:s20], $0x2780  }
0x62: {  	[sflag:s20] =	ssyncset.done $0x0  }
0x63: {  	[sflag:s20] =	ssyncadd.s32 $0xFFFFD880  }
.LBB2_1:
0x64: {  	s30 =	sshrl.u32 s6, $0x3  }
0x65: {  	[spmem:s30], [sflag:s7] =	dma.local [hbm:s5], $0x2780  }
.Ltmp2:
0x66: {  	_ =	swait.ge [sflag:s20], $0x2780;
	(pc) =	sbr.rel @p0 .LBB2_11-.Ltmp2, $3  }
0x67: {  	[sflag:s20] =	ssyncset.done $0x0  }
0x68: {  	[sflag:s20] =	ssyncadd.s32 $0xFFFFD880  }
0x69: {  	[bflag:$0x0] =	sbarrier.arrive $0xFFFF;
	_ =	sdelay $0x1  }
0x6a: {  	s0 =	simm.s32 $0x0;
	s8 =	rddreg [dreg:$0x4]  }
0x6b: {  	[tilespmem:s0], [sflag:$0x3] =	stream.linear.gather [hbm4b:s8+s0], $0x1400, $0x38;
	[tilespmem:$0x1E400] =	vst v63  }
0x6c: {  	_ =	swait.ge [sflag:s20], $0x1400  }
0x6d: {  	[sflag:s20] =	ssyncset.done $0x0  }
0x6e: {  	[sflag:s20] =	ssyncadd.s32 $0xFFFFEC00  }
0x6f: {  	[tilespmem:s21], [sflag:$0x3] =	stream.linear.gather [hbm4b:s9+s0], $0x1400, $0x38;
	[tilespmem:$0x1E400] =	vst v63  }
0x70: {  	_ =	swait.ge [sflag:s20], $0x1400  }
0x71: {  	[sflag:s20] =	ssyncset.done $0x0  }
0x72: {  	[sflag:s20] =	ssyncadd.s32 $0xFFFFEC00  }
0x73: {  	[tilespmem:s23], [sflag:$0x1] =	stream.indirect.gather [hbm4b:s1+s22], $0x80, s0, s22, $0xb8;
	[tilespmem:$0x1E400] =	vst v63  }
0x74: {  	_ = 	snop  }
0x75: {  	[tilespmem:s24], [sflag:$0x2] =	stream.indirect.gather [hbm4b:s1+s22], $0x80, s22, s22, $0xb8;
	[tilespmem:$0x1E400] =	vst v63  }
0x76: {  	_ =	swait.ge [sflag:s25], $0x4000  }
0x77: {  	[sflag:s25] =	ssyncset.done $0x0  }
0x78: {  	s8 =	simm.s32 $0x1400;
	[sflag:s25] =	ssyncadd.s32 $0xFFFFC000  }
0x79: {  	[spmem:s2] =	stream.indirect.scatter.add.f32 [tilespmem:s23], [sflag:$0x3], $0x80, s8, s22, $0xb8;
	[tilespmem:$0x1E400] =	vst v63  }
0x7a: {  	_ =	swait.ge [sflag:s20], $0x4000  }
0x7b: {  	[sflag:s20] =	ssyncset.done $0x0  }
0x7c: {  	s8 =	simm.s32 $0x100;
	[sflag:s20] =	ssyncadd.s32 $0xFFFFC000  }
0x7d: {  	[tilespmem:s23], [sflag:$0x1] =	stream.indirect.gather [hbm4b:s1+s22], $0x80, s8, s22, $0xb8;
	[tilespmem:$0x1E400] =	vst v63  }
0x7e: {  	_ =	swait.ge [sflag:s28], $0x4000  }
0x7f: {  	[sflag:s28] =	ssyncset.done $0x0  }
0x80: {  	s8 =	simm.s32 $0x1480;
	[sflag:s28] =	ssyncadd.s32 $0xFFFFC000  }
0x81: {  	[spmem:s2] =	stream.indirect.scatter.add.f32 [tilespmem:s24], [sflag:$0x3], $0x80, s8, s22, $0xb8;
	[tilespmem:$0x1E400] =	vst v63  }
0x82: {  	_ =	swait.ge [sflag:s20], $0x4000  }
0x83: {  	[sflag:s20] =	ssyncset.done $0x0  }
0x84: {  	s31 =	simm.s32 $0x400;
	s0 =	simm.s32 $0x180;
	[sflag:s20] =	ssyncadd.s32 $0xFFFFC000  }
.LBB2_3:
0x85: {  	[tilespmem:s24], [sflag:$0x2] =	stream.indirect.gather [hbm4b:s1+s22], $0x80, s0, s22, $0xb8;
	[tilespmem:$0x1E400] =	vst v63  }
0x86: {  	s0 =	smov.u32 s31  }
0x87: {  	p1 =	sne.s32 s31, $0x4800;
	s31 =	sadd.s32 $0x400, s31;
	_ =	swait.ge [sflag:s25], $0x4000  }
0x88: {  	s0 =	sshra.s32 s0, $0x2;
	[sflag:s25] =	ssyncset.done $0x0  }
0x89: {  	s8 =	sadd.s32 $0x1400, s0;
	[sflag:s25] =	ssyncadd.s32 $0xFFFFC000  }
0x8a: {  	[spmem:s2] =	stream.indirect.scatter.add.f32 [tilespmem:s23], [sflag:$0x3], $0x80, s8, s22, $0xb8;
	[tilespmem:$0x1E400] =	vst v63  }
0x8b: {  	_ =	swait.ge [sflag:s20], $0x4000  }
0x8c: {  	[sflag:s20] =	ssyncset.done $0x0  }
0x8d: {  	s8 =	sadd.s32 $0x100, s0;
	[sflag:s20] =	ssyncadd.s32 $0xFFFFC000  }
0x8e: {  	[tilespmem:s23], [sflag:$0x1] =	stream.indirect.gather [hbm4b:s1+s22], $0x80, s8, s22, $0xb8;
	[tilespmem:$0x1E400] =	vst v63  }
0x8f: {  	_ =	swait.ge [sflag:s28], $0x4000  }
0x90: {  	[sflag:s28] =	ssyncset.done $0x0  }
.Ltmp3:
0x91: {  	s8 =	sadd.s32 $0x1480, s0;
	[sflag:s28] =	ssyncadd.s32 $0xFFFFC000;
	(pc) =	sbr.rel @p1 .LBB2_3-.Ltmp3, $4  }
0x92: {  	[spmem:s2] =	stream.indirect.scatter.add.f32 [tilespmem:s24], [sflag:$0x3], $0x80, s8, s22, $0xb8;
	[tilespmem:$0x1E400] =	vst v63  }
0x93: {  	_ =	swait.ge [sflag:s20], $0x4000  }
0x94: {  	[sflag:s20] =	ssyncset.done $0x0  }
0x95: {  	s0 =	sadd.s32 $0x180, s0;
	[sflag:s20] =	ssyncadd.s32 $0xFFFFC000  }
0x96: {  	[tilespmem:s24], [sflag:$0x2] =	stream.indirect.gather [hbm4b:s1+s22], $0x80, s0, s22, $0xb8;
	[tilespmem:$0x1E400] =	vst v63  }
0x97: {  	_ =	swait.ge [sflag:s25], $0x4000  }
0x98: {  	[sflag:s25] =	ssyncset.done $0x0  }
0x99: {  	[sflag:s25] =	ssyncadd.s32 $0xFFFFC000  }
0x9a: {  	[spmem:s2] =	stream.indirect.scatter.add.f32 [tilespmem:s23], [sflag:$0x3], $0x80, s3, s22, $0xb8;
	[tilespmem:$0x1E400] =	vst v63  }
0x9b: {  	_ =	swait.ge [sflag:s20], $0x4000  }
0x9c: {  	[sflag:s20] =	ssyncset.done $0x0  }
0x9d: {  	[sflag:s20] =	ssyncadd.s32 $0xFFFFC000  }
0x9e: {  	_ =	swait.ge [sflag:s28], $0x4000  }
0x9f: {  	[sflag:s28] =	ssyncset.done $0x0  }
0xa0: {  	[sflag:s28] =	ssyncadd.s32 $0xFFFFC000  }
0xa1: {  	[spmem:s2] =	stream.indirect.scatter.add.f32 [tilespmem:s24], [sflag:$0x3], $0x80, s26, s22, $0xb8;
	[tilespmem:$0x1E400] =	vst v63  }
0xa2: {  	_ =	swait.ge [sflag:s20], $0x4000  }
0xa3: {  	[sflag:s20] =	ssyncset.done $0x0  }
0xa4: {  	s8 =	simm.s32 $0x0;
	[sflag:s20] =	ssyncadd.s32 $0xFFFFC000  }
0xa5: {  	[tilespmem:s8], [sflag:$0x3] =	stream.linear.gather [hbm4b:s10+s8], $0x1400, $0x38;
	[tilespmem:$0x1E400] =	vst v63  }
0xa6: {  	_ =	swait.ge [sflag:s20], $0x1400  }
0xa7: {  	[sflag:s20] =	ssyncset.done $0x0  }
0xa8: {  	[sflag:s20] =	ssyncadd.s32 $0xFFFFEC00  }
0xa9: {  	[tilespmem:s21], [sflag:$0x3] =	stream.linear.gather [hbm4b:s11+s8], $0x1400, $0x38;
	[tilespmem:$0x1E400] =	vst v63  }
0xaa: {  	_ =	swait.ge [sflag:s20], $0x1400  }
0xab: {  	[sflag:s20] =	ssyncset.done $0x0  }
0xac: {  	[sflag:s20] =	ssyncadd.s32 $0xFFFFEC00  }
0xad: {  	[tilespmem:s23], [sflag:$0x1] =	stream.indirect.gather [hbm4b:s1+s22], $0x80, s8, s22, $0xb8;
	[tilespmem:$0x1E400] =	vst v63  }
0xae: {  	_ = 	snop  }
0xaf: {  	[tilespmem:s24], [sflag:$0x2] =	stream.indirect.gather [hbm4b:s1+s22], $0x80, s22, s22, $0xb8;
	[tilespmem:$0x1E400] =	vst v63  }
0xb0: {  	_ =	swait.ge [sflag:s25], $0x4000  }
0xb1: {  	[sflag:s25] =	ssyncset.done $0x0  }
0xb2: {  	s8 =	simm.s32 $0x1400;
	[sflag:s25] =	ssyncadd.s32 $0xFFFFC000  }
0xb3: {  	[spmem:s2] =	stream.indirect.scatter.add.f32 [tilespmem:s23], [sflag:$0x3], $0x80, s8, s22, $0xb8;
	[tilespmem:$0x1E400] =	vst v63  }
0xb4: {  	_ =	swait.ge [sflag:s20], $0x4000  }
0xb5: {  	[sflag:s20] =	ssyncset.done $0x0  }
0xb6: {  	s8 =	simm.s32 $0x100;
	[sflag:s20] =	ssyncadd.s32 $0xFFFFC000  }
0xb7: {  	[tilespmem:s23], [sflag:$0x1] =	stream.indirect.gather [hbm4b:s1+s22], $0x80, s8, s22, $0xb8;
	[tilespmem:$0x1E400] =	vst v63  }
0xb8: {  	_ =	swait.ge [sflag:s28], $0x4000  }
0xb9: {  	[sflag:s28] =	ssyncset.done $0x0  }
0xba: {  	s8 =	simm.s32 $0x1480;
	[sflag:s28] =	ssyncadd.s32 $0xFFFFC000  }
0xbb: {  	[spmem:s2] =	stream.indirect.scatter.add.f32 [tilespmem:s24], [sflag:$0x3], $0x80, s8, s22, $0xb8;
	[tilespmem:$0x1E400] =	vst v63  }
0xbc: {  	_ =	swait.ge [sflag:s20], $0x4000  }
0xbd: {  	[sflag:s20] =	ssyncset.done $0x0  }
0xbe: {  	s31 =	simm.s32 $0x400;
	s0 =	simm.s32 $0x180;
	[sflag:s20] =	ssyncadd.s32 $0xFFFFC000  }
.LBB2_5:
0xbf: {  	[tilespmem:s24], [sflag:$0x2] =	stream.indirect.gather [hbm4b:s1+s22], $0x80, s0, s22, $0xb8;
	[tilespmem:$0x1E400] =	vst v63  }
0xc0: {  	s0 =	smov.u32 s31  }
0xc1: {  	p1 =	sne.s32 s31, $0x4800;
	s31 =	sadd.s32 $0x400, s31;
	_ =	swait.ge [sflag:s25], $0x4000  }
0xc2: {  	s0 =	sshra.s32 s0, $0x2;
	[sflag:s25] =	ssyncset.done $0x0  }
0xc3: {  	s8 =	sadd.s32 $0x1400, s0;
	[sflag:s25] =	ssyncadd.s32 $0xFFFFC000  }
0xc4: {  	[spmem:s2] =	stream.indirect.scatter.add.f32 [tilespmem:s23], [sflag:$0x3], $0x80, s8, s22, $0xb8;
	[tilespmem:$0x1E400] =	vst v63  }
0xc5: {  	_ =	swait.ge [sflag:s20], $0x4000  }
0xc6: {  	[sflag:s20] =	ssyncset.done $0x0  }
0xc7: {  	s8 =	sadd.s32 $0x100, s0;
	[sflag:s20] =	ssyncadd.s32 $0xFFFFC000  }
0xc8: {  	[tilespmem:s23], [sflag:$0x1] =	stream.indirect.gather [hbm4b:s1+s22], $0x80, s8, s22, $0xb8;
	[tilespmem:$0x1E400] =	vst v63  }
0xc9: {  	_ =	swait.ge [sflag:s28], $0x4000  }
0xca: {  	[sflag:s28] =	ssyncset.done $0x0  }
.Ltmp4:
0xcb: {  	s8 =	sadd.s32 $0x1480, s0;
	[sflag:s28] =	ssyncadd.s32 $0xFFFFC000;
	(pc) =	sbr.rel @p1 .LBB2_5-.Ltmp4, $4  }
0xcc: {  	[spmem:s2] =	stream.indirect.scatter.add.f32 [tilespmem:s24], [sflag:$0x3], $0x80, s8, s22, $0xb8;
	[tilespmem:$0x1E400] =	vst v63  }
0xcd: {  	_ =	swait.ge [sflag:s20], $0x4000  }
0xce: {  	[sflag:s20] =	ssyncset.done $0x0  }
0xcf: {  	s0 =	sadd.s32 $0x180, s0;
	[sflag:s20] =	ssyncadd.s32 $0xFFFFC000  }
0xd0: {  	[tilespmem:s24], [sflag:$0x2] =	stream.indirect.gather [hbm4b:s1+s22], $0x80, s0, s22, $0xb8;
	[tilespmem:$0x1E400] =	vst v63  }
0xd1: {  	_ =	swait.ge [sflag:s25], $0x4000  }
0xd2: {  	[sflag:s25] =	ssyncset.done $0x0  }
0xd3: {  	[sflag:s25] =	ssyncadd.s32 $0xFFFFC000  }
0xd4: {  	[spmem:s2] =	stream.indirect.scatter.add.f32 [tilespmem:s23], [sflag:$0x3], $0x80, s3, s22, $0xb8;
	[tilespmem:$0x1E400] =	vst v63  }
0xd5: {  	_ =	swait.ge [sflag:s20], $0x4000  }
0xd6: {  	[sflag:s20] =	ssyncset.done $0x0  }
0xd7: {  	[sflag:s20] =	ssyncadd.s32 $0xFFFFC000  }
0xd8: {  	_ =	swait.ge [sflag:s28], $0x4000  }
0xd9: {  	[sflag:s28] =	ssyncset.done $0x0  }
0xda: {  	[sflag:s28] =	ssyncadd.s32 $0xFFFFC000  }
0xdb: {  	[spmem:s2] =	stream.indirect.scatter.add.f32 [tilespmem:s24], [sflag:$0x3], $0x80, s26, s22, $0xb8;
	[tilespmem:$0x1E400] =	vst v63  }
0xdc: {  	_ =	swait.ge [sflag:s20], $0x4000  }
0xdd: {  	[sflag:s20] =	ssyncset.done $0x0  }
0xde: {  	s8 =	simm.s32 $0x0;
	[sflag:s20] =	ssyncadd.s32 $0xFFFFC000  }
0xdf: {  	[tilespmem:s8], [sflag:$0x3] =	stream.linear.gather [hbm4b:s12+s8], $0x1400, $0x38;
	[tilespmem:$0x1E400] =	vst v63  }
0xe0: {  	_ =	swait.ge [sflag:s20], $0x1400  }
0xe1: {  	[sflag:s20] =	ssyncset.done $0x0  }
0xe2: {  	[sflag:s20] =	ssyncadd.s32 $0xFFFFEC00  }
0xe3: {  	[tilespmem:s21], [sflag:$0x3] =	stream.linear.gather [hbm4b:s13+s8], $0x1400, $0x38;
	[tilespmem:$0x1E400] =	vst v63  }
0xe4: {  	_ =	swait.ge [sflag:s20], $0x1400  }
0xe5: {  	[sflag:s20] =	ssyncset.done $0x0  }
0xe6: {  	[sflag:s20] =	ssyncadd.s32 $0xFFFFEC00  }
0xe7: {  	[tilespmem:s23], [sflag:$0x1] =	stream.indirect.gather [hbm4b:s1+s22], $0x80, s8, s22, $0xb8;
	[tilespmem:$0x1E400] =	vst v63  }
0xe8: {  	_ = 	snop  }
0xe9: {  	[tilespmem:s24], [sflag:$0x2] =	stream.indirect.gather [hbm4b:s1+s22], $0x80, s22, s22, $0xb8;
	[tilespmem:$0x1E400] =	vst v63  }
0xea: {  	_ =	swait.ge [sflag:s25], $0x4000  }
0xeb: {  	[sflag:s25] =	ssyncset.done $0x0  }
0xec: {  	s8 =	simm.s32 $0x1400;
	[sflag:s25] =	ssyncadd.s32 $0xFFFFC000  }
0xed: {  	[spmem:s2] =	stream.indirect.scatter.add.f32 [tilespmem:s23], [sflag:$0x3], $0x80, s8, s22, $0xb8;
	[tilespmem:$0x1E400] =	vst v63  }
0xee: {  	_ =	swait.ge [sflag:s20], $0x4000  }
0xef: {  	[sflag:s20] =	ssyncset.done $0x0  }
0xf0: {  	s8 =	simm.s32 $0x100;
	[sflag:s20] =	ssyncadd.s32 $0xFFFFC000  }
0xf1: {  	[tilespmem:s23], [sflag:$0x1] =	stream.indirect.gather [hbm4b:s1+s22], $0x80, s8, s22, $0xb8;
	[tilespmem:$0x1E400] =	vst v63  }
0xf2: {  	_ =	swait.ge [sflag:s28], $0x4000  }
0xf3: {  	[sflag:s28] =	ssyncset.done $0x0  }
0xf4: {  	s8 =	simm.s32 $0x1480;
	[sflag:s28] =	ssyncadd.s32 $0xFFFFC000  }
0xf5: {  	[spmem:s2] =	stream.indirect.scatter.add.f32 [tilespmem:s24], [sflag:$0x3], $0x80, s8, s22, $0xb8;
	[tilespmem:$0x1E400] =	vst v63  }
0xf6: {  	_ =	swait.ge [sflag:s20], $0x4000  }
0xf7: {  	[sflag:s20] =	ssyncset.done $0x0  }
0xf8: {  	s31 =	simm.s32 $0x400;
	s0 =	simm.s32 $0x180;
	[sflag:s20] =	ssyncadd.s32 $0xFFFFC000  }
.LBB2_7:
0xf9: {  	[tilespmem:s24], [sflag:$0x2] =	stream.indirect.gather [hbm4b:s1+s22], $0x80, s0, s22, $0xb8;
	[tilespmem:$0x1E400] =	vst v63  }
0xfa: {  	s0 =	smov.u32 s31  }
0xfb: {  	p1 =	sne.s32 s31, $0x4800;
	s31 =	sadd.s32 $0x400, s31;
	_ =	swait.ge [sflag:s25], $0x4000  }
0xfc: {  	s0 =	sshra.s32 s0, $0x2;
	[sflag:s25] =	ssyncset.done $0x0  }
0xfd: {  	s8 =	sadd.s32 $0x1400, s0;
	[sflag:s25] =	ssyncadd.s32 $0xFFFFC000  }
0xfe: {  	[spmem:s2] =	stream.indirect.scatter.add.f32 [tilespmem:s23], [sflag:$0x3], $0x80, s8, s22, $0xb8;
	[tilespmem:$0x1E400] =	vst v63  }
0xff: {  	_ =	swait.ge [sflag:s20], $0x4000  }
0x100: {  	[sflag:s20] =	ssyncset.done $0x0  }
0x101: {  	s8 =	sadd.s32 $0x100, s0;
	[sflag:s20] =	ssyncadd.s32 $0xFFFFC000  }
0x102: {  	[tilespmem:s23], [sflag:$0x1] =	stream.indirect.gather [hbm4b:s1+s22], $0x80, s8, s22, $0xb8;
	[tilespmem:$0x1E400] =	vst v63  }
0x103: {  	_ =	swait.ge [sflag:s28], $0x4000  }
0x104: {  	[sflag:s28] =	ssyncset.done $0x0  }
.Ltmp5:
0x105: {  	s8 =	sadd.s32 $0x1480, s0;
	[sflag:s28] =	ssyncadd.s32 $0xFFFFC000;
	(pc) =	sbr.rel @p1 .LBB2_7-.Ltmp5, $4  }
0x106: {  	[spmem:s2] =	stream.indirect.scatter.add.f32 [tilespmem:s24], [sflag:$0x3], $0x80, s8, s22, $0xb8;
	[tilespmem:$0x1E400] =	vst v63  }
0x107: {  	_ =	swait.ge [sflag:s20], $0x4000  }
0x108: {  	[sflag:s20] =	ssyncset.done $0x0  }
0x109: {  	s0 =	sadd.s32 $0x180, s0;
	[sflag:s20] =	ssyncadd.s32 $0xFFFFC000  }
0x10a: {  	[tilespmem:s24], [sflag:$0x2] =	stream.indirect.gather [hbm4b:s1+s22], $0x80, s0, s22, $0xb8;
	[tilespmem:$0x1E400] =	vst v63  }
0x10b: {  	_ =	swait.ge [sflag:s25], $0x4000  }
0x10c: {  	[sflag:s25] =	ssyncset.done $0x0  }
0x10d: {  	[sflag:s25] =	ssyncadd.s32 $0xFFFFC000  }
0x10e: {  	[spmem:s2] =	stream.indirect.scatter.add.f32 [tilespmem:s23], [sflag:$0x3], $0x80, s3, s22, $0xb8;
	[tilespmem:$0x1E400] =	vst v63  }
0x10f: {  	_ =	swait.ge [sflag:s20], $0x4000  }
0x110: {  	[sflag:s20] =	ssyncset.done $0x0  }
0x111: {  	[sflag:s20] =	ssyncadd.s32 $0xFFFFC000  }
0x112: {  	_ =	swait.ge [sflag:s28], $0x4000  }
0x113: {  	[sflag:s28] =	ssyncset.done $0x0  }
0x114: {  	[sflag:s28] =	ssyncadd.s32 $0xFFFFC000  }
0x115: {  	[spmem:s2] =	stream.indirect.scatter.add.f32 [tilespmem:s24], [sflag:$0x3], $0x80, s26, s22, $0xb8;
	[tilespmem:$0x1E400] =	vst v63  }
0x116: {  	_ =	swait.ge [sflag:s20], $0x4000  }
0x117: {  	[sflag:s20] =	ssyncset.done $0x0  }
0x118: {  	s8 =	simm.s32 $0x0;
	[sflag:s20] =	ssyncadd.s32 $0xFFFFC000  }
0x119: {  	[tilespmem:s8], [sflag:$0x3] =	stream.linear.gather [hbm4b:s14+s8], $0x1000, $0x38;
	[tilespmem:$0x1E400] =	vst v63  }
0x11a: {  	_ =	swait.ge [sflag:s20], $0x1000  }
0x11b: {  	[sflag:s20] =	ssyncset.done $0x0  }
0x11c: {  	[sflag:s20] =	ssyncadd.s32 $0xFFFFF000  }
0x11d: {  	[tilespmem:s21], [sflag:$0x3] =	stream.linear.gather [hbm4b:s15+s8], $0x1000, $0x38;
	[tilespmem:$0x1E400] =	vst v63  }
0x11e: {  	_ =	swait.ge [sflag:s20], $0x1000  }
0x11f: {  	[sflag:s20] =	ssyncset.done $0x0  }
0x120: {  	[sflag:s20] =	ssyncadd.s32 $0xFFFFF000  }
0x121: {  	[tilespmem:s23], [sflag:$0x1] =	stream.indirect.gather [hbm4b:s1+s22], $0x80, s8, s22, $0xb8;
	[tilespmem:$0x1E400] =	vst v63  }
0x122: {  	_ = 	snop  }
0x123: {  	[tilespmem:s24], [sflag:$0x2] =	stream.indirect.gather [hbm4b:s1+s22], $0x80, s22, s22, $0xb8;
	[tilespmem:$0x1E400] =	vst v63  }
0x124: {  	_ =	swait.ge [sflag:s25], $0x4000  }
0x125: {  	[sflag:s25] =	ssyncset.done $0x0  }
0x126: {  	s8 =	simm.s32 $0x1400;
	[sflag:s25] =	ssyncadd.s32 $0xFFFFC000  }
0x127: {  	[spmem:s2] =	stream.indirect.scatter.add.f32 [tilespmem:s23], [sflag:$0x3], $0x80, s8, s22, $0xb8;
	[tilespmem:$0x1E400] =	vst v63  }
0x128: {  	_ =	swait.ge [sflag:s20], $0x4000  }
0x129: {  	[sflag:s20] =	ssyncset.done $0x0  }
0x12a: {  	s8 =	simm.s32 $0x100;
	[sflag:s20] =	ssyncadd.s32 $0xFFFFC000  }
0x12b: {  	[tilespmem:s23], [sflag:$0x1] =	stream.indirect.gather [hbm4b:s1+s22], $0x80, s8, s22, $0xb8;
	[tilespmem:$0x1E400] =	vst v63  }
0x12c: {  	_ =	swait.ge [sflag:s28], $0x4000  }
0x12d: {  	p1 =	por $0x0, $0x0;
	[sflag:s28] =	ssyncset.done $0x0  }
.Ltmp6:
0x12e: {  	s8 =	simm.s32 $0x1480;
	[sflag:s28] =	ssyncadd.s32 $0xFFFFC000;
	(pc) =	sbr.rel @p1 .LBB2_10-.Ltmp6, $4  }
0x12f: {  	[spmem:s2] =	stream.indirect.scatter.add.f32 [tilespmem:s24], [sflag:$0x3], $0x80, s8, s22, $0xb8;
	[tilespmem:$0x1E400] =	vst v63  }
0x130: {  	_ =	swait.ge [sflag:s20], $0x4000  }
0x131: {  	[sflag:s20] =	ssyncset.done $0x0  }
0x132: {  	s31 =	simm.s32 $0x400;
	s0 =	simm.s32 $0x180;
	[sflag:s20] =	ssyncadd.s32 $0xFFFFC000  }
.LBB2_9:
0x133: {  	[tilespmem:s24], [sflag:$0x2] =	stream.indirect.gather [hbm4b:s1+s22], $0x80, s0, s22, $0xb8;
	[tilespmem:$0x1E400] =	vst v63  }
0x134: {  	s0 =	smov.u32 s31  }
0x135: {  	p1 =	seq.s32 s31, $0x3800;
	s31 =	sadd.s32 $0x400, s31;
	_ =	swait.ge [sflag:s25], $0x4000  }
0x136: {  	s0 =	sshra.s32 s0, $0x2;
	[sflag:s25] =	ssyncset.done $0x0  }
0x137: {  	s8 =	sadd.s32 $0x1400, s0;
	[sflag:s25] =	ssyncadd.s32 $0xFFFFC000  }
0x138: {  	[spmem:s2] =	stream.indirect.scatter.add.f32 [tilespmem:s23], [sflag:$0x3], $0x80, s8, s22, $0xb8;
	[tilespmem:$0x1E400] =	vst v63  }
0x139: {  	_ =	swait.ge [sflag:s20], $0x4000  }
0x13a: {  	[sflag:s20] =	ssyncset.done $0x0  }
0x13b: {  	s8 =	sadd.s32 $0x100, s0;
	[sflag:s20] =	ssyncadd.s32 $0xFFFFC000  }
0x13c: {  	[tilespmem:s23], [sflag:$0x1] =	stream.indirect.gather [hbm4b:s1+s22], $0x80, s8, s22, $0xb8;
	[tilespmem:$0x1E400] =	vst v63  }
0x13d: {  	_ =	swait.ge [sflag:s28], $0x4000  }
0x13e: {  	[sflag:s28] =	ssyncset.done $0x0  }
.Ltmp7:
0x13f: {  	s8 =	sadd.s32 $0x1480, s0;
	[sflag:s28] =	ssyncadd.s32 $0xFFFFC000;
	(pc) =	sbr.rel @!p1 .LBB2_9-.Ltmp7, $4  }
0x140: {  	[spmem:s2] =	stream.indirect.scatter.add.f32 [tilespmem:s24], [sflag:$0x3], $0x80, s8, s22, $0xb8;
	[tilespmem:$0x1E400] =	vst v63  }
0x141: {  	_ =	swait.ge [sflag:s20], $0x4000  }
0x142: {  	[sflag:s20] =	ssyncset.done $0x0  }
0x143: {  	s0 =	sadd.s32 $0x180, s0;
	[sflag:s20] =	ssyncadd.s32 $0xFFFFC000  }
.LBB2_10:
.Ltmp8:
0x144: {  	(pc) =	sbr.rel .LBB2_12-.Ltmp8, $3  }
0x145: {  	_ =	sdelay $0x1  }
0x146: {  	[tilespmem:s24], [sflag:$0x2] =	stream.indirect.gather [hbm4b:s1+s22], $0x80, s0, s22, $0xb8;
	[tilespmem:$0x1E400] =	vst v63  }
0x147: {  	s31 =	simm.s32 $0x2380;
	s0 =	simm.s32 $0x2300  }
.LBB2_13:
0x148: {  	_ =	sfence.sel $0x180000  }
0x149: {  	[bflag:$0x0] =	sbarrier.arrive $0xFFFF  }
0x14a: {  	_ =	strace $0x90000047  }
0x14b: {  	s0 =	stileid.u32;
	[bflag:$0x2] =	sbarrier.arrive $0xFFFF  }
0x14c: {  	p0 =	sne.s32 s0, $0x0;
	s0 =	rddreg [dreg:$0x3]  }
0x14d: {  	s0 =	sadd.s32 @!p0 $0x100000, s0  }
0x14e: {  	[sflag:s0] =	ssyncadd.tile.s32 @!p0 $0x1;
	_ =	shalt  }
.Lfunc_end2:
_tile_overlayer_lowered:
.L_overlay_start_2:
0x14f: {  	(tag) =	ssettag $0x2  }
0x150: {  	s0 =	rddreg [dreg:$0x0];
	s2 =	stileid.u32  }
0x151: {  	s1 =	rddreg [dreg:$0x1];
	p0 =	sne.s32 s2, $0x0  }
0x152: {  	s3 =	rddreg [dreg:$0x2];
	[bflag:$0x3] =	sbarrier.arrive $0xFFFF;
	s2 =	simm.s32 @!p0 $0x1C03  }
0x153: {  	[timem:s3], [sflag:s2] =	dma.local @!p0 [hbm:s0], s1  }
0x154: {  	s0 =	simm.s32 @!p0 $0x3  }
0x155: {  	_ =	swait.ge @!p0 [sflag:s0], s1  }
0x156: {  	s1 =	ssub.s32 @!p0 $0x0, s1;
	[sflag:s0] =	ssyncset.done @!p0 $0x0  }
0x157: {  	[sflag:s0] =	ssyncadd.s32 @!p0 s1  }
0x158: {  	[bflag:$0x3] =	sbarrier.arrive $0xFFFF  }
0x159: {  	_ =	shalt  }

// kernel: kernel.9.cloned.1.call-start
scs
__scs_entry_jumppad:
0x0: {  	(pc) =	sbr.rel $0x88, $3  }
0x1: {  	(tag) =	ssettag $0x0;
	lr =	simm.s32 $0x1  }
0x2: {  	[smem:$0x3F92] =	sst lr;
	_ =	strace $0xD0000000  }
0x3: {  	_ = 	snop  }
0x4: {  	_ = 	snop  }
0x5: {  	_ = 	snop  }
0x6: {  	_ = 	snop  }
0x7: {  	_ = 	snop  }
__scs_overlays_trampoline_lowered:
0x8: {  	[smem:$0x3FA1] =	sst s0  }
0x9: {  	[smem:$0x3FA2] =	sst s1  }
0xa: {  	[smem:$0x3FA3] =	sst s2  }
0xb: {  	[smem:$0x3FA4] =	sst s3  }
0xc: {  	[smem:$0x3FA5] =	sst s4  }
0xd: {  	[smem:$0x3FA6] =	sst s5  }
0xe: {  	[smem:$0x3FA7] =	sst s6  }
0xf: {  	[smem:$0x3FA8] =	sst s7  }
0x10: {  	[smem:$0x3FA9] =	sst s8  }
0x11: {  	[smem:$0x3FAA] =	sst s9;
	s0 =	simm.s32 @!p0 $0x0  }
0x12: {  	s1 =	sld [smem:$0x3F90];
	s0 =	simm.s32 @p0 $0x1  }
0x13: {  	[smem:$0x3FAB] =	sst s0;
	s0 =	simm.s32 @!p1 $0x0  }
0x14: {  	s2 =	sld [smem:$0x3F8F];
	s0 =	simm.s32 @p1 $0x1  }
0x15: {  	[smem:$0x3FAC] =	sst s0;
	s0 =	simm.s32 @!p2 $0x0  }
0x16: {  	s3 =	sld [smem:$0x3FDB];
	s0 =	simm.s32 @p2 $0x1  }
0x17: {  	s4 =	simm.s32 $0x1BF5;
	[smem:$0x3FAE] =	sst s0  }
0x18: {  	s0 =	sld [smem:$0x3F91];
	_ =	swait.ge [sflag:s4], $0x0  }
0x19: {  	s7 =	sld [smem:$0x3F92]  }
0x1a: {  	s8 =	sadd.s32 $0xFFFFE003, lr  }
0x1b: {  	s9 =	sadd.s32 $0xFFFFFEF7, lr;
	s5 =	simm.s32 $0xFFFFFFFF;
	p2 =	slt.u32 s8, $0xFFFFF086  }
0x1c: {  	p1 =	slt.u32 s9, $0xF7A;
	s5 =	simm.s32 @!p2 $0x0  }
0x1d: {  	s5 =	simm.s32 @p1 $0x1;
	p0 =	seq.s32 s7, s2  }
0x1e: {  	s7 =	smul.u32 @!p0 $0xF7A, s2;
	p2 =	seq.s32 @!p0 s5, $0x0  }
0x1f: {  	s9 =	smul.u32 $0xF7A, s1;
	s8 =	simm.s32 @!p0 $0x1BF5;
	p2 =	por !p2, p0  }
0x20: {  	[sflag:s8] =	ssyncset.s32 @!p0 $0xFFFFF086;
	s6 =	sadd.s32 @!p0 s3, s7;
	s7 =	simm.s32 @!p0 $0x108  }
0x21: {  	s3 =	sadd.s32 s3, s9;
	s6 =	sadd.s32 @!p0 $0x88, s6;
	s7 =	simm.s32 @p2 $0x1082  }
0x22: {  	[simem:s7], [sflag:s8] =	dma.local @!p0 [hbm:s6], $0xF7A  }
0x23: {  	s9 =	sor.u32 $0xD0000000, s2;
	s6 =	simm.s32 $0x108;
	_ =	swait.ge @!p0 [sflag:s8], $0x0  }
0x24: {  	s3 =	sadd.s32 $0x88, s3;
	s6 =	simm.s32 @!p1 $0x1082;
	[sflag:s4] =	ssyncset.s32 $0xFFFFF086  }
0x25: {  	[simem:s6], [sflag:s4] =	dma.local [hbm:s3], $0xF7A  }
0x26: {  	[smem:$0x3F92] =	sst s1;
	(tag) =	ssettag s2;
	_ =	strace s9  }
0x27: {  	s1 =	sld [smem:$0x3FA2]  }
0x28: {  	s2 =	sld [smem:$0x3FA3]  }
0x29: {  	s4 =	sld [smem:$0x3FA5]  }
0x2a: {  	p0 =	seq.s32 s5, $0x0;
	s5 =	sld [smem:$0x3FA6]  }
0x2b: {  	s6 =	sld [smem:$0x3FA7]  }
0x2c: {  	s7 =	sld [smem:$0x3FA8]  }
0x2d: {  	s3 =	simm.s32 $0x108;
	s8 =	sld [smem:$0x3FA9]  }
0x2e: {  	s3 =	simm.s32 @!p0 $0x1082;
	s9 =	sld [smem:$0x3FAA]  }
0x2f: {  	lr =	sadd.s32 s0, s3;
	s0 =	sld [smem:$0x3FA1]  }
0x30: {  	s3 =	sld [smem:$0x3FA4]  }
0x31: {  	[smem:$0x3FAD] =	sst s10  }
0x32: {  	s10 =	sld [smem:$0x3FAB];
	_ =	sdelay $0x3  }
0x33: {  	p0 =	seq.s32 s10, $0x1;
	s10 =	sld [smem:$0x3FAD];
	_ =	sdelay $0x3  }
0x34: {  	[smem:$0x3FAD] =	sst s10  }
0x35: {  	s10 =	sld [smem:$0x3FAC];
	_ =	sdelay $0x3  }
0x36: {  	p1 =	seq.s32 s10, $0x1;
	s10 =	sld [smem:$0x3FAD];
	_ =	sdelay $0x3  }
0x37: {  	[smem:$0x3FAD] =	sst s10  }
0x38: {  	s10 =	sld [smem:$0x3FAE]  }
0x39: {  	_ = 	snop;
	(pc) =	sbr.ind lr, $3  }
0x3a: {  	_ = 	snop  }
0x3b: {  	_ = 	snop  }
0x3c: {  	p2 =	seq.s32 s10, $0x1;
	s10 =	sld [smem:$0x3FAD]  }
0x3d: {  	_ =	shalt  }
0x3e: {  	_ =	shalt  }
0x3f: {  	_ =	shalt  }
0x40: {  	_ =	shalt  }
0x41: {  	_ =	shalt  }
0x42: {  	_ =	shalt  }
0x43: {  	_ =	shalt  }
0x44: {  	_ =	shalt  }
0x45: {  	_ =	shalt  }
0x46: {  	_ =	shalt  }
0x47: {  	_ =	shalt  }
0x48: {  	_ =	shalt  }
0x49: {  	_ =	shalt  }
0x4a: {  	_ =	shalt  }
0x4b: {  	_ =	shalt  }
0x4c: {  	_ =	shalt  }
0x4d: {  	_ =	shalt  }
0x4e: {  	_ =	shalt  }
0x4f: {  	_ =	shalt  }
0x50: {  	_ =	shalt  }
0x51: {  	_ =	shalt  }
0x52: {  	_ =	shalt  }
0x53: {  	_ =	shalt  }
0x54: {  	_ =	shalt  }
0x55: {  	_ =	shalt  }
0x56: {  	_ =	shalt  }
0x57: {  	_ =	shalt  }
0x58: {  	_ =	shalt  }
0x59: {  	_ =	shalt  }
0x5a: {  	_ =	shalt  }
0x5b: {  	_ =	shalt  }
0x5c: {  	_ =	shalt  }
0x5d: {  	_ =	shalt  }
0x5e: {  	_ =	shalt  }
0x5f: {  	_ =	shalt  }
0x60: {  	_ =	shalt  }
0x61: {  	_ =	shalt  }
0x62: {  	_ =	shalt  }
0x63: {  	_ =	shalt  }
0x64: {  	_ =	shalt  }
0x65: {  	_ =	shalt  }
0x66: {  	_ =	shalt  }
0x67: {  	_ =	shalt  }
0x68: {  	_ =	shalt  }
0x69: {  	_ =	shalt  }
0x6a: {  	_ =	shalt  }
0x6b: {  	_ =	shalt  }
0x6c: {  	_ =	shalt  }
0x6d: {  	_ =	shalt  }
0x6e: {  	_ =	shalt  }
0x6f: {  	_ =	shalt  }
0x70: {  	_ =	shalt  }
0x71: {  	_ =	shalt  }
0x72: {  	_ =	shalt  }
0x73: {  	_ =	shalt  }
0x74: {  	_ =	shalt  }
0x75: {  	_ =	shalt  }
0x76: {  	_ =	shalt  }
0x77: {  	_ =	shalt  }
0x78: {  	_ =	shalt  }
0x79: {  	_ =	shalt  }
0x7a: {  	_ =	shalt  }
0x7b: {  	_ =	shalt  }
0x7c: {  	_ =	shalt  }
0x7d: {  	_ =	shalt  }
0x7e: {  	_ =	shalt  }
0x7f: {  	_ =	shalt  }
0x80: {  	_ =	shalt  }
0x81: {  	_ =	shalt  }
0x82: {  	_ =	shalt  }
0x83: {  	_ =	shalt  }
0x84: {  	_ =	shalt  }
0x85: {  	_ =	shalt  }
0x86: {  	_ =	shalt  }
0x87: {  	_ =	shalt  }
.Lfunc_end0:
.L_simem_size_0:
called_computation.1_lowered:
.L_overlay_start_0:
0x88: {  	s2 =	sld [smem:$0x3FD9]  }
0x89: {  	s3 =	sld [smem:$0x3FFE];
	_ =	sdelay $0x1  }
0x8a: {  	s1 =	srdreg.scid  }
0x8b: {  	s0 =	sand.u32 $0x1, s1  }
0x8c: {  	s16 =	sshll.u32 s0, $0xA;
	s2 =	sadd.s32 s3, s2  }
0x8d: {  	s2 =	sadd.s32 s2, s16  }
0x8e: {  	[smem:$0x3FB9] =	sst s2  }
0x8f: {  	_ = 	snop  }
0x90: {  	(tm) =	ssettm $0x1  }
0x91: {  	s17 =	sld [smem:$0x3FFB];
	_ =	sdelay $0x3  }
0x92: {  	_ =	strace s17  }
0x93: {  	s2 =	sld [smem:$0x3FFC];
	_ =	sdelay $0x3  }
0x94: {  	_ =	strace s2  }
0x95: {  	s2 =	sld [smem:$0x3FFD];
	_ =	sdelay $0x3  }
0x96: {  	_ =	strace s2  }
0x97: {  	_ =	strace $0x8FFFFFFF  }
0x98: {  	s18 =	sld [smem:$0x3FDB];
	_ =	sdelay $0x1  }
0x99: {  	s19 =	simm.s32 $_scs_section_size  }
0x9a: {  	s4 =	simm.s32 $_size__tile_overlayer_lowered;
	s5 =	simm.s32 $_tile_overlayer_lowered  }
0x9b: {  	s22 =	simm.s32 $0x1BFF;
	s21 =	sshll.u32 s5, $0x1;
	s2 =	sadd.s32 s19, s18  }
0x9c: {  	s6 =	simm.s32 $0x0;
	s20 =	sshll.u32 s4, $0x1;
	s4 =	sadd.s32 s21, s2  }
0x9d: {  	[timem:s6], [sflag:s22] =	dma.local [hbm:s4], s20  }
0x9e: {  	_ =	swait.ge [sflag:s22], s20  }
0x9f: {  	s3 =	ssub.s32 $0x0, s20;
	[sflag:s22] =	ssyncset.done $0x0  }
0xa0: {  	[sflag:s22] =	ssyncadd.s32 s3;
	_ =	sdelay $0x1  }
0xa1: {  	s23 =	simm.s32 $0x1B8B  }
0xa2: {  	_ =	swait.ge [sflag:s23], $0x1  }
0xa3: {  	[sflag:s23] =	ssyncset.done $0x0  }
0xa4: {  	s25 =	simm.s32 $0x1B8E;
	s24 =	sld [smem:$0x3FFE];
	[sflag:s23] =	ssyncadd.s32 $0xFFFFFFFF  }
0xa5: {  	s26 =	simm.s32 $execute0_lowered;
	[smem:$0x3FD2] =	sst s25  }
0xa6: {  	s4 =	sshll.u32 s26, $0x1;
	_ =	strace $0x80000049;
	[dreg:$0x1] =	wrdreg $0xFFFFFFFF  }
0xa7: {  	s28 =	simm.s32 $_size_execute0_lowered;
	s2 =	sadd.s32 s2, s4;
	[dreg:$0x0] =	wrdreg $0x0  }
0xa8: {  	s4 =	sshll.u32 s28, $0x1;
	[dreg:$0x2] =	wrdreg s2  }
0xa9: {  	[dreg:$0x3] =	wrdreg s4  }
0xaa: {  	[dreg:$0x4] =	wrdreg $0xC0  }
0xab: {  	_ =	task [dreg:s6], $0x5FFFF  }
0xac: {  	[dreg:$0x1] =	wrdreg $0xFFFFFFFF  }
0xad: {  	[dreg:$0x0] =	wrdreg $0x60  }
0xae: {  	[dreg:$0x2] =	wrdreg s24  }
0xaf: {  	[dreg:$0x3] =	wrdreg $0xA8000  }
0xb0: {  	[dreg:$0x4] =	wrdreg $0x9  }
0xb1: {  	_ =	task.clear_ibuf [dreg:s6], $0x5FFFF;
	_ =	strace $0x90000049  }
0xb2: {  	s29 =	simm.s32 $0x9;
	_ =	strace $0x8000004B  }
0xb3: {  	_ =	swait.ge [sflag:s29], $0x1  }
0xb4: {  	[sflag:s29] =	ssyncadd.s32 $0xFFFFFFFF  }
0xb5: {  	_ =	strace $0x9000004B  }
0xb6: {  	_ =	sfence  }
0xb7: {  	s30 =	sld [smem:$0x0];
	_ =	sdelay $0x2  }
0xb8: {  	s31 =	sshll.u32 s1, $0xD;
	s1 =	sshrl.u32 s1, $0x2  }
0xb9: {  	s3 =	sand.u32 $0x4000, s31;
	s1 =	sadd.s32 s1, s30  }
0xba: {  	s0 =	sor.u32 s3, s0;
	s1 =	sshll.u32 s1, $0x11  }
0xbb: {  	s0 =	sor.u32 s1, s0  }
0xbc: {  	s0 =	sadd.s32 $0x8F2B, s0  }
0xbd: {  	[sflag:s0] =	ssyncadd.remote.s32 $0x1  }
0xbe: {  	_ =	sfence.sel $0xFFFF  }
0xbf: {  	[dreg:$0x0] =	wrdreg $0xFFFFFFFF;
	(pc) =	sbr.abs _section_cstart, $3  }
0xc0: {  	[dreg:$0x1] =	wrdreg $0xFFFFFFFF  }
0xc1: {  	_ =	task.clear_ibuf [dreg:s6], $0x2FFFF;
	_ =	strace $0x9FFFFFFF  }
0xc2: {  	(tm) =	ssettm $0x7FFFFFFF  }
0xc3: {  	_ =	shalt  }
tec
execute0_lowered:
.L_overlay_start_1:
0x0: {  	(tag) =	ssettag $0x1  }
0x1: {  	s0 =	rddreg [dreg:$0x0]  }
0x2: {  	s1 =	rddreg [dreg:$0x1];
	s3 =	simm.s32 $0x0;
	s2 =	srdreg.scid  }
0x3: {  	s15 =	stileid.u32;
	s28 =	simm.s32 $0x2;
	s29 =	simm.s32 $0x0  }
0x4: {  	[smem:$0x7FF] =	sst s3;
	s2 =	sand.u32 $0x1, s2;
	s7 =	smul.u32 $0x13C00, s15  }
0x5: {  	s4 =	sadd.s32 $0x19400, s0;
	s16 =	sadd.s32 $0xCC00, s0;
	s9 =	smul.u32 $0x4F000, s15  }
0x6: {  	s17 =	sadd.s32 $0x2C00, s0;
	s5 =	sadd.s32 $0x16C00, s0;
	s21 =	smul.u32 $0x4C00, s15  }
0x7: {  	s23 =	sshll.u32 s15, $0x6;
	s24 =	smul.u32 $0x980, s15;
	s30 =	sshll.u32 s15, $0x7  }
0x8: {  	s6 =	smul.u32 $0x13C000, s2;
	_ =	strace $0x8000004A;
	s20 =	ssub.s32 $0x2, s2  }
0x9: {  	p0 =	seq.s32 s2, $0x1;
	s2 =	sor.u32 $0x9800, s30;
	s8 =	sshrl.u32 s20, $0x1  }
0xa: {  	s22 =	sshrl.u32 s9, $0x2;
	s14 =	sshrl.u32 s21, $0x3;
	s25 =	sadd.s32 s16, s24  }
0xb: {  	s9 =	sadd.s32 s17, s24;
	s21 =	simm.s32 $0x1400;
	s24 =	simm.s32 $0x6800  }
0xc: {  	s6 =	sadd.s32 s7, s6;
	s19 =	ssub.s32 s20, s8;
	s7 =	sor.u32 $0x1C03, s23  }
0xd: {  	[dreg:$0x3] =	wrdreg s25;
	s26 =	sadd.s32 $0x280, s14;
	s13 =	sadd.s32 $0x500, s14  }
0xe: {  	s31 =	sadd.s32 $0x780, s14;
	s20 =	simm.s32 $0x3;
	s23 =	simm.s32 $0x2800  }
0xf: {  	s25 =	simm.s32 $0x1;
	s6 =	sshrl.u32 s6, $0x3;
	s10 =	sadd.s32 s16, s26  }
.Ltmp0:
0x10: {  	s11 =	sadd.s32 s17, s26;
	s12 =	sadd.s32 s16, s13;
	(pc) =	sbr.rel .LBB2_1-.Ltmp0, $4  }
0x11: {  	s13 =	sadd.s32 s17, s13;
	s14 =	sadd.s32 s16, s31;
	s15 =	sadd.s32 s17, s31  }
0x12: {  	s16 =	sadd.s32 s16, s2;
	s17 =	sadd.s32 s17, s2;
	s19 =	smax.u32 s19, $0x1  }
0x13: {  	s2 =	simm.s32 $0x2700;
	s26 =	simm.s32 $0x2780;
	s0 =	sadd.s32 s6, s0  }
0x14: {  	s6 =	sadd.s32 s22, s1;
	s22 =	simm.s32 $0x80;
	s18 =	sadd.s32 $0x40600, s0  }
.LBB2_11:
0x15: {  	[tilespmem:s3], [sflag:$0x3] =	stream.linear.gather [hbm4b:s16+s3], $0x400, $0x38;
	[tilespmem:$0x1E400] =	vst v63  }
0x16: {  	_ =	swait.ge [sflag:s20], $0x400  }
0x17: {  	[sflag:s20] =	ssyncset.done $0x0  }
0x18: {  	[sflag:s20] =	ssyncadd.s32 $0xFFFFFC00  }
0x19: {  	[tilespmem:s21], [sflag:$0x3] =	stream.linear.gather [hbm4b:s17+s3], $0x400, $0x38;
	[tilespmem:$0x1E400] =	vst v63  }
0x1a: {  	_ =	swait.ge [sflag:s20], $0x400  }
0x1b: {  	[sflag:s20] =	ssyncset.done $0x0  }
0x1c: {  	[sflag:s20] =	ssyncadd.s32 $0xFFFFFC00  }
0x1d: {  	[tilespmem:s23], [sflag:$0x1] =	stream.indirect.gather [hbm4b:s4+s22], $0x80, s3, s22, $0xb8;
	[tilespmem:$0x1E400] =	vst v63  }
0x1e: {  	_ = 	snop  }
0x1f: {  	[tilespmem:s24], [sflag:$0x2] =	stream.indirect.gather [hbm4b:s4+s22], $0x80, s22, s22, $0xb8;
	[tilespmem:$0x1E400] =	vst v63  }
0x20: {  	_ =	swait.ge [sflag:s25], $0x4000  }
0x21: {  	[sflag:s25] =	ssyncset.done $0x0  }
0x22: {  	[sflag:s25] =	ssyncadd.s32 $0xFFFFC000  }
0x23: {  	[spmem:s1] =	stream.indirect.scatter.add.f32 [tilespmem:s23], [sflag:$0x3], $0x80, s21, s22, $0xb8;
	[tilespmem:$0x1E400] =	vst v63  }
0x24: {  	_ =	swait.ge [sflag:s20], $0x4000  }
0x25: {  	[sflag:s20] =	ssyncset.done $0x0  }
0x26: {  	s0 =	simm.s32 $0x100;
	[sflag:s20] =	ssyncadd.s32 $0xFFFFC000  }
0x27: {  	[tilespmem:s23], [sflag:$0x1] =	stream.indirect.gather [hbm4b:s4+s22], $0x80, s0, s22, $0xb8;
	[tilespmem:$0x1E400] =	vst v63  }
0x28: {  	_ =	swait.ge [sflag:s28], $0x4000  }
0x29: {  	[sflag:s28] =	ssyncset.done $0x0  }
0x2a: {  	s8 =	simm.s32 $0x1480;
	[sflag:s28] =	ssyncadd.s32 $0xFFFFC000  }
0x2b: {  	[spmem:s1] =	stream.indirect.scatter.add.f32 [tilespmem:s24], [sflag:$0x3], $0x80, s8, s22, $0xb8;
	[tilespmem:$0x1E400] =	vst v63  }
0x2c: {  	_ =	swait.ge [sflag:s20], $0x4000  }
0x2d: {  	[sflag:s20] =	ssyncset.done $0x0  }
0x2e: {  	s8 =	simm.s32 $0x180;
	[sflag:s20] =	ssyncadd.s32 $0xFFFFC000  }
0x2f: {  	[tilespmem:s24], [sflag:$0x2] =	stream.indirect.gather [hbm4b:s4+s22], $0x80, s8, s22, $0xb8;
	[tilespmem:$0x1E400] =	vst v63  }
0x30: {  	_ =	swait.ge [sflag:s25], $0x4000  }
0x31: {  	[sflag:s25] =	ssyncset.done $0x0  }
0x32: {  	s8 =	simm.s32 $0x1500;
	[sflag:s25] =	ssyncadd.s32 $0xFFFFC000  }
0x33: {  	[spmem:s1] =	stream.indirect.scatter.add.f32 [tilespmem:s23], [sflag:$0x3], $0x80, s8, s22, $0xb8;
	[tilespmem:$0x1E400] =	vst v63  }
0x34: {  	_ =	swait.ge [sflag:s20], $0x4000  }
0x35: {  	[sflag:s20] =	ssyncset.done $0x0  }
0x36: {  	s8 =	simm.s32 $0x200;
	[sflag:s20] =	ssyncadd.s32 $0xFFFFC000  }
0x37: {  	[tilespmem:s23], [sflag:$0x1] =	stream.indirect.gather [hbm4b:s4+s22], $0x80, s8, s22, $0xb8;
	[tilespmem:$0x1E400] =	vst v63  }
0x38: {  	_ =	swait.ge [sflag:s28], $0x4000  }
0x39: {  	[sflag:s28] =	ssyncset.done $0x0  }
0x3a: {  	s8 =	simm.s32 $0x1580;
	[sflag:s28] =	ssyncadd.s32 $0xFFFFC000  }
0x3b: {  	[spmem:s1] =	stream.indirect.scatter.add.f32 [tilespmem:s24], [sflag:$0x3], $0x80, s8, s22, $0xb8;
	[tilespmem:$0x1E400] =	vst v63  }
0x3c: {  	_ =	swait.ge [sflag:s20], $0x4000  }
0x3d: {  	[sflag:s20] =	ssyncset.done $0x0  }
0x3e: {  	s8 =	simm.s32 $0x280;
	[sflag:s20] =	ssyncadd.s32 $0xFFFFC000  }
0x3f: {  	[tilespmem:s24], [sflag:$0x2] =	stream.indirect.gather [hbm4b:s4+s22], $0x80, s8, s22, $0xb8;
	[tilespmem:$0x1E400] =	vst v63  }
0x40: {  	_ =	swait.ge [sflag:s25], $0x4000  }
0x41: {  	[sflag:s25] =	ssyncset.done $0x0  }
0x42: {  	s8 =	simm.s32 $0x1600;
	[sflag:s25] =	ssyncadd.s32 $0xFFFFC000  }
0x43: {  	[spmem:s1] =	stream.indirect.scatter.add.f32 [tilespmem:s23], [sflag:$0x3], $0x80, s8, s22, $0xb8;
	[tilespmem:$0x1E400] =	vst v63  }
0x44: {  	_ =	swait.ge [sflag:s20], $0x4000  }
0x45: {  	[sflag:s20] =	ssyncset.done $0x0  }
0x46: {  	s8 =	simm.s32 $0x300;
	[sflag:s20] =	ssyncadd.s32 $0xFFFFC000  }
0x47: {  	[tilespmem:s23], [sflag:$0x1] =	stream.indirect.gather [hbm4b:s4+s22], $0x80, s8, s22, $0xb8;
	[tilespmem:$0x1E400] =	vst v63  }
0x48: {  	_ =	swait.ge [sflag:s28], $0x4000  }
0x49: {  	[sflag:s28] =	ssyncset.done $0x0  }
0x4a: {  	s8 =	simm.s32 $0x1680;
	[sflag:s28] =	ssyncadd.s32 $0xFFFFC000  }
0x4b: {  	[spmem:s1] =	stream.indirect.scatter.add.f32 [tilespmem:s24], [sflag:$0x3], $0x80, s8, s22, $0xb8;
	[tilespmem:$0x1E400] =	vst v63  }
0x4c: {  	_ =	swait.ge [sflag:s20], $0x4000  }
0x4d: {  	s31 =	simm.s32 $0x1780;
	[sflag:s20] =	ssyncset.done $0x0  }
0x4e: {  	s0 =	simm.s32 $0x1700;
	s8 =	simm.s32 $0x380;
	[sflag:s20] =	ssyncadd.s32 $0xFFFFC000  }
0x4f: {  	[tilespmem:s24], [sflag:$0x2] =	stream.indirect.gather [hbm4b:s4+s22], $0x80, s8, s22, $0xb8;
	[tilespmem:$0x1E400] =	vst v63  }
.LBB2_12:
0x50: {  	_ =	swait.ge [sflag:s25], $0x4000  }
0x51: {  	[sflag:s25] =	ssyncset.done $0x0  }
0x52: {  	[sflag:s25] =	ssyncadd.s32 $0xFFFFC000  }
0x53: {  	[spmem:s1] =	stream.indirect.scatter.add.f32 [tilespmem:s23], [sflag:$0x3], $0x80, s0, s22, $0xb8;
	[tilespmem:$0x1E400] =	vst v63  }
0x54: {  	_ =	swait.ge [sflag:s20], $0x4000  }
0x55: {  	[sflag:s20] =	ssyncset.done $0x0  }
0x56: {  	[sflag:s20] =	ssyncadd.s32 $0xFFFFC000  }
0x57: {  	_ =	swait.ge [sflag:s28], $0x4000  }
0x58: {  	[sflag:s28] =	ssyncset.done $0x0  }
0x59: {  	[sflag:s28] =	ssyncadd.s32 $0xFFFFC000  }
0x5a: {  	[spmem:s1] =	stream.indirect.scatter.add.f32 [tilespmem:s24], [sflag:$0x3], $0x80, s31, s22, $0xb8;
	[tilespmem:$0x1E400] =	vst v63  }
0x5b: {  	_ =	swait.ge [sflag:s20], $0x4000  }
0x5c: {  	s29 =	sadd.s32 $0x1, s29;
	[sflag:s20] =	ssyncset.done $0x0  }
0x5d: {  	p1 =	sne.s32 s29, s19;
	[sflag:s20] =	ssyncadd.s32 $0xFFFFC000  }
.Ltmp1:
0x5e: {  	[bflag:$0x0] =	sbarrier.arrive $0xFFFF;
	(pc) =	sbr.rel @!p1 .LBB2_13-.Ltmp1, $4  }
0x5f: {  	[hbm:s18], [sflag:s7] =	dma.local [spmem:s30], $0x2780  }
0x60: {  	_ =	swait.ge [sflag:s20], $0x2780  }
0x61: {  	[sflag:s20] =	ssyncset.done $0x0  }
0x62: {  	[sflag:s20] =	ssyncadd.s32 $0xFFFFD880  }
.LBB2_1:
0x63: {  	s30 =	sshrl.u32 s6, $0x3  }
0x64: {  	[spmem:s30], [sflag:s7] =	dma.local [hbm:s5], $0x2780  }
.Ltmp2:
0x65: {  	_ =	swait.ge [sflag:s20], $0x2780;
	(pc) =	sbr.rel @p0 .LBB2_11-.Ltmp2, $3  }
0x66: {  	[sflag:s20] =	ssyncset.done $0x0  }
0x67: {  	[sflag:s20] =	ssyncadd.s32 $0xFFFFD880  }
0x68: {  	[bflag:$0x0] =	sbarrier.arrive $0xFFFF;
	_ =	sdelay $0x1  }
0x69: {  	s0 =	simm.s32 $0x0;
	s8 =	rddreg [dreg:$0x3]  }
0x6a: {  	[tilespmem:s0], [sflag:$0x3] =	stream.linear.gather [hbm4b:s8+s0], $0x1400, $0x38;
	[tilespmem:$0x1E400] =	vst v63  }
0x6b: {  	_ =	swait.ge [sflag:s20], $0x1400  }
0x6c: {  	[sflag:s20] =	ssyncset.done $0x0  }
0x6d: {  	[sflag:s20] =	ssyncadd.s32 $0xFFFFEC00  }
0x6e: {  	[tilespmem:s21], [sflag:$0x3] =	stream.linear.gather [hbm4b:s9+s0], $0x1400, $0x38;
	[tilespmem:$0x1E400] =	vst v63  }
0x6f: {  	_ =	swait.ge [sflag:s20], $0x1400  }
0x70: {  	[sflag:s20] =	ssyncset.done $0x0  }
0x71: {  	[sflag:s20] =	ssyncadd.s32 $0xFFFFEC00  }
0x72: {  	[tilespmem:s23], [sflag:$0x1] =	stream.indirect.gather [hbm4b:s4+s22], $0x80, s0, s22, $0xb8;
	[tilespmem:$0x1E400] =	vst v63  }
0x73: {  	_ = 	snop  }
0x74: {  	[tilespmem:s24], [sflag:$0x2] =	stream.indirect.gather [hbm4b:s4+s22], $0x80, s22, s22, $0xb8;
	[tilespmem:$0x1E400] =	vst v63  }
0x75: {  	_ =	swait.ge [sflag:s25], $0x4000  }
0x76: {  	[sflag:s25] =	ssyncset.done $0x0  }
0x77: {  	s8 =	simm.s32 $0x1400;
	[sflag:s25] =	ssyncadd.s32 $0xFFFFC000  }
0x78: {  	[spmem:s1] =	stream.indirect.scatter.add.f32 [tilespmem:s23], [sflag:$0x3], $0x80, s8, s22, $0xb8;
	[tilespmem:$0x1E400] =	vst v63  }
0x79: {  	_ =	swait.ge [sflag:s20], $0x4000  }
0x7a: {  	[sflag:s20] =	ssyncset.done $0x0  }
0x7b: {  	s8 =	simm.s32 $0x100;
	[sflag:s20] =	ssyncadd.s32 $0xFFFFC000  }
0x7c: {  	[tilespmem:s23], [sflag:$0x1] =	stream.indirect.gather [hbm4b:s4+s22], $0x80, s8, s22, $0xb8;
	[tilespmem:$0x1E400] =	vst v63  }
0x7d: {  	_ =	swait.ge [sflag:s28], $0x4000  }
0x7e: {  	[sflag:s28] =	ssyncset.done $0x0  }
0x7f: {  	s8 =	simm.s32 $0x1480;
	[sflag:s28] =	ssyncadd.s32 $0xFFFFC000  }
0x80: {  	[spmem:s1] =	stream.indirect.scatter.add.f32 [tilespmem:s24], [sflag:$0x3], $0x80, s8, s22, $0xb8;
	[tilespmem:$0x1E400] =	vst v63  }
0x81: {  	_ =	swait.ge [sflag:s20], $0x4000  }
0x82: {  	[sflag:s20] =	ssyncset.done $0x0  }
0x83: {  	s31 =	simm.s32 $0x400;
	s0 =	simm.s32 $0x180;
	[sflag:s20] =	ssyncadd.s32 $0xFFFFC000  }
.LBB2_3:
0x84: {  	[tilespmem:s24], [sflag:$0x2] =	stream.indirect.gather [hbm4b:s4+s22], $0x80, s0, s22, $0xb8;
	[tilespmem:$0x1E400] =	vst v63  }
0x85: {  	s0 =	smov.u32 s31  }
0x86: {  	p1 =	sne.s32 s31, $0x4800;
	s31 =	sadd.s32 $0x400, s31;
	_ =	swait.ge [sflag:s25], $0x4000  }
0x87: {  	s0 =	sshra.s32 s0, $0x2;
	[sflag:s25] =	ssyncset.done $0x0  }
0x88: {  	s8 =	sadd.s32 $0x1400, s0;
	[sflag:s25] =	ssyncadd.s32 $0xFFFFC000  }
0x89: {  	[spmem:s1] =	stream.indirect.scatter.add.f32 [tilespmem:s23], [sflag:$0x3], $0x80, s8, s22, $0xb8;
	[tilespmem:$0x1E400] =	vst v63  }
0x8a: {  	_ =	swait.ge [sflag:s20], $0x4000  }
0x8b: {  	[sflag:s20] =	ssyncset.done $0x0  }
0x8c: {  	s8 =	sadd.s32 $0x100, s0;
	[sflag:s20] =	ssyncadd.s32 $0xFFFFC000  }
0x8d: {  	[tilespmem:s23], [sflag:$0x1] =	stream.indirect.gather [hbm4b:s4+s22], $0x80, s8, s22, $0xb8;
	[tilespmem:$0x1E400] =	vst v63  }
0x8e: {  	_ =	swait.ge [sflag:s28], $0x4000  }
0x8f: {  	[sflag:s28] =	ssyncset.done $0x0  }
.Ltmp3:
0x90: {  	s8 =	sadd.s32 $0x1480, s0;
	[sflag:s28] =	ssyncadd.s32 $0xFFFFC000;
	(pc) =	sbr.rel @p1 .LBB2_3-.Ltmp3, $4  }
0x91: {  	[spmem:s1] =	stream.indirect.scatter.add.f32 [tilespmem:s24], [sflag:$0x3], $0x80, s8, s22, $0xb8;
	[tilespmem:$0x1E400] =	vst v63  }
0x92: {  	_ =	swait.ge [sflag:s20], $0x4000  }
0x93: {  	[sflag:s20] =	ssyncset.done $0x0  }
0x94: {  	s0 =	sadd.s32 $0x180, s0;
	[sflag:s20] =	ssyncadd.s32 $0xFFFFC000  }
0x95: {  	[tilespmem:s24], [sflag:$0x2] =	stream.indirect.gather [hbm4b:s4+s22], $0x80, s0, s22, $0xb8;
	[tilespmem:$0x1E400] =	vst v63  }
0x96: {  	_ =	swait.ge [sflag:s25], $0x4000  }
0x97: {  	[sflag:s25] =	ssyncset.done $0x0  }
0x98: {  	[sflag:s25] =	ssyncadd.s32 $0xFFFFC000  }
0x99: {  	[spmem:s1] =	stream.indirect.scatter.add.f32 [tilespmem:s23], [sflag:$0x3], $0x80, s2, s22, $0xb8;
	[tilespmem:$0x1E400] =	vst v63  }
0x9a: {  	_ =	swait.ge [sflag:s20], $0x4000  }
0x9b: {  	[sflag:s20] =	ssyncset.done $0x0  }
0x9c: {  	[sflag:s20] =	ssyncadd.s32 $0xFFFFC000  }
0x9d: {  	_ =	swait.ge [sflag:s28], $0x4000  }
0x9e: {  	[sflag:s28] =	ssyncset.done $0x0  }
0x9f: {  	[sflag:s28] =	ssyncadd.s32 $0xFFFFC000  }
0xa0: {  	[spmem:s1] =	stream.indirect.scatter.add.f32 [tilespmem:s24], [sflag:$0x3], $0x80, s26, s22, $0xb8;
	[tilespmem:$0x1E400] =	vst v63  }
0xa1: {  	_ =	swait.ge [sflag:s20], $0x4000  }
0xa2: {  	[sflag:s20] =	ssyncset.done $0x0  }
0xa3: {  	s8 =	simm.s32 $0x0;
	[sflag:s20] =	ssyncadd.s32 $0xFFFFC000  }
0xa4: {  	[tilespmem:s8], [sflag:$0x3] =	stream.linear.gather [hbm4b:s10+s8], $0x1400, $0x38;
	[tilespmem:$0x1E400] =	vst v63  }
0xa5: {  	_ =	swait.ge [sflag:s20], $0x1400  }
0xa6: {  	[sflag:s20] =	ssyncset.done $0x0  }
0xa7: {  	[sflag:s20] =	ssyncadd.s32 $0xFFFFEC00  }
0xa8: {  	[tilespmem:s21], [sflag:$0x3] =	stream.linear.gather [hbm4b:s11+s8], $0x1400, $0x38;
	[tilespmem:$0x1E400] =	vst v63  }
0xa9: {  	_ =	swait.ge [sflag:s20], $0x1400  }
0xaa: {  	[sflag:s20] =	ssyncset.done $0x0  }
0xab: {  	[sflag:s20] =	ssyncadd.s32 $0xFFFFEC00  }
0xac: {  	[tilespmem:s23], [sflag:$0x1] =	stream.indirect.gather [hbm4b:s4+s22], $0x80, s8, s22, $0xb8;
	[tilespmem:$0x1E400] =	vst v63  }
0xad: {  	_ = 	snop  }
0xae: {  	[tilespmem:s24], [sflag:$0x2] =	stream.indirect.gather [hbm4b:s4+s22], $0x80, s22, s22, $0xb8;
	[tilespmem:$0x1E400] =	vst v63  }
0xaf: {  	_ =	swait.ge [sflag:s25], $0x4000  }
0xb0: {  	[sflag:s25] =	ssyncset.done $0x0  }
0xb1: {  	s8 =	simm.s32 $0x1400;
	[sflag:s25] =	ssyncadd.s32 $0xFFFFC000  }
0xb2: {  	[spmem:s1] =	stream.indirect.scatter.add.f32 [tilespmem:s23], [sflag:$0x3], $0x80, s8, s22, $0xb8;
	[tilespmem:$0x1E400] =	vst v63  }
0xb3: {  	_ =	swait.ge [sflag:s20], $0x4000  }
0xb4: {  	[sflag:s20] =	ssyncset.done $0x0  }
0xb5: {  	s8 =	simm.s32 $0x100;
	[sflag:s20] =	ssyncadd.s32 $0xFFFFC000  }
0xb6: {  	[tilespmem:s23], [sflag:$0x1] =	stream.indirect.gather [hbm4b:s4+s22], $0x80, s8, s22, $0xb8;
	[tilespmem:$0x1E400] =	vst v63  }
0xb7: {  	_ =	swait.ge [sflag:s28], $0x4000  }
0xb8: {  	[sflag:s28] =	ssyncset.done $0x0  }
0xb9: {  	s8 =	simm.s32 $0x1480;
	[sflag:s28] =	ssyncadd.s32 $0xFFFFC000  }
0xba: {  	[spmem:s1] =	stream.indirect.scatter.add.f32 [tilespmem:s24], [sflag:$0x3], $0x80, s8, s22, $0xb8;
	[tilespmem:$0x1E400] =	vst v63  }
0xbb: {  	_ =	swait.ge [sflag:s20], $0x4000  }
0xbc: {  	[sflag:s20] =	ssyncset.done $0x0  }
0xbd: {  	s31 =	simm.s32 $0x400;
	s0 =	simm.s32 $0x180;
	[sflag:s20] =	ssyncadd.s32 $0xFFFFC000  }
.LBB2_5:
0xbe: {  	[tilespmem:s24], [sflag:$0x2] =	stream.indirect.gather [hbm4b:s4+s22], $0x80, s0, s22, $0xb8;
	[tilespmem:$0x1E400] =	vst v63  }
0xbf: {  	s0 =	smov.u32 s31  }
0xc0: {  	p1 =	sne.s32 s31, $0x4800;
	s31 =	sadd.s32 $0x400, s31;
	_ =	swait.ge [sflag:s25], $0x4000  }
0xc1: {  	s0 =	sshra.s32 s0, $0x2;
	[sflag:s25] =	ssyncset.done $0x0  }
0xc2: {  	s8 =	sadd.s32 $0x1400, s0;
	[sflag:s25] =	ssyncadd.s32 $0xFFFFC000  }
0xc3: {  	[spmem:s1] =	stream.indirect.scatter.add.f32 [tilespmem:s23], [sflag:$0x3], $0x80, s8, s22, $0xb8;
	[tilespmem:$0x1E400] =	vst v63  }
0xc4: {  	_ =	swait.ge [sflag:s20], $0x4000  }
0xc5: {  	[sflag:s20] =	ssyncset.done $0x0  }
0xc6: {  	s8 =	sadd.s32 $0x100, s0;
	[sflag:s20] =	ssyncadd.s32 $0xFFFFC000  }
0xc7: {  	[tilespmem:s23], [sflag:$0x1] =	stream.indirect.gather [hbm4b:s4+s22], $0x80, s8, s22, $0xb8;
	[tilespmem:$0x1E400] =	vst v63  }
0xc8: {  	_ =	swait.ge [sflag:s28], $0x4000  }
0xc9: {  	[sflag:s28] =	ssyncset.done $0x0  }
.Ltmp4:
0xca: {  	s8 =	sadd.s32 $0x1480, s0;
	[sflag:s28] =	ssyncadd.s32 $0xFFFFC000;
	(pc) =	sbr.rel @p1 .LBB2_5-.Ltmp4, $4  }
0xcb: {  	[spmem:s1] =	stream.indirect.scatter.add.f32 [tilespmem:s24], [sflag:$0x3], $0x80, s8, s22, $0xb8;
	[tilespmem:$0x1E400] =	vst v63  }
0xcc: {  	_ =	swait.ge [sflag:s20], $0x4000  }
0xcd: {  	[sflag:s20] =	ssyncset.done $0x0  }
0xce: {  	s0 =	sadd.s32 $0x180, s0;
	[sflag:s20] =	ssyncadd.s32 $0xFFFFC000  }
0xcf: {  	[tilespmem:s24], [sflag:$0x2] =	stream.indirect.gather [hbm4b:s4+s22], $0x80, s0, s22, $0xb8;
	[tilespmem:$0x1E400] =	vst v63  }
0xd0: {  	_ =	swait.ge [sflag:s25], $0x4000  }
0xd1: {  	[sflag:s25] =	ssyncset.done $0x0  }
0xd2: {  	[sflag:s25] =	ssyncadd.s32 $0xFFFFC000  }
0xd3: {  	[spmem:s1] =	stream.indirect.scatter.add.f32 [tilespmem:s23], [sflag:$0x3], $0x80, s2, s22, $0xb8;
	[tilespmem:$0x1E400] =	vst v63  }
0xd4: {  	_ =	swait.ge [sflag:s20], $0x4000  }
0xd5: {  	[sflag:s20] =	ssyncset.done $0x0  }
0xd6: {  	[sflag:s20] =	ssyncadd.s32 $0xFFFFC000  }
0xd7: {  	_ =	swait.ge [sflag:s28], $0x4000  }
0xd8: {  	[sflag:s28] =	ssyncset.done $0x0  }
0xd9: {  	[sflag:s28] =	ssyncadd.s32 $0xFFFFC000  }
0xda: {  	[spmem:s1] =	stream.indirect.scatter.add.f32 [tilespmem:s24], [sflag:$0x3], $0x80, s26, s22, $0xb8;
	[tilespmem:$0x1E400] =	vst v63  }
0xdb: {  	_ =	swait.ge [sflag:s20], $0x4000  }
0xdc: {  	[sflag:s20] =	ssyncset.done $0x0  }
0xdd: {  	s8 =	simm.s32 $0x0;
	[sflag:s20] =	ssyncadd.s32 $0xFFFFC000  }
0xde: {  	[tilespmem:s8], [sflag:$0x3] =	stream.linear.gather [hbm4b:s12+s8], $0x1400, $0x38;
	[tilespmem:$0x1E400] =	vst v63  }
0xdf: {  	_ =	swait.ge [sflag:s20], $0x1400  }
0xe0: {  	[sflag:s20] =	ssyncset.done $0x0  }
0xe1: {  	[sflag:s20] =	ssyncadd.s32 $0xFFFFEC00  }
0xe2: {  	[tilespmem:s21], [sflag:$0x3] =	stream.linear.gather [hbm4b:s13+s8], $0x1400, $0x38;
	[tilespmem:$0x1E400] =	vst v63  }
0xe3: {  	_ =	swait.ge [sflag:s20], $0x1400  }
0xe4: {  	[sflag:s20] =	ssyncset.done $0x0  }
0xe5: {  	[sflag:s20] =	ssyncadd.s32 $0xFFFFEC00  }
0xe6: {  	[tilespmem:s23], [sflag:$0x1] =	stream.indirect.gather [hbm4b:s4+s22], $0x80, s8, s22, $0xb8;
	[tilespmem:$0x1E400] =	vst v63  }
0xe7: {  	_ = 	snop  }
0xe8: {  	[tilespmem:s24], [sflag:$0x2] =	stream.indirect.gather [hbm4b:s4+s22], $0x80, s22, s22, $0xb8;
	[tilespmem:$0x1E400] =	vst v63  }
0xe9: {  	_ =	swait.ge [sflag:s25], $0x4000  }
0xea: {  	[sflag:s25] =	ssyncset.done $0x0  }
0xeb: {  	s8 =	simm.s32 $0x1400;
	[sflag:s25] =	ssyncadd.s32 $0xFFFFC000  }
0xec: {  	[spmem:s1] =	stream.indirect.scatter.add.f32 [tilespmem:s23], [sflag:$0x3], $0x80, s8, s22, $0xb8;
	[tilespmem:$0x1E400] =	vst v63  }
0xed: {  	_ =	swait.ge [sflag:s20], $0x4000  }
0xee: {  	[sflag:s20] =	ssyncset.done $0x0  }
0xef: {  	s8 =	simm.s32 $0x100;
	[sflag:s20] =	ssyncadd.s32 $0xFFFFC000  }
0xf0: {  	[tilespmem:s23], [sflag:$0x1] =	stream.indirect.gather [hbm4b:s4+s22], $0x80, s8, s22, $0xb8;
	[tilespmem:$0x1E400] =	vst v63  }
0xf1: {  	_ =	swait.ge [sflag:s28], $0x4000  }
0xf2: {  	[sflag:s28] =	ssyncset.done $0x0  }
0xf3: {  	s8 =	simm.s32 $0x1480;
	[sflag:s28] =	ssyncadd.s32 $0xFFFFC000  }
0xf4: {  	[spmem:s1] =	stream.indirect.scatter.add.f32 [tilespmem:s24], [sflag:$0x3], $0x80, s8, s22, $0xb8;
	[tilespmem:$0x1E400] =	vst v63  }
0xf5: {  	_ =	swait.ge [sflag:s20], $0x4000  }
0xf6: {  	[sflag:s20] =	ssyncset.done $0x0  }
0xf7: {  	s31 =	simm.s32 $0x400;
	s0 =	simm.s32 $0x180;
	[sflag:s20] =	ssyncadd.s32 $0xFFFFC000  }
.LBB2_7:
0xf8: {  	[tilespmem:s24], [sflag:$0x2] =	stream.indirect.gather [hbm4b:s4+s22], $0x80, s0, s22, $0xb8;
	[tilespmem:$0x1E400] =	vst v63  }
0xf9: {  	s0 =	smov.u32 s31  }
0xfa: {  	p1 =	sne.s32 s31, $0x4800;
	s31 =	sadd.s32 $0x400, s31;
	_ =	swait.ge [sflag:s25], $0x4000  }
0xfb: {  	s0 =	sshra.s32 s0, $0x2;
	[sflag:s25] =	ssyncset.done $0x0  }
0xfc: {  	s8 =	sadd.s32 $0x1400, s0;
	[sflag:s25] =	ssyncadd.s32 $0xFFFFC000  }
0xfd: {  	[spmem:s1] =	stream.indirect.scatter.add.f32 [tilespmem:s23], [sflag:$0x3], $0x80, s8, s22, $0xb8;
	[tilespmem:$0x1E400] =	vst v63  }
0xfe: {  	_ =	swait.ge [sflag:s20], $0x4000  }
0xff: {  	[sflag:s20] =	ssyncset.done $0x0  }
0x100: {  	s8 =	sadd.s32 $0x100, s0;
	[sflag:s20] =	ssyncadd.s32 $0xFFFFC000  }
0x101: {  	[tilespmem:s23], [sflag:$0x1] =	stream.indirect.gather [hbm4b:s4+s22], $0x80, s8, s22, $0xb8;
	[tilespmem:$0x1E400] =	vst v63  }
0x102: {  	_ =	swait.ge [sflag:s28], $0x4000  }
0x103: {  	[sflag:s28] =	ssyncset.done $0x0  }
.Ltmp5:
0x104: {  	s8 =	sadd.s32 $0x1480, s0;
	[sflag:s28] =	ssyncadd.s32 $0xFFFFC000;
	(pc) =	sbr.rel @p1 .LBB2_7-.Ltmp5, $4  }
0x105: {  	[spmem:s1] =	stream.indirect.scatter.add.f32 [tilespmem:s24], [sflag:$0x3], $0x80, s8, s22, $0xb8;
	[tilespmem:$0x1E400] =	vst v63  }
0x106: {  	_ =	swait.ge [sflag:s20], $0x4000  }
0x107: {  	[sflag:s20] =	ssyncset.done $0x0  }
0x108: {  	s0 =	sadd.s32 $0x180, s0;
	[sflag:s20] =	ssyncadd.s32 $0xFFFFC000  }
0x109: {  	[tilespmem:s24], [sflag:$0x2] =	stream.indirect.gather [hbm4b:s4+s22], $0x80, s0, s22, $0xb8;
	[tilespmem:$0x1E400] =	vst v63  }
0x10a: {  	_ =	swait.ge [sflag:s25], $0x4000  }
0x10b: {  	[sflag:s25] =	ssyncset.done $0x0  }
0x10c: {  	[sflag:s25] =	ssyncadd.s32 $0xFFFFC000  }
0x10d: {  	[spmem:s1] =	stream.indirect.scatter.add.f32 [tilespmem:s23], [sflag:$0x3], $0x80, s2, s22, $0xb8;
	[tilespmem:$0x1E400] =	vst v63  }
0x10e: {  	_ =	swait.ge [sflag:s20], $0x4000  }
0x10f: {  	[sflag:s20] =	ssyncset.done $0x0  }
0x110: {  	[sflag:s20] =	ssyncadd.s32 $0xFFFFC000  }
0x111: {  	_ =	swait.ge [sflag:s28], $0x4000  }
0x112: {  	[sflag:s28] =	ssyncset.done $0x0  }
0x113: {  	[sflag:s28] =	ssyncadd.s32 $0xFFFFC000  }
0x114: {  	[spmem:s1] =	stream.indirect.scatter.add.f32 [tilespmem:s24], [sflag:$0x3], $0x80, s26, s22, $0xb8;
	[tilespmem:$0x1E400] =	vst v63  }
0x115: {  	_ =	swait.ge [sflag:s20], $0x4000  }
0x116: {  	[sflag:s20] =	ssyncset.done $0x0  }
0x117: {  	s8 =	simm.s32 $0x0;
	[sflag:s20] =	ssyncadd.s32 $0xFFFFC000  }
0x118: {  	[tilespmem:s8], [sflag:$0x3] =	stream.linear.gather [hbm4b:s14+s8], $0x1000, $0x38;
	[tilespmem:$0x1E400] =	vst v63  }
0x119: {  	_ =	swait.ge [sflag:s20], $0x1000  }
0x11a: {  	[sflag:s20] =	ssyncset.done $0x0  }
0x11b: {  	[sflag:s20] =	ssyncadd.s32 $0xFFFFF000  }
0x11c: {  	[tilespmem:s21], [sflag:$0x3] =	stream.linear.gather [hbm4b:s15+s8], $0x1000, $0x38;
	[tilespmem:$0x1E400] =	vst v63  }
0x11d: {  	_ =	swait.ge [sflag:s20], $0x1000  }
0x11e: {  	[sflag:s20] =	ssyncset.done $0x0  }
0x11f: {  	[sflag:s20] =	ssyncadd.s32 $0xFFFFF000  }
0x120: {  	[tilespmem:s23], [sflag:$0x1] =	stream.indirect.gather [hbm4b:s4+s22], $0x80, s8, s22, $0xb8;
	[tilespmem:$0x1E400] =	vst v63  }
0x121: {  	_ = 	snop  }
0x122: {  	[tilespmem:s24], [sflag:$0x2] =	stream.indirect.gather [hbm4b:s4+s22], $0x80, s22, s22, $0xb8;
	[tilespmem:$0x1E400] =	vst v63  }
0x123: {  	_ =	swait.ge [sflag:s25], $0x4000  }
0x124: {  	[sflag:s25] =	ssyncset.done $0x0  }
0x125: {  	s8 =	simm.s32 $0x1400;
	[sflag:s25] =	ssyncadd.s32 $0xFFFFC000  }
0x126: {  	[spmem:s1] =	stream.indirect.scatter.add.f32 [tilespmem:s23], [sflag:$0x3], $0x80, s8, s22, $0xb8;
	[tilespmem:$0x1E400] =	vst v63  }
0x127: {  	_ =	swait.ge [sflag:s20], $0x4000  }
0x128: {  	[sflag:s20] =	ssyncset.done $0x0  }
0x129: {  	s8 =	simm.s32 $0x100;
	[sflag:s20] =	ssyncadd.s32 $0xFFFFC000  }
0x12a: {  	[tilespmem:s23], [sflag:$0x1] =	stream.indirect.gather [hbm4b:s4+s22], $0x80, s8, s22, $0xb8;
	[tilespmem:$0x1E400] =	vst v63  }
0x12b: {  	_ =	swait.ge [sflag:s28], $0x4000  }
0x12c: {  	p1 =	por $0x0, $0x0;
	[sflag:s28] =	ssyncset.done $0x0  }
.Ltmp6:
0x12d: {  	s8 =	simm.s32 $0x1480;
	[sflag:s28] =	ssyncadd.s32 $0xFFFFC000;
	(pc) =	sbr.rel @p1 .LBB2_10-.Ltmp6, $4  }
0x12e: {  	[spmem:s1] =	stream.indirect.scatter.add.f32 [tilespmem:s24], [sflag:$0x3], $0x80, s8, s22, $0xb8;
	[tilespmem:$0x1E400] =	vst v63  }
0x12f: {  	_ =	swait.ge [sflag:s20], $0x4000  }
0x130: {  	[sflag:s20] =	ssyncset.done $0x0  }
0x131: {  	s31 =	simm.s32 $0x400;
	s0 =	simm.s32 $0x180;
	[sflag:s20] =	ssyncadd.s32 $0xFFFFC000  }
.LBB2_9:
0x132: {  	[tilespmem:s24], [sflag:$0x2] =	stream.indirect.gather [hbm4b:s4+s22], $0x80, s0, s22, $0xb8;
	[tilespmem:$0x1E400] =	vst v63  }
0x133: {  	s0 =	smov.u32 s31  }
0x134: {  	p1 =	seq.s32 s31, $0x3800;
	s31 =	sadd.s32 $0x400, s31;
	_ =	swait.ge [sflag:s25], $0x4000  }
0x135: {  	s0 =	sshra.s32 s0, $0x2;
	[sflag:s25] =	ssyncset.done $0x0  }
0x136: {  	s8 =	sadd.s32 $0x1400, s0;
	[sflag:s25] =	ssyncadd.s32 $0xFFFFC000  }
0x137: {  	[spmem:s1] =	stream.indirect.scatter.add.f32 [tilespmem:s23], [sflag:$0x3], $0x80, s8, s22, $0xb8;
	[tilespmem:$0x1E400] =	vst v63  }
0x138: {  	_ =	swait.ge [sflag:s20], $0x4000  }
0x139: {  	[sflag:s20] =	ssyncset.done $0x0  }
0x13a: {  	s8 =	sadd.s32 $0x100, s0;
	[sflag:s20] =	ssyncadd.s32 $0xFFFFC000  }
0x13b: {  	[tilespmem:s23], [sflag:$0x1] =	stream.indirect.gather [hbm4b:s4+s22], $0x80, s8, s22, $0xb8;
	[tilespmem:$0x1E400] =	vst v63  }
0x13c: {  	_ =	swait.ge [sflag:s28], $0x4000  }
0x13d: {  	[sflag:s28] =	ssyncset.done $0x0  }
.Ltmp7:
0x13e: {  	s8 =	sadd.s32 $0x1480, s0;
	[sflag:s28] =	ssyncadd.s32 $0xFFFFC000;
	(pc) =	sbr.rel @!p1 .LBB2_9-.Ltmp7, $4  }
0x13f: {  	[spmem:s1] =	stream.indirect.scatter.add.f32 [tilespmem:s24], [sflag:$0x3], $0x80, s8, s22, $0xb8;
	[tilespmem:$0x1E400] =	vst v63  }
0x140: {  	_ =	swait.ge [sflag:s20], $0x4000  }
0x141: {  	[sflag:s20] =	ssyncset.done $0x0  }
0x142: {  	s0 =	sadd.s32 $0x180, s0;
	[sflag:s20] =	ssyncadd.s32 $0xFFFFC000  }
.LBB2_10:
.Ltmp8:
0x143: {  	(pc) =	sbr.rel .LBB2_12-.Ltmp8, $3  }
0x144: {  	_ =	sdelay $0x1  }
0x145: {  	[tilespmem:s24], [sflag:$0x2] =	stream.indirect.gather [hbm4b:s4+s22], $0x80, s0, s22, $0xb8;
	[tilespmem:$0x1E400] =	vst v63  }
0x146: {  	s31 =	simm.s32 $0x2380;
	s0 =	simm.s32 $0x2300  }
.LBB2_13:
0x147: {  	_ =	sfence.sel $0x180000  }
0x148: {  	[bflag:$0x0] =	sbarrier.arrive $0xFFFF  }
0x149: {  	_ =	strace $0x9000004A  }
0x14a: {  	s0 =	stileid.u32;
	[bflag:$0x2] =	sbarrier.arrive $0xFFFF  }
0x14b: {  	p0 =	sne.s32 s0, $0x0;
	s0 =	rddreg [dreg:$0x2]  }
0x14c: {  	s0 =	sadd.s32 @!p0 $0x100000, s0  }
0x14d: {  	[sflag:s0] =	ssyncadd.tile.s32 @!p0 $0x1;
	_ =	shalt  }
.Lfunc_end2:
_tile_overlayer_lowered:
.L_overlay_start_2:
0x14e: {  	(tag) =	ssettag $0x2  }
0x14f: {  	s0 =	rddreg [dreg:$0x0];
	s2 =	stileid.u32  }
0x150: {  	s1 =	rddreg [dreg:$0x1];
	p0 =	sne.s32 s2, $0x0  }
0x151: {  	s3 =	rddreg [dreg:$0x2];
	[bflag:$0x3] =	sbarrier.arrive $0xFFFF;
	s2 =	simm.s32 @!p0 $0x1C03  }
0x152: {  	[timem:s3], [sflag:s2] =	dma.local @!p0 [hbm:s0], s1  }
0x153: {  	s0 =	simm.s32 @!p0 $0x3  }
0x154: {  	_ =	swait.ge @!p0 [sflag:s0], s1  }
0x155: {  	s1 =	ssub.s32 @!p0 $0x0, s1;
	[sflag:s0] =	ssyncset.done @!p0 $0x0  }
0x156: {  	[sflag:s0] =	ssyncadd.s32 @!p0 s1  }
0x157: {  	[bflag:$0x3] =	sbarrier.arrive $0xFFFF  }
0x158: {  	_ =	shalt  }

</sc_bundles>
